<compile_context>
chip_gen: v7x
topology: tpu7x:2x2x1
jax: 0.10.2.dev20260603
libtpu: 0.0.44.dev20260713+nightly
codegen_flags: <defaults>
</compile_context>

<pallas_src>
import functools

import jax
import jax.numpy as jnp
from jax import lax
from jax.experimental import pallas as pl
from jax.experimental.pallas import tpu as pltpu
from jax.experimental.pallas import tpu_sc as plsc

N = 1048576
K = 64
NW = 32
CHUNK = N // NW
L = 16
CH = 2048

NB0 = 1024
NB1 = 1024
NB2 = 2048

_f32 = jnp.float32
_i32 = jnp.int32


def _wid():
    return lax.axis_index("c") * 16 + lax.axis_index("s")


def _zero_hist(hc_ref, hs_ref, nbins):
    @plsc.parallel_loop(0, L * nbins, L, unroll=4)
    def _(i):
        hc_ref[pl.ds(i, L)] = jnp.zeros((L,), _i32)
        hs_ref[pl.ds(i, L)] = jnp.zeros((L,), _f32)


def _batch_copies(pairs, sem):
    cps = [pltpu.make_async_copy(s, d, sem) for s, d in pairs]
    for c in cps:
        c.start()
    for c in cps:
        c.wait()


def _collapse(hc_ref, hs_ref, tc2_ref, ts2_ref, nbins):
    @plsc.parallel_loop(0, nbins, L, unroll=2)
    def _(coff):
        ac = hc_ref[pl.ds(coff, L)]
        asm = hs_ref[pl.ds(coff, L)]
        for s in range(1, L):
            ac = ac + hc_ref[pl.ds(s * nbins + coff, L)]
            asm = asm + hs_ref[pl.ds(s * nbins + coff, L)]
        c = lax.shift_right_logical(coff, 4)
        tc2_ref[c] = ac
        ts2_ref[c] = asm


def _core_merge(tc2_v, ts2_v, shc, shs, idx_ref, cnt_hbm, sum_hbm, nbins):
    core = lax.axis_index("c")
    sid = lax.axis_index("s")
    nrows = nbins // L

    @plsc.parallel_loop(0, nrows, L, unroll=4)
    def _(i):
        idx_ref[pl.ds(i, L)] = lax.iota(_i32, L) + i

    @pl.when(sid == 0)
    def _():
        pltpu.sync_copy(tc2_v, shc)
        pltpu.sync_copy(ts2_v, shs)

    plsc.subcore_barrier()

    @pl.when(sid != 0)
    def _():
        pltpu.sync_copy(tc2_v, shc.at[idx_ref], add=True)
        pltpu.sync_copy(ts2_v, shs.at[idx_ref], add=True)

    plsc.subcore_barrier()

    @pl.when(sid == 0)
    def _():
        pltpu.sync_copy(shc, cnt_hbm.at[core])
        pltpu.sync_copy(shs, sum_hbm.at[core])


def _process(slc2_ref, sls2_ref, f_ref, g_ref, r, c_hi, s_hi, nbins):
    lane = lax.iota(_i32, L)
    nch = nbins // L
    f_ref[pl.ds(nbins, L)] = jnp.zeros((L,), _i32)
    g_ref[pl.ds(nbins, L)] = jnp.zeros((L,), _f32)

    def sbody(j, car):
        car_f, car_g = car
        c = nch - 1 - j
        x = slc2_ref[0, c] + slc2_ref[1, c]
        xs = sls2_ref[0, c] + sls2_ref[1, c]
        fc = lax.rev(plsc.cumsum(lax.rev(x, (0,))), (0,)) + car_f
        gc = lax.rev(plsc.cumsum(lax.rev(xs, (0,))), (0,)) + car_g
        f_ref[pl.ds(c * L, L)] = fc
        g_ref[pl.ds(c * L, L)] = gc
        return (jnp.max(fc), jnp.max(gc))

    lax.fori_loop(0, nch, sbody, (jnp.int32(0), jnp.float32(0.0)))

    def bbody(c, bstar):
        fc = f_ref[pl.ds(c * L, L)]
        cand = jnp.where(fc >= r, lane + c * L, jnp.int32(-1))
        return jnp.maximum(bstar, jnp.max(cand))

    bstar = lax.fori_loop(0, nch, bbody, jnp.int32(-1))

    idxv = jnp.zeros((L,), _i32) + (bstar + 1)
    above_c = jnp.max(plsc.load_gather(f_ref, [idxv]))
    above_s = jnp.max(plsc.load_gather(g_ref, [idxv]))
    return bstar, r - above_c, c_hi + above_c, s_hi + above_s


def _write_state(sti_ref, stf_ref, r, p, c_hi, s_hi):
    zi = jnp.zeros((L,), _i32)
    sti_ref[pl.ds(0, L)] = zi + r
    sti_ref[pl.ds(L, L)] = zi + p
    sti_ref[pl.ds(2 * L, L)] = zi + c_hi
    sti_ref[pl.ds(3 * L, L)] = zi
    stf_ref[pl.ds(0, L)] = jnp.zeros((L,), _f32) + s_hi


def _read_state(sti_ref, stf_ref):
    r = jnp.max(sti_ref[pl.ds(0, L)])
    p = jnp.max(sti_ref[pl.ds(L, L)])
    c_hi = jnp.max(sti_ref[pl.ds(2 * L, L)])
    s_hi = jnp.max(stf_ref[pl.ds(0, L)])
    return r, p, c_hi, s_hi


@functools.lru_cache(maxsize=None)
def _build():
    mesh = plsc.VectorSubcoreMesh(
        core_axis_name="c", subcore_axis_name="s",
        num_cores=2, num_subcores=16)
    cparams = pltpu.CompilerParams(needs_layout_passes=False, use_tc_tiling_on_sc=False)

    def slot_types(nbins):
        return (jax.ShapeDtypeStruct((2, nbins // L, L), _i32),
                jax.ShapeDtypeStruct((2, nbins // L, L), _f32))

    def merge_scratch(nbins):
        return [
            pltpu.VMEM((nbins // L, L), _i32),
            pltpu.VMEM((nbins // L, L), _f32),
            pltpu.VMEM_SHARED((nbins // L, L), _i32),
            pltpu.VMEM_SHARED((nbins // L, L), _f32),
            pltpu.VMEM((nbins // L,), _i32),
        ]

    @functools.partial(
        pl.kernel,
        out_type=(
            jax.ShapeDtypeStruct((N,), _f32),
            *slot_types(NB0),
        ),
        mesh=mesh,
        compiler_params=cparams,
        scratch_types=[
            pltpu.VMEM((CHUNK,), _f32),
            pltpu.VMEM((CHUNK,), _f32),
            pltpu.VMEM((L * NB0,), _i32),
            pltpu.VMEM((L * NB0,), _f32),
            *merge_scratch(NB0),
            pltpu.SemaphoreType.DMA,
        ],
    )
    def k_first(yh_hbm, y_hbm, d2_hbm, cnt_hbm, sum_hbm,
                yh_v, y_v, hc_v, hs_v, tc2_v, ts2_v, shc, shs, midx_v, sem):
        w = _wid()
        base = w * CHUNK
        _batch_copies([
            (yh_hbm.at[pl.ds(base, CHUNK)], yh_v),
            (y_hbm.at[pl.ds(base, CHUNK)], y_v),
        ], sem)

        _zero_hist(hc_v, hs_v, NB0)
        lane = lax.iota(_i32, L)
        ones = jnp.ones((L,), _i32)

        @plsc.parallel_loop(0, CHUNK, L, unroll=8)
        def _(i):
            a = yh_v[pl.ds(i, L)]
            b = y_v[pl.ds(i, L)]
            d = a - b
            d2v = d * d
            yh_v[pl.ds(i, L)] = d2v
            bits = lax.bitcast_convert_type(d2v, _i32)
            binv = lax.shift_right_logical(bits, 21)
            idx = lane * NB0 + binv
            plsc.addupdate_scatter(hc_v, [idx], ones)
            plsc.addupdate_scatter(hs_v, [idx], d2v)

        d2cp = pltpu.make_async_copy(yh_v, d2_hbm.at[pl.ds(base, CHUNK)], sem)
        d2cp.start()
        _collapse(hc_v, hs_v, tc2_v, ts2_v, NB0)
        _core_merge(tc2_v, ts2_v, shc, shs, midx_v, cnt_hbm, sum_hbm, NB0)
        d2cp.wait()

    def make_mid(first, prev_width, mask_shift, bin_shift, bin_mask,
                 nb_prev, nb, writes_cand, zero_dma=False):
        outs = [
            *slot_types(nb),
            jax.ShapeDtypeStruct((4 * L,), _i32),
            jax.ShapeDtypeStruct((L,), _f32),
        ]
        scratch = [
            pltpu.VMEM((CHUNK if first else CH,), _f32),
            pltpu.VMEM((2, nb_prev // L, L), _i32),
            pltpu.VMEM((2, nb_prev // L, L), _f32),
            pltpu.VMEM((L * nb,), _i32),
            pltpu.VMEM((L * nb,), _f32),
            pltpu.VMEM((nb_prev + L,), _i32),
            pltpu.VMEM((nb_prev + L,), _f32),
            *merge_scratch(nb),
            pltpu.VMEM((4 * L,), _i32),
            pltpu.VMEM((L,), _f32),
            pltpu.VMEM((L,), _i32),
            pltpu.SemaphoreType.DMA,
        ]
        if writes_cand:
            outs += [
                jax.ShapeDtypeStruct((N,), _f32),
                jax.ShapeDtypeStruct((NW * L,), _i32),
            ]
            scratch += [
                pltpu.VMEM((CHUNK,), _f32),
            ]

        @functools.partial(
            pl.kernel,
            out_type=tuple(outs),
            mesh=mesh,
            compiler_params=cparams,
            scratch_types=scratch,
        )
        def k_mid(*args):
            it = iter(args)
            dat_hbm = next(it)
            if not first:
                ccnt_in_hbm = next(it)
            pcnt_hbm = next(it)
            psum_hbm = next(it)
            if not first:
                sti_hbm = next(it)
                stf_hbm = next(it)
            if zero_dma:
                zc_hbm = next(it)
                zs_hbm = next(it)
            cnt_hbm = next(it)
            sum_hbm = next(it)
            sto_i_hbm = next(it)
            sto_f_hbm = next(it)
            if writes_cand:
                cand_hbm = next(it)
                ccnt_hbm = next(it)
            dat_v = next(it)
            slc_v = next(it)
            sls_v = next(it)
            hc_v = next(it)
            hs_v = next(it)
            f_v = next(it)
            g_v = next(it)
            tc2_v = next(it)
            ts2_v = next(it)
            shc = next(it)
            shs = next(it)
            midx_v = next(it)
            sti_v = next(it)
            stf_v = next(it)
            crow_v = next(it)
            sem = next(it)
            if writes_cand:
                cout_v = next(it)

            w = _wid()
            base = w * CHUNK
            copies = [(pcnt_hbm, slc_v), (psum_hbm, sls_v)]
            if first:
                copies.append((dat_hbm.at[pl.ds(base, CHUNK)], dat_v))
            else:
                copies += [(sti_hbm, sti_v), (stf_hbm, stf_v),
                           (ccnt_in_hbm.at[pl.ds(w * L, L)], crow_v)]
            if zero_dma:
                copies += [(zc_hbm, hc_v), (zs_hbm, hs_v)]
            _batch_copies(copies, sem)
            if first:
                r0 = jnp.int32(K)
                p0 = jnp.int32(0)
                c0 = jnp.int32(0)
                s0 = jnp.float32(0.0)
                n_in = jnp.int32(CHUNK)
            else:
                r0, p0, c0, s0 = _read_state(sti_v, stf_v)
                n_in = jnp.max(crow_v[pl.ds(0, L)])
            bstar, r1, c1, s1 = _process(slc_v, sls_v, f_v, g_v,
                                         r0, c0, s0, nb_prev)
            if first:
                p1 = bstar
            else:
                p1 = jnp.bitwise_or(lax.shift_left(p0, prev_width), bstar)

            if not zero_dma:
                _zero_hist(hc_v, hs_v, nb)
            lane = lax.iota(_i32, L)
            ones = jnp.ones((L,), _i32)
            pv = jnp.zeros((L,), _i32) + p1

            def sweep_body(i, goff, pos):
                d2v = dat_v[pl.ds(i, L)]
                bits = lax.bitcast_convert_type(d2v, _i32)
                m = lax.shift_right_logical(bits, mask_shift) == pv
                if not first:
                    m = jnp.logical_and(m, (lane + goff) < n_in)
                binv = jnp.bitwise_and(
                    lax.shift_right_logical(bits, bin_shift),
                    jnp.int32(bin_mask))
                idx = lane * nb + binv
                plsc.addupdate_scatter(hc_v, [idx], ones, mask=m)
                plsc.addupdate_scatter(hs_v, [idx], d2v, mask=m)
                if writes_cand:
                    plsc.store_compressed(cout_v.at[pl.ds(pos, L)], d2v,
                                          mask=m)
                    pos = pos + plsc.all_reduce_population_count(m)[0]
                return pos

            if first:
                @plsc.parallel_loop(0, CHUNK, L, unroll=8,
                                    carry=jnp.int32(0))
                def n_out(i, pos):
                    return sweep_body(i, i, pos)
            else:
                nch = (n_in + (CH - 1)) // CH

                def chunk_loop(ci, pos):
                    off = ci * CH
                    pltpu.sync_copy(dat_hbm.at[pl.ds(base + off, CH)], dat_v)
                    rem = n_in - off
                    m16 = (jnp.minimum(jnp.int32(CH), rem) + (L - 1)) // L
                    pos = lax.fori_loop(
                        0, m16,
                        lambda j, pp: sweep_body(j * L, off + j * L, pp),
                        pos)
                    return pos

                n_out = lax.fori_loop(0, nch, chunk_loop, jnp.int32(0))

            _collapse(hc_v, hs_v, tc2_v, ts2_v, nb)
            _core_merge(tc2_v, ts2_v, shc, shs, midx_v, cnt_hbm, sum_hbm, nb)

            if writes_cand:
                crow_v[pl.ds(0, L)] = jnp.zeros((L,), _i32) + n_out
                pltpu.sync_copy(crow_v, ccnt_hbm.at[pl.ds(w * L, L)])
                ncho = (n_out + (CH - 1)) // CH

                def dma_out(ci, _):
                    off = ci * CH
                    pltpu.sync_copy(cout_v.at[pl.ds(off, CH)],
                                    cand_hbm.at[pl.ds(base + off, CH)])
                    return 0

                lax.fori_loop(0, ncho, dma_out, 0)

            @pl.when(w == 0)
            def _():
                _write_state(sti_v, stf_v, r1, p1, c1, s1)
                pltpu.sync_copy(sti_v, sto_i_hbm)
                pltpu.sync_copy(stf_v, sto_f_hbm)

        return k_mid

    @functools.partial(
        pl.kernel,
        out_type=jax.ShapeDtypeStruct((L,), _f32),
        mesh=mesh,
        compiler_params=cparams,
        scratch_types=[
            pltpu.VMEM((2, NB2 // L, L), _i32),
            pltpu.VMEM((2, NB2 // L, L), _f32),
            pltpu.VMEM((NB2 + L,), _i32),
            pltpu.VMEM((NB2 + L,), _f32),
            pltpu.VMEM((4 * L,), _i32),
            pltpu.VMEM((L,), _f32),
            pltpu.VMEM((L,), _f32),
            pltpu.SemaphoreType.DMA,
        ],
    )
    def k_last(pcnt_hbm, psum_hbm, sti_hbm, stf_hbm, out_hbm,
               slc_v, sls_v, f_v, g_v, sti_v, stf_v, out_v, sem):
        w = _wid()
        _batch_copies([
            (pcnt_hbm, slc_v), (psum_hbm, sls_v),
            (sti_hbm, sti_v), (stf_hbm, stf_v),
        ], sem)
        r0, p0, c0, s0 = _read_state(sti_v, stf_v)
        bstar, r1, c1, s1 = _process(slc_v, sls_v, f_v, g_v,
                                     r0, c0, s0, NB2)
        t_bits = jnp.bitwise_or(lax.shift_left(p0, 11), bstar)
        tv = lax.bitcast_convert_type(jnp.zeros((L,), _i32) + t_bits, _f32)
        t = jnp.max(tv)
        ans = (s1 + lax.convert_element_type(r1, _f32) * t) * (1.0 / K)

        @pl.when(w == 0)
        def _():
            out_v[pl.ds(0, L)] = jnp.zeros((L,), _f32) + ans
            pltpu.sync_copy(out_v, out_hbm)

    k_mid1 = make_mid(True, 10, 21, 11, 0x3FF, NB0, NB1, True)
    k_mid2 = make_mid(False, 10, 11, 0, 0x7FF, NB1, NB2, False,
                      zero_dma=False)
    return k_first, k_mid1, k_mid2, k_last


def kernel(yhat, y):
    k_first, k_mid1, k_mid2, k_last = _build()
    d2, c0, s0 = k_first(yhat, y)
    c1, s1, i1, f1, cand1, cc1 = k_mid1(d2, c0, s0)
    c2, s2, i2, f2 = k_mid2(cand1, cc1, c1, s1, i1, f1)
    out = k_last(c2, s2, i2, f2)
    return out[0]

# --- scband reference (transcript-rebuilt; emitter-appended) ---
"""Pipeline reference for scband-top-me-83777632075959 (READ-ONLY COPY).

The authoritative reference and input builder live on the scoring server;
editing this copy changes nothing except your own understanding.
"""

import jax, jax.numpy as jnp
import numpy as np

N = 1048576
N_TOP = 64

def setup_inputs(seed: int = 0) -> dict:
    key = jax.random.key(seed)
    k1, k2 = jax.random.split(key)
    yhat = jax.random.normal(k1, (N,), dtype=jnp.float32)
    y = jax.random.normal(k2, (N,), dtype=jnp.float32)
    return {"yhat": yhat, "y": y}

def reference(yhat, y):
    # abs_diff = torch.abs(yhat - y)
    abs_diff = jnp.abs(yhat - y)
    # abs_diff.sort(descending=True).indices[:n]  -> full descending argsort, take first n
    order = jnp.argsort(-abs_diff)
    top_idx = order[:N_TOP]
    wc_y = jnp.take(y, top_idx, axis=0)
    wc_yhat = jnp.take(yhat, top_idx, axis=0)
    # MSE on worst-case elements
    return jnp.mean((wc_yhat - wc_y) ** 2)

if __name__ == "__main__":
    import jax
    _d = setup_inputs()
    print(jax.jit(kernel)(*tuple(_d.values())))

</pallas_src>

<mosaic_0001>
#map = affine_map<(d0, d1) -> (0)>
#map1 = affine_map<(d0, d1) -> (0, 0, 0)>
module attributes {stable_mosaic.version = 14 : i64} {
  func.func @k_first(%arg0: i32, %arg1: i32, %arg2: memref<1048576xf32, #tpu.memory_space<hbm>>, %arg3: memref<1048576xf32, #tpu.memory_space<hbm>>, %arg4: memref<1048576xf32, #tpu.memory_space<hbm>>, %arg5: memref<2x64x16xi32, #tpu.memory_space<hbm>>, %arg6: memref<2x64x16xf32, #tpu.memory_space<hbm>>, %arg7: memref<32768xf32, #tpu.memory_space<vmem>>, %arg8: memref<32768xf32, #tpu.memory_space<vmem>>, %arg9: memref<16384xi32, #tpu.memory_space<vmem>>, %arg10: memref<16384xf32, #tpu.memory_space<vmem>>, %arg11: memref<64x16xi32, #tpu.memory_space<vmem>>, %arg12: memref<64x16xf32, #tpu.memory_space<vmem>>, %arg13: memref<64x16xi32, #tpu.memory_space<vmem_shared>>, %arg14: memref<64x16xf32, #tpu.memory_space<vmem_shared>>, %arg15: memref<64xi32, #tpu.memory_space<vmem>>, %arg16: memref<!tpu.dma_semaphore, #tpu.memory_space<semaphore_mem>>) attributes {dimension_semantics = [#tpu.dimension_semantics<core_parallel>, #tpu.dimension_semantics<subcore_parallel>], iteration_bounds = array<i64: 2, 16>, scalar_prefetch = 0 : i64, scratch_operands = 10 : i64, tpu.core_type = #tpu.core_type<sc_vector_subcore>, window_params = [{transform_indices = #map}, {transform_indices = #map}, {transform_indices = #map}, {transform_indices = #map1}, {transform_indices = #map1}]} {
    %mul3A = arith.constant 16 : i32
    %mul3A_0 = arith.muli %arg0, %mul3A : i32
    %add3A = arith.addi %mul3A_0, %arg1 : i32
    %mul3A_1 = arith.constant 32768 : i32
    %mul3A_2 = arith.muli %add3A, %mul3A_1 : i32
    %dma_start3A = tpu.memref_slice %arg2[%mul3A_2] : memref<1048576xf32, #tpu.memory_space<hbm>> -> memref<32768xf32, #tpu.memory_space<hbm>>
    %dma_start3A_3 = tpu.memref_slice %arg2[%mul3A_2] : memref<1048576xf32, #tpu.memory_space<hbm>> -> memref<32768xf32, #tpu.memory_space<hbm>>
    tpu.enqueue_dma source(%dma_start3A_3 : memref<32768xf32, #tpu.memory_space<hbm>>) target(%arg7 : memref<32768xf32, #tpu.memory_space<vmem>>) target_semaphore(%arg16 : memref<!tpu.dma_semaphore, #tpu.memory_space<semaphore_mem>>)
    %dma_start3A_4 = tpu.memref_slice %arg3[%mul3A_2] : memref<1048576xf32, #tpu.memory_space<hbm>> -> memref<32768xf32, #tpu.memory_space<hbm>>
    %dma_start3A_5 = tpu.memref_slice %arg3[%mul3A_2] : memref<1048576xf32, #tpu.memory_space<hbm>> -> memref<32768xf32, #tpu.memory_space<hbm>>
    tpu.enqueue_dma source(%dma_start3A_5 : memref<32768xf32, #tpu.memory_space<hbm>>) target(%arg8 : memref<32768xf32, #tpu.memory_space<vmem>>) target_semaphore(%arg16 : memref<!tpu.dma_semaphore, #tpu.memory_space<semaphore_mem>>)
    %dma_wait3A = tpu.memref_slice %arg2[%mul3A_2] : memref<1048576xf32, #tpu.memory_space<hbm>> -> memref<32768xf32, #tpu.memory_space<hbm>>
    %dma_wait3A_6 = tpu.memref_slice %arg2[%mul3A_2] : memref<1048576xf32, #tpu.memory_space<hbm>> -> memref<32768xf32, #tpu.memory_space<hbm>>
    tpu.wait_dma2 semaphore(%arg16 : memref<!tpu.dma_semaphore, #tpu.memory_space<semaphore_mem>>) src(%dma_wait3A_6 : memref<32768xf32, #tpu.memory_space<hbm>>) dst(%arg7 : memref<32768xf32, #tpu.memory_space<vmem>>)
    %dma_wait3A_7 = tpu.memref_slice %arg3[%mul3A_2] : memref<1048576xf32, #tpu.memory_space<hbm>> -> memref<32768xf32, #tpu.memory_space<hbm>>
    %dma_wait3A_8 = tpu.memref_slice %arg3[%mul3A_2] : memref<1048576xf32, #tpu.memory_space<hbm>> -> memref<32768xf32, #tpu.memory_space<hbm>>
    tpu.wait_dma2 semaphore(%arg16 : memref<!tpu.dma_semaphore, #tpu.memory_space<semaphore_mem>>) src(%dma_wait3A_8 : memref<32768xf32, #tpu.memory_space<hbm>>) dst(%arg8 : memref<32768xf32, #tpu.memory_space<vmem>>)
    %parallel_loop3A = arith.constant 0 : i32
    %parallel_loop3A_9 = arith.constant 16384 : i32
    %parallel_loop3A_10 = arith.constant 16 : i32
    scf.for %parallel_loop3A_37 = %parallel_loop3A to %parallel_loop3A_9 step %parallel_loop3A_10  : i32 {
      %parallel_loop3A_38 = arith.constant 0 : i32
      %parallel_loop3A_39 = vector.broadcast %parallel_loop3A_38 : i32 to vector<16xi32>
      %parallel_loop3A_40 = arith.index_cast %parallel_loop3A_37 : i32 to index
      %parallel_loop3A_41 = tpu.vector_load %arg9[%parallel_loop3A_40] {strides = array<i32>} : memref<16384xi32, #tpu.memory_space<vmem>>, vector<16xi32>,
      tpu.vector_store %arg9[%parallel_loop3A_40], %parallel_loop3A_39 {strides = array<i32>} : memref<16384xi32, #tpu.memory_space<vmem>>, vector<16xi32>,
      %parallel_loop3A_42 = arith.constant 0.000000e+00 : f32
      %parallel_loop3A_43 = vector.broadcast %parallel_loop3A_42 : f32 to vector<16xf32>
      %parallel_loop3A_44 = arith.index_cast %parallel_loop3A_37 : i32 to index
      %parallel_loop3A_45 = tpu.vector_load %arg10[%parallel_loop3A_44] {strides = array<i32>} : memref<16384xf32, #tpu.memory_space<vmem>>, vector<16xf32>,
      tpu.vector_store %arg10[%parallel_loop3A_44], %parallel_loop3A_43 {strides = array<i32>} : memref<16384xf32, #tpu.memory_space<vmem>>, vector<16xf32>,
    } {sc.loop_unroll_factor = 4 : i64, sc.parallel_access}
    %iota3A = tpu.iota {dimensions = array<i32: 0>} : vector<16xi32>
    %broadcast_in_dim3A = arith.constant 1 : i32
    %broadcast_in_dim3A_11 = vector.broadcast %broadcast_in_dim3A : i32 to vector<16xi32>
    %parallel_loop3A_12 = arith.constant 0 : i32
    %parallel_loop3A_13 = arith.constant 32768 : i32
    %parallel_loop3A_14 = arith.constant 16 : i32
    scf.for %parallel_loop3A_37 = %parallel_loop3A_12 to %parallel_loop3A_13 step %parallel_loop3A_14  : i32 {
      %parallel_loop3A_38 = arith.index_cast %parallel_loop3A_37 : i32 to index
      %parallel_loop3A_39 = tpu.vector_load %arg7[%parallel_loop3A_38] {strides = array<i32>} : memref<32768xf32, #tpu.memory_space<vmem>>, vector<16xf32>,
      %parallel_loop3A_40 = arith.index_cast %parallel_loop3A_37 : i32 to index
      %parallel_loop3A_41 = tpu.vector_load %arg8[%parallel_loop3A_40] {strides = array<i32>} : memref<32768xf32, #tpu.memory_space<vmem>>, vector<16xf32>,
      %parallel_loop3A_42 = arith.subf %parallel_loop3A_39, %parallel_loop3A_41 : vector<16xf32>
      %parallel_loop3A_43 = arith.mulf %parallel_loop3A_42, %parallel_loop3A_42 : vector<16xf32>
      %parallel_loop3A_44 = arith.index_cast %parallel_loop3A_37 : i32 to index
      %parallel_loop3A_45 = tpu.vector_load %arg7[%parallel_loop3A_44] {strides = array<i32>} : memref<32768xf32, #tpu.memory_space<vmem>>, vector<16xf32>,
      tpu.vector_store %arg7[%parallel_loop3A_44], %parallel_loop3A_43 {strides = array<i32>} : memref<32768xf32, #tpu.memory_space<vmem>>, vector<16xf32>,
      %parallel_loop3A_46 = tpu.bitcast %parallel_loop3A_43 : vector<16xf32> -> vector<16xi32>
      %parallel_loop3A_47 = arith.constant 21 : i32
      %parallel_loop3A_48 = vector.broadcast %parallel_loop3A_47 : i32 to vector<16xi32>
      %parallel_loop3A_49 = arith.shrui %parallel_loop3A_46, %parallel_loop3A_48 : vector<16xi32>
      %parallel_loop3A_50 = arith.constant 1024 : i32
      %parallel_loop3A_51 = vector.broadcast %parallel_loop3A_50 : i32 to vector<16xi32>
      %parallel_loop3A_52 = arith.muli %iota3A, %parallel_loop3A_51 : vector<16xi32>
      %parallel_loop3A_53 = arith.addi %parallel_loop3A_52, %parallel_loop3A_49 : vector<16xi32>
      tpu.vector_store_idx %arg9[%parallel_loop3A_53], %broadcast_in_dim3A_11 {add = true} : memref<16384xi32, #tpu.memory_space<vmem>>[vector<16xi32>], vector<16xi32>,
      tpu.vector_store_idx %arg10[%parallel_loop3A_53], %parallel_loop3A_43 {add = true} : memref<16384xf32, #tpu.memory_space<vmem>>[vector<16xi32>], vector<16xf32>,
    } {sc.loop_unroll_factor = 8 : i64, sc.parallel_access}
    %dma_start3A_15 = tpu.memref_slice %arg4[%mul3A_2] : memref<1048576xf32, #tpu.memory_space<hbm>> -> memref<32768xf32, #tpu.memory_space<hbm>>
    %dma_start3A_16 = tpu.memref_slice %arg4[%mul3A_2] : memref<1048576xf32, #tpu.memory_space<hbm>> -> memref<32768xf32, #tpu.memory_space<hbm>>
    tpu.enqueue_dma source(%arg7 : memref<32768xf32, #tpu.memory_space<vmem>>) target(%dma_start3A_16 : memref<32768xf32, #tpu.memory_space<hbm>>) target_semaphore(%arg16 : memref<!tpu.dma_semaphore, #tpu.memory_space<semaphore_mem>>)
    %parallel_loop3A_17 = arith.constant 0 : i32
    %parallel_loop3A_18 = arith.constant 1024 : i32
    %parallel_loop3A_19 = arith.constant 16 : i32
    scf.for %parallel_loop3A_37 = %parallel_loop3A_17 to %parallel_loop3A_18 step %parallel_loop3A_19  : i32 {
      %parallel_loop3A_38 = arith.index_cast %parallel_loop3A_37 : i32 to index
      %parallel_loop3A_39 = tpu.vector_load %arg9[%parallel_loop3A_38] {strides = array<i32>} : memref<16384xi32, #tpu.memory_space<vmem>>, vector<16xi32>,
      %parallel_loop3A_40 = arith.index_cast %parallel_loop3A_37 : i32 to index
      %parallel_loop3A_41 = tpu.vector_load %arg10[%parallel_loop3A_40] {strides = array<i32>} : memref<16384xf32, #tpu.memory_space<vmem>>, vector<16xf32>,
      %parallel_loop3A_42 = arith.constant 1024 : i32
      %parallel_loop3A_43 = arith.addi %parallel_loop3A_42, %parallel_loop3A_37 : i32
      %parallel_loop3A_44 = arith.index_cast %parallel_loop3A_43 : i32 to index
      %parallel_loop3A_45 = tpu.vector_load %arg9[%parallel_loop3A_44] {strides = array<i32>} : memref<16384xi32, #tpu.memory_space<vmem>>, vector<16xi32>,
      %parallel_loop3A_46 = arith.addi %parallel_loop3A_39, %parallel_loop3A_45 : vector<16xi32>
      %parallel_loop3A_47 = arith.constant 1024 : i32
      %parallel_loop3A_48 = arith.addi %parallel_loop3A_47, %parallel_loop3A_37 : i32
      %parallel_loop3A_49 = arith.index_cast %parallel_loop3A_48 : i32 to index
      %parallel_loop3A_50 = tpu.vector_load %arg10[%parallel_loop3A_49] {strides = array<i32>} : memref<16384xf32, #tpu.memory_space<vmem>>, vector<16xf32>,
      %parallel_loop3A_51 = arith.addf %parallel_loop3A_41, %parallel_loop3A_50 : vector<16xf32>
      %parallel_loop3A_52 = arith.constant 2048 : i32
      %parallel_loop3A_53 = arith.addi %parallel_loop3A_52, %parallel_loop3A_37 : i32
      %parallel_loop3A_54 = arith.index_cast %parallel_loop3A_53 : i32 to index
      %parallel_loop3A_55 = tpu.vector_load %arg9[%parallel_loop3A_54] {strides = array<i32>} : memref<16384xi32, #tpu.memory_space<vmem>>, vector<16xi32>,
      %parallel_loop3A_56 = arith.addi %parallel_loop3A_46, %parallel_loop3A_55 : vector<16xi32>
      %parallel_loop3A_57 = arith.constant 2048 : i32
      %parallel_loop3A_58 = arith.addi %parallel_loop3A_57, %parallel_loop3A_37 : i32
      %parallel_loop3A_59 = arith.index_cast %parallel_loop3A_58 : i32 to index
      %parallel_loop3A_60 = tpu.vector_load %arg10[%parallel_loop3A_59] {strides = array<i32>} : memref<16384xf32, #tpu.memory_space<vmem>>, vector<16xf32>,
      %parallel_loop3A_61 = arith.addf %parallel_loop3A_51, %parallel_loop3A_60 : vector<16xf32>
      %parallel_loop3A_62 = arith.constant 3072 : i32
      %parallel_loop3A_63 = arith.addi %parallel_loop3A_62, %parallel_loop3A_37 : i32
      %parallel_loop3A_64 = arith.index_cast %parallel_loop3A_63 : i32 to index
      %parallel_loop3A_65 = tpu.vector_load %arg9[%parallel_loop3A_64] {strides = array<i32>} : memref<16384xi32, #tpu.memory_space<vmem>>, vector<16xi32>,
      %parallel_loop3A_66 = arith.addi %parallel_loop3A_56, %parallel_loop3A_65 : vector<16xi32>
      %parallel_loop3A_67 = arith.constant 3072 : i32
      %parallel_loop3A_68 = arith.addi %parallel_loop3A_67, %parallel_loop3A_37 : i32
      %parallel_loop3A_69 = arith.index_cast %parallel_loop3A_68 : i32 to index
      %parallel_loop3A_70 = tpu.vector_load %arg10[%parallel_loop3A_69] {strides = array<i32>} : memref<16384xf32, #tpu.memory_space<vmem>>, vector<16xf32>,
      %parallel_loop3A_71 = arith.addf %parallel_loop3A_61, %parallel_loop3A_70 : vector<16xf32>
      %parallel_loop3A_72 = arith.constant 4096 : i32
      %parallel_loop3A_73 = arith.addi %parallel_loop3A_72, %parallel_loop3A_37 : i32
      %parallel_loop3A_74 = arith.index_cast %parallel_loop3A_73 : i32 to index
      %parallel_loop3A_75 = tpu.vector_load %arg9[%parallel_loop3A_74] {strides = array<i32>} : memref<16384xi32, #tpu.memory_space<vmem>>, vector<16xi32>,
      %parallel_loop3A_76 = arith.addi %parallel_loop3A_66, %parallel_loop3A_75 : vector<16xi32>
      %parallel_loop3A_77 = arith.constant 4096 : i32
      %parallel_loop3A_78 = arith.addi %parallel_loop3A_77, %parallel_loop3A_37 : i32
      %parallel_loop3A_79 = arith.index_cast %parallel_loop3A_78 : i32 to index
      %parallel_loop3A_80 = tpu.vector_load %arg10[%parallel_loop3A_79] {strides = array<i32>} : memref<16384xf32, #tpu.memory_space<vmem>>, vector<16xf32>,
      %parallel_loop3A_81 = arith.addf %parallel_loop3A_71, %parallel_loop3A_80 : vector<16xf32>
      %parallel_loop3A_82 = arith.constant 5120 : i32
      %parallel_loop3A_83 = arith.addi %parallel_loop3A_82, %parallel_loop3A_37 : i32
      %parallel_loop3A_84 = arith.index_cast %parallel_loop3A_83 : i32 to index
      %parallel_loop3A_85 = tpu.vector_load %arg9[%parallel_loop3A_84] {strides = array<i32>} : memref<16384xi32, #tpu.memory_space<vmem>>, vector<16xi32>,
      %parallel_loop3A_86 = arith.addi %parallel_loop3A_76, %parallel_loop3A_85 : vector<16xi32>
      %parallel_loop3A_87 = arith.constant 5120 : i32
      %parallel_loop3A_88 = arith.addi %parallel_loop3A_87, %parallel_loop3A_37 : i32
      %parallel_loop3A_89 = arith.index_cast %parallel_loop3A_88 : i32 to index
      %parallel_loop3A_90 = tpu.vector_load %arg10[%parallel_loop3A_89] {strides = array<i32>} : memref<16384xf32, #tpu.memory_space<vmem>>, vector<16xf32>,
      %parallel_loop3A_91 = arith.addf %parallel_loop3A_81, %parallel_loop3A_90 : vector<16xf32>
      %parallel_loop3A_92 = arith.constant 6144 : i32
      %parallel_loop3A_93 = arith.addi %parallel_loop3A_92, %parallel_loop3A_37 : i32
      %parallel_loop3A_94 = arith.index_cast %parallel_loop3A_93 : i32 to index
      %parallel_loop3A_95 = tpu.vector_load %arg9[%parallel_loop3A_94] {strides = array<i32>} : memref<16384xi32, #tpu.memory_space<vmem>>, vector<16xi32>,
      %parallel_loop3A_96 = arith.addi %parallel_loop3A_86, %parallel_loop3A_95 : vector<16xi32>
      %parallel_loop3A_97 = arith.constant 6144 : i32
      %parallel_loop3A_98 = arith.addi %parallel_loop3A_97, %parallel_loop3A_37 : i32
      %parallel_loop3A_99 = arith.index_cast %parallel_loop3A_98 : i32 to index
      %parallel_loop3A_100 = tpu.vector_load %arg10[%parallel_loop3A_99] {strides = array<i32>} : memref<16384xf32, #tpu.memory_space<vmem>>, vector<16xf32>,
      %parallel_loop3A_101 = arith.addf %parallel_loop3A_91, %parallel_loop3A_100 : vector<16xf32>
      %parallel_loop3A_102 = arith.constant 7168 : i32
      %parallel_loop3A_103 = arith.addi %parallel_loop3A_102, %parallel_loop3A_37 : i32
      %parallel_loop3A_104 = arith.index_cast %parallel_loop3A_103 : i32 to index
      %parallel_loop3A_105 = tpu.vector_load %arg9[%parallel_loop3A_104] {strides = array<i32>} : memref<16384xi32, #tpu.memory_space<vmem>>, vector<16xi32>,
      %parallel_loop3A_106 = arith.addi %parallel_loop3A_96, %parallel_loop3A_105 : vector<16xi32>
      %parallel_loop3A_107 = arith.constant 7168 : i32
      %parallel_loop3A_108 = arith.addi %parallel_loop3A_107, %parallel_loop3A_37 : i32
      %parallel_loop3A_109 = arith.index_cast %parallel_loop3A_108 : i32 to index
      %parallel_loop3A_110 = tpu.vector_load %arg10[%parallel_loop3A_109] {strides = array<i32>} : memref<16384xf32, #tpu.memory_space<vmem>>, vector<16xf32>,
      %parallel_loop3A_111 = arith.addf %parallel_loop3A_101, %parallel_loop3A_110 : vector<16xf32>
      %parallel_loop3A_112 = arith.constant 8192 : i32
      %parallel_loop3A_113 = arith.addi %parallel_loop3A_112, %parallel_loop3A_37 : i32
      %parallel_loop3A_114 = arith.index_cast %parallel_loop3A_113 : i32 to index
      %parallel_loop3A_115 = tpu.vector_load %arg9[%parallel_loop3A_114] {strides = array<i32>} : memref<16384xi32, #tpu.memory_space<vmem>>, vector<16xi32>,
      %parallel_loop3A_116 = arith.addi %parallel_loop3A_106, %parallel_loop3A_115 : vector<16xi32>
      %parallel_loop3A_117 = arith.constant 8192 : i32
      %parallel_loop3A_118 = arith.addi %parallel_loop3A_117, %parallel_loop3A_37 : i32
      %parallel_loop3A_119 = arith.index_cast %parallel_loop3A_118 : i32 to index
      %parallel_loop3A_120 = tpu.vector_load %arg10[%parallel_loop3A_119] {strides = array<i32>} : memref<16384xf32, #tpu.memory_space<vmem>>, vector<16xf32>,
      %parallel_loop3A_121 = arith.addf %parallel_loop3A_111, %parallel_loop3A_120 : vector<16xf32>
      %parallel_loop3A_122 = arith.constant 9216 : i32
      %parallel_loop3A_123 = arith.addi %parallel_loop3A_122, %parallel_loop3A_37 : i32
      %parallel_loop3A_124 = arith.index_cast %parallel_loop3A_123 : i32 to index
      %parallel_loop3A_125 = tpu.vector_load %arg9[%parallel_loop3A_124] {strides = array<i32>} : memref<16384xi32, #tpu.memory_space<vmem>>, vector<16xi32>,
      %parallel_loop3A_126 = arith.addi %parallel_loop3A_116, %parallel_loop3A_125 : vector<16xi32>
      %parallel_loop3A_127 = arith.constant 9216 : i32
      %parallel_loop3A_128 = arith.addi %parallel_loop3A_127, %parallel_loop3A_37 : i32
      %parallel_loop3A_129 = arith.index_cast %parallel_loop3A_128 : i32 to index
      %parallel_loop3A_130 = tpu.vector_load %arg10[%parallel_loop3A_129] {strides = array<i32>} : memref<16384xf32, #tpu.memory_space<vmem>>, vector<16xf32>,
      %parallel_loop3A_131 = arith.addf %parallel_loop3A_121, %parallel_loop3A_130 : vector<16xf32>
      %parallel_loop3A_132 = arith.constant 10240 : i32
      %parallel_loop3A_133 = arith.addi %parallel_loop3A_132, %parallel_loop3A_37 : i32
      %parallel_loop3A_134 = arith.index_cast %parallel_loop3A_133 : i32 to index
      %parallel_loop3A_135 = tpu.vector_load %arg9[%parallel_loop3A_134] {strides = array<i32>} : memref<16384xi32, #tpu.memory_space<vmem>>, vector<16xi32>,
      %parallel_loop3A_136 = arith.addi %parallel_loop3A_126, %parallel_loop3A_135 : vector<16xi32>
      %parallel_loop3A_137 = arith.constant 10240 : i32
      %parallel_loop3A_138 = arith.addi %parallel_loop3A_137, %parallel_loop3A_37 : i32
      %parallel_loop3A_139 = arith.index_cast %parallel_loop3A_138 : i32 to index
      %parallel_loop3A_140 = tpu.vector_load %arg10[%parallel_loop3A_139] {strides = array<i32>} : memref<16384xf32, #tpu.memory_space<vmem>>, vector<16xf32>,
      %parallel_loop3A_141 = arith.addf %parallel_loop3A_131, %parallel_loop3A_140 : vector<16xf32>
      %parallel_loop3A_142 = arith.constant 11264 : i32
      %parallel_loop3A_143 = arith.addi %parallel_loop3A_142, %parallel_loop3A_37 : i32
      %parallel_loop3A_144 = arith.index_cast %parallel_loop3A_143 : i32 to index
      %parallel_loop3A_145 = tpu.vector_load %arg9[%parallel_loop3A_144] {strides = array<i32>} : memref<16384xi32, #tpu.memory_space<vmem>>, vector<16xi32>,
      %parallel_loop3A_146 = arith.addi %parallel_loop3A_136, %parallel_loop3A_145 : vector<16xi32>
      %parallel_loop3A_147 = arith.constant 11264 : i32
      %parallel_loop3A_148 = arith.addi %parallel_loop3A_147, %parallel_loop3A_37 : i32
      %parallel_loop3A_149 = arith.index_cast %parallel_loop3A_148 : i32 to index
      %parallel_loop3A_150 = tpu.vector_load %arg10[%parallel_loop3A_149] {strides = array<i32>} : memref<16384xf32, #tpu.memory_space<vmem>>, vector<16xf32>,
      %parallel_loop3A_151 = arith.addf %parallel_loop3A_141, %parallel_loop3A_150 : vector<16xf32>
      %parallel_loop3A_152 = arith.constant 12288 : i32
      %parallel_loop3A_153 = arith.addi %parallel_loop3A_152, %parallel_loop3A_37 : i32
      %parallel_loop3A_154 = arith.index_cast %parallel_loop3A_153 : i32 to index
      %parallel_loop3A_155 = tpu.vector_load %arg9[%parallel_loop3A_154] {strides = array<i32>} : memref<16384xi32, #tpu.memory_space<vmem>>, vector<16xi32>,
      %parallel_loop3A_156 = arith.addi %parallel_loop3A_146, %parallel_loop3A_155 : vector<16xi32>
      %parallel_loop3A_157 = arith.constant 12288 : i32
      %parallel_loop3A_158 = arith.addi %parallel_loop3A_157, %parallel_loop3A_37 : i32
      %parallel_loop3A_159 = arith.index_cast %parallel_loop3A_158 : i32 to index
      %parallel_loop3A_160 = tpu.vector_load %arg10[%parallel_loop3A_159] {strides = array<i32>} : memref<16384xf32, #tpu.memory_space<vmem>>, vector<16xf32>,
      %parallel_loop3A_161 = arith.addf %parallel_loop3A_151, %parallel_loop3A_160 : vector<16xf32>
      %parallel_loop3A_162 = arith.constant 13312 : i32
      %parallel_loop3A_163 = arith.addi %parallel_loop3A_162, %parallel_loop3A_37 : i32
      %parallel_loop3A_164 = arith.index_cast %parallel_loop3A_163 : i32 to index
      %parallel_loop3A_165 = tpu.vector_load %arg9[%parallel_loop3A_164] {strides = array<i32>} : memref<16384xi32, #tpu.memory_space<vmem>>, vector<16xi32>,
      %parallel_loop3A_166 = arith.addi %parallel_loop3A_156, %parallel_loop3A_165 : vector<16xi32>
      %parallel_loop3A_167 = arith.constant 13312 : i32
      %parallel_loop3A_168 = arith.addi %parallel_loop3A_167, %parallel_loop3A_37 : i32
      %parallel_loop3A_169 = arith.index_cast %parallel_loop3A_168 : i32 to index
      %parallel_loop3A_170 = tpu.vector_load %arg10[%parallel_loop3A_169] {strides = array<i32>} : memref<16384xf32, #tpu.memory_space<vmem>>, vector<16xf32>,
      %parallel_loop3A_171 = arith.addf %parallel_loop3A_161, %parallel_loop3A_170 : vector<16xf32>
      %parallel_loop3A_172 = arith.constant 14336 : i32
      %parallel_loop3A_173 = arith.addi %parallel_loop3A_172, %parallel_loop3A_37 : i32
      %parallel_loop3A_174 = arith.index_cast %parallel_loop3A_173 : i32 to index
      %parallel_loop3A_175 = tpu.vector_load %arg9[%parallel_loop3A_174] {strides = array<i32>} : memref<16384xi32, #tpu.memory_space<vmem>>, vector<16xi32>,
      %parallel_loop3A_176 = arith.addi %parallel_loop3A_166, %parallel_loop3A_175 : vector<16xi32>
      %parallel_loop3A_177 = arith.constant 14336 : i32
      %parallel_loop3A_178 = arith.addi %parallel_loop3A_177, %parallel_loop3A_37 : i32
      %parallel_loop3A_179 = arith.index_cast %parallel_loop3A_178 : i32 to index
      %parallel_loop3A_180 = tpu.vector_load %arg10[%parallel_loop3A_179] {strides = array<i32>} : memref<16384xf32, #tpu.memory_space<vmem>>, vector<16xf32>,
      %parallel_loop3A_181 = arith.addf %parallel_loop3A_171, %parallel_loop3A_180 : vector<16xf32>
      %parallel_loop3A_182 = arith.constant 15360 : i32
      %parallel_loop3A_183 = arith.addi %parallel_loop3A_182, %parallel_loop3A_37 : i32
      %parallel_loop3A_184 = arith.index_cast %parallel_loop3A_183 : i32 to index
      %parallel_loop3A_185 = tpu.vector_load %arg9[%parallel_loop3A_184] {strides = array<i32>} : memref<16384xi32, #tpu.memory_space<vmem>>, vector<16xi32>,
      %parallel_loop3A_186 = arith.addi %parallel_loop3A_176, %parallel_loop3A_185 : vector<16xi32>
      %parallel_loop3A_187 = arith.constant 15360 : i32
      %parallel_loop3A_188 = arith.addi %parallel_loop3A_187, %parallel_loop3A_37 : i32
      %parallel_loop3A_189 = arith.index_cast %parallel_loop3A_188 : i32 to index
      %parallel_loop3A_190 = tpu.vector_load %arg10[%parallel_loop3A_189] {strides = array<i32>} : memref<16384xf32, #tpu.memory_space<vmem>>, vector<16xf32>,
      %parallel_loop3A_191 = arith.addf %parallel_loop3A_181, %parallel_loop3A_190 : vector<16xf32>
      %parallel_loop3A_192 = arith.constant 4 : i32
      %parallel_loop3A_193 = arith.shrui %parallel_loop3A_37, %parallel_loop3A_192 : i32
      %parallel_loop3A_194 = arith.index_cast %parallel_loop3A_193 : i32 to index
      %parallel_loop3A_195 = arith.constant 0 : index
      %parallel_loop3A_196 = tpu.vector_load %arg11[%parallel_loop3A_194, %parallel_loop3A_195] {strides = array<i32>} : memref<64x16xi32, #tpu.memory_space<vmem>>, vector<16xi32>,
      tpu.vector_store %arg11[%parallel_loop3A_194, %parallel_loop3A_195], %parallel_loop3A_186 {strides = array<i32>} : memref<64x16xi32, #tpu.memory_space<vmem>>, vector<16xi32>,
      %parallel_loop3A_197 = arith.index_cast %parallel_loop3A_193 : i32 to index
      %parallel_loop3A_198 = arith.constant 0 : index
      %parallel_loop3A_199 = tpu.vector_load %arg12[%parallel_loop3A_197, %parallel_loop3A_198] {strides = array<i32>} : memref<64x16xf32, #tpu.memory_space<vmem>>, vector<16xf32>,
      tpu.vector_store %arg12[%parallel_loop3A_197, %parallel_loop3A_198], %parallel_loop3A_191 {strides = array<i32>} : memref<64x16xf32, #tpu.memory_space<vmem>>, vector<16xf32>,
    } {sc.loop_unroll_factor = 2 : i64, sc.parallel_access}
    %parallel_loop3A_20 = arith.constant 0 : i32
    %parallel_loop3A_21 = arith.constant 64 : i32
    %parallel_loop3A_22 = arith.constant 16 : i32
    scf.for %parallel_loop3A_37 = %parallel_loop3A_20 to %parallel_loop3A_21 step %parallel_loop3A_22  : i32 {
      %parallel_loop3A_38 = tpu.iota {dimensions = array<i32: 0>} : vector<16xi32>
      %parallel_loop3A_39 = vector.broadcast %parallel_loop3A_37 : i32 to vector<16xi32>
      %parallel_loop3A_40 = arith.addi %parallel_loop3A_38, %parallel_loop3A_39 : vector<16xi32>
      %parallel_loop3A_41 = arith.index_cast %parallel_loop3A_37 : i32 to index
      %parallel_loop3A_42 = tpu.vector_load %arg15[%parallel_loop3A_41] {strides = array<i32>} : memref<64xi32, #tpu.memory_space<vmem>>, vector<16xi32>,
      tpu.vector_store %arg15[%parallel_loop3A_41], %parallel_loop3A_40 {strides = array<i32>} : memref<64xi32, #tpu.memory_space<vmem>>, vector<16xi32>,
    } {sc.loop_unroll_factor = 4 : i64, sc.parallel_access}
    %eq3A = arith.constant 0 : i32
    %eq3A_23 = arith.cmpi eq, %arg1, %eq3A : i32
    %convert_element_type3A = arith.extui %eq3A_23 : i1 to i32
    %cond3A = arith.constant 0 : i32
    %cond3A_24 = arith.cmpi ne, %convert_element_type3A, %cond3A : i32
    scf.if %cond3A_24 {
      "tpu.region"() ({
        %run_scoped3A = tpu.sem_alloc : memref<!tpu.dma_semaphore, #tpu.memory_space<semaphore_mem>>
        tpu.enqueue_dma source(%arg11 : memref<64x16xi32, #tpu.memory_space<vmem>>) target(%arg13 : memref<64x16xi32, #tpu.memory_space<vmem_shared>>) target_semaphore(%run_scoped3A : memref<!tpu.dma_semaphore, #tpu.memory_space<semaphore_mem>>)
        tpu.wait_dma2 semaphore(%run_scoped3A : memref<!tpu.dma_semaphore, #tpu.memory_space<semaphore_mem>>) src(%arg11 : memref<64x16xi32, #tpu.memory_space<vmem>>) dst(%arg13 : memref<64x16xi32, #tpu.memory_space<vmem_shared>>)
        tpu.yield
      }) : () -> ()
      "tpu.region"() ({
        %run_scoped3A = tpu.sem_alloc : memref<!tpu.dma_semaphore, #tpu.memory_space<semaphore_mem>>
        tpu.enqueue_dma source(%arg12 : memref<64x16xf32, #tpu.memory_space<vmem>>) target(%arg14 : memref<64x16xf32, #tpu.memory_space<vmem_shared>>) target_semaphore(%run_scoped3A : memref<!tpu.dma_semaphore, #tpu.memory_space<semaphore_mem>>)
        tpu.wait_dma2 semaphore(%run_scoped3A : memref<!tpu.dma_semaphore, #tpu.memory_space<semaphore_mem>>) src(%arg12 : memref<64x16xf32, #tpu.memory_space<vmem>>) dst(%arg14 : memref<64x16xf32, #tpu.memory_space<vmem_shared>>)
        tpu.yield
      }) : () -> ()
    } else {
    }
    %barrier3A = arith.constant 0 : index
    tpu.barrier barrier_id(%barrier3A)
    %ne3A = arith.constant 0 : i32
    %ne3A_25 = arith.cmpi ne, %arg1, %ne3A : i32
    %convert_element_type3A_26 = arith.extui %ne3A_25 : i1 to i32
    %cond3A_27 = arith.constant 0 : i32
    %cond3A_28 = arith.cmpi ne, %convert_element_type3A_26, %cond3A_27 : i32
    scf.if %cond3A_28 {
      "tpu.region"() ({
        %run_scoped3A = tpu.sem_alloc : memref<!tpu.dma_semaphore, #tpu.memory_space<semaphore_mem>>
        %dma_start3A_37 = arith.constant 0 : i32
        %dma_start3A_38 = arith.constant 0 : i32
        %dma_start3A_39 = tpu.memref_slice %arg13[%dma_start3A_37, %dma_start3A_38] : memref<64x16xi32, #tpu.memory_space<vmem_shared>> -> memref<64x16xi32, #tpu.memory_space<vmem_shared>>
        tpu.enqueue_indirect_dma source(%arg11 : memref<64x16xi32, #tpu.memory_space<vmem>>) target(%dma_start3A_39 : memref<64x16xi32, #tpu.memory_space<vmem_shared>>) offsets(%arg15 : memref<64xi32, #tpu.memory_space<vmem>>) semaphore(%run_scoped3A : memref<!tpu.dma_semaphore, #tpu.memory_space<semaphore_mem>>) {add = true}
        %dma_wait3A_40 = arith.constant 0 : i32
        %dma_wait3A_41 = arith.constant 0 : i32
        %dma_wait3A_42 = tpu.memref_slice %arg13[%dma_wait3A_40, %dma_wait3A_41] : memref<64x16xi32, #tpu.memory_space<vmem_shared>> -> memref<64x16xi32, #tpu.memory_space<vmem_shared>>
        tpu.wait_indirect_dma semaphore(%run_scoped3A : memref<!tpu.dma_semaphore, #tpu.memory_space<semaphore_mem>>) src(%arg11 : memref<64x16xi32, #tpu.memory_space<vmem>>) dst(%dma_wait3A_42 : memref<64x16xi32, #tpu.memory_space<vmem_shared>>)
        tpu.yield
      }) : () -> ()
      "tpu.region"() ({
        %run_scoped3A = tpu.sem_alloc : memref<!tpu.dma_semaphore, #tpu.memory_space<semaphore_mem>>
        %dma_start3A_37 = arith.constant 0 : i32
        %dma_start3A_38 = arith.constant 0 : i32
        %dma_start3A_39 = tpu.memref_slice %arg14[%dma_start3A_37, %dma_start3A_38] : memref<64x16xf32, #tpu.memory_space<vmem_shared>> -> memref<64x16xf32, #tpu.memory_space<vmem_shared>>
        tpu.enqueue_indirect_dma source(%arg12 : memref<64x16xf32, #tpu.memory_space<vmem>>) target(%dma_start3A_39 : memref<64x16xf32, #tpu.memory_space<vmem_shared>>) offsets(%arg15 : memref<64xi32, #tpu.memory_space<vmem>>) semaphore(%run_scoped3A : memref<!tpu.dma_semaphore, #tpu.memory_space<semaphore_mem>>) {add = true}
        %dma_wait3A_40 = arith.constant 0 : i32
        %dma_wait3A_41 = arith.constant 0 : i32
        %dma_wait3A_42 = tpu.memref_slice %arg14[%dma_wait3A_40, %dma_wait3A_41] : memref<64x16xf32, #tpu.memory_space<vmem_shared>> -> memref<64x16xf32, #tpu.memory_space<vmem_shared>>
        tpu.wait_indirect_dma semaphore(%run_scoped3A : memref<!tpu.dma_semaphore, #tpu.memory_space<semaphore_mem>>) src(%arg12 : memref<64x16xf32, #tpu.memory_space<vmem>>) dst(%dma_wait3A_42 : memref<64x16xf32, #tpu.memory_space<vmem_shared>>)
        tpu.yield
      }) : () -> ()
    } else {
    }
    %barrier3A_29 = arith.constant 0 : index
    tpu.barrier barrier_id(%barrier3A_29)
    %eq3A_30 = arith.constant 0 : i32
    %eq3A_31 = arith.cmpi eq, %arg1, %eq3A_30 : i32
    %convert_element_type3A_32 = arith.extui %eq3A_31 : i1 to i32
    %cond3A_33 = arith.constant 0 : i32
    %cond3A_34 = arith.cmpi ne, %convert_element_type3A_32, %cond3A_33 : i32
    scf.if %cond3A_34 {
      "tpu.region"() ({
        %run_scoped3A = tpu.sem_alloc : memref<!tpu.dma_semaphore, #tpu.memory_space<semaphore_mem>>
        %dma_start3A_37 = arith.constant 0 : i32
        %dma_start3A_38 = arith.constant 0 : i32
        %dma_start3A_39 = tpu.memref_slice %arg5[%arg0, %dma_start3A_37, %dma_start3A_38] : memref<2x64x16xi32, #tpu.memory_space<hbm>> -> memref<1x64x16xi32, #tpu.memory_space<hbm>>
        %dma_start3A_40 = tpu.memref_squeeze %dma_start3A_39 : memref<1x64x16xi32, #tpu.memory_space<hbm>> -> memref<64x16xi32, #tpu.memory_space<hbm>>
        tpu.enqueue_dma source(%arg13 : memref<64x16xi32, #tpu.memory_space<vmem_shared>>) target(%dma_start3A_40 : memref<64x16xi32, #tpu.memory_space<hbm>>) target_semaphore(%run_scoped3A : memref<!tpu.dma_semaphore, #tpu.memory_space<semaphore_mem>>)
        %dma_wait3A_41 = arith.constant 0 : i32
        %dma_wait3A_42 = arith.constant 0 : i32
        %dma_wait3A_43 = tpu.memref_slice %arg5[%arg0, %dma_wait3A_41, %dma_wait3A_42] : memref<2x64x16xi32, #tpu.memory_space<hbm>> -> memref<1x64x16xi32, #tpu.memory_space<hbm>>
        %dma_wait3A_44 = tpu.memref_squeeze %dma_wait3A_43 : memref<1x64x16xi32, #tpu.memory_space<hbm>> -> memref<64x16xi32, #tpu.memory_space<hbm>>
        tpu.wait_dma2 semaphore(%run_scoped3A : memref<!tpu.dma_semaphore, #tpu.memory_space<semaphore_mem>>) src(%arg13 : memref<64x16xi32, #tpu.memory_space<vmem_shared>>) dst(%dma_wait3A_44 : memref<64x16xi32, #tpu.memory_space<hbm>>)
        tpu.yield
      }) : () -> ()
      "tpu.region"() ({
        %run_scoped3A = tpu.sem_alloc : memref<!tpu.dma_semaphore, #tpu.memory_space<semaphore_mem>>
        %dma_start3A_37 = arith.constant 0 : i32
        %dma_start3A_38 = arith.constant 0 : i32
        %dma_start3A_39 = tpu.memref_slice %arg6[%arg0, %dma_start3A_37, %dma_start3A_38] : memref<2x64x16xf32, #tpu.memory_space<hbm>> -> memref<1x64x16xf32, #tpu.memory_space<hbm>>
        %dma_start3A_40 = tpu.memref_squeeze %dma_start3A_39 : memref<1x64x16xf32, #tpu.memory_space<hbm>> -> memref<64x16xf32, #tpu.memory_space<hbm>>
        tpu.enqueue_dma source(%arg14 : memref<64x16xf32, #tpu.memory_space<vmem_shared>>) target(%dma_start3A_40 : memref<64x16xf32, #tpu.memory_space<hbm>>) target_semaphore(%run_scoped3A : memref<!tpu.dma_semaphore, #tpu.memory_space<semaphore_mem>>)
        %dma_wait3A_41 = arith.constant 0 : i32
        %dma_wait3A_42 = arith.constant 0 : i32
        %dma_wait3A_43 = tpu.memref_slice %arg6[%arg0, %dma_wait3A_41, %dma_wait3A_42] : memref<2x64x16xf32, #tpu.memory_space<hbm>> -> memref<1x64x16xf32, #tpu.memory_space<hbm>>
        %dma_wait3A_44 = tpu.memref_squeeze %dma_wait3A_43 : memref<1x64x16xf32, #tpu.memory_space<hbm>> -> memref<64x16xf32, #tpu.memory_space<hbm>>
        tpu.wait_dma2 semaphore(%run_scoped3A : memref<!tpu.dma_semaphore, #tpu.memory_space<semaphore_mem>>) src(%arg14 : memref<64x16xf32, #tpu.memory_space<vmem_shared>>) dst(%dma_wait3A_44 : memref<64x16xf32, #tpu.memory_space<hbm>>)
        tpu.yield
      }) : () -> ()
    } else {
    }
    %dma_wait3A_35 = tpu.memref_slice %arg4[%mul3A_2] : memref<1048576xf32, #tpu.memory_space<hbm>> -> memref<32768xf32, #tpu.memory_space<hbm>>
    %dma_wait3A_36 = tpu.memref_slice %arg4[%mul3A_2] : memref<1048576xf32, #tpu.memory_space<hbm>> -> memref<32768xf32, #tpu.memory_space<hbm>>
    tpu.wait_dma2 semaphore(%arg16 : memref<!tpu.dma_semaphore, #tpu.memory_space<semaphore_mem>>) src(%arg7 : memref<32768xf32, #tpu.memory_space<vmem>>) dst(%dma_wait3A_36 : memref<32768xf32, #tpu.memory_space<hbm>>)
    return
  }
}

#map = affine_map<(d0, d1) -> (0)>
#map1 = affine_map<(d0, d1) -> (0, 0, 0)>
module attributes {stable_mosaic.version = 14 : i64} {
  func.func @k_mid(%arg0: i32, %arg1: i32, %arg2: memref<1048576xf32, #tpu.memory_space<hbm>>, %arg3: memref<2x64x16xi32, #tpu.memory_space<hbm>>, %arg4: memref<2x64x16xf32, #tpu.memory_space<hbm>>, %arg5: memref<2x64x16xi32, #tpu.memory_space<hbm>>, %arg6: memref<2x64x16xf32, #tpu.memory_space<hbm>>, %arg7: memref<64xi32, #tpu.memory_space<hbm>>, %arg8: memref<16xf32, #tpu.memory_space<hbm>>, %arg9: memref<1048576xf32, #tpu.memory_space<hbm>>, %arg10: memref<512xi32, #tpu.memory_space<hbm>>, %arg11: memref<32768xf32, #tpu.memory_space<vmem>>, %arg12: memref<2x64x16xi32, #tpu.memory_space<vmem>>, %arg13: memref<2x64x16xf32, #tpu.memory_space<vmem>>, %arg14: memref<16384xi32, #tpu.memory_space<vmem>>, %arg15: memref<16384xf32, #tpu.memory_space<vmem>>, %arg16: memref<1040xi32, #tpu.memory_space<vmem>>, %arg17: memref<1040xf32, #tpu.memory_space<vmem>>, %arg18: memref<64x16xi32, #tpu.memory_space<vmem>>, %arg19: memref<64x16xf32, #tpu.memory_space<vmem>>, %arg20: memref<64x16xi32, #tpu.memory_space<vmem_shared>>, %arg21: memref<64x16xf32, #tpu.memory_space<vmem_shared>>, %arg22: memref<64xi32, #tpu.memory_space<vmem>>, %arg23: memref<64xi32, #tpu.memory_space<vmem>>, %arg24: memref<16xf32, #tpu.memory_space<vmem>>, %arg25: memref<16xi32, #tpu.memory_space<vmem>>, %arg26: memref<!tpu.dma_semaphore, #tpu.memory_space<semaphore_mem>>, %arg27: memref<32768xf32, #tpu.memory_space<vmem>>) attributes {dimension_semantics = [#tpu.dimension_semantics<core_parallel>, #tpu.dimension_semantics<subcore_parallel>], iteration_bounds = array<i64: 2, 16>, scalar_prefetch = 0 : i64, scratch_operands = 17 : i64, tpu.core_type = #tpu.core_type<sc_vector_subcore>, window_params = [{transform_indices = #map}, {transform_indices = #map1}, {transform_indices = #map1}, {transform_indices = #map1}, {transform_indices = #map1}, {transform_indices = #map}, {transform_indices = #map}, {transform_indices = #map}, {transform_indices = #map}]} {
    %mul3A = arith.constant 16 : i32
    %mul3A_0 = arith.muli %arg0, %mul3A : i32
    %add3A = arith.addi %mul3A_0, %arg1 : i32
    %mul3A_1 = arith.constant 32768 : i32
    %mul3A_2 = arith.muli %add3A, %mul3A_1 : i32
    tpu.enqueue_dma source(%arg3 : memref<2x64x16xi32, #tpu.memory_space<hbm>>) target(%arg12 : memref<2x64x16xi32, #tpu.memory_space<vmem>>) target_semaphore(%arg26 : memref<!tpu.dma_semaphore, #tpu.memory_space<semaphore_mem>>)
    tpu.enqueue_dma source(%arg4 : memref<2x64x16xf32, #tpu.memory_space<hbm>>) target(%arg13 : memref<2x64x16xf32, #tpu.memory_space<vmem>>) target_semaphore(%arg26 : memref<!tpu.dma_semaphore, #tpu.memory_space<semaphore_mem>>)
    %dma_start3A = tpu.memref_slice %arg2[%mul3A_2] : memref<1048576xf32, #tpu.memory_space<hbm>> -> memref<32768xf32, #tpu.memory_space<hbm>>
    %dma_start3A_3 = tpu.memref_slice %arg2[%mul3A_2] : memref<1048576xf32, #tpu.memory_space<hbm>> -> memref<32768xf32, #tpu.memory_space<hbm>>
    tpu.enqueue_dma source(%dma_start3A_3 : memref<32768xf32, #tpu.memory_space<hbm>>) target(%arg11 : memref<32768xf32, #tpu.memory_space<vmem>>) target_semaphore(%arg26 : memref<!tpu.dma_semaphore, #tpu.memory_space<semaphore_mem>>)
    tpu.wait_dma2 semaphore(%arg26 : memref<!tpu.dma_semaphore, #tpu.memory_space<semaphore_mem>>) src(%arg3 : memref<2x64x16xi32, #tpu.memory_space<hbm>>) dst(%arg12 : memref<2x64x16xi32, #tpu.memory_space<vmem>>)
    tpu.wait_dma2 semaphore(%arg26 : memref<!tpu.dma_semaphore, #tpu.memory_space<semaphore_mem>>) src(%arg4 : memref<2x64x16xf32, #tpu.memory_space<hbm>>) dst(%arg13 : memref<2x64x16xf32, #tpu.memory_space<vmem>>)
    %dma_wait3A = tpu.memref_slice %arg2[%mul3A_2] : memref<1048576xf32, #tpu.memory_space<hbm>> -> memref<32768xf32, #tpu.memory_space<hbm>>
    %dma_wait3A_4 = tpu.memref_slice %arg2[%mul3A_2] : memref<1048576xf32, #tpu.memory_space<hbm>> -> memref<32768xf32, #tpu.memory_space<hbm>>
    tpu.wait_dma2 semaphore(%arg26 : memref<!tpu.dma_semaphore, #tpu.memory_space<semaphore_mem>>) src(%dma_wait3A_4 : memref<32768xf32, #tpu.memory_space<hbm>>) dst(%arg11 : memref<32768xf32, #tpu.memory_space<vmem>>)
    %iota3A = tpu.iota {dimensions = array<i32: 0>} : vector<16xi32>
    %broadcast_in_dim3A = arith.constant 0 : i32
    %broadcast_in_dim3A_5 = vector.broadcast %broadcast_in_dim3A : i32 to vector<16xi32>
    %swap3A = arith.constant 1024 : index
    %swap3A_6 = tpu.vector_load %arg16[%swap3A] {strides = array<i32>} : memref<1040xi32, #tpu.memory_space<vmem>>, vector<16xi32>,
    tpu.vector_store %arg16[%swap3A], %broadcast_in_dim3A_5 {strides = array<i32>} : memref<1040xi32, #tpu.memory_space<vmem>>, vector<16xi32>,
    %broadcast_in_dim3A_7 = arith.constant 0.000000e+00 : f32
    %broadcast_in_dim3A_8 = vector.broadcast %broadcast_in_dim3A_7 : f32 to vector<16xf32>
    %swap3A_9 = arith.constant 1024 : index
    %swap3A_10 = tpu.vector_load %arg17[%swap3A_9] {strides = array<i32>} : memref<1040xf32, #tpu.memory_space<vmem>>, vector<16xf32>,
    tpu.vector_store %arg17[%swap3A_9], %broadcast_in_dim3A_8 {strides = array<i32>} : memref<1040xf32, #tpu.memory_space<vmem>>, vector<16xf32>,
    %scan3A = arith.constant 0 : i32
    %scan3A_11 = arith.constant 0.000000e+00 : f32
    %scan3A_12 = arith.constant 0 : i32
    %scan3A_13 = arith.constant 64 : i32
    %scan3A_14 = arith.addi %scan3A_12, %scan3A_13 : i32
    %scan3A_15 = arith.constant 1 : i32
    %scan3A_16:2 = scf.for %scan3A_125 = %scan3A_12 to %scan3A_14 step %scan3A_15 iter_args(%scan3A_126 = %scan3A, %scan3A_127 = %scan3A_11) -> (i32, f32)  : i32 {
      %sub3A_128 = arith.constant 63 : i32
      %sub3A_129 = arith.subi %sub3A_128, %scan3A_125 : i32
      %get3A = arith.constant 0 : i32
      %get3A_130 = arith.index_cast %get3A : i32 to index
      %get3A_131 = arith.index_cast %sub3A_129 : i32 to index
      %get3A_132 = arith.constant 0 : index
      %get3A_133 = tpu.vector_load %arg12[%get3A_130, %get3A_131, %get3A_132] {strides = array<i32>} : memref<2x64x16xi32, #tpu.memory_space<vmem>>, vector<16xi32>,
      %get3A_134 = arith.constant 1 : i32
      %get3A_135 = arith.index_cast %get3A_134 : i32 to index
      %get3A_136 = arith.index_cast %sub3A_129 : i32 to index
      %get3A_137 = arith.constant 0 : index
      %get3A_138 = tpu.vector_load %arg12[%get3A_135, %get3A_136, %get3A_137] {strides = array<i32>} : memref<2x64x16xi32, #tpu.memory_space<vmem>>, vector<16xi32>,
      %add3A_139 = arith.addi %get3A_133, %get3A_138 : vector<16xi32>
      %get3A_140 = arith.constant 0 : i32
      %get3A_141 = arith.index_cast %get3A_140 : i32 to index
      %get3A_142 = arith.index_cast %sub3A_129 : i32 to index
      %get3A_143 = arith.constant 0 : index
      %get3A_144 = tpu.vector_load %arg13[%get3A_141, %get3A_142, %get3A_143] {strides = array<i32>} : memref<2x64x16xf32, #tpu.memory_space<vmem>>, vector<16xf32>,
      %get3A_145 = arith.constant 1 : i32
      %get3A_146 = arith.index_cast %get3A_145 : i32 to index
      %get3A_147 = arith.index_cast %sub3A_129 : i32 to index
      %get3A_148 = arith.constant 0 : index
      %get3A_149 = tpu.vector_load %arg13[%get3A_146, %get3A_147, %get3A_148] {strides = array<i32>} : memref<2x64x16xf32, #tpu.memory_space<vmem>>, vector<16xf32>,
      %add3A_150 = arith.addf %get3A_144, %get3A_149 : vector<16xf32>
      %rev3A = arith.constant 15 : i32
      %rev3A_151 = vector.broadcast %rev3A : i32 to vector<16xi32>
      %rev3A_152 = tpu.iota {dimensions = array<i32: 0>} : vector<16xi32>
      %rev3A_153 = arith.subi %rev3A_151, %rev3A_152 : vector<16xi32>
      %rev3A_154 = tpu.dynamic_gather %add3A_139[%rev3A_153] in [0] : vector<16xi32>, vector<16xi32> -> vector<16xi32>
      %broadcast_in_dim3A_155 = arith.constant true
      %broadcast_in_dim3A_156 = vector.broadcast %broadcast_in_dim3A_155 : i1 to vector<16xi1>
      %masked_cumsum3A = tpu.scan <sum>, %rev3A_154 masked %broadcast_in_dim3A_156 : vector<16xi32>, vector<16xi1> -> vector<16xi32>
      %rev3A_157 = arith.constant 15 : i32
      %rev3A_158 = vector.broadcast %rev3A_157 : i32 to vector<16xi32>
      %rev3A_159 = tpu.iota {dimensions = array<i32: 0>} : vector<16xi32>
      %rev3A_160 = arith.subi %rev3A_158, %rev3A_159 : vector<16xi32>
      %rev3A_161 = tpu.dynamic_gather %masked_cumsum3A[%rev3A_160] in [0] : vector<16xi32>, vector<16xi32> -> vector<16xi32>
      %add3A_162 = vector.broadcast %scan3A_126 : i32 to vector<16xi32>
      %add3A_163 = arith.addi %rev3A_161, %add3A_162 : vector<16xi32>
      %rev3A_164 = arith.constant 15 : i32
      %rev3A_165 = vector.broadcast %rev3A_164 : i32 to vector<16xi32>
      %rev3A_166 = tpu.iota {dimensions = array<i32: 0>} : vector<16xi32>
      %rev3A_167 = arith.subi %rev3A_165, %rev3A_166 : vector<16xi32>
      %rev3A_168 = tpu.dynamic_gather %add3A_150[%rev3A_167] in [0] : vector<16xf32>, vector<16xi32> -> vector<16xf32>
      %broadcast_in_dim3A_169 = arith.constant true
      %broadcast_in_dim3A_170 = vector.broadcast %broadcast_in_dim3A_169 : i1 to vector<16xi1>
      %masked_cumsum3A_171 = tpu.scan <sum>, %rev3A_168 masked %broadcast_in_dim3A_170 : vector<16xf32>, vector<16xi1> -> vector<16xf32>
      %rev3A_172 = arith.constant 15 : i32
      %rev3A_173 = vector.broadcast %rev3A_172 : i32 to vector<16xi32>
      %rev3A_174 = tpu.iota {dimensions = array<i32: 0>} : vector<16xi32>
      %rev3A_175 = arith.subi %rev3A_173, %rev3A_174 : vector<16xi32>
      %rev3A_176 = tpu.dynamic_gather %masked_cumsum3A_171[%rev3A_175] in [0] : vector<16xf32>, vector<16xi32> -> vector<16xf32>
      %add3A_177 = vector.broadcast %scan3A_127 : f32 to vector<16xf32>
      %add3A_178 = arith.addf %rev3A_176, %add3A_177 : vector<16xf32>
      %mul3A_179 = arith.constant 16 : i32
      %mul3A_180 = arith.muli %sub3A_129, %mul3A_179 : i32
      %swap3A_181 = arith.index_cast %mul3A_180 : i32 to index
      %swap3A_182 = tpu.vector_load %arg16[%swap3A_181] {strides = array<i32>} : memref<1040xi32, #tpu.memory_space<vmem>>, vector<16xi32>,
      tpu.vector_store %arg16[%swap3A_181], %add3A_163 {strides = array<i32>} : memref<1040xi32, #tpu.memory_space<vmem>>, vector<16xi32>,
      %mul3A_183 = arith.constant 16 : i32
      %mul3A_184 = arith.muli %sub3A_129, %mul3A_183 : i32
      %swap3A_185 = arith.index_cast %mul3A_184 : i32 to index
      %swap3A_186 = tpu.vector_load %arg17[%swap3A_185] {strides = array<i32>} : memref<1040xf32, #tpu.memory_space<vmem>>, vector<16xf32>,
      tpu.vector_store %arg17[%swap3A_185], %add3A_178 {strides = array<i32>} : memref<1040xf32, #tpu.memory_space<vmem>>, vector<16xf32>,
      %reduce_max3A_187 = arith.constant true
      %reduce_max3A_188 = vector.broadcast %reduce_max3A_187 : i1 to vector<16xi1>
      %reduce_max3A_189 = arith.constant -2147483648 : i32
      %reduce_max3A_190 = vector.broadcast %reduce_max3A_189 : i32 to vector<16xi32>
      %reduce_max3A_191 = arith.xori %add3A_163, %reduce_max3A_190 : vector<16xi32>
      %reduce_max3A_192 = tpu.scan <max>, %reduce_max3A_191 masked %reduce_max3A_188 : vector<16xi32>, vector<16xi1> -> vector<16xi32>
      %reduce_max3A_193 = arith.xori %reduce_max3A_192, %reduce_max3A_190 : vector<16xi32>
      %reduce_max3A_194 = vector.extract %reduce_max3A_193[15] : i32 from vector<16xi32>
      %reduce_max3A_195 = arith.constant true
      %reduce_max3A_196 = vector.broadcast %reduce_max3A_195 : i1 to vector<16xi1>
      %reduce_max3A_197 = tpu.scan <max>, %add3A_178 masked %reduce_max3A_196 : vector<16xf32>, vector<16xi1> -> vector<16xf32>
      %reduce_max3A_198 = vector.extract %reduce_max3A_197[15] : f32 from vector<16xf32>
      scf.yield %reduce_max3A_194, %reduce_max3A_198 : i32, f32
    }
    %scan3A_17 = arith.constant 64 : i32
    %scan3A_18 = arith.constant 64 : i32
    %scan3A_19 = arith.constant -1 : i32
    %scan3A_20 = arith.constant 0 : i32
    %scan3A_21 = arith.constant 64 : i32
    %scan3A_22 = arith.addi %scan3A_20, %scan3A_21 : i32
    %scan3A_23 = arith.constant 1 : i32
    %scan3A_24 = scf.for %scan3A_125 = %scan3A_20 to %scan3A_22 step %scan3A_23 iter_args(%scan3A_126 = %scan3A_19) -> (i32)  : i32 {
      %mul3A_127 = arith.constant 16 : i32
      %mul3A_128 = arith.muli %scan3A_125, %mul3A_127 : i32
      %get3A = arith.index_cast %mul3A_128 : i32 to index
      %get3A_129 = tpu.vector_load %arg16[%get3A] {strides = array<i32>} : memref<1040xi32, #tpu.memory_space<vmem>>, vector<16xi32>,
      %ge3A = vector.broadcast %scan3A_18 : i32 to vector<16xi32>
      %ge3A_130 = arith.cmpi sge, %get3A_129, %ge3A : vector<16xi32>
      %mul3A_131 = arith.constant 16 : i32
      %mul3A_132 = arith.muli %scan3A_125, %mul3A_131 : i32
      %add3A_133 = vector.broadcast %mul3A_132 : i32 to vector<16xi32>
      %add3A_134 = arith.addi %iota3A, %add3A_133 : vector<16xi32>
      %jit3A_135 = arith.constant -1 : i32
      %broadcast_in_dim3A_136 = vector.broadcast %jit3A_135 : i32 to vector<16xi32>
      %select_n3A_137 = arith.select %ge3A_130, %add3A_134, %broadcast_in_dim3A_136 : vector<16xi1>, vector<16xi32>
      %reduce_max3A_138 = arith.constant true
      %reduce_max3A_139 = vector.broadcast %reduce_max3A_138 : i1 to vector<16xi1>
      %reduce_max3A_140 = arith.constant -2147483648 : i32
      %reduce_max3A_141 = vector.broadcast %reduce_max3A_140 : i32 to vector<16xi32>
      %reduce_max3A_142 = arith.xori %select_n3A_137, %reduce_max3A_141 : vector<16xi32>
      %reduce_max3A_143 = tpu.scan <max>, %reduce_max3A_142 masked %reduce_max3A_139 : vector<16xi32>, vector<16xi1> -> vector<16xi32>
      %reduce_max3A_144 = arith.xori %reduce_max3A_143, %reduce_max3A_141 : vector<16xi32>
      %reduce_max3A_145 = vector.extract %reduce_max3A_144[15] : i32 from vector<16xi32>
      %max3A = arith.maxsi %scan3A_126, %reduce_max3A_145 : i32
      scf.yield %max3A : i32
    }
    %scan3A_25 = arith.constant 64 : i32
    %broadcast_in_dim3A_26 = arith.constant 0 : i32
    %broadcast_in_dim3A_27 = vector.broadcast %broadcast_in_dim3A_26 : i32 to vector<16xi32>
    %add3A_28 = arith.constant 1 : i32
    %add3A_29 = arith.addi %scan3A_24, %add3A_28 : i32
    %add3A_30 = vector.broadcast %add3A_29 : i32 to vector<16xi32>
    %add3A_31 = arith.addi %broadcast_in_dim3A_27, %add3A_30 : vector<16xi32>
    %gather3A = tpu.vector_load_idx %arg16[%add3A_31] : memref<1040xi32, #tpu.memory_space<vmem>>[vector<16xi32>], vector<16xi32>,
    %reduce_max3A = arith.constant true
    %reduce_max3A_32 = vector.broadcast %reduce_max3A : i1 to vector<16xi1>
    %reduce_max3A_33 = arith.constant -2147483648 : i32
    %reduce_max3A_34 = vector.broadcast %reduce_max3A_33 : i32 to vector<16xi32>
    %reduce_max3A_35 = arith.xori %gather3A, %reduce_max3A_34 : vector<16xi32>
    %reduce_max3A_36 = tpu.scan <max>, %reduce_max3A_35 masked %reduce_max3A_32 : vector<16xi32>, vector<16xi1> -> vector<16xi32>
    %reduce_max3A_37 = arith.xori %reduce_max3A_36, %reduce_max3A_34 : vector<16xi32>
    %reduce_max3A_38 = vector.extract %reduce_max3A_37[15] : i32 from vector<16xi32>
    %gather3A_39 = tpu.vector_load_idx %arg17[%add3A_31] : memref<1040xf32, #tpu.memory_space<vmem>>[vector<16xi32>], vector<16xf32>,
    %reduce_max3A_40 = arith.constant true
    %reduce_max3A_41 = vector.broadcast %reduce_max3A_40 : i1 to vector<16xi1>
    %reduce_max3A_42 = tpu.scan <max>, %gather3A_39 masked %reduce_max3A_41 : vector<16xf32>, vector<16xi1> -> vector<16xf32>
    %reduce_max3A_43 = vector.extract %reduce_max3A_42[15] : f32 from vector<16xf32>
    %sub3A = arith.constant 64 : i32
    %sub3A_44 = arith.subi %sub3A, %reduce_max3A_38 : i32
    %add3A_45 = arith.constant 0 : i32
    %add3A_46 = arith.addi %add3A_45, %reduce_max3A_38 : i32
    %add3A_47 = arith.constant 0.000000e+00 : f32
    %add3A_48 = arith.addf %add3A_47, %reduce_max3A_43 : f32
    %parallel_loop3A = arith.constant 0 : i32
    %parallel_loop3A_49 = arith.constant 16384 : i32
    %parallel_loop3A_50 = arith.constant 16 : i32
    scf.for %parallel_loop3A_125 = %parallel_loop3A to %parallel_loop3A_49 step %parallel_loop3A_50  : i32 {
      %parallel_loop3A_126 = arith.constant 0 : i32
      %parallel_loop3A_127 = vector.broadcast %parallel_loop3A_126 : i32 to vector<16xi32>
      %parallel_loop3A_128 = arith.index_cast %parallel_loop3A_125 : i32 to index
      %parallel_loop3A_129 = tpu.vector_load %arg14[%parallel_loop3A_128] {strides = array<i32>} : memref<16384xi32, #tpu.memory_space<vmem>>, vector<16xi32>,
      tpu.vector_store %arg14[%parallel_loop3A_128], %parallel_loop3A_127 {strides = array<i32>} : memref<16384xi32, #tpu.memory_space<vmem>>, vector<16xi32>,
      %parallel_loop3A_130 = arith.constant 0.000000e+00 : f32
      %parallel_loop3A_131 = vector.broadcast %parallel_loop3A_130 : f32 to vector<16xf32>
      %parallel_loop3A_132 = arith.index_cast %parallel_loop3A_125 : i32 to index
      %parallel_loop3A_133 = tpu.vector_load %arg15[%parallel_loop3A_132] {strides = array<i32>} : memref<16384xf32, #tpu.memory_space<vmem>>, vector<16xf32>,
      tpu.vector_store %arg15[%parallel_loop3A_132], %parallel_loop3A_131 {strides = array<i32>} : memref<16384xf32, #tpu.memory_space<vmem>>, vector<16xf32>,
    } {sc.loop_unroll_factor = 4 : i64, sc.parallel_access}
    %iota3A_51 = tpu.iota {dimensions = array<i32: 0>} : vector<16xi32>
    %broadcast_in_dim3A_52 = arith.constant 1 : i32
    %broadcast_in_dim3A_53 = vector.broadcast %broadcast_in_dim3A_52 : i32 to vector<16xi32>
    %broadcast_in_dim3A_54 = arith.constant 0 : i32
    %broadcast_in_dim3A_55 = vector.broadcast %broadcast_in_dim3A_54 : i32 to vector<16xi32>
    %add3A_56 = vector.broadcast %scan3A_24 : i32 to vector<16xi32>
    %add3A_57 = arith.addi %broadcast_in_dim3A_55, %add3A_56 : vector<16xi32>
    %parallel_loop3A_58 = arith.constant 0 : i32
    %parallel_loop3A_59 = arith.constant 32768 : i32
    %parallel_loop3A_60 = arith.constant 16 : i32
    %parallel_loop3A_61 = arith.constant 0 : i32
    %parallel_loop3A_62 = scf.for %parallel_loop3A_125 = %parallel_loop3A_58 to %parallel_loop3A_59 step %parallel_loop3A_60 iter_args(%parallel_loop3A_126 = %parallel_loop3A_61) -> (i32)  : i32 {
      %parallel_loop3A_127 = arith.index_cast %parallel_loop3A_125 : i32 to index
      %parallel_loop3A_128 = tpu.vector_load %arg11[%parallel_loop3A_127] {strides = array<i32>} : memref<32768xf32, #tpu.memory_space<vmem>>, vector<16xf32>,
      %parallel_loop3A_129 = tpu.bitcast %parallel_loop3A_128 : vector<16xf32> -> vector<16xi32>
      %parallel_loop3A_130 = arith.constant 21 : i32
      %parallel_loop3A_131 = vector.broadcast %parallel_loop3A_130 : i32 to vector<16xi32>
      %parallel_loop3A_132 = arith.shrui %parallel_loop3A_129, %parallel_loop3A_131 : vector<16xi32>
      %parallel_loop3A_133 = arith.cmpi eq, %parallel_loop3A_132, %add3A_57 : vector<16xi32>
      %parallel_loop3A_134 = arith.constant 11 : i32
      %parallel_loop3A_135 = vector.broadcast %parallel_loop3A_134 : i32 to vector<16xi32>
      %parallel_loop3A_136 = arith.shrui %parallel_loop3A_129, %parallel_loop3A_135 : vector<16xi32>
      %parallel_loop3A_137 = arith.constant 1023 : i32
      %parallel_loop3A_138 = vector.broadcast %parallel_loop3A_137 : i32 to vector<16xi32>
      %parallel_loop3A_139 = arith.andi %parallel_loop3A_136, %parallel_loop3A_138 : vector<16xi32>
      %parallel_loop3A_140 = arith.constant 1024 : i32
      %parallel_loop3A_141 = vector.broadcast %parallel_loop3A_140 : i32 to vector<16xi32>
      %parallel_loop3A_142 = arith.muli %iota3A_51, %parallel_loop3A_141 : vector<16xi32>
      %parallel_loop3A_143 = arith.addi %parallel_loop3A_142, %parallel_loop3A_139 : vector<16xi32>
      tpu.vector_store_idx %arg14[%parallel_loop3A_143], %broadcast_in_dim3A_53 masked %parallel_loop3A_133 {add = true} : memref<16384xi32, #tpu.memory_space<vmem>>[vector<16xi32>], vector<16xi32>, vector<16xi1>
      tpu.vector_store_idx %arg15[%parallel_loop3A_143], %parallel_loop3A_128 masked %parallel_loop3A_133 {add = true} : memref<16384xf32, #tpu.memory_space<vmem>>[vector<16xi32>], vector<16xf32>, vector<16xi1>
      %parallel_loop3A_144 = arith.index_cast %parallel_loop3A_126 : i32 to index
      %parallel_loop3A_145 = tpu.vector_load %arg27[%parallel_loop3A_144] masked %parallel_loop3A_133 {strides = array<i32>} : memref<32768xf32, #tpu.memory_space<vmem>>, vector<16xf32>, vector<16xi1>
      tpu.vector_store %arg27[%parallel_loop3A_144], %parallel_loop3A_128 masked %parallel_loop3A_133 {strides = array<i32>} : memref<32768xf32, #tpu.memory_space<vmem>>, vector<16xf32>, vector<16xi1>
      %parallel_loop3A_146 = tpu.all_reduce %parallel_loop3A_133 {dim = 0 : i64, kind = #tpu.reduction_kind<sum>} : vector<16xi1> -> vector<16xi32>
      %parallel_loop3A_147 = vector.extract_strided_slice %parallel_loop3A_146 {offsets = [0], sizes = [1], strides = [1]} : vector<16xi32> to vector<1xi32>
      %parallel_loop3A_148 = vector.extract %parallel_loop3A_147[0] : i32 from vector<1xi32>
      %parallel_loop3A_149 = arith.addi %parallel_loop3A_126, %parallel_loop3A_148 : i32
      scf.yield %parallel_loop3A_149 : i32
    } {sc.loop_unroll_factor = 8 : i64, sc.parallel_access}
    %parallel_loop3A_63 = arith.constant 0 : i32
    %parallel_loop3A_64 = arith.constant 1024 : i32
    %parallel_loop3A_65 = arith.constant 16 : i32
    scf.for %parallel_loop3A_125 = %parallel_loop3A_63 to %parallel_loop3A_64 step %parallel_loop3A_65  : i32 {
      %parallel_loop3A_126 = arith.index_cast %parallel_loop3A_125 : i32 to index
      %parallel_loop3A_127 = tpu.vector_load %arg14[%parallel_loop3A_126] {strides = array<i32>} : memref<16384xi32, #tpu.memory_space<vmem>>, vector<16xi32>,
      %parallel_loop3A_128 = arith.index_cast %parallel_loop3A_125 : i32 to index
      %parallel_loop3A_129 = tpu.vector_load %arg15[%parallel_loop3A_128] {strides = array<i32>} : memref<16384xf32, #tpu.memory_space<vmem>>, vector<16xf32>,
      %parallel_loop3A_130 = arith.constant 1024 : i32
      %parallel_loop3A_131 = arith.addi %parallel_loop3A_130, %parallel_loop3A_125 : i32
      %parallel_loop3A_132 = arith.index_cast %parallel_loop3A_131 : i32 to index
      %parallel_loop3A_133 = tpu.vector_load %arg14[%parallel_loop3A_132] {strides = array<i32>} : memref<16384xi32, #tpu.memory_space<vmem>>, vector<16xi32>,
      %parallel_loop3A_134 = arith.addi %parallel_loop3A_127, %parallel_loop3A_133 : vector<16xi32>
      %parallel_loop3A_135 = arith.constant 1024 : i32
      %parallel_loop3A_136 = arith.addi %parallel_loop3A_135, %parallel_loop3A_125 : i32
      %parallel_loop3A_137 = arith.index_cast %parallel_loop3A_136 : i32 to index
      %parallel_loop3A_138 = tpu.vector_load %arg15[%parallel_loop3A_137] {strides = array<i32>} : memref<16384xf32, #tpu.memory_space<vmem>>, vector<16xf32>,
      %parallel_loop3A_139 = arith.addf %parallel_loop3A_129, %parallel_loop3A_138 : vector<16xf32>
      %parallel_loop3A_140 = arith.constant 2048 : i32
      %parallel_loop3A_141 = arith.addi %parallel_loop3A_140, %parallel_loop3A_125 : i32
      %parallel_loop3A_142 = arith.index_cast %parallel_loop3A_141 : i32 to index
      %parallel_loop3A_143 = tpu.vector_load %arg14[%parallel_loop3A_142] {strides = array<i32>} : memref<16384xi32, #tpu.memory_space<vmem>>, vector<16xi32>,
      %parallel_loop3A_144 = arith.addi %parallel_loop3A_134, %parallel_loop3A_143 : vector<16xi32>
      %parallel_loop3A_145 = arith.constant 2048 : i32
      %parallel_loop3A_146 = arith.addi %parallel_loop3A_145, %parallel_loop3A_125 : i32
      %parallel_loop3A_147 = arith.index_cast %parallel_loop3A_146 : i32 to index
      %parallel_loop3A_148 = tpu.vector_load %arg15[%parallel_loop3A_147] {strides = array<i32>} : memref<16384xf32, #tpu.memory_space<vmem>>, vector<16xf32>,
      %parallel_loop3A_149 = arith.addf %parallel_loop3A_139, %parallel_loop3A_148 : vector<16xf32>
      %parallel_loop3A_150 = arith.constant 3072 : i32
      %parallel_loop3A_151 = arith.addi %parallel_loop3A_150, %parallel_loop3A_125 : i32
      %parallel_loop3A_152 = arith.index_cast %parallel_loop3A_151 : i32 to index
      %parallel_loop3A_153 = tpu.vector_load %arg14[%parallel_loop3A_152] {strides = array<i32>} : memref<16384xi32, #tpu.memory_space<vmem>>, vector<16xi32>,
      %parallel_loop3A_154 = arith.addi %parallel_loop3A_144, %parallel_loop3A_153 : vector<16xi32>
      %parallel_loop3A_155 = arith.constant 3072 : i32
      %parallel_loop3A_156 = arith.addi %parallel_loop3A_155, %parallel_loop3A_125 : i32
      %parallel_loop3A_157 = arith.index_cast %parallel_loop3A_156 : i32 to index
      %parallel_loop3A_158 = tpu.vector_load %arg15[%parallel_loop3A_157] {strides = array<i32>} : memref<16384xf32, #tpu.memory_space<vmem>>, vector<16xf32>,
      %parallel_loop3A_159 = arith.addf %parallel_loop3A_149, %parallel_loop3A_158 : vector<16xf32>
      %parallel_loop3A_160 = arith.constant 4096 : i32
      %parallel_loop3A_161 = arith.addi %parallel_loop3A_160, %parallel_loop3A_125 : i32
      %parallel_loop3A_162 = arith.index_cast %parallel_loop3A_161 : i32 to index
      %parallel_loop3A_163 = tpu.vector_load %arg14[%parallel_loop3A_162] {strides = array<i32>} : memref<16384xi32, #tpu.memory_space<vmem>>, vector<16xi32>,
      %parallel_loop3A_164 = arith.addi %parallel_loop3A_154, %parallel_loop3A_163 : vector<16xi32>
      %parallel_loop3A_165 = arith.constant 4096 : i32
      %parallel_loop3A_166 = arith.addi %parallel_loop3A_165, %parallel_loop3A_125 : i32
      %parallel_loop3A_167 = arith.index_cast %parallel_loop3A_166 : i32 to index
      %parallel_loop3A_168 = tpu.vector_load %arg15[%parallel_loop3A_167] {strides = array<i32>} : memref<16384xf32, #tpu.memory_space<vmem>>, vector<16xf32>,
      %parallel_loop3A_169 = arith.addf %parallel_loop3A_159, %parallel_loop3A_168 : vector<16xf32>
      %parallel_loop3A_170 = arith.constant 5120 : i32
      %parallel_loop3A_171 = arith.addi %parallel_loop3A_170, %parallel_loop3A_125 : i32
      %parallel_loop3A_172 = arith.index_cast %parallel_loop3A_171 : i32 to index
      %parallel_loop3A_173 = tpu.vector_load %arg14[%parallel_loop3A_172] {strides = array<i32>} : memref<16384xi32, #tpu.memory_space<vmem>>, vector<16xi32>,
      %parallel_loop3A_174 = arith.addi %parallel_loop3A_164, %parallel_loop3A_173 : vector<16xi32>
      %parallel_loop3A_175 = arith.constant 5120 : i32
      %parallel_loop3A_176 = arith.addi %parallel_loop3A_175, %parallel_loop3A_125 : i32
      %parallel_loop3A_177 = arith.index_cast %parallel_loop3A_176 : i32 to index
      %parallel_loop3A_178 = tpu.vector_load %arg15[%parallel_loop3A_177] {strides = array<i32>} : memref<16384xf32, #tpu.memory_space<vmem>>, vector<16xf32>,
      %parallel_loop3A_179 = arith.addf %parallel_loop3A_169, %parallel_loop3A_178 : vector<16xf32>
      %parallel_loop3A_180 = arith.constant 6144 : i32
      %parallel_loop3A_181 = arith.addi %parallel_loop3A_180, %parallel_loop3A_125 : i32
      %parallel_loop3A_182 = arith.index_cast %parallel_loop3A_181 : i32 to index
      %parallel_loop3A_183 = tpu.vector_load %arg14[%parallel_loop3A_182] {strides = array<i32>} : memref<16384xi32, #tpu.memory_space<vmem>>, vector<16xi32>,
      %parallel_loop3A_184 = arith.addi %parallel_loop3A_174, %parallel_loop3A_183 : vector<16xi32>
      %parallel_loop3A_185 = arith.constant 6144 : i32
      %parallel_loop3A_186 = arith.addi %parallel_loop3A_185, %parallel_loop3A_125 : i32
      %parallel_loop3A_187 = arith.index_cast %parallel_loop3A_186 : i32 to index
      %parallel_loop3A_188 = tpu.vector_load %arg15[%parallel_loop3A_187] {strides = array<i32>} : memref<16384xf32, #tpu.memory_space<vmem>>, vector<16xf32>,
      %parallel_loop3A_189 = arith.addf %parallel_loop3A_179, %parallel_loop3A_188 : vector<16xf32>
      %parallel_loop3A_190 = arith.constant 7168 : i32
      %parallel_loop3A_191 = arith.addi %parallel_loop3A_190, %parallel_loop3A_125 : i32
      %parallel_loop3A_192 = arith.index_cast %parallel_loop3A_191 : i32 to index
      %parallel_loop3A_193 = tpu.vector_load %arg14[%parallel_loop3A_192] {strides = array<i32>} : memref<16384xi32, #tpu.memory_space<vmem>>, vector<16xi32>,
      %parallel_loop3A_194 = arith.addi %parallel_loop3A_184, %parallel_loop3A_193 : vector<16xi32>
      %parallel_loop3A_195 = arith.constant 7168 : i32
      %parallel_loop3A_196 = arith.addi %parallel_loop3A_195, %parallel_loop3A_125 : i32
      %parallel_loop3A_197 = arith.index_cast %parallel_loop3A_196 : i32 to index
      %parallel_loop3A_198 = tpu.vector_load %arg15[%parallel_loop3A_197] {strides = array<i32>} : memref<16384xf32, #tpu.memory_space<vmem>>, vector<16xf32>,
      %parallel_loop3A_199 = arith.addf %parallel_loop3A_189, %parallel_loop3A_198 : vector<16xf32>
      %parallel_loop3A_200 = arith.constant 8192 : i32
      %parallel_loop3A_201 = arith.addi %parallel_loop3A_200, %parallel_loop3A_125 : i32
      %parallel_loop3A_202 = arith.index_cast %parallel_loop3A_201 : i32 to index
      %parallel_loop3A_203 = tpu.vector_load %arg14[%parallel_loop3A_202] {strides = array<i32>} : memref<16384xi32, #tpu.memory_space<vmem>>, vector<16xi32>,
      %parallel_loop3A_204 = arith.addi %parallel_loop3A_194, %parallel_loop3A_203 : vector<16xi32>
      %parallel_loop3A_205 = arith.constant 8192 : i32
      %parallel_loop3A_206 = arith.addi %parallel_loop3A_205, %parallel_loop3A_125 : i32
      %parallel_loop3A_207 = arith.index_cast %parallel_loop3A_206 : i32 to index
      %parallel_loop3A_208 = tpu.vector_load %arg15[%parallel_loop3A_207] {strides = array<i32>} : memref<16384xf32, #tpu.memory_space<vmem>>, vector<16xf32>,
      %parallel_loop3A_209 = arith.addf %parallel_loop3A_199, %parallel_loop3A_208 : vector<16xf32>
      %parallel_loop3A_210 = arith.constant 9216 : i32
      %parallel_loop3A_211 = arith.addi %parallel_loop3A_210, %parallel_loop3A_125 : i32
      %parallel_loop3A_212 = arith.index_cast %parallel_loop3A_211 : i32 to index
      %parallel_loop3A_213 = tpu.vector_load %arg14[%parallel_loop3A_212] {strides = array<i32>} : memref<16384xi32, #tpu.memory_space<vmem>>, vector<16xi32>,
      %parallel_loop3A_214 = arith.addi %parallel_loop3A_204, %parallel_loop3A_213 : vector<16xi32>
      %parallel_loop3A_215 = arith.constant 9216 : i32
      %parallel_loop3A_216 = arith.addi %parallel_loop3A_215, %parallel_loop3A_125 : i32
      %parallel_loop3A_217 = arith.index_cast %parallel_loop3A_216 : i32 to index
      %parallel_loop3A_218 = tpu.vector_load %arg15[%parallel_loop3A_217] {strides = array<i32>} : memref<16384xf32, #tpu.memory_space<vmem>>, vector<16xf32>,
      %parallel_loop3A_219 = arith.addf %parallel_loop3A_209, %parallel_loop3A_218 : vector<16xf32>
      %parallel_loop3A_220 = arith.constant 10240 : i32
      %parallel_loop3A_221 = arith.addi %parallel_loop3A_220, %parallel_loop3A_125 : i32
      %parallel_loop3A_222 = arith.index_cast %parallel_loop3A_221 : i32 to index
      %parallel_loop3A_223 = tpu.vector_load %arg14[%parallel_loop3A_222] {strides = array<i32>} : memref<16384xi32, #tpu.memory_space<vmem>>, vector<16xi32>,
      %parallel_loop3A_224 = arith.addi %parallel_loop3A_214, %parallel_loop3A_223 : vector<16xi32>
      %parallel_loop3A_225 = arith.constant 10240 : i32
      %parallel_loop3A_226 = arith.addi %parallel_loop3A_225, %parallel_loop3A_125 : i32
      %parallel_loop3A_227 = arith.index_cast %parallel_loop3A_226 : i32 to index
      %parallel_loop3A_228 = tpu.vector_load %arg15[%parallel_loop3A_227] {strides = array<i32>} : memref<16384xf32, #tpu.memory_space<vmem>>, vector<16xf32>,
      %parallel_loop3A_229 = arith.addf %parallel_loop3A_219, %parallel_loop3A_228 : vector<16xf32>
      %parallel_loop3A_230 = arith.constant 11264 : i32
      %parallel_loop3A_231 = arith.addi %parallel_loop3A_230, %parallel_loop3A_125 : i32
      %parallel_loop3A_232 = arith.index_cast %parallel_loop3A_231 : i32 to index
      %parallel_loop3A_233 = tpu.vector_load %arg14[%parallel_loop3A_232] {strides = array<i32>} : memref<16384xi32, #tpu.memory_space<vmem>>, vector<16xi32>,
      %parallel_loop3A_234 = arith.addi %parallel_loop3A_224, %parallel_loop3A_233 : vector<16xi32>
      %parallel_loop3A_235 = arith.constant 11264 : i32
      %parallel_loop3A_236 = arith.addi %parallel_loop3A_235, %parallel_loop3A_125 : i32
      %parallel_loop3A_237 = arith.index_cast %parallel_loop3A_236 : i32 to index
      %parallel_loop3A_238 = tpu.vector_load %arg15[%parallel_loop3A_237] {strides = array<i32>} : memref<16384xf32, #tpu.memory_space<vmem>>, vector<16xf32>,
      %parallel_loop3A_239 = arith.addf %parallel_loop3A_229, %parallel_loop3A_238 : vector<16xf32>
      %parallel_loop3A_240 = arith.constant 12288 : i32
      %parallel_loop3A_241 = arith.addi %parallel_loop3A_240, %parallel_loop3A_125 : i32
      %parallel_loop3A_242 = arith.index_cast %parallel_loop3A_241 : i32 to index
      %parallel_loop3A_243 = tpu.vector_load %arg14[%parallel_loop3A_242] {strides = array<i32>} : memref<16384xi32, #tpu.memory_space<vmem>>, vector<16xi32>,
      %parallel_loop3A_244 = arith.addi %parallel_loop3A_234, %parallel_loop3A_243 : vector<16xi32>
      %parallel_loop3A_245 = arith.constant 12288 : i32
      %parallel_loop3A_246 = arith.addi %parallel_loop3A_245, %parallel_loop3A_125 : i32
      %parallel_loop3A_247 = arith.index_cast %parallel_loop3A_246 : i32 to index
      %parallel_loop3A_248 = tpu.vector_load %arg15[%parallel_loop3A_247] {strides = array<i32>} : memref<16384xf32, #tpu.memory_space<vmem>>, vector<16xf32>,
      %parallel_loop3A_249 = arith.addf %parallel_loop3A_239, %parallel_loop3A_248 : vector<16xf32>
      %parallel_loop3A_250 = arith.constant 13312 : i32
      %parallel_loop3A_251 = arith.addi %parallel_loop3A_250, %parallel_loop3A_125 : i32
      %parallel_loop3A_252 = arith.index_cast %parallel_loop3A_251 : i32 to index
      %parallel_loop3A_253 = tpu.vector_load %arg14[%parallel_loop3A_252] {strides = array<i32>} : memref<16384xi32, #tpu.memory_space<vmem>>, vector<16xi32>,
      %parallel_loop3A_254 = arith.addi %parallel_loop3A_244, %parallel_loop3A_253 : vector<16xi32>
      %parallel_loop3A_255 = arith.constant 13312 : i32
      %parallel_loop3A_256 = arith.addi %parallel_loop3A_255, %parallel_loop3A_125 : i32
      %parallel_loop3A_257 = arith.index_cast %parallel_loop3A_256 : i32 to index
      %parallel_loop3A_258 = tpu.vector_load %arg15[%parallel_loop3A_257] {strides = array<i32>} : memref<16384xf32, #tpu.memory_space<vmem>>, vector<16xf32>,
      %parallel_loop3A_259 = arith.addf %parallel_loop3A_249, %parallel_loop3A_258 : vector<16xf32>
      %parallel_loop3A_260 = arith.constant 14336 : i32
      %parallel_loop3A_261 = arith.addi %parallel_loop3A_260, %parallel_loop3A_125 : i32
      %parallel_loop3A_262 = arith.index_cast %parallel_loop3A_261 : i32 to index
      %parallel_loop3A_263 = tpu.vector_load %arg14[%parallel_loop3A_262] {strides = array<i32>} : memref<16384xi32, #tpu.memory_space<vmem>>, vector<16xi32>,
      %parallel_loop3A_264 = arith.addi %parallel_loop3A_254, %parallel_loop3A_263 : vector<16xi32>
      %parallel_loop3A_265 = arith.constant 14336 : i32
      %parallel_loop3A_266 = arith.addi %parallel_loop3A_265, %parallel_loop3A_125 : i32
      %parallel_loop3A_267 = arith.index_cast %parallel_loop3A_266 : i32 to index
      %parallel_loop3A_268 = tpu.vector_load %arg15[%parallel_loop3A_267] {strides = array<i32>} : memref<16384xf32, #tpu.memory_space<vmem>>, vector<16xf32>,
      %parallel_loop3A_269 = arith.addf %parallel_loop3A_259, %parallel_loop3A_268 : vector<16xf32>
      %parallel_loop3A_270 = arith.constant 15360 : i32
      %parallel_loop3A_271 = arith.addi %parallel_loop3A_270, %parallel_loop3A_125 : i32
      %parallel_loop3A_272 = arith.index_cast %parallel_loop3A_271 : i32 to index
      %parallel_loop3A_273 = tpu.vector_load %arg14[%parallel_loop3A_272] {strides = array<i32>} : memref<16384xi32, #tpu.memory_space<vmem>>, vector<16xi32>,
      %parallel_loop3A_274 = arith.addi %parallel_loop3A_264, %parallel_loop3A_273 : vector<16xi32>
      %parallel_loop3A_275 = arith.constant 15360 : i32
      %parallel_loop3A_276 = arith.addi %parallel_loop3A_275, %parallel_loop3A_125 : i32
      %parallel_loop3A_277 = arith.index_cast %parallel_loop3A_276 : i32 to index
      %parallel_loop3A_278 = tpu.vector_load %arg15[%parallel_loop3A_277] {strides = array<i32>} : memref<16384xf32, #tpu.memory_space<vmem>>, vector<16xf32>,
      %parallel_loop3A_279 = arith.addf %parallel_loop3A_269, %parallel_loop3A_278 : vector<16xf32>
      %parallel_loop3A_280 = arith.constant 4 : i32
      %parallel_loop3A_281 = arith.shrui %parallel_loop3A_125, %parallel_loop3A_280 : i32
      %parallel_loop3A_282 = arith.index_cast %parallel_loop3A_281 : i32 to index
      %parallel_loop3A_283 = arith.constant 0 : index
      %parallel_loop3A_284 = tpu.vector_load %arg18[%parallel_loop3A_282, %parallel_loop3A_283] {strides = array<i32>} : memref<64x16xi32, #tpu.memory_space<vmem>>, vector<16xi32>,
      tpu.vector_store %arg18[%parallel_loop3A_282, %parallel_loop3A_283], %parallel_loop3A_274 {strides = array<i32>} : memref<64x16xi32, #tpu.memory_space<vmem>>, vector<16xi32>,
      %parallel_loop3A_285 = arith.index_cast %parallel_loop3A_281 : i32 to index
      %parallel_loop3A_286 = arith.constant 0 : index
      %parallel_loop3A_287 = tpu.vector_load %arg19[%parallel_loop3A_285, %parallel_loop3A_286] {strides = array<i32>} : memref<64x16xf32, #tpu.memory_space<vmem>>, vector<16xf32>,
      tpu.vector_store %arg19[%parallel_loop3A_285, %parallel_loop3A_286], %parallel_loop3A_279 {strides = array<i32>} : memref<64x16xf32, #tpu.memory_space<vmem>>, vector<16xf32>,
    } {sc.loop_unroll_factor = 2 : i64, sc.parallel_access}
    %parallel_loop3A_66 = arith.constant 0 : i32
    %parallel_loop3A_67 = arith.constant 64 : i32
    %parallel_loop3A_68 = arith.constant 16 : i32
    scf.for %parallel_loop3A_125 = %parallel_loop3A_66 to %parallel_loop3A_67 step %parallel_loop3A_68  : i32 {
      %parallel_loop3A_126 = tpu.iota {dimensions = array<i32: 0>} : vector<16xi32>
      %parallel_loop3A_127 = vector.broadcast %parallel_loop3A_125 : i32 to vector<16xi32>
      %parallel_loop3A_128 = arith.addi %parallel_loop3A_126, %parallel_loop3A_127 : vector<16xi32>
      %parallel_loop3A_129 = arith.index_cast %parallel_loop3A_125 : i32 to index
      %parallel_loop3A_130 = tpu.vector_load %arg22[%parallel_loop3A_129] {strides = array<i32>} : memref<64xi32, #tpu.memory_space<vmem>>, vector<16xi32>,
      tpu.vector_store %arg22[%parallel_loop3A_129], %parallel_loop3A_128 {strides = array<i32>} : memref<64xi32, #tpu.memory_space<vmem>>, vector<16xi32>,
    } {sc.loop_unroll_factor = 4 : i64, sc.parallel_access}
    %eq3A = arith.constant 0 : i32
    %eq3A_69 = arith.cmpi eq, %arg1, %eq3A : i32
    %convert_element_type3A = arith.extui %eq3A_69 : i1 to i32
    %cond3A = arith.constant 0 : i32
    %cond3A_70 = arith.cmpi ne, %convert_element_type3A, %cond3A : i32
    scf.if %cond3A_70 {
      "tpu.region"() ({
        %run_scoped3A = tpu.sem_alloc : memref<!tpu.dma_semaphore, #tpu.memory_space<semaphore_mem>>
        tpu.enqueue_dma source(%arg18 : memref<64x16xi32, #tpu.memory_space<vmem>>) target(%arg20 : memref<64x16xi32, #tpu.memory_space<vmem_shared>>) target_semaphore(%run_scoped3A : memref<!tpu.dma_semaphore, #tpu.memory_space<semaphore_mem>>)
        tpu.wait_dma2 semaphore(%run_scoped3A : memref<!tpu.dma_semaphore, #tpu.memory_space<semaphore_mem>>) src(%arg18 : memref<64x16xi32, #tpu.memory_space<vmem>>) dst(%arg20 : memref<64x16xi32, #tpu.memory_space<vmem_shared>>)
        tpu.yield
      }) : () -> ()
      "tpu.region"() ({
        %run_scoped3A = tpu.sem_alloc : memref<!tpu.dma_semaphore, #tpu.memory_space<semaphore_mem>>
        tpu.enqueue_dma source(%arg19 : memref<64x16xf32, #tpu.memory_space<vmem>>) target(%arg21 : memref<64x16xf32, #tpu.memory_space<vmem_shared>>) target_semaphore(%run_scoped3A : memref<!tpu.dma_semaphore, #tpu.memory_space<semaphore_mem>>)
        tpu.wait_dma2 semaphore(%run_scoped3A : memref<!tpu.dma_semaphore, #tpu.memory_space<semaphore_mem>>) src(%arg19 : memref<64x16xf32, #tpu.memory_space<vmem>>) dst(%arg21 : memref<64x16xf32, #tpu.memory_space<vmem_shared>>)
        tpu.yield
      }) : () -> ()
    } else {
    }
    %barrier3A = arith.constant 0 : index
    tpu.barrier barrier_id(%barrier3A)
    %ne3A = arith.constant 0 : i32
    %ne3A_71 = arith.cmpi ne, %arg1, %ne3A : i32
    %convert_element_type3A_72 = arith.extui %ne3A_71 : i1 to i32
    %cond3A_73 = arith.constant 0 : i32
    %cond3A_74 = arith.cmpi ne, %convert_element_type3A_72, %cond3A_73 : i32
    scf.if %cond3A_74 {
      "tpu.region"() ({
        %run_scoped3A = tpu.sem_alloc : memref<!tpu.dma_semaphore, #tpu.memory_space<semaphore_mem>>
        %dma_start3A_125 = arith.constant 0 : i32
        %dma_start3A_126 = arith.constant 0 : i32
        %dma_start3A_127 = tpu.memref_slice %arg20[%dma_start3A_125, %dma_start3A_126] : memref<64x16xi32, #tpu.memory_space<vmem_shared>> -> memref<64x16xi32, #tpu.memory_space<vmem_shared>>
        tpu.enqueue_indirect_dma source(%arg18 : memref<64x16xi32, #tpu.memory_space<vmem>>) target(%dma_start3A_127 : memref<64x16xi32, #tpu.memory_space<vmem_shared>>) offsets(%arg22 : memref<64xi32, #tpu.memory_space<vmem>>) semaphore(%run_scoped3A : memref<!tpu.dma_semaphore, #tpu.memory_space<semaphore_mem>>) {add = true}
        %dma_wait3A_128 = arith.constant 0 : i32
        %dma_wait3A_129 = arith.constant 0 : i32
        %dma_wait3A_130 = tpu.memref_slice %arg20[%dma_wait3A_128, %dma_wait3A_129] : memref<64x16xi32, #tpu.memory_space<vmem_shared>> -> memref<64x16xi32, #tpu.memory_space<vmem_shared>>
        tpu.wait_indirect_dma semaphore(%run_scoped3A : memref<!tpu.dma_semaphore, #tpu.memory_space<semaphore_mem>>) src(%arg18 : memref<64x16xi32, #tpu.memory_space<vmem>>) dst(%dma_wait3A_130 : memref<64x16xi32, #tpu.memory_space<vmem_shared>>)
        tpu.yield
      }) : () -> ()
      "tpu.region"() ({
        %run_scoped3A = tpu.sem_alloc : memref<!tpu.dma_semaphore, #tpu.memory_space<semaphore_mem>>
        %dma_start3A_125 = arith.constant 0 : i32
        %dma_start3A_126 = arith.constant 0 : i32
        %dma_start3A_127 = tpu.memref_slice %arg21[%dma_start3A_125, %dma_start3A_126] : memref<64x16xf32, #tpu.memory_space<vmem_shared>> -> memref<64x16xf32, #tpu.memory_space<vmem_shared>>
        tpu.enqueue_indirect_dma source(%arg19 : memref<64x16xf32, #tpu.memory_space<vmem>>) target(%dma_start3A_127 : memref<64x16xf32, #tpu.memory_space<vmem_shared>>) offsets(%arg22 : memref<64xi32, #tpu.memory_space<vmem>>) semaphore(%run_scoped3A : memref<!tpu.dma_semaphore, #tpu.memory_space<semaphore_mem>>) {add = true}
        %dma_wait3A_128 = arith.constant 0 : i32
        %dma_wait3A_129 = arith.constant 0 : i32
        %dma_wait3A_130 = tpu.memref_slice %arg21[%dma_wait3A_128, %dma_wait3A_129] : memref<64x16xf32, #tpu.memory_space<vmem_shared>> -> memref<64x16xf32, #tpu.memory_space<vmem_shared>>
        tpu.wait_indirect_dma semaphore(%run_scoped3A : memref<!tpu.dma_semaphore, #tpu.memory_space<semaphore_mem>>) src(%arg19 : memref<64x16xf32, #tpu.memory_space<vmem>>) dst(%dma_wait3A_130 : memref<64x16xf32, #tpu.memory_space<vmem_shared>>)
        tpu.yield
      }) : () -> ()
    } else {
    }
    %barrier3A_75 = arith.constant 0 : index
    tpu.barrier barrier_id(%barrier3A_75)
    %eq3A_76 = arith.constant 0 : i32
    %eq3A_77 = arith.cmpi eq, %arg1, %eq3A_76 : i32
    %convert_element_type3A_78 = arith.extui %eq3A_77 : i1 to i32
    %cond3A_79 = arith.constant 0 : i32
    %cond3A_80 = arith.cmpi ne, %convert_element_type3A_78, %cond3A_79 : i32
    scf.if %cond3A_80 {
      "tpu.region"() ({
        %run_scoped3A = tpu.sem_alloc : memref<!tpu.dma_semaphore, #tpu.memory_space<semaphore_mem>>
        %dma_start3A_125 = arith.constant 0 : i32
        %dma_start3A_126 = arith.constant 0 : i32
        %dma_start3A_127 = tpu.memref_slice %arg5[%arg0, %dma_start3A_125, %dma_start3A_126] : memref<2x64x16xi32, #tpu.memory_space<hbm>> -> memref<1x64x16xi32, #tpu.memory_space<hbm>>
        %dma_start3A_128 = tpu.memref_squeeze %dma_start3A_127 : memref<1x64x16xi32, #tpu.memory_space<hbm>> -> memref<64x16xi32, #tpu.memory_space<hbm>>
        tpu.enqueue_dma source(%arg20 : memref<64x16xi32, #tpu.memory_space<vmem_shared>>) target(%dma_start3A_128 : memref<64x16xi32, #tpu.memory_space<hbm>>) target_semaphore(%run_scoped3A : memref<!tpu.dma_semaphore, #tpu.memory_space<semaphore_mem>>)
        %dma_wait3A_129 = arith.constant 0 : i32
        %dma_wait3A_130 = arith.constant 0 : i32
        %dma_wait3A_131 = tpu.memref_slice %arg5[%arg0, %dma_wait3A_129, %dma_wait3A_130] : memref<2x64x16xi32, #tpu.memory_space<hbm>> -> memref<1x64x16xi32, #tpu.memory_space<hbm>>
        %dma_wait3A_132 = tpu.memref_squeeze %dma_wait3A_131 : memref<1x64x16xi32, #tpu.memory_space<hbm>> -> memref<64x16xi32, #tpu.memory_space<hbm>>
        tpu.wait_dma2 semaphore(%run_scoped3A : memref<!tpu.dma_semaphore, #tpu.memory_space<semaphore_mem>>) src(%arg20 : memref<64x16xi32, #tpu.memory_space<vmem_shared>>) dst(%dma_wait3A_132 : memref<64x16xi32, #tpu.memory_space<hbm>>)
        tpu.yield
      }) : () -> ()
      "tpu.region"() ({
        %run_scoped3A = tpu.sem_alloc : memref<!tpu.dma_semaphore, #tpu.memory_space<semaphore_mem>>
        %dma_start3A_125 = arith.constant 0 : i32
        %dma_start3A_126 = arith.constant 0 : i32
        %dma_start3A_127 = tpu.memref_slice %arg6[%arg0, %dma_start3A_125, %dma_start3A_126] : memref<2x64x16xf32, #tpu.memory_space<hbm>> -> memref<1x64x16xf32, #tpu.memory_space<hbm>>
        %dma_start3A_128 = tpu.memref_squeeze %dma_start3A_127 : memref<1x64x16xf32, #tpu.memory_space<hbm>> -> memref<64x16xf32, #tpu.memory_space<hbm>>
        tpu.enqueue_dma source(%arg21 : memref<64x16xf32, #tpu.memory_space<vmem_shared>>) target(%dma_start3A_128 : memref<64x16xf32, #tpu.memory_space<hbm>>) target_semaphore(%run_scoped3A : memref<!tpu.dma_semaphore, #tpu.memory_space<semaphore_mem>>)
        %dma_wait3A_129 = arith.constant 0 : i32
        %dma_wait3A_130 = arith.constant 0 : i32
        %dma_wait3A_131 = tpu.memref_slice %arg6[%arg0, %dma_wait3A_129, %dma_wait3A_130] : memref<2x64x16xf32, #tpu.memory_space<hbm>> -> memref<1x64x16xf32, #tpu.memory_space<hbm>>
        %dma_wait3A_132 = tpu.memref_squeeze %dma_wait3A_131 : memref<1x64x16xf32, #tpu.memory_space<hbm>> -> memref<64x16xf32, #tpu.memory_space<hbm>>
        tpu.wait_dma2 semaphore(%run_scoped3A : memref<!tpu.dma_semaphore, #tpu.memory_space<semaphore_mem>>) src(%arg21 : memref<64x16xf32, #tpu.memory_space<vmem_shared>>) dst(%dma_wait3A_132 : memref<64x16xf32, #tpu.memory_space<hbm>>)
        tpu.yield
      }) : () -> ()
    } else {
    }
    %broadcast_in_dim3A_81 = arith.constant 0 : i32
    %broadcast_in_dim3A_82 = vector.broadcast %broadcast_in_dim3A_81 : i32 to vector<16xi32>
    %add3A_83 = vector.broadcast %parallel_loop3A_62 : i32 to vector<16xi32>
    %add3A_84 = arith.addi %broadcast_in_dim3A_82, %add3A_83 : vector<16xi32>
    %swap3A_85 = arith.constant 0 : index
    %swap3A_86 = tpu.vector_load %arg25[%swap3A_85] {strides = array<i32>} : memref<16xi32, #tpu.memory_space<vmem>>, vector<16xi32>,
    tpu.vector_store %arg25[%swap3A_85], %add3A_84 {strides = array<i32>} : memref<16xi32, #tpu.memory_space<vmem>>, vector<16xi32>,
    %mul3A_87 = arith.constant 16 : i32
    %mul3A_88 = arith.muli %add3A, %mul3A_87 : i32
    "tpu.region"() ({
      %run_scoped3A = tpu.sem_alloc : memref<!tpu.dma_semaphore, #tpu.memory_space<semaphore_mem>>
      %dma_start3A_125 = tpu.memref_slice %arg10[%mul3A_88] : memref<512xi32, #tpu.memory_space<hbm>> -> memref<16xi32, #tpu.memory_space<hbm>>
      %dma_start3A_126 = tpu.memref_slice %arg10[%mul3A_88] : memref<512xi32, #tpu.memory_space<hbm>> -> memref<16xi32, #tpu.memory_space<hbm>>
      tpu.enqueue_dma source(%arg25 : memref<16xi32, #tpu.memory_space<vmem>>) target(%dma_start3A_126 : memref<16xi32, #tpu.memory_space<hbm>>) target_semaphore(%run_scoped3A : memref<!tpu.dma_semaphore, #tpu.memory_space<semaphore_mem>>)
      %dma_wait3A_127 = tpu.memref_slice %arg10[%mul3A_88] : memref<512xi32, #tpu.memory_space<hbm>> -> memref<16xi32, #tpu.memory_space<hbm>>
      %dma_wait3A_128 = tpu.memref_slice %arg10[%mul3A_88] : memref<512xi32, #tpu.memory_space<hbm>> -> memref<16xi32, #tpu.memory_space<hbm>>
      tpu.wait_dma2 semaphore(%run_scoped3A : memref<!tpu.dma_semaphore, #tpu.memory_space<semaphore_mem>>) src(%arg25 : memref<16xi32, #tpu.memory_space<vmem>>) dst(%dma_wait3A_128 : memref<16xi32, #tpu.memory_space<hbm>>)
      tpu.yield
    }) : () -> ()
    %add3A_89 = arith.constant 2047 : i32
    %add3A_90 = arith.addi %parallel_loop3A_62, %add3A_89 : i32
    %jit3A = arith.constant 2048 : i32
    %div3A = arith.divsi %add3A_90, %jit3A : i32
    %sign3A = arith.constant 0 : i32
    %sign3A_91 = arith.cmpi sgt, %add3A_90, %sign3A : i32
    %sign3A_92 = arith.extui %sign3A_91 : i1 to i32
    %sign3A_93 = arith.constant 0 : i32
    %sign3A_94 = arith.cmpi slt, %add3A_90, %sign3A_93 : i32
    %sign3A_95 = arith.extui %sign3A_94 : i1 to i32
    %sign3A_96 = arith.subi %sign3A_92, %sign3A_95 : i32
    %sign3A_97 = arith.constant 0 : i32
    %sign3A_98 = arith.cmpi sgt, %jit3A, %sign3A_97 : i32
    %sign3A_99 = arith.extui %sign3A_98 : i1 to i32
    %sign3A_100 = arith.constant 0 : i32
    %sign3A_101 = arith.cmpi slt, %jit3A, %sign3A_100 : i32
    %sign3A_102 = arith.extui %sign3A_101 : i1 to i32
    %sign3A_103 = arith.subi %sign3A_99, %sign3A_102 : i32
    %ne3A_104 = arith.cmpi ne, %sign3A_96, %sign3A_103 : i32
    %rem3A = arith.remsi %add3A_90, %jit3A : i32
    %ne3A_105 = arith.constant 0 : i32
    %ne3A_106 = arith.cmpi ne, %rem3A, %ne3A_105 : i32
    %and3A = arith.andi %ne3A_104, %ne3A_106 : i1
    %sub3A_107 = arith.constant 1 : i32
    %sub3A_108 = arith.subi %div3A, %sub3A_107 : i32
    %select_n3A = arith.select %and3A, %sub3A_108, %div3A : i32
    %while3A = arith.constant 0 : i32
    %while3A_109 = arith.constant 0 : i32
    %while3A_110 = arith.subi %select_n3A, %while3A : i32
    %while3A_111 = arith.addi %while3A, %while3A_110 : i32
    %while3A_112 = arith.constant 1 : i32
    %while3A_113 = arith.divsi %while3A_110, %while3A_112 : i32
    %while3A_114 = arith.muli %while3A_113, %while3A_112 : i32
    %while3A_115 = arith.addi %while3A, %while3A_114 : i32
    %while3A_116 = arith.constant 1 : i32
    %while3A_117 = scf.for %while3A_125 = %while3A to %while3A_115 step %while3A_116 iter_args(%while3A_126 = %while3A_109) -> (i32)  : i32 {
      %mul3A_127 = arith.constant 2048 : i32
      %mul3A_128 = arith.muli %while3A_125, %mul3A_127 : i32
      %add3A_129 = arith.addi %mul3A_2, %mul3A_128 : i32
      "tpu.region"() ({
        %run_scoped3A = tpu.sem_alloc : memref<!tpu.dma_semaphore, #tpu.memory_space<semaphore_mem>>
        %dma_start3A_131 = tpu.memref_slice %arg27[%mul3A_128] : memref<32768xf32, #tpu.memory_space<vmem>> -> memref<2048xf32, #tpu.memory_space<vmem>>
        %dma_start3A_132 = tpu.memref_slice %arg9[%add3A_129] : memref<1048576xf32, #tpu.memory_space<hbm>> -> memref<2048xf32, #tpu.memory_space<hbm>>
        %dma_start3A_133 = tpu.memref_slice %arg9[%add3A_129] : memref<1048576xf32, #tpu.memory_space<hbm>> -> memref<2048xf32, #tpu.memory_space<hbm>>
        %dma_start3A_134 = tpu.memref_slice %arg27[%mul3A_128] : memref<32768xf32, #tpu.memory_space<vmem>> -> memref<2048xf32, #tpu.memory_space<vmem>>
        tpu.enqueue_dma source(%dma_start3A_134 : memref<2048xf32, #tpu.memory_space<vmem>>) target(%dma_start3A_133 : memref<2048xf32, #tpu.memory_space<hbm>>) target_semaphore(%run_scoped3A : memref<!tpu.dma_semaphore, #tpu.memory_space<semaphore_mem>>)
        %dma_wait3A_135 = tpu.memref_slice %arg27[%mul3A_128] : memref<32768xf32, #tpu.memory_space<vmem>> -> memref<2048xf32, #tpu.memory_space<vmem>>
        %dma_wait3A_136 = tpu.memref_slice %arg9[%add3A_129] : memref<1048576xf32, #tpu.memory_space<hbm>> -> memref<2048xf32, #tpu.memory_space<hbm>>
        %dma_wait3A_137 = tpu.memref_slice %arg9[%add3A_129] : memref<1048576xf32, #tpu.memory_space<hbm>> -> memref<2048xf32, #tpu.memory_space<hbm>>
        %dma_wait3A_138 = tpu.memref_slice %arg27[%mul3A_128] : memref<32768xf32, #tpu.memory_space<vmem>> -> memref<2048xf32, #tpu.memory_space<vmem>>
        tpu.wait_dma2 semaphore(%run_scoped3A : memref<!tpu.dma_semaphore, #tpu.memory_space<semaphore_mem>>) src(%dma_wait3A_138 : memref<2048xf32, #tpu.memory_space<vmem>>) dst(%dma_wait3A_137 : memref<2048xf32, #tpu.memory_space<hbm>>)
        tpu.yield
      }) : () -> ()
      %while3A_130 = arith.constant 0 : i32
      scf.yield %while3A_130 : i32
    }
    %while3A_118 = arith.constant 1 : i32
    %while3A_119 = scf.for %while3A_125 = %while3A_115 to %while3A_111 step %while3A_118 iter_args(%while3A_126 = %while3A_117) -> (i32)  : i32 {
      %mul3A_127 = arith.constant 2048 : i32
      %mul3A_128 = arith.muli %while3A_125, %mul3A_127 : i32
      %add3A_129 = arith.addi %mul3A_2, %mul3A_128 : i32
      "tpu.region"() ({
        %run_scoped3A = tpu.sem_alloc : memref<!tpu.dma_semaphore, #tpu.memory_space<semaphore_mem>>
        %dma_start3A_131 = tpu.memref_slice %arg27[%mul3A_128] : memref<32768xf32, #tpu.memory_space<vmem>> -> memref<2048xf32, #tpu.memory_space<vmem>>
        %dma_start3A_132 = tpu.memref_slice %arg9[%add3A_129] : memref<1048576xf32, #tpu.memory_space<hbm>> -> memref<2048xf32, #tpu.memory_space<hbm>>
        %dma_start3A_133 = tpu.memref_slice %arg9[%add3A_129] : memref<1048576xf32, #tpu.memory_space<hbm>> -> memref<2048xf32, #tpu.memory_space<hbm>>
        %dma_start3A_134 = tpu.memref_slice %arg27[%mul3A_128] : memref<32768xf32, #tpu.memory_space<vmem>> -> memref<2048xf32, #tpu.memory_space<vmem>>
        tpu.enqueue_dma source(%dma_start3A_134 : memref<2048xf32, #tpu.memory_space<vmem>>) target(%dma_start3A_133 : memref<2048xf32, #tpu.memory_space<hbm>>) target_semaphore(%run_scoped3A : memref<!tpu.dma_semaphore, #tpu.memory_space<semaphore_mem>>)
        %dma_wait3A_135 = tpu.memref_slice %arg27[%mul3A_128] : memref<32768xf32, #tpu.memory_space<vmem>> -> memref<2048xf32, #tpu.memory_space<vmem>>
        %dma_wait3A_136 = tpu.memref_slice %arg9[%add3A_129] : memref<1048576xf32, #tpu.memory_space<hbm>> -> memref<2048xf32, #tpu.memory_space<hbm>>
        %dma_wait3A_137 = tpu.memref_slice %arg9[%add3A_129] : memref<1048576xf32, #tpu.memory_space<hbm>> -> memref<2048xf32, #tpu.memory_space<hbm>>
        %dma_wait3A_138 = tpu.memref_slice %arg27[%mul3A_128] : memref<32768xf32, #tpu.memory_space<vmem>> -> memref<2048xf32, #tpu.memory_space<vmem>>
        tpu.wait_dma2 semaphore(%run_scoped3A : memref<!tpu.dma_semaphore, #tpu.memory_space<semaphore_mem>>) src(%dma_wait3A_138 : memref<2048xf32, #tpu.memory_space<vmem>>) dst(%dma_wait3A_137 : memref<2048xf32, #tpu.memory_space<hbm>>)
        tpu.yield
      }) : () -> ()
      %while3A_130 = arith.constant 0 : i32
      scf.yield %while3A_130 : i32
    }
    %eq3A_120 = arith.constant 0 : i32
    %eq3A_121 = arith.cmpi eq, %add3A, %eq3A_120 : i32
    %convert_element_type3A_122 = arith.extui %eq3A_121 : i1 to i32
    %cond3A_123 = arith.constant 0 : i32
    %cond3A_124 = arith.cmpi ne, %convert_element_type3A_122, %cond3A_123 : i32
    scf.if %cond3A_124 {
      %broadcast_in_dim3A_125 = arith.constant 0 : i32
      %broadcast_in_dim3A_126 = vector.broadcast %broadcast_in_dim3A_125 : i32 to vector<16xi32>
      %add3A_127 = vector.broadcast %sub3A_44 : i32 to vector<16xi32>
      %add3A_128 = arith.addi %broadcast_in_dim3A_126, %add3A_127 : vector<16xi32>
      %swap3A_129 = arith.constant 0 : index
      %swap3A_130 = tpu.vector_load %arg23[%swap3A_129] {strides = array<i32>} : memref<64xi32, #tpu.memory_space<vmem>>, vector<16xi32>,
      tpu.vector_store %arg23[%swap3A_129], %add3A_128 {strides = array<i32>} : memref<64xi32, #tpu.memory_space<vmem>>, vector<16xi32>,
      %add3A_131 = vector.broadcast %scan3A_24 : i32 to vector<16xi32>
      %add3A_132 = arith.addi %broadcast_in_dim3A_126, %add3A_131 : vector<16xi32>
      %swap3A_133 = arith.constant 16 : index
      %swap3A_134 = tpu.vector_load %arg23[%swap3A_133] {strides = array<i32>} : memref<64xi32, #tpu.memory_space<vmem>>, vector<16xi32>,
      tpu.vector_store %arg23[%swap3A_133], %add3A_132 {strides = array<i32>} : memref<64xi32, #tpu.memory_space<vmem>>, vector<16xi32>,
      %add3A_135 = vector.broadcast %add3A_46 : i32 to vector<16xi32>
      %add3A_136 = arith.addi %broadcast_in_dim3A_126, %add3A_135 : vector<16xi32>
      %swap3A_137 = arith.constant 32 : index
      %swap3A_138 = tpu.vector_load %arg23[%swap3A_137] {strides = array<i32>} : memref<64xi32, #tpu.memory_space<vmem>>, vector<16xi32>,
      tpu.vector_store %arg23[%swap3A_137], %add3A_136 {strides = array<i32>} : memref<64xi32, #tpu.memory_space<vmem>>, vector<16xi32>,
      %swap3A_139 = arith.constant 48 : index
      %swap3A_140 = tpu.vector_load %arg23[%swap3A_139] {strides = array<i32>} : memref<64xi32, #tpu.memory_space<vmem>>, vector<16xi32>,
      tpu.vector_store %arg23[%swap3A_139], %broadcast_in_dim3A_126 {strides = array<i32>} : memref<64xi32, #tpu.memory_space<vmem>>, vector<16xi32>,
      %broadcast_in_dim3A_141 = arith.constant 0.000000e+00 : f32
      %broadcast_in_dim3A_142 = vector.broadcast %broadcast_in_dim3A_141 : f32 to vector<16xf32>
      %add3A_143 = vector.broadcast %add3A_48 : f32 to vector<16xf32>
      %add3A_144 = arith.addf %broadcast_in_dim3A_142, %add3A_143 : vector<16xf32>
      %swap3A_145 = arith.constant 0 : index
      %swap3A_146 = tpu.vector_load %arg24[%swap3A_145] {strides = array<i32>} : memref<16xf32, #tpu.memory_space<vmem>>, vector<16xf32>,
      tpu.vector_store %arg24[%swap3A_145], %add3A_144 {strides = array<i32>} : memref<16xf32, #tpu.memory_space<vmem>>, vector<16xf32>,
      "tpu.region"() ({
        %run_scoped3A = tpu.sem_alloc : memref<!tpu.dma_semaphore, #tpu.memory_space<semaphore_mem>>
        tpu.enqueue_dma source(%arg23 : memref<64xi32, #tpu.memory_space<vmem>>) target(%arg7 : memref<64xi32, #tpu.memory_space<hbm>>) target_semaphore(%run_scoped3A : memref<!tpu.dma_semaphore, #tpu.memory_space<semaphore_mem>>)
        tpu.wait_dma2 semaphore(%run_scoped3A : memref<!tpu.dma_semaphore, #tpu.memory_space<semaphore_mem>>) src(%arg23 : memref<64xi32, #tpu.memory_space<vmem>>) dst(%arg7 : memref<64xi32, #tpu.memory_space<hbm>>)
        tpu.yield
      }) : () -> ()
      "tpu.region"() ({
        %run_scoped3A = tpu.sem_alloc : memref<!tpu.dma_semaphore, #tpu.memory_space<semaphore_mem>>
        tpu.enqueue_dma source(%arg24 : memref<16xf32, #tpu.memory_space<vmem>>) target(%arg8 : memref<16xf32, #tpu.memory_space<hbm>>) target_semaphore(%run_scoped3A : memref<!tpu.dma_semaphore, #tpu.memory_space<semaphore_mem>>)
        tpu.wait_dma2 semaphore(%run_scoped3A : memref<!tpu.dma_semaphore, #tpu.memory_space<semaphore_mem>>) src(%arg24 : memref<16xf32, #tpu.memory_space<vmem>>) dst(%arg8 : memref<16xf32, #tpu.memory_space<hbm>>)
        tpu.yield
      }) : () -> ()
    } else {
    }
    return
  }
}

#map = affine_map<(d0, d1) -> (0)>
#map1 = affine_map<(d0, d1) -> (0, 0, 0)>
module attributes {stable_mosaic.version = 14 : i64} {
  func.func @k_mid(%arg0: i32, %arg1: i32, %arg2: memref<1048576xf32, #tpu.memory_space<hbm>>, %arg3: memref<512xi32, #tpu.memory_space<hbm>>, %arg4: memref<2x64x16xi32, #tpu.memory_space<hbm>>, %arg5: memref<2x64x16xf32, #tpu.memory_space<hbm>>, %arg6: memref<64xi32, #tpu.memory_space<hbm>>, %arg7: memref<16xf32, #tpu.memory_space<hbm>>, %arg8: memref<2x128x16xi32, #tpu.memory_space<hbm>>, %arg9: memref<2x128x16xf32, #tpu.memory_space<hbm>>, %arg10: memref<64xi32, #tpu.memory_space<hbm>>, %arg11: memref<16xf32, #tpu.memory_space<hbm>>, %arg12: memref<2048xf32, #tpu.memory_space<vmem>>, %arg13: memref<2x64x16xi32, #tpu.memory_space<vmem>>, %arg14: memref<2x64x16xf32, #tpu.memory_space<vmem>>, %arg15: memref<32768xi32, #tpu.memory_space<vmem>>, %arg16: memref<32768xf32, #tpu.memory_space<vmem>>, %arg17: memref<1040xi32, #tpu.memory_space<vmem>>, %arg18: memref<1040xf32, #tpu.memory_space<vmem>>, %arg19: memref<128x16xi32, #tpu.memory_space<vmem>>, %arg20: memref<128x16xf32, #tpu.memory_space<vmem>>, %arg21: memref<128x16xi32, #tpu.memory_space<vmem_shared>>, %arg22: memref<128x16xf32, #tpu.memory_space<vmem_shared>>, %arg23: memref<128xi32, #tpu.memory_space<vmem>>, %arg24: memref<64xi32, #tpu.memory_space<vmem>>, %arg25: memref<16xf32, #tpu.memory_space<vmem>>, %arg26: memref<16xi32, #tpu.memory_space<vmem>>, %arg27: memref<!tpu.dma_semaphore, #tpu.memory_space<semaphore_mem>>) attributes {dimension_semantics = [#tpu.dimension_semantics<core_parallel>, #tpu.dimension_semantics<subcore_parallel>], iteration_bounds = array<i64: 2, 16>, scalar_prefetch = 0 : i64, scratch_operands = 16 : i64, tpu.core_type = #tpu.core_type<sc_vector_subcore>, window_params = [{transform_indices = #map}, {transform_indices = #map}, {transform_indices = #map1}, {transform_indices = #map1}, {transform_indices = #map}, {transform_indices = #map}, {transform_indices = #map1}, {transform_indices = #map1}, {transform_indices = #map}, {transform_indices = #map}]} {
    %mul3A = arith.constant 16 : i32
    %mul3A_0 = arith.muli %arg0, %mul3A : i32
    %add3A = arith.addi %mul3A_0, %arg1 : i32
    %mul3A_1 = arith.constant 32768 : i32
    %mul3A_2 = arith.muli %add3A, %mul3A_1 : i32
    %mul3A_3 = arith.constant 16 : i32
    %mul3A_4 = arith.muli %add3A, %mul3A_3 : i32
    tpu.enqueue_dma source(%arg4 : memref<2x64x16xi32, #tpu.memory_space<hbm>>) target(%arg13 : memref<2x64x16xi32, #tpu.memory_space<vmem>>) target_semaphore(%arg27 : memref<!tpu.dma_semaphore, #tpu.memory_space<semaphore_mem>>)
    tpu.enqueue_dma source(%arg5 : memref<2x64x16xf32, #tpu.memory_space<hbm>>) target(%arg14 : memref<2x64x16xf32, #tpu.memory_space<vmem>>) target_semaphore(%arg27 : memref<!tpu.dma_semaphore, #tpu.memory_space<semaphore_mem>>)
    tpu.enqueue_dma source(%arg6 : memref<64xi32, #tpu.memory_space<hbm>>) target(%arg24 : memref<64xi32, #tpu.memory_space<vmem>>) target_semaphore(%arg27 : memref<!tpu.dma_semaphore, #tpu.memory_space<semaphore_mem>>)
    tpu.enqueue_dma source(%arg7 : memref<16xf32, #tpu.memory_space<hbm>>) target(%arg25 : memref<16xf32, #tpu.memory_space<vmem>>) target_semaphore(%arg27 : memref<!tpu.dma_semaphore, #tpu.memory_space<semaphore_mem>>)
    %dma_start3A = tpu.memref_slice %arg3[%mul3A_4] : memref<512xi32, #tpu.memory_space<hbm>> -> memref<16xi32, #tpu.memory_space<hbm>>
    %dma_start3A_5 = tpu.memref_slice %arg3[%mul3A_4] : memref<512xi32, #tpu.memory_space<hbm>> -> memref<16xi32, #tpu.memory_space<hbm>>
    tpu.enqueue_dma source(%dma_start3A_5 : memref<16xi32, #tpu.memory_space<hbm>>) target(%arg26 : memref<16xi32, #tpu.memory_space<vmem>>) target_semaphore(%arg27 : memref<!tpu.dma_semaphore, #tpu.memory_space<semaphore_mem>>)
    tpu.wait_dma2 semaphore(%arg27 : memref<!tpu.dma_semaphore, #tpu.memory_space<semaphore_mem>>) src(%arg4 : memref<2x64x16xi32, #tpu.memory_space<hbm>>) dst(%arg13 : memref<2x64x16xi32, #tpu.memory_space<vmem>>)
    tpu.wait_dma2 semaphore(%arg27 : memref<!tpu.dma_semaphore, #tpu.memory_space<semaphore_mem>>) src(%arg5 : memref<2x64x16xf32, #tpu.memory_space<hbm>>) dst(%arg14 : memref<2x64x16xf32, #tpu.memory_space<vmem>>)
    tpu.wait_dma2 semaphore(%arg27 : memref<!tpu.dma_semaphore, #tpu.memory_space<semaphore_mem>>) src(%arg6 : memref<64xi32, #tpu.memory_space<hbm>>) dst(%arg24 : memref<64xi32, #tpu.memory_space<vmem>>)
    tpu.wait_dma2 semaphore(%arg27 : memref<!tpu.dma_semaphore, #tpu.memory_space<semaphore_mem>>) src(%arg7 : memref<16xf32, #tpu.memory_space<hbm>>) dst(%arg25 : memref<16xf32, #tpu.memory_space<vmem>>)
    %dma_wait3A = tpu.memref_slice %arg3[%mul3A_4] : memref<512xi32, #tpu.memory_space<hbm>> -> memref<16xi32, #tpu.memory_space<hbm>>
    %dma_wait3A_6 = tpu.memref_slice %arg3[%mul3A_4] : memref<512xi32, #tpu.memory_space<hbm>> -> memref<16xi32, #tpu.memory_space<hbm>>
    tpu.wait_dma2 semaphore(%arg27 : memref<!tpu.dma_semaphore, #tpu.memory_space<semaphore_mem>>) src(%dma_wait3A_6 : memref<16xi32, #tpu.memory_space<hbm>>) dst(%arg26 : memref<16xi32, #tpu.memory_space<vmem>>)
    %get3A = arith.constant 0 : index
    %get3A_7 = tpu.vector_load %arg24[%get3A] {strides = array<i32>} : memref<64xi32, #tpu.memory_space<vmem>>, vector<16xi32>,
    %reduce_max3A = arith.constant true
    %reduce_max3A_8 = vector.broadcast %reduce_max3A : i1 to vector<16xi1>
    %reduce_max3A_9 = arith.constant -2147483648 : i32
    %reduce_max3A_10 = vector.broadcast %reduce_max3A_9 : i32 to vector<16xi32>
    %reduce_max3A_11 = arith.xori %get3A_7, %reduce_max3A_10 : vector<16xi32>
    %reduce_max3A_12 = tpu.scan <max>, %reduce_max3A_11 masked %reduce_max3A_8 : vector<16xi32>, vector<16xi1> -> vector<16xi32>
    %reduce_max3A_13 = arith.xori %reduce_max3A_12, %reduce_max3A_10 : vector<16xi32>
    %reduce_max3A_14 = vector.extract %reduce_max3A_13[15] : i32 from vector<16xi32>
    %get3A_15 = arith.constant 16 : index
    %get3A_16 = tpu.vector_load %arg24[%get3A_15] {strides = array<i32>} : memref<64xi32, #tpu.memory_space<vmem>>, vector<16xi32>,
    %reduce_max3A_17 = arith.constant true
    %reduce_max3A_18 = vector.broadcast %reduce_max3A_17 : i1 to vector<16xi1>
    %reduce_max3A_19 = arith.constant -2147483648 : i32
    %reduce_max3A_20 = vector.broadcast %reduce_max3A_19 : i32 to vector<16xi32>
    %reduce_max3A_21 = arith.xori %get3A_16, %reduce_max3A_20 : vector<16xi32>
    %reduce_max3A_22 = tpu.scan <max>, %reduce_max3A_21 masked %reduce_max3A_18 : vector<16xi32>, vector<16xi1> -> vector<16xi32>
    %reduce_max3A_23 = arith.xori %reduce_max3A_22, %reduce_max3A_20 : vector<16xi32>
    %reduce_max3A_24 = vector.extract %reduce_max3A_23[15] : i32 from vector<16xi32>
    %get3A_25 = arith.constant 32 : index
    %get3A_26 = tpu.vector_load %arg24[%get3A_25] {strides = array<i32>} : memref<64xi32, #tpu.memory_space<vmem>>, vector<16xi32>,
    %reduce_max3A_27 = arith.constant true
    %reduce_max3A_28 = vector.broadcast %reduce_max3A_27 : i1 to vector<16xi1>
    %reduce_max3A_29 = arith.constant -2147483648 : i32
    %reduce_max3A_30 = vector.broadcast %reduce_max3A_29 : i32 to vector<16xi32>
    %reduce_max3A_31 = arith.xori %get3A_26, %reduce_max3A_30 : vector<16xi32>
    %reduce_max3A_32 = tpu.scan <max>, %reduce_max3A_31 masked %reduce_max3A_28 : vector<16xi32>, vector<16xi1> -> vector<16xi32>
    %reduce_max3A_33 = arith.xori %reduce_max3A_32, %reduce_max3A_30 : vector<16xi32>
    %reduce_max3A_34 = vector.extract %reduce_max3A_33[15] : i32 from vector<16xi32>
    %get3A_35 = arith.constant 0 : index
    %get3A_36 = tpu.vector_load %arg25[%get3A_35] {strides = array<i32>} : memref<16xf32, #tpu.memory_space<vmem>>, vector<16xf32>,
    %reduce_max3A_37 = arith.constant true
    %reduce_max3A_38 = vector.broadcast %reduce_max3A_37 : i1 to vector<16xi1>
    %reduce_max3A_39 = tpu.scan <max>, %get3A_36 masked %reduce_max3A_38 : vector<16xf32>, vector<16xi1> -> vector<16xf32>
    %reduce_max3A_40 = vector.extract %reduce_max3A_39[15] : f32 from vector<16xf32>
    %get3A_41 = arith.constant 0 : index
    %get3A_42 = tpu.vector_load %arg26[%get3A_41] {strides = array<i32>} : memref<16xi32, #tpu.memory_space<vmem>>, vector<16xi32>,
    %reduce_max3A_43 = arith.constant true
    %reduce_max3A_44 = vector.broadcast %reduce_max3A_43 : i1 to vector<16xi1>
    %reduce_max3A_45 = arith.constant -2147483648 : i32
    %reduce_max3A_46 = vector.broadcast %reduce_max3A_45 : i32 to vector<16xi32>
    %reduce_max3A_47 = arith.xori %get3A_42, %reduce_max3A_46 : vector<16xi32>
    %reduce_max3A_48 = tpu.scan <max>, %reduce_max3A_47 masked %reduce_max3A_44 : vector<16xi32>, vector<16xi1> -> vector<16xi32>
    %reduce_max3A_49 = arith.xori %reduce_max3A_48, %reduce_max3A_46 : vector<16xi32>
    %reduce_max3A_50 = vector.extract %reduce_max3A_49[15] : i32 from vector<16xi32>
    %iota3A = tpu.iota {dimensions = array<i32: 0>} : vector<16xi32>
    %broadcast_in_dim3A = arith.constant 0 : i32
    %broadcast_in_dim3A_51 = vector.broadcast %broadcast_in_dim3A : i32 to vector<16xi32>
    %swap3A = arith.constant 1024 : index
    %swap3A_52 = tpu.vector_load %arg17[%swap3A] {strides = array<i32>} : memref<1040xi32, #tpu.memory_space<vmem>>, vector<16xi32>,
    tpu.vector_store %arg17[%swap3A], %broadcast_in_dim3A_51 {strides = array<i32>} : memref<1040xi32, #tpu.memory_space<vmem>>, vector<16xi32>,
    %broadcast_in_dim3A_53 = arith.constant 0.000000e+00 : f32
    %broadcast_in_dim3A_54 = vector.broadcast %broadcast_in_dim3A_53 : f32 to vector<16xf32>
    %swap3A_55 = arith.constant 1024 : index
    %swap3A_56 = tpu.vector_load %arg18[%swap3A_55] {strides = array<i32>} : memref<1040xf32, #tpu.memory_space<vmem>>, vector<16xf32>,
    tpu.vector_store %arg18[%swap3A_55], %broadcast_in_dim3A_54 {strides = array<i32>} : memref<1040xf32, #tpu.memory_space<vmem>>, vector<16xf32>,
    %scan3A = arith.constant 0 : i32
    %scan3A_57 = arith.constant 0.000000e+00 : f32
    %scan3A_58 = arith.constant 0 : i32
    %scan3A_59 = arith.constant 64 : i32
    %scan3A_60 = arith.addi %scan3A_58, %scan3A_59 : i32
    %scan3A_61 = arith.constant 1 : i32
    %scan3A_62:2 = scf.for %scan3A_154 = %scan3A_58 to %scan3A_60 step %scan3A_61 iter_args(%scan3A_155 = %scan3A, %scan3A_156 = %scan3A_57) -> (i32, f32)  : i32 {
      %sub3A_157 = arith.constant 63 : i32
      %sub3A_158 = arith.subi %sub3A_157, %scan3A_154 : i32
      %get3A_159 = arith.constant 0 : i32
      %get3A_160 = arith.index_cast %get3A_159 : i32 to index
      %get3A_161 = arith.index_cast %sub3A_158 : i32 to index
      %get3A_162 = arith.constant 0 : index
      %get3A_163 = tpu.vector_load %arg13[%get3A_160, %get3A_161, %get3A_162] {strides = array<i32>} : memref<2x64x16xi32, #tpu.memory_space<vmem>>, vector<16xi32>,
      %get3A_164 = arith.constant 1 : i32
      %get3A_165 = arith.index_cast %get3A_164 : i32 to index
      %get3A_166 = arith.index_cast %sub3A_158 : i32 to index
      %get3A_167 = arith.constant 0 : index
      %get3A_168 = tpu.vector_load %arg13[%get3A_165, %get3A_166, %get3A_167] {strides = array<i32>} : memref<2x64x16xi32, #tpu.memory_space<vmem>>, vector<16xi32>,
      %add3A_169 = arith.addi %get3A_163, %get3A_168 : vector<16xi32>
      %get3A_170 = arith.constant 0 : i32
      %get3A_171 = arith.index_cast %get3A_170 : i32 to index
      %get3A_172 = arith.index_cast %sub3A_158 : i32 to index
      %get3A_173 = arith.constant 0 : index
      %get3A_174 = tpu.vector_load %arg14[%get3A_171, %get3A_172, %get3A_173] {strides = array<i32>} : memref<2x64x16xf32, #tpu.memory_space<vmem>>, vector<16xf32>,
      %get3A_175 = arith.constant 1 : i32
      %get3A_176 = arith.index_cast %get3A_175 : i32 to index
      %get3A_177 = arith.index_cast %sub3A_158 : i32 to index
      %get3A_178 = arith.constant 0 : index
      %get3A_179 = tpu.vector_load %arg14[%get3A_176, %get3A_177, %get3A_178] {strides = array<i32>} : memref<2x64x16xf32, #tpu.memory_space<vmem>>, vector<16xf32>,
      %add3A_180 = arith.addf %get3A_174, %get3A_179 : vector<16xf32>
      %rev3A = arith.constant 15 : i32
      %rev3A_181 = vector.broadcast %rev3A : i32 to vector<16xi32>
      %rev3A_182 = tpu.iota {dimensions = array<i32: 0>} : vector<16xi32>
      %rev3A_183 = arith.subi %rev3A_181, %rev3A_182 : vector<16xi32>
      %rev3A_184 = tpu.dynamic_gather %add3A_169[%rev3A_183] in [0] : vector<16xi32>, vector<16xi32> -> vector<16xi32>
      %broadcast_in_dim3A_185 = arith.constant true
      %broadcast_in_dim3A_186 = vector.broadcast %broadcast_in_dim3A_185 : i1 to vector<16xi1>
      %masked_cumsum3A = tpu.scan <sum>, %rev3A_184 masked %broadcast_in_dim3A_186 : vector<16xi32>, vector<16xi1> -> vector<16xi32>
      %rev3A_187 = arith.constant 15 : i32
      %rev3A_188 = vector.broadcast %rev3A_187 : i32 to vector<16xi32>
      %rev3A_189 = tpu.iota {dimensions = array<i32: 0>} : vector<16xi32>
      %rev3A_190 = arith.subi %rev3A_188, %rev3A_189 : vector<16xi32>
      %rev3A_191 = tpu.dynamic_gather %masked_cumsum3A[%rev3A_190] in [0] : vector<16xi32>, vector<16xi32> -> vector<16xi32>
      %add3A_192 = vector.broadcast %scan3A_155 : i32 to vector<16xi32>
      %add3A_193 = arith.addi %rev3A_191, %add3A_192 : vector<16xi32>
      %rev3A_194 = arith.constant 15 : i32
      %rev3A_195 = vector.broadcast %rev3A_194 : i32 to vector<16xi32>
      %rev3A_196 = tpu.iota {dimensions = array<i32: 0>} : vector<16xi32>
      %rev3A_197 = arith.subi %rev3A_195, %rev3A_196 : vector<16xi32>
      %rev3A_198 = tpu.dynamic_gather %add3A_180[%rev3A_197] in [0] : vector<16xf32>, vector<16xi32> -> vector<16xf32>
      %broadcast_in_dim3A_199 = arith.constant true
      %broadcast_in_dim3A_200 = vector.broadcast %broadcast_in_dim3A_199 : i1 to vector<16xi1>
      %masked_cumsum3A_201 = tpu.scan <sum>, %rev3A_198 masked %broadcast_in_dim3A_200 : vector<16xf32>, vector<16xi1> -> vector<16xf32>
      %rev3A_202 = arith.constant 15 : i32
      %rev3A_203 = vector.broadcast %rev3A_202 : i32 to vector<16xi32>
      %rev3A_204 = tpu.iota {dimensions = array<i32: 0>} : vector<16xi32>
      %rev3A_205 = arith.subi %rev3A_203, %rev3A_204 : vector<16xi32>
      %rev3A_206 = tpu.dynamic_gather %masked_cumsum3A_201[%rev3A_205] in [0] : vector<16xf32>, vector<16xi32> -> vector<16xf32>
      %add3A_207 = vector.broadcast %scan3A_156 : f32 to vector<16xf32>
      %add3A_208 = arith.addf %rev3A_206, %add3A_207 : vector<16xf32>
      %mul3A_209 = arith.constant 16 : i32
      %mul3A_210 = arith.muli %sub3A_158, %mul3A_209 : i32
      %swap3A_211 = arith.index_cast %mul3A_210 : i32 to index
      %swap3A_212 = tpu.vector_load %arg17[%swap3A_211] {strides = array<i32>} : memref<1040xi32, #tpu.memory_space<vmem>>, vector<16xi32>,
      tpu.vector_store %arg17[%swap3A_211], %add3A_193 {strides = array<i32>} : memref<1040xi32, #tpu.memory_space<vmem>>, vector<16xi32>,
      %mul3A_213 = arith.constant 16 : i32
      %mul3A_214 = arith.muli %sub3A_158, %mul3A_213 : i32
      %swap3A_215 = arith.index_cast %mul3A_214 : i32 to index
      %swap3A_216 = tpu.vector_load %arg18[%swap3A_215] {strides = array<i32>} : memref<1040xf32, #tpu.memory_space<vmem>>, vector<16xf32>,
      tpu.vector_store %arg18[%swap3A_215], %add3A_208 {strides = array<i32>} : memref<1040xf32, #tpu.memory_space<vmem>>, vector<16xf32>,
      %reduce_max3A_217 = arith.constant true
      %reduce_max3A_218 = vector.broadcast %reduce_max3A_217 : i1 to vector<16xi1>
      %reduce_max3A_219 = arith.constant -2147483648 : i32
      %reduce_max3A_220 = vector.broadcast %reduce_max3A_219 : i32 to vector<16xi32>
      %reduce_max3A_221 = arith.xori %add3A_193, %reduce_max3A_220 : vector<16xi32>
      %reduce_max3A_222 = tpu.scan <max>, %reduce_max3A_221 masked %reduce_max3A_218 : vector<16xi32>, vector<16xi1> -> vector<16xi32>
      %reduce_max3A_223 = arith.xori %reduce_max3A_222, %reduce_max3A_220 : vector<16xi32>
      %reduce_max3A_224 = vector.extract %reduce_max3A_223[15] : i32 from vector<16xi32>
      %reduce_max3A_225 = arith.constant true
      %reduce_max3A_226 = vector.broadcast %reduce_max3A_225 : i1 to vector<16xi1>
      %reduce_max3A_227 = tpu.scan <max>, %add3A_208 masked %reduce_max3A_226 : vector<16xf32>, vector<16xi1> -> vector<16xf32>
      %reduce_max3A_228 = vector.extract %reduce_max3A_227[15] : f32 from vector<16xf32>
      scf.yield %reduce_max3A_224, %reduce_max3A_228 : i32, f32
    }
    %scan3A_63 = arith.constant 64 : i32
    %scan3A_64 = arith.constant -1 : i32
    %scan3A_65 = arith.constant 0 : i32
    %scan3A_66 = arith.constant 64 : i32
    %scan3A_67 = arith.addi %scan3A_65, %scan3A_66 : i32
    %scan3A_68 = arith.constant 1 : i32
    %scan3A_69 = scf.for %scan3A_154 = %scan3A_65 to %scan3A_67 step %scan3A_68 iter_args(%scan3A_155 = %scan3A_64) -> (i32)  : i32 {
      %mul3A_156 = arith.constant 16 : i32
      %mul3A_157 = arith.muli %scan3A_154, %mul3A_156 : i32
      %get3A_158 = arith.index_cast %mul3A_157 : i32 to index
      %get3A_159 = tpu.vector_load %arg17[%get3A_158] {strides = array<i32>} : memref<1040xi32, #tpu.memory_space<vmem>>, vector<16xi32>,
      %ge3A = vector.broadcast %reduce_max3A_14 : i32 to vector<16xi32>
      %ge3A_160 = arith.cmpi sge, %get3A_159, %ge3A : vector<16xi32>
      %mul3A_161 = arith.constant 16 : i32
      %mul3A_162 = arith.muli %scan3A_154, %mul3A_161 : i32
      %add3A_163 = vector.broadcast %mul3A_162 : i32 to vector<16xi32>
      %add3A_164 = arith.addi %iota3A, %add3A_163 : vector<16xi32>
      %jit3A_165 = arith.constant -1 : i32
      %broadcast_in_dim3A_166 = vector.broadcast %jit3A_165 : i32 to vector<16xi32>
      %select_n3A_167 = arith.select %ge3A_160, %add3A_164, %broadcast_in_dim3A_166 : vector<16xi1>, vector<16xi32>
      %reduce_max3A_168 = arith.constant true
      %reduce_max3A_169 = vector.broadcast %reduce_max3A_168 : i1 to vector<16xi1>
      %reduce_max3A_170 = arith.constant -2147483648 : i32
      %reduce_max3A_171 = vector.broadcast %reduce_max3A_170 : i32 to vector<16xi32>
      %reduce_max3A_172 = arith.xori %select_n3A_167, %reduce_max3A_171 : vector<16xi32>
      %reduce_max3A_173 = tpu.scan <max>, %reduce_max3A_172 masked %reduce_max3A_169 : vector<16xi32>, vector<16xi1> -> vector<16xi32>
      %reduce_max3A_174 = arith.xori %reduce_max3A_173, %reduce_max3A_171 : vector<16xi32>
      %reduce_max3A_175 = vector.extract %reduce_max3A_174[15] : i32 from vector<16xi32>
      %max3A = arith.maxsi %scan3A_155, %reduce_max3A_175 : i32
      scf.yield %max3A : i32
    }
    %scan3A_70 = arith.constant 64 : i32
    %broadcast_in_dim3A_71 = arith.constant 0 : i32
    %broadcast_in_dim3A_72 = vector.broadcast %broadcast_in_dim3A_71 : i32 to vector<16xi32>
    %add3A_73 = arith.constant 1 : i32
    %add3A_74 = arith.addi %scan3A_69, %add3A_73 : i32
    %add3A_75 = vector.broadcast %add3A_74 : i32 to vector<16xi32>
    %add3A_76 = arith.addi %broadcast_in_dim3A_72, %add3A_75 : vector<16xi32>
    %gather3A = tpu.vector_load_idx %arg17[%add3A_76] : memref<1040xi32, #tpu.memory_space<vmem>>[vector<16xi32>], vector<16xi32>,
    %reduce_max3A_77 = arith.constant true
    %reduce_max3A_78 = vector.broadcast %reduce_max3A_77 : i1 to vector<16xi1>
    %reduce_max3A_79 = arith.constant -2147483648 : i32
    %reduce_max3A_80 = vector.broadcast %reduce_max3A_79 : i32 to vector<16xi32>
    %reduce_max3A_81 = arith.xori %gather3A, %reduce_max3A_80 : vector<16xi32>
    %reduce_max3A_82 = tpu.scan <max>, %reduce_max3A_81 masked %reduce_max3A_78 : vector<16xi32>, vector<16xi1> -> vector<16xi32>
    %reduce_max3A_83 = arith.xori %reduce_max3A_82, %reduce_max3A_80 : vector<16xi32>
    %reduce_max3A_84 = vector.extract %reduce_max3A_83[15] : i32 from vector<16xi32>
    %gather3A_85 = tpu.vector_load_idx %arg18[%add3A_76] : memref<1040xf32, #tpu.memory_space<vmem>>[vector<16xi32>], vector<16xf32>,
    %reduce_max3A_86 = arith.constant true
    %reduce_max3A_87 = vector.broadcast %reduce_max3A_86 : i1 to vector<16xi1>
    %reduce_max3A_88 = tpu.scan <max>, %gather3A_85 masked %reduce_max3A_87 : vector<16xf32>, vector<16xi1> -> vector<16xf32>
    %reduce_max3A_89 = vector.extract %reduce_max3A_88[15] : f32 from vector<16xf32>
    %sub3A = arith.subi %reduce_max3A_14, %reduce_max3A_84 : i32
    %add3A_90 = arith.addi %reduce_max3A_34, %reduce_max3A_84 : i32
    %add3A_91 = arith.addf %reduce_max3A_40, %reduce_max3A_89 : f32
    %shift_left3A = arith.constant 10 : i32
    %shift_left3A_92 = arith.shli %reduce_max3A_24, %shift_left3A : i32
    %or3A = arith.ori %shift_left3A_92, %scan3A_69 : i32
    %parallel_loop3A = arith.constant 0 : i32
    %parallel_loop3A_93 = arith.constant 32768 : i32
    %parallel_loop3A_94 = arith.constant 16 : i32
    scf.for %parallel_loop3A_154 = %parallel_loop3A to %parallel_loop3A_93 step %parallel_loop3A_94  : i32 {
      %parallel_loop3A_155 = arith.constant 0 : i32
      %parallel_loop3A_156 = vector.broadcast %parallel_loop3A_155 : i32 to vector<16xi32>
      %parallel_loop3A_157 = arith.index_cast %parallel_loop3A_154 : i32 to index
      %parallel_loop3A_158 = tpu.vector_load %arg15[%parallel_loop3A_157] {strides = array<i32>} : memref<32768xi32, #tpu.memory_space<vmem>>, vector<16xi32>,
      tpu.vector_store %arg15[%parallel_loop3A_157], %parallel_loop3A_156 {strides = array<i32>} : memref<32768xi32, #tpu.memory_space<vmem>>, vector<16xi32>,
      %parallel_loop3A_159 = arith.constant 0.000000e+00 : f32
      %parallel_loop3A_160 = vector.broadcast %parallel_loop3A_159 : f32 to vector<16xf32>
      %parallel_loop3A_161 = arith.index_cast %parallel_loop3A_154 : i32 to index
      %parallel_loop3A_162 = tpu.vector_load %arg16[%parallel_loop3A_161] {strides = array<i32>} : memref<32768xf32, #tpu.memory_space<vmem>>, vector<16xf32>,
      tpu.vector_store %arg16[%parallel_loop3A_161], %parallel_loop3A_160 {strides = array<i32>} : memref<32768xf32, #tpu.memory_space<vmem>>, vector<16xf32>,
    } {sc.loop_unroll_factor = 4 : i64, sc.parallel_access}
    %iota3A_95 = tpu.iota {dimensions = array<i32: 0>} : vector<16xi32>
    %broadcast_in_dim3A_96 = arith.constant 1 : i32
    %broadcast_in_dim3A_97 = vector.broadcast %broadcast_in_dim3A_96 : i32 to vector<16xi32>
    %broadcast_in_dim3A_98 = arith.constant 0 : i32
    %broadcast_in_dim3A_99 = vector.broadcast %broadcast_in_dim3A_98 : i32 to vector<16xi32>
    %add3A_100 = vector.broadcast %or3A : i32 to vector<16xi32>
    %add3A_101 = arith.addi %broadcast_in_dim3A_99, %add3A_100 : vector<16xi32>
    %add3A_102 = arith.constant 2047 : i32
    %add3A_103 = arith.addi %reduce_max3A_50, %add3A_102 : i32
    %jit3A = arith.constant 2048 : i32
    %div3A = arith.divsi %add3A_103, %jit3A : i32
    %sign3A = arith.constant 0 : i32
    %sign3A_104 = arith.cmpi sgt, %add3A_103, %sign3A : i32
    %sign3A_105 = arith.extui %sign3A_104 : i1 to i32
    %sign3A_106 = arith.constant 0 : i32
    %sign3A_107 = arith.cmpi slt, %add3A_103, %sign3A_106 : i32
    %sign3A_108 = arith.extui %sign3A_107 : i1 to i32
    %sign3A_109 = arith.subi %sign3A_105, %sign3A_108 : i32
    %sign3A_110 = arith.constant 0 : i32
    %sign3A_111 = arith.cmpi sgt, %jit3A, %sign3A_110 : i32
    %sign3A_112 = arith.extui %sign3A_111 : i1 to i32
    %sign3A_113 = arith.constant 0 : i32
    %sign3A_114 = arith.cmpi slt, %jit3A, %sign3A_113 : i32
    %sign3A_115 = arith.extui %sign3A_114 : i1 to i32
    %sign3A_116 = arith.subi %sign3A_112, %sign3A_115 : i32
    %ne3A = arith.cmpi ne, %sign3A_109, %sign3A_116 : i32
    %rem3A = arith.remsi %add3A_103, %jit3A : i32
    %ne3A_117 = arith.constant 0 : i32
    %ne3A_118 = arith.cmpi ne, %rem3A, %ne3A_117 : i32
    %and3A = arith.andi %ne3A, %ne3A_118 : i1
    %sub3A_119 = arith.constant 1 : i32
    %sub3A_120 = arith.subi %div3A, %sub3A_119 : i32
    %select_n3A = arith.select %and3A, %sub3A_120, %div3A : i32
    %while3A = arith.constant 0 : i32
    %while3A_121 = arith.constant 0 : i32
    %while3A_122 = arith.subi %select_n3A, %while3A_121 : i32
    %while3A_123 = arith.addi %while3A_121, %while3A_122 : i32
    %while3A_124 = arith.constant 1 : i32
    %while3A_125 = arith.divsi %while3A_122, %while3A_124 : i32
    %while3A_126 = arith.muli %while3A_125, %while3A_124 : i32
    %while3A_127 = arith.addi %while3A_121, %while3A_126 : i32
    %while3A_128 = arith.constant 1 : i32
    scf.for %while3A_154 = %while3A_121 to %while3A_127 step %while3A_128  : i32 {
      %mul3A_155 = arith.constant 2048 : i32
      %mul3A_156 = arith.muli %while3A_154, %mul3A_155 : i32
      %add3A_157 = arith.addi %mul3A_2, %mul3A_156 : i32
      "tpu.region"() ({
        %run_scoped3A = tpu.sem_alloc : memref<!tpu.dma_semaphore, #tpu.memory_space<semaphore_mem>>
        %dma_start3A_195 = tpu.memref_slice %arg2[%add3A_157] : memref<1048576xf32, #tpu.memory_space<hbm>> -> memref<2048xf32, #tpu.memory_space<hbm>>
        %dma_start3A_196 = tpu.memref_slice %arg2[%add3A_157] : memref<1048576xf32, #tpu.memory_space<hbm>> -> memref<2048xf32, #tpu.memory_space<hbm>>
        tpu.enqueue_dma source(%dma_start3A_196 : memref<2048xf32, #tpu.memory_space<hbm>>) target(%arg12 : memref<2048xf32, #tpu.memory_space<vmem>>) target_semaphore(%run_scoped3A : memref<!tpu.dma_semaphore, #tpu.memory_space<semaphore_mem>>)
        %dma_wait3A_197 = tpu.memref_slice %arg2[%add3A_157] : memref<1048576xf32, #tpu.memory_space<hbm>> -> memref<2048xf32, #tpu.memory_space<hbm>>
        %dma_wait3A_198 = tpu.memref_slice %arg2[%add3A_157] : memref<1048576xf32, #tpu.memory_space<hbm>> -> memref<2048xf32, #tpu.memory_space<hbm>>
        tpu.wait_dma2 semaphore(%run_scoped3A : memref<!tpu.dma_semaphore, #tpu.memory_space<semaphore_mem>>) src(%dma_wait3A_198 : memref<2048xf32, #tpu.memory_space<hbm>>) dst(%arg12 : memref<2048xf32, #tpu.memory_space<vmem>>)
        tpu.yield
      }) : () -> ()
      %sub3A_158 = arith.subi %reduce_max3A_50, %mul3A_156 : i32
      %min3A = arith.constant 2048 : i32
      %min3A_159 = arith.minsi %min3A, %sub3A_158 : i32
      %add3A_160 = arith.constant 15 : i32
      %add3A_161 = arith.addi %min3A_159, %add3A_160 : i32
      %jit3A_162 = arith.constant 16 : i32
      %div3A_163 = arith.divsi %add3A_161, %jit3A_162 : i32
      %sign3A_164 = arith.constant 0 : i32
      %sign3A_165 = arith.cmpi sgt, %add3A_161, %sign3A_164 : i32
      %sign3A_166 = arith.extui %sign3A_165 : i1 to i32
      %sign3A_167 = arith.constant 0 : i32
      %sign3A_168 = arith.cmpi slt, %add3A_161, %sign3A_167 : i32
      %sign3A_169 = arith.extui %sign3A_168 : i1 to i32
      %sign3A_170 = arith.subi %sign3A_166, %sign3A_169 : i32
      %sign3A_171 = arith.constant 0 : i32
      %sign3A_172 = arith.cmpi sgt, %jit3A_162, %sign3A_171 : i32
      %sign3A_173 = arith.extui %sign3A_172 : i1 to i32
      %sign3A_174 = arith.constant 0 : i32
      %sign3A_175 = arith.cmpi slt, %jit3A_162, %sign3A_174 : i32
      %sign3A_176 = arith.extui %sign3A_175 : i1 to i32
      %sign3A_177 = arith.subi %sign3A_173, %sign3A_176 : i32
      %ne3A_178 = arith.cmpi ne, %sign3A_170, %sign3A_177 : i32
      %rem3A_179 = arith.remsi %add3A_161, %jit3A_162 : i32
      %ne3A_180 = arith.constant 0 : i32
      %ne3A_181 = arith.cmpi ne, %rem3A_179, %ne3A_180 : i32
      %and3A_182 = arith.andi %ne3A_178, %ne3A_181 : i1
      %sub3A_183 = arith.constant 1 : i32
      %sub3A_184 = arith.subi %div3A_163, %sub3A_183 : i32
      %select_n3A_185 = arith.select %and3A_182, %sub3A_184, %div3A_163 : i32
      %while3A_186 = arith.constant 0 : i32
      %while3A_187 = arith.subi %select_n3A_185, %while3A_186 : i32
      %while3A_188 = arith.addi %while3A_186, %while3A_187 : i32
      %while3A_189 = arith.constant 1 : i32
      %while3A_190 = arith.divsi %while3A_187, %while3A_189 : i32
      %while3A_191 = arith.muli %while3A_190, %while3A_189 : i32
      %while3A_192 = arith.addi %while3A_186, %while3A_191 : i32
      %while3A_193 = arith.constant 1 : i32
      scf.for %while3A_195 = %while3A_186 to %while3A_192 step %while3A_193  : i32 {
        %mul3A_196 = arith.constant 16 : i32
        %mul3A_197 = arith.muli %while3A_195, %mul3A_196 : i32
        %mul3A_198 = arith.constant 16 : i32
        %mul3A_199 = arith.muli %while3A_195, %mul3A_198 : i32
        %add3A_200 = arith.addi %mul3A_156, %mul3A_199 : i32
        %get3A_201 = arith.index_cast %mul3A_197 : i32 to index
        %get3A_202 = tpu.vector_load %arg12[%get3A_201] {strides = array<i32>} : memref<2048xf32, #tpu.memory_space<vmem>>, vector<16xf32>,
        %bitcast_convert_type3A = tpu.bitcast %get3A_202 : vector<16xf32> -> vector<16xi32>
        %shift_right_logical3A = arith.constant 11 : i32
        %shift_right_logical3A_203 = vector.broadcast %shift_right_logical3A : i32 to vector<16xi32>
        %shift_right_logical3A_204 = arith.shrui %bitcast_convert_type3A, %shift_right_logical3A_203 : vector<16xi32>
        %eq3A_205 = arith.cmpi eq, %shift_right_logical3A_204, %add3A_101 : vector<16xi32>
        %add3A_206 = vector.broadcast %add3A_200 : i32 to vector<16xi32>
        %add3A_207 = arith.addi %iota3A_95, %add3A_206 : vector<16xi32>
        %lt3A = vector.broadcast %reduce_max3A_50 : i32 to vector<16xi32>
        %lt3A_208 = arith.cmpi slt, %add3A_207, %lt3A : vector<16xi32>
        %and3A_209 = arith.andi %eq3A_205, %lt3A_208 : vector<16xi1>
        %shift_right_logical3A_210 = arith.constant 0 : i32
        %shift_right_logical3A_211 = vector.broadcast %shift_right_logical3A_210 : i32 to vector<16xi32>
        %shift_right_logical3A_212 = arith.shrui %bitcast_convert_type3A, %shift_right_logical3A_211 : vector<16xi32>
        %and3A_213 = arith.constant 2047 : i32
        %and3A_214 = vector.broadcast %and3A_213 : i32 to vector<16xi32>
        %and3A_215 = arith.andi %shift_right_logical3A_212, %and3A_214 : vector<16xi32>
        %mul3A_216 = arith.constant 2048 : i32
        %mul3A_217 = vector.broadcast %mul3A_216 : i32 to vector<16xi32>
        %mul3A_218 = arith.muli %iota3A_95, %mul3A_217 : vector<16xi32>
        %add3A_219 = arith.addi %mul3A_218, %and3A_215 : vector<16xi32>
        tpu.vector_store_idx %arg15[%add3A_219], %broadcast_in_dim3A_97 masked %and3A_209 {add = true} : memref<32768xi32, #tpu.memory_space<vmem>>[vector<16xi32>], vector<16xi32>, vector<16xi1>
        tpu.vector_store_idx %arg16[%add3A_219], %get3A_202 masked %and3A_209 {add = true} : memref<32768xf32, #tpu.memory_space<vmem>>[vector<16xi32>], vector<16xf32>, vector<16xi1>
      }
      %while3A_194 = arith.constant 1 : i32
      scf.for %while3A_195 = %while3A_192 to %while3A_188 step %while3A_194  : i32 {
        %mul3A_196 = arith.constant 16 : i32
        %mul3A_197 = arith.muli %while3A_195, %mul3A_196 : i32
        %mul3A_198 = arith.constant 16 : i32
        %mul3A_199 = arith.muli %while3A_195, %mul3A_198 : i32
        %add3A_200 = arith.addi %mul3A_156, %mul3A_199 : i32
        %get3A_201 = arith.index_cast %mul3A_197 : i32 to index
        %get3A_202 = tpu.vector_load %arg12[%get3A_201] {strides = array<i32>} : memref<2048xf32, #tpu.memory_space<vmem>>, vector<16xf32>,
        %bitcast_convert_type3A = tpu.bitcast %get3A_202 : vector<16xf32> -> vector<16xi32>
        %shift_right_logical3A = arith.constant 11 : i32
        %shift_right_logical3A_203 = vector.broadcast %shift_right_logical3A : i32 to vector<16xi32>
        %shift_right_logical3A_204 = arith.shrui %bitcast_convert_type3A, %shift_right_logical3A_203 : vector<16xi32>
        %eq3A_205 = arith.cmpi eq, %shift_right_logical3A_204, %add3A_101 : vector<16xi32>
        %add3A_206 = vector.broadcast %add3A_200 : i32 to vector<16xi32>
        %add3A_207 = arith.addi %iota3A_95, %add3A_206 : vector<16xi32>
        %lt3A = vector.broadcast %reduce_max3A_50 : i32 to vector<16xi32>
        %lt3A_208 = arith.cmpi slt, %add3A_207, %lt3A : vector<16xi32>
        %and3A_209 = arith.andi %eq3A_205, %lt3A_208 : vector<16xi1>
        %shift_right_logical3A_210 = arith.constant 0 : i32
        %shift_right_logical3A_211 = vector.broadcast %shift_right_logical3A_210 : i32 to vector<16xi32>
        %shift_right_logical3A_212 = arith.shrui %bitcast_convert_type3A, %shift_right_logical3A_211 : vector<16xi32>
        %and3A_213 = arith.constant 2047 : i32
        %and3A_214 = vector.broadcast %and3A_213 : i32 to vector<16xi32>
        %and3A_215 = arith.andi %shift_right_logical3A_212, %and3A_214 : vector<16xi32>
        %mul3A_216 = arith.constant 2048 : i32
        %mul3A_217 = vector.broadcast %mul3A_216 : i32 to vector<16xi32>
        %mul3A_218 = arith.muli %iota3A_95, %mul3A_217 : vector<16xi32>
        %add3A_219 = arith.addi %mul3A_218, %and3A_215 : vector<16xi32>
        tpu.vector_store_idx %arg15[%add3A_219], %broadcast_in_dim3A_97 masked %and3A_209 {add = true} : memref<32768xi32, #tpu.memory_space<vmem>>[vector<16xi32>], vector<16xi32>, vector<16xi1>
        tpu.vector_store_idx %arg16[%add3A_219], %get3A_202 masked %and3A_209 {add = true} : memref<32768xf32, #tpu.memory_space<vmem>>[vector<16xi32>], vector<16xf32>, vector<16xi1>
      }
    }
    %while3A_129 = arith.constant 1 : i32
    scf.for %while3A_154 = %while3A_127 to %while3A_123 step %while3A_129  : i32 {
      %mul3A_155 = arith.constant 2048 : i32
      %mul3A_156 = arith.muli %while3A_154, %mul3A_155 : i32
      %add3A_157 = arith.addi %mul3A_2, %mul3A_156 : i32
      "tpu.region"() ({
        %run_scoped3A = tpu.sem_alloc : memref<!tpu.dma_semaphore, #tpu.memory_space<semaphore_mem>>
        %dma_start3A_195 = tpu.memref_slice %arg2[%add3A_157] : memref<1048576xf32, #tpu.memory_space<hbm>> -> memref<2048xf32, #tpu.memory_space<hbm>>
        %dma_start3A_196 = tpu.memref_slice %arg2[%add3A_157] : memref<1048576xf32, #tpu.memory_space<hbm>> -> memref<2048xf32, #tpu.memory_space<hbm>>
        tpu.enqueue_dma source(%dma_start3A_196 : memref<2048xf32, #tpu.memory_space<hbm>>) target(%arg12 : memref<2048xf32, #tpu.memory_space<vmem>>) target_semaphore(%run_scoped3A : memref<!tpu.dma_semaphore, #tpu.memory_space<semaphore_mem>>)
        %dma_wait3A_197 = tpu.memref_slice %arg2[%add3A_157] : memref<1048576xf32, #tpu.memory_space<hbm>> -> memref<2048xf32, #tpu.memory_space<hbm>>
        %dma_wait3A_198 = tpu.memref_slice %arg2[%add3A_157] : memref<1048576xf32, #tpu.memory_space<hbm>> -> memref<2048xf32, #tpu.memory_space<hbm>>
        tpu.wait_dma2 semaphore(%run_scoped3A : memref<!tpu.dma_semaphore, #tpu.memory_space<semaphore_mem>>) src(%dma_wait3A_198 : memref<2048xf32, #tpu.memory_space<hbm>>) dst(%arg12 : memref<2048xf32, #tpu.memory_space<vmem>>)
        tpu.yield
      }) : () -> ()
      %sub3A_158 = arith.subi %reduce_max3A_50, %mul3A_156 : i32
      %min3A = arith.constant 2048 : i32
      %min3A_159 = arith.minsi %min3A, %sub3A_158 : i32
      %add3A_160 = arith.constant 15 : i32
      %add3A_161 = arith.addi %min3A_159, %add3A_160 : i32
      %jit3A_162 = arith.constant 16 : i32
      %div3A_163 = arith.divsi %add3A_161, %jit3A_162 : i32
      %sign3A_164 = arith.constant 0 : i32
      %sign3A_165 = arith.cmpi sgt, %add3A_161, %sign3A_164 : i32
      %sign3A_166 = arith.extui %sign3A_165 : i1 to i32
      %sign3A_167 = arith.constant 0 : i32
      %sign3A_168 = arith.cmpi slt, %add3A_161, %sign3A_167 : i32
      %sign3A_169 = arith.extui %sign3A_168 : i1 to i32
      %sign3A_170 = arith.subi %sign3A_166, %sign3A_169 : i32
      %sign3A_171 = arith.constant 0 : i32
      %sign3A_172 = arith.cmpi sgt, %jit3A_162, %sign3A_171 : i32
      %sign3A_173 = arith.extui %sign3A_172 : i1 to i32
      %sign3A_174 = arith.constant 0 : i32
      %sign3A_175 = arith.cmpi slt, %jit3A_162, %sign3A_174 : i32
      %sign3A_176 = arith.extui %sign3A_175 : i1 to i32
      %sign3A_177 = arith.subi %sign3A_173, %sign3A_176 : i32
      %ne3A_178 = arith.cmpi ne, %sign3A_170, %sign3A_177 : i32
      %rem3A_179 = arith.remsi %add3A_161, %jit3A_162 : i32
      %ne3A_180 = arith.constant 0 : i32
      %ne3A_181 = arith.cmpi ne, %rem3A_179, %ne3A_180 : i32
      %and3A_182 = arith.andi %ne3A_178, %ne3A_181 : i1
      %sub3A_183 = arith.constant 1 : i32
      %sub3A_184 = arith.subi %div3A_163, %sub3A_183 : i32
      %select_n3A_185 = arith.select %and3A_182, %sub3A_184, %div3A_163 : i32
      %while3A_186 = arith.constant 0 : i32
      %while3A_187 = arith.subi %select_n3A_185, %while3A_186 : i32
      %while3A_188 = arith.addi %while3A_186, %while3A_187 : i32
      %while3A_189 = arith.constant 1 : i32
      %while3A_190 = arith.divsi %while3A_187, %while3A_189 : i32
      %while3A_191 = arith.muli %while3A_190, %while3A_189 : i32
      %while3A_192 = arith.addi %while3A_186, %while3A_191 : i32
      %while3A_193 = arith.constant 1 : i32
      scf.for %while3A_195 = %while3A_186 to %while3A_192 step %while3A_193  : i32 {
        %mul3A_196 = arith.constant 16 : i32
        %mul3A_197 = arith.muli %while3A_195, %mul3A_196 : i32
        %mul3A_198 = arith.constant 16 : i32
        %mul3A_199 = arith.muli %while3A_195, %mul3A_198 : i32
        %add3A_200 = arith.addi %mul3A_156, %mul3A_199 : i32
        %get3A_201 = arith.index_cast %mul3A_197 : i32 to index
        %get3A_202 = tpu.vector_load %arg12[%get3A_201] {strides = array<i32>} : memref<2048xf32, #tpu.memory_space<vmem>>, vector<16xf32>,
        %bitcast_convert_type3A = tpu.bitcast %get3A_202 : vector<16xf32> -> vector<16xi32>
        %shift_right_logical3A = arith.constant 11 : i32
        %shift_right_logical3A_203 = vector.broadcast %shift_right_logical3A : i32 to vector<16xi32>
        %shift_right_logical3A_204 = arith.shrui %bitcast_convert_type3A, %shift_right_logical3A_203 : vector<16xi32>
        %eq3A_205 = arith.cmpi eq, %shift_right_logical3A_204, %add3A_101 : vector<16xi32>
        %add3A_206 = vector.broadcast %add3A_200 : i32 to vector<16xi32>
        %add3A_207 = arith.addi %iota3A_95, %add3A_206 : vector<16xi32>
        %lt3A = vector.broadcast %reduce_max3A_50 : i32 to vector<16xi32>
        %lt3A_208 = arith.cmpi slt, %add3A_207, %lt3A : vector<16xi32>
        %and3A_209 = arith.andi %eq3A_205, %lt3A_208 : vector<16xi1>
        %shift_right_logical3A_210 = arith.constant 0 : i32
        %shift_right_logical3A_211 = vector.broadcast %shift_right_logical3A_210 : i32 to vector<16xi32>
        %shift_right_logical3A_212 = arith.shrui %bitcast_convert_type3A, %shift_right_logical3A_211 : vector<16xi32>
        %and3A_213 = arith.constant 2047 : i32
        %and3A_214 = vector.broadcast %and3A_213 : i32 to vector<16xi32>
        %and3A_215 = arith.andi %shift_right_logical3A_212, %and3A_214 : vector<16xi32>
        %mul3A_216 = arith.constant 2048 : i32
        %mul3A_217 = vector.broadcast %mul3A_216 : i32 to vector<16xi32>
        %mul3A_218 = arith.muli %iota3A_95, %mul3A_217 : vector<16xi32>
        %add3A_219 = arith.addi %mul3A_218, %and3A_215 : vector<16xi32>
        tpu.vector_store_idx %arg15[%add3A_219], %broadcast_in_dim3A_97 masked %and3A_209 {add = true} : memref<32768xi32, #tpu.memory_space<vmem>>[vector<16xi32>], vector<16xi32>, vector<16xi1>
        tpu.vector_store_idx %arg16[%add3A_219], %get3A_202 masked %and3A_209 {add = true} : memref<32768xf32, #tpu.memory_space<vmem>>[vector<16xi32>], vector<16xf32>, vector<16xi1>
      }
      %while3A_194 = arith.constant 1 : i32
      scf.for %while3A_195 = %while3A_192 to %while3A_188 step %while3A_194  : i32 {
        %mul3A_196 = arith.constant 16 : i32
        %mul3A_197 = arith.muli %while3A_195, %mul3A_196 : i32
        %mul3A_198 = arith.constant 16 : i32
        %mul3A_199 = arith.muli %while3A_195, %mul3A_198 : i32
        %add3A_200 = arith.addi %mul3A_156, %mul3A_199 : i32
        %get3A_201 = arith.index_cast %mul3A_197 : i32 to index
        %get3A_202 = tpu.vector_load %arg12[%get3A_201] {strides = array<i32>} : memref<2048xf32, #tpu.memory_space<vmem>>, vector<16xf32>,
        %bitcast_convert_type3A = tpu.bitcast %get3A_202 : vector<16xf32> -> vector<16xi32>
        %shift_right_logical3A = arith.constant 11 : i32
        %shift_right_logical3A_203 = vector.broadcast %shift_right_logical3A : i32 to vector<16xi32>
        %shift_right_logical3A_204 = arith.shrui %bitcast_convert_type3A, %shift_right_logical3A_203 : vector<16xi32>
        %eq3A_205 = arith.cmpi eq, %shift_right_logical3A_204, %add3A_101 : vector<16xi32>
        %add3A_206 = vector.broadcast %add3A_200 : i32 to vector<16xi32>
        %add3A_207 = arith.addi %iota3A_95, %add3A_206 : vector<16xi32>
        %lt3A = vector.broadcast %reduce_max3A_50 : i32 to vector<16xi32>
        %lt3A_208 = arith.cmpi slt, %add3A_207, %lt3A : vector<16xi32>
        %and3A_209 = arith.andi %eq3A_205, %lt3A_208 : vector<16xi1>
        %shift_right_logical3A_210 = arith.constant 0 : i32
        %shift_right_logical3A_211 = vector.broadcast %shift_right_logical3A_210 : i32 to vector<16xi32>
        %shift_right_logical3A_212 = arith.shrui %bitcast_convert_type3A, %shift_right_logical3A_211 : vector<16xi32>
        %and3A_213 = arith.constant 2047 : i32
        %and3A_214 = vector.broadcast %and3A_213 : i32 to vector<16xi32>
        %and3A_215 = arith.andi %shift_right_logical3A_212, %and3A_214 : vector<16xi32>
        %mul3A_216 = arith.constant 2048 : i32
        %mul3A_217 = vector.broadcast %mul3A_216 : i32 to vector<16xi32>
        %mul3A_218 = arith.muli %iota3A_95, %mul3A_217 : vector<16xi32>
        %add3A_219 = arith.addi %mul3A_218, %and3A_215 : vector<16xi32>
        tpu.vector_store_idx %arg15[%add3A_219], %broadcast_in_dim3A_97 masked %and3A_209 {add = true} : memref<32768xi32, #tpu.memory_space<vmem>>[vector<16xi32>], vector<16xi32>, vector<16xi1>
        tpu.vector_store_idx %arg16[%add3A_219], %get3A_202 masked %and3A_209 {add = true} : memref<32768xf32, #tpu.memory_space<vmem>>[vector<16xi32>], vector<16xf32>, vector<16xi1>
      }
    }
    %parallel_loop3A_130 = arith.constant 0 : i32
    %parallel_loop3A_131 = arith.constant 2048 : i32
    %parallel_loop3A_132 = arith.constant 16 : i32
    scf.for %parallel_loop3A_154 = %parallel_loop3A_130 to %parallel_loop3A_131 step %parallel_loop3A_132  : i32 {
      %parallel_loop3A_155 = arith.index_cast %parallel_loop3A_154 : i32 to index
      %parallel_loop3A_156 = tpu.vector_load %arg15[%parallel_loop3A_155] {strides = array<i32>} : memref<32768xi32, #tpu.memory_space<vmem>>, vector<16xi32>,
      %parallel_loop3A_157 = arith.index_cast %parallel_loop3A_154 : i32 to index
      %parallel_loop3A_158 = tpu.vector_load %arg16[%parallel_loop3A_157] {strides = array<i32>} : memref<32768xf32, #tpu.memory_space<vmem>>, vector<16xf32>,
      %parallel_loop3A_159 = arith.constant 2048 : i32
      %parallel_loop3A_160 = arith.addi %parallel_loop3A_159, %parallel_loop3A_154 : i32
      %parallel_loop3A_161 = arith.index_cast %parallel_loop3A_160 : i32 to index
      %parallel_loop3A_162 = tpu.vector_load %arg15[%parallel_loop3A_161] {strides = array<i32>} : memref<32768xi32, #tpu.memory_space<vmem>>, vector<16xi32>,
      %parallel_loop3A_163 = arith.addi %parallel_loop3A_156, %parallel_loop3A_162 : vector<16xi32>
      %parallel_loop3A_164 = arith.constant 2048 : i32
      %parallel_loop3A_165 = arith.addi %parallel_loop3A_164, %parallel_loop3A_154 : i32
      %parallel_loop3A_166 = arith.index_cast %parallel_loop3A_165 : i32 to index
      %parallel_loop3A_167 = tpu.vector_load %arg16[%parallel_loop3A_166] {strides = array<i32>} : memref<32768xf32, #tpu.memory_space<vmem>>, vector<16xf32>,
      %parallel_loop3A_168 = arith.addf %parallel_loop3A_158, %parallel_loop3A_167 : vector<16xf32>
      %parallel_loop3A_169 = arith.constant 4096 : i32
      %parallel_loop3A_170 = arith.addi %parallel_loop3A_169, %parallel_loop3A_154 : i32
      %parallel_loop3A_171 = arith.index_cast %parallel_loop3A_170 : i32 to index
      %parallel_loop3A_172 = tpu.vector_load %arg15[%parallel_loop3A_171] {strides = array<i32>} : memref<32768xi32, #tpu.memory_space<vmem>>, vector<16xi32>,
      %parallel_loop3A_173 = arith.addi %parallel_loop3A_163, %parallel_loop3A_172 : vector<16xi32>
      %parallel_loop3A_174 = arith.constant 4096 : i32
      %parallel_loop3A_175 = arith.addi %parallel_loop3A_174, %parallel_loop3A_154 : i32
      %parallel_loop3A_176 = arith.index_cast %parallel_loop3A_175 : i32 to index
      %parallel_loop3A_177 = tpu.vector_load %arg16[%parallel_loop3A_176] {strides = array<i32>} : memref<32768xf32, #tpu.memory_space<vmem>>, vector<16xf32>,
      %parallel_loop3A_178 = arith.addf %parallel_loop3A_168, %parallel_loop3A_177 : vector<16xf32>
      %parallel_loop3A_179 = arith.constant 6144 : i32
      %parallel_loop3A_180 = arith.addi %parallel_loop3A_179, %parallel_loop3A_154 : i32
      %parallel_loop3A_181 = arith.index_cast %parallel_loop3A_180 : i32 to index
      %parallel_loop3A_182 = tpu.vector_load %arg15[%parallel_loop3A_181] {strides = array<i32>} : memref<32768xi32, #tpu.memory_space<vmem>>, vector<16xi32>,
      %parallel_loop3A_183 = arith.addi %parallel_loop3A_173, %parallel_loop3A_182 : vector<16xi32>
      %parallel_loop3A_184 = arith.constant 6144 : i32
      %parallel_loop3A_185 = arith.addi %parallel_loop3A_184, %parallel_loop3A_154 : i32
      %parallel_loop3A_186 = arith.index_cast %parallel_loop3A_185 : i32 to index
      %parallel_loop3A_187 = tpu.vector_load %arg16[%parallel_loop3A_186] {strides = array<i32>} : memref<32768xf32, #tpu.memory_space<vmem>>, vector<16xf32>,
      %parallel_loop3A_188 = arith.addf %parallel_loop3A_178, %parallel_loop3A_187 : vector<16xf32>
      %parallel_loop3A_189 = arith.constant 8192 : i32
      %parallel_loop3A_190 = arith.addi %parallel_loop3A_189, %parallel_loop3A_154 : i32
      %parallel_loop3A_191 = arith.index_cast %parallel_loop3A_190 : i32 to index
      %parallel_loop3A_192 = tpu.vector_load %arg15[%parallel_loop3A_191] {strides = array<i32>} : memref<32768xi32, #tpu.memory_space<vmem>>, vector<16xi32>,
      %parallel_loop3A_193 = arith.addi %parallel_loop3A_183, %parallel_loop3A_192 : vector<16xi32>
      %parallel_loop3A_194 = arith.constant 8192 : i32
      %parallel_loop3A_195 = arith.addi %parallel_loop3A_194, %parallel_loop3A_154 : i32
      %parallel_loop3A_196 = arith.index_cast %parallel_loop3A_195 : i32 to index
      %parallel_loop3A_197 = tpu.vector_load %arg16[%parallel_loop3A_196] {strides = array<i32>} : memref<32768xf32, #tpu.memory_space<vmem>>, vector<16xf32>,
      %parallel_loop3A_198 = arith.addf %parallel_loop3A_188, %parallel_loop3A_197 : vector<16xf32>
      %parallel_loop3A_199 = arith.constant 10240 : i32
      %parallel_loop3A_200 = arith.addi %parallel_loop3A_199, %parallel_loop3A_154 : i32
      %parallel_loop3A_201 = arith.index_cast %parallel_loop3A_200 : i32 to index
      %parallel_loop3A_202 = tpu.vector_load %arg15[%parallel_loop3A_201] {strides = array<i32>} : memref<32768xi32, #tpu.memory_space<vmem>>, vector<16xi32>,
      %parallel_loop3A_203 = arith.addi %parallel_loop3A_193, %parallel_loop3A_202 : vector<16xi32>
      %parallel_loop3A_204 = arith.constant 10240 : i32
      %parallel_loop3A_205 = arith.addi %parallel_loop3A_204, %parallel_loop3A_154 : i32
      %parallel_loop3A_206 = arith.index_cast %parallel_loop3A_205 : i32 to index
      %parallel_loop3A_207 = tpu.vector_load %arg16[%parallel_loop3A_206] {strides = array<i32>} : memref<32768xf32, #tpu.memory_space<vmem>>, vector<16xf32>,
      %parallel_loop3A_208 = arith.addf %parallel_loop3A_198, %parallel_loop3A_207 : vector<16xf32>
      %parallel_loop3A_209 = arith.constant 12288 : i32
      %parallel_loop3A_210 = arith.addi %parallel_loop3A_209, %parallel_loop3A_154 : i32
      %parallel_loop3A_211 = arith.index_cast %parallel_loop3A_210 : i32 to index
      %parallel_loop3A_212 = tpu.vector_load %arg15[%parallel_loop3A_211] {strides = array<i32>} : memref<32768xi32, #tpu.memory_space<vmem>>, vector<16xi32>,
      %parallel_loop3A_213 = arith.addi %parallel_loop3A_203, %parallel_loop3A_212 : vector<16xi32>
      %parallel_loop3A_214 = arith.constant 12288 : i32
      %parallel_loop3A_215 = arith.addi %parallel_loop3A_214, %parallel_loop3A_154 : i32
      %parallel_loop3A_216 = arith.index_cast %parallel_loop3A_215 : i32 to index
      %parallel_loop3A_217 = tpu.vector_load %arg16[%parallel_loop3A_216] {strides = array<i32>} : memref<32768xf32, #tpu.memory_space<vmem>>, vector<16xf32>,
      %parallel_loop3A_218 = arith.addf %parallel_loop3A_208, %parallel_loop3A_217 : vector<16xf32>
      %parallel_loop3A_219 = arith.constant 14336 : i32
      %parallel_loop3A_220 = arith.addi %parallel_loop3A_219, %parallel_loop3A_154 : i32
      %parallel_loop3A_221 = arith.index_cast %parallel_loop3A_220 : i32 to index
      %parallel_loop3A_222 = tpu.vector_load %arg15[%parallel_loop3A_221] {strides = array<i32>} : memref<32768xi32, #tpu.memory_space<vmem>>, vector<16xi32>,
      %parallel_loop3A_223 = arith.addi %parallel_loop3A_213, %parallel_loop3A_222 : vector<16xi32>
      %parallel_loop3A_224 = arith.constant 14336 : i32
      %parallel_loop3A_225 = arith.addi %parallel_loop3A_224, %parallel_loop3A_154 : i32
      %parallel_loop3A_226 = arith.index_cast %parallel_loop3A_225 : i32 to index
      %parallel_loop3A_227 = tpu.vector_load %arg16[%parallel_loop3A_226] {strides = array<i32>} : memref<32768xf32, #tpu.memory_space<vmem>>, vector<16xf32>,
      %parallel_loop3A_228 = arith.addf %parallel_loop3A_218, %parallel_loop3A_227 : vector<16xf32>
      %parallel_loop3A_229 = arith.constant 16384 : i32
      %parallel_loop3A_230 = arith.addi %parallel_loop3A_229, %parallel_loop3A_154 : i32
      %parallel_loop3A_231 = arith.index_cast %parallel_loop3A_230 : i32 to index
      %parallel_loop3A_232 = tpu.vector_load %arg15[%parallel_loop3A_231] {strides = array<i32>} : memref<32768xi32, #tpu.memory_space<vmem>>, vector<16xi32>,
      %parallel_loop3A_233 = arith.addi %parallel_loop3A_223, %parallel_loop3A_232 : vector<16xi32>
      %parallel_loop3A_234 = arith.constant 16384 : i32
      %parallel_loop3A_235 = arith.addi %parallel_loop3A_234, %parallel_loop3A_154 : i32
      %parallel_loop3A_236 = arith.index_cast %parallel_loop3A_235 : i32 to index
      %parallel_loop3A_237 = tpu.vector_load %arg16[%parallel_loop3A_236] {strides = array<i32>} : memref<32768xf32, #tpu.memory_space<vmem>>, vector<16xf32>,
      %parallel_loop3A_238 = arith.addf %parallel_loop3A_228, %parallel_loop3A_237 : vector<16xf32>
      %parallel_loop3A_239 = arith.constant 18432 : i32
      %parallel_loop3A_240 = arith.addi %parallel_loop3A_239, %parallel_loop3A_154 : i32
      %parallel_loop3A_241 = arith.index_cast %parallel_loop3A_240 : i32 to index
      %parallel_loop3A_242 = tpu.vector_load %arg15[%parallel_loop3A_241] {strides = array<i32>} : memref<32768xi32, #tpu.memory_space<vmem>>, vector<16xi32>,
      %parallel_loop3A_243 = arith.addi %parallel_loop3A_233, %parallel_loop3A_242 : vector<16xi32>
      %parallel_loop3A_244 = arith.constant 18432 : i32
      %parallel_loop3A_245 = arith.addi %parallel_loop3A_244, %parallel_loop3A_154 : i32
      %parallel_loop3A_246 = arith.index_cast %parallel_loop3A_245 : i32 to index
      %parallel_loop3A_247 = tpu.vector_load %arg16[%parallel_loop3A_246] {strides = array<i32>} : memref<32768xf32, #tpu.memory_space<vmem>>, vector<16xf32>,
      %parallel_loop3A_248 = arith.addf %parallel_loop3A_238, %parallel_loop3A_247 : vector<16xf32>
      %parallel_loop3A_249 = arith.constant 20480 : i32
      %parallel_loop3A_250 = arith.addi %parallel_loop3A_249, %parallel_loop3A_154 : i32
      %parallel_loop3A_251 = arith.index_cast %parallel_loop3A_250 : i32 to index
      %parallel_loop3A_252 = tpu.vector_load %arg15[%parallel_loop3A_251] {strides = array<i32>} : memref<32768xi32, #tpu.memory_space<vmem>>, vector<16xi32>,
      %parallel_loop3A_253 = arith.addi %parallel_loop3A_243, %parallel_loop3A_252 : vector<16xi32>
      %parallel_loop3A_254 = arith.constant 20480 : i32
      %parallel_loop3A_255 = arith.addi %parallel_loop3A_254, %parallel_loop3A_154 : i32
      %parallel_loop3A_256 = arith.index_cast %parallel_loop3A_255 : i32 to index
      %parallel_loop3A_257 = tpu.vector_load %arg16[%parallel_loop3A_256] {strides = array<i32>} : memref<32768xf32, #tpu.memory_space<vmem>>, vector<16xf32>,
      %parallel_loop3A_258 = arith.addf %parallel_loop3A_248, %parallel_loop3A_257 : vector<16xf32>
      %parallel_loop3A_259 = arith.constant 22528 : i32
      %parallel_loop3A_260 = arith.addi %parallel_loop3A_259, %parallel_loop3A_154 : i32
      %parallel_loop3A_261 = arith.index_cast %parallel_loop3A_260 : i32 to index
      %parallel_loop3A_262 = tpu.vector_load %arg15[%parallel_loop3A_261] {strides = array<i32>} : memref<32768xi32, #tpu.memory_space<vmem>>, vector<16xi32>,
      %parallel_loop3A_263 = arith.addi %parallel_loop3A_253, %parallel_loop3A_262 : vector<16xi32>
      %parallel_loop3A_264 = arith.constant 22528 : i32
      %parallel_loop3A_265 = arith.addi %parallel_loop3A_264, %parallel_loop3A_154 : i32
      %parallel_loop3A_266 = arith.index_cast %parallel_loop3A_265 : i32 to index
      %parallel_loop3A_267 = tpu.vector_load %arg16[%parallel_loop3A_266] {strides = array<i32>} : memref<32768xf32, #tpu.memory_space<vmem>>, vector<16xf32>,
      %parallel_loop3A_268 = arith.addf %parallel_loop3A_258, %parallel_loop3A_267 : vector<16xf32>
      %parallel_loop3A_269 = arith.constant 24576 : i32
      %parallel_loop3A_270 = arith.addi %parallel_loop3A_269, %parallel_loop3A_154 : i32
      %parallel_loop3A_271 = arith.index_cast %parallel_loop3A_270 : i32 to index
      %parallel_loop3A_272 = tpu.vector_load %arg15[%parallel_loop3A_271] {strides = array<i32>} : memref<32768xi32, #tpu.memory_space<vmem>>, vector<16xi32>,
      %parallel_loop3A_273 = arith.addi %parallel_loop3A_263, %parallel_loop3A_272 : vector<16xi32>
      %parallel_loop3A_274 = arith.constant 24576 : i32
      %parallel_loop3A_275 = arith.addi %parallel_loop3A_274, %parallel_loop3A_154 : i32
      %parallel_loop3A_276 = arith.index_cast %parallel_loop3A_275 : i32 to index
      %parallel_loop3A_277 = tpu.vector_load %arg16[%parallel_loop3A_276] {strides = array<i32>} : memref<32768xf32, #tpu.memory_space<vmem>>, vector<16xf32>,
      %parallel_loop3A_278 = arith.addf %parallel_loop3A_268, %parallel_loop3A_277 : vector<16xf32>
      %parallel_loop3A_279 = arith.constant 26624 : i32
      %parallel_loop3A_280 = arith.addi %parallel_loop3A_279, %parallel_loop3A_154 : i32
      %parallel_loop3A_281 = arith.index_cast %parallel_loop3A_280 : i32 to index
      %parallel_loop3A_282 = tpu.vector_load %arg15[%parallel_loop3A_281] {strides = array<i32>} : memref<32768xi32, #tpu.memory_space<vmem>>, vector<16xi32>,
      %parallel_loop3A_283 = arith.addi %parallel_loop3A_273, %parallel_loop3A_282 : vector<16xi32>
      %parallel_loop3A_284 = arith.constant 26624 : i32
      %parallel_loop3A_285 = arith.addi %parallel_loop3A_284, %parallel_loop3A_154 : i32
      %parallel_loop3A_286 = arith.index_cast %parallel_loop3A_285 : i32 to index
      %parallel_loop3A_287 = tpu.vector_load %arg16[%parallel_loop3A_286] {strides = array<i32>} : memref<32768xf32, #tpu.memory_space<vmem>>, vector<16xf32>,
      %parallel_loop3A_288 = arith.addf %parallel_loop3A_278, %parallel_loop3A_287 : vector<16xf32>
      %parallel_loop3A_289 = arith.constant 28672 : i32
      %parallel_loop3A_290 = arith.addi %parallel_loop3A_289, %parallel_loop3A_154 : i32
      %parallel_loop3A_291 = arith.index_cast %parallel_loop3A_290 : i32 to index
      %parallel_loop3A_292 = tpu.vector_load %arg15[%parallel_loop3A_291] {strides = array<i32>} : memref<32768xi32, #tpu.memory_space<vmem>>, vector<16xi32>,
      %parallel_loop3A_293 = arith.addi %parallel_loop3A_283, %parallel_loop3A_292 : vector<16xi32>
      %parallel_loop3A_294 = arith.constant 28672 : i32
      %parallel_loop3A_295 = arith.addi %parallel_loop3A_294, %parallel_loop3A_154 : i32
      %parallel_loop3A_296 = arith.index_cast %parallel_loop3A_295 : i32 to index
      %parallel_loop3A_297 = tpu.vector_load %arg16[%parallel_loop3A_296] {strides = array<i32>} : memref<32768xf32, #tpu.memory_space<vmem>>, vector<16xf32>,
      %parallel_loop3A_298 = arith.addf %parallel_loop3A_288, %parallel_loop3A_297 : vector<16xf32>
      %parallel_loop3A_299 = arith.constant 30720 : i32
      %parallel_loop3A_300 = arith.addi %parallel_loop3A_299, %parallel_loop3A_154 : i32
      %parallel_loop3A_301 = arith.index_cast %parallel_loop3A_300 : i32 to index
      %parallel_loop3A_302 = tpu.vector_load %arg15[%parallel_loop3A_301] {strides = array<i32>} : memref<32768xi32, #tpu.memory_space<vmem>>, vector<16xi32>,
      %parallel_loop3A_303 = arith.addi %parallel_loop3A_293, %parallel_loop3A_302 : vector<16xi32>
      %parallel_loop3A_304 = arith.constant 30720 : i32
      %parallel_loop3A_305 = arith.addi %parallel_loop3A_304, %parallel_loop3A_154 : i32
      %parallel_loop3A_306 = arith.index_cast %parallel_loop3A_305 : i32 to index
      %parallel_loop3A_307 = tpu.vector_load %arg16[%parallel_loop3A_306] {strides = array<i32>} : memref<32768xf32, #tpu.memory_space<vmem>>, vector<16xf32>,
      %parallel_loop3A_308 = arith.addf %parallel_loop3A_298, %parallel_loop3A_307 : vector<16xf32>
      %parallel_loop3A_309 = arith.constant 4 : i32
      %parallel_loop3A_310 = arith.shrui %parallel_loop3A_154, %parallel_loop3A_309 : i32
      %parallel_loop3A_311 = arith.index_cast %parallel_loop3A_310 : i32 to index
      %parallel_loop3A_312 = arith.constant 0 : index
      %parallel_loop3A_313 = tpu.vector_load %arg19[%parallel_loop3A_311, %parallel_loop3A_312] {strides = array<i32>} : memref<128x16xi32, #tpu.memory_space<vmem>>, vector<16xi32>,
      tpu.vector_store %arg19[%parallel_loop3A_311, %parallel_loop3A_312], %parallel_loop3A_303 {strides = array<i32>} : memref<128x16xi32, #tpu.memory_space<vmem>>, vector<16xi32>,
      %parallel_loop3A_314 = arith.index_cast %parallel_loop3A_310 : i32 to index
      %parallel_loop3A_315 = arith.constant 0 : index
      %parallel_loop3A_316 = tpu.vector_load %arg20[%parallel_loop3A_314, %parallel_loop3A_315] {strides = array<i32>} : memref<128x16xf32, #tpu.memory_space<vmem>>, vector<16xf32>,
      tpu.vector_store %arg20[%parallel_loop3A_314, %parallel_loop3A_315], %parallel_loop3A_308 {strides = array<i32>} : memref<128x16xf32, #tpu.memory_space<vmem>>, vector<16xf32>,
    } {sc.loop_unroll_factor = 2 : i64, sc.parallel_access}
    %parallel_loop3A_133 = arith.constant 0 : i32
    %parallel_loop3A_134 = arith.constant 128 : i32
    %parallel_loop3A_135 = arith.constant 16 : i32
    scf.for %parallel_loop3A_154 = %parallel_loop3A_133 to %parallel_loop3A_134 step %parallel_loop3A_135  : i32 {
      %parallel_loop3A_155 = tpu.iota {dimensions = array<i32: 0>} : vector<16xi32>
      %parallel_loop3A_156 = vector.broadcast %parallel_loop3A_154 : i32 to vector<16xi32>
      %parallel_loop3A_157 = arith.addi %parallel_loop3A_155, %parallel_loop3A_156 : vector<16xi32>
      %parallel_loop3A_158 = arith.index_cast %parallel_loop3A_154 : i32 to index
      %parallel_loop3A_159 = tpu.vector_load %arg23[%parallel_loop3A_158] {strides = array<i32>} : memref<128xi32, #tpu.memory_space<vmem>>, vector<16xi32>,
      tpu.vector_store %arg23[%parallel_loop3A_158], %parallel_loop3A_157 {strides = array<i32>} : memref<128xi32, #tpu.memory_space<vmem>>, vector<16xi32>,
    } {sc.loop_unroll_factor = 4 : i64, sc.parallel_access}
    %eq3A = arith.constant 0 : i32
    %eq3A_136 = arith.cmpi eq, %arg1, %eq3A : i32
    %convert_element_type3A = arith.extui %eq3A_136 : i1 to i32
    %cond3A = arith.constant 0 : i32
    %cond3A_137 = arith.cmpi ne, %convert_element_type3A, %cond3A : i32
    scf.if %cond3A_137 {
      "tpu.region"() ({
        %run_scoped3A = tpu.sem_alloc : memref<!tpu.dma_semaphore, #tpu.memory_space<semaphore_mem>>
        tpu.enqueue_dma source(%arg19 : memref<128x16xi32, #tpu.memory_space<vmem>>) target(%arg21 : memref<128x16xi32, #tpu.memory_space<vmem_shared>>) target_semaphore(%run_scoped3A : memref<!tpu.dma_semaphore, #tpu.memory_space<semaphore_mem>>)
        tpu.wait_dma2 semaphore(%run_scoped3A : memref<!tpu.dma_semaphore, #tpu.memory_space<semaphore_mem>>) src(%arg19 : memref<128x16xi32, #tpu.memory_space<vmem>>) dst(%arg21 : memref<128x16xi32, #tpu.memory_space<vmem_shared>>)
        tpu.yield
      }) : () -> ()
      "tpu.region"() ({
        %run_scoped3A = tpu.sem_alloc : memref<!tpu.dma_semaphore, #tpu.memory_space<semaphore_mem>>
        tpu.enqueue_dma source(%arg20 : memref<128x16xf32, #tpu.memory_space<vmem>>) target(%arg22 : memref<128x16xf32, #tpu.memory_space<vmem_shared>>) target_semaphore(%run_scoped3A : memref<!tpu.dma_semaphore, #tpu.memory_space<semaphore_mem>>)
        tpu.wait_dma2 semaphore(%run_scoped3A : memref<!tpu.dma_semaphore, #tpu.memory_space<semaphore_mem>>) src(%arg20 : memref<128x16xf32, #tpu.memory_space<vmem>>) dst(%arg22 : memref<128x16xf32, #tpu.memory_space<vmem_shared>>)
        tpu.yield
      }) : () -> ()
    } else {
    }
    %barrier3A = arith.constant 0 : index
    tpu.barrier barrier_id(%barrier3A)
    %ne3A_138 = arith.constant 0 : i32
    %ne3A_139 = arith.cmpi ne, %arg1, %ne3A_138 : i32
    %convert_element_type3A_140 = arith.extui %ne3A_139 : i1 to i32
    %cond3A_141 = arith.constant 0 : i32
    %cond3A_142 = arith.cmpi ne, %convert_element_type3A_140, %cond3A_141 : i32
    scf.if %cond3A_142 {
      "tpu.region"() ({
        %run_scoped3A = tpu.sem_alloc : memref<!tpu.dma_semaphore, #tpu.memory_space<semaphore_mem>>
        %dma_start3A_154 = arith.constant 0 : i32
        %dma_start3A_155 = arith.constant 0 : i32
        %dma_start3A_156 = tpu.memref_slice %arg21[%dma_start3A_154, %dma_start3A_155] : memref<128x16xi32, #tpu.memory_space<vmem_shared>> -> memref<128x16xi32, #tpu.memory_space<vmem_shared>>
        tpu.enqueue_indirect_dma source(%arg19 : memref<128x16xi32, #tpu.memory_space<vmem>>) target(%dma_start3A_156 : memref<128x16xi32, #tpu.memory_space<vmem_shared>>) offsets(%arg23 : memref<128xi32, #tpu.memory_space<vmem>>) semaphore(%run_scoped3A : memref<!tpu.dma_semaphore, #tpu.memory_space<semaphore_mem>>) {add = true}
        %dma_wait3A_157 = arith.constant 0 : i32
        %dma_wait3A_158 = arith.constant 0 : i32
        %dma_wait3A_159 = tpu.memref_slice %arg21[%dma_wait3A_157, %dma_wait3A_158] : memref<128x16xi32, #tpu.memory_space<vmem_shared>> -> memref<128x16xi32, #tpu.memory_space<vmem_shared>>
        tpu.wait_indirect_dma semaphore(%run_scoped3A : memref<!tpu.dma_semaphore, #tpu.memory_space<semaphore_mem>>) src(%arg19 : memref<128x16xi32, #tpu.memory_space<vmem>>) dst(%dma_wait3A_159 : memref<128x16xi32, #tpu.memory_space<vmem_shared>>)
        tpu.yield
      }) : () -> ()
      "tpu.region"() ({
        %run_scoped3A = tpu.sem_alloc : memref<!tpu.dma_semaphore, #tpu.memory_space<semaphore_mem>>
        %dma_start3A_154 = arith.constant 0 : i32
        %dma_start3A_155 = arith.constant 0 : i32
        %dma_start3A_156 = tpu.memref_slice %arg22[%dma_start3A_154, %dma_start3A_155] : memref<128x16xf32, #tpu.memory_space<vmem_shared>> -> memref<128x16xf32, #tpu.memory_space<vmem_shared>>
        tpu.enqueue_indirect_dma source(%arg20 : memref<128x16xf32, #tpu.memory_space<vmem>>) target(%dma_start3A_156 : memref<128x16xf32, #tpu.memory_space<vmem_shared>>) offsets(%arg23 : memref<128xi32, #tpu.memory_space<vmem>>) semaphore(%run_scoped3A : memref<!tpu.dma_semaphore, #tpu.memory_space<semaphore_mem>>) {add = true}
        %dma_wait3A_157 = arith.constant 0 : i32
        %dma_wait3A_158 = arith.constant 0 : i32
        %dma_wait3A_159 = tpu.memref_slice %arg22[%dma_wait3A_157, %dma_wait3A_158] : memref<128x16xf32, #tpu.memory_space<vmem_shared>> -> memref<128x16xf32, #tpu.memory_space<vmem_shared>>
        tpu.wait_indirect_dma semaphore(%run_scoped3A : memref<!tpu.dma_semaphore, #tpu.memory_space<semaphore_mem>>) src(%arg20 : memref<128x16xf32, #tpu.memory_space<vmem>>) dst(%dma_wait3A_159 : memref<128x16xf32, #tpu.memory_space<vmem_shared>>)
        tpu.yield
      }) : () -> ()
    } else {
    }
    %barrier3A_143 = arith.constant 0 : index
    tpu.barrier barrier_id(%barrier3A_143)
    %eq3A_144 = arith.constant 0 : i32
    %eq3A_145 = arith.cmpi eq, %arg1, %eq3A_144 : i32
    %convert_element_type3A_146 = arith.extui %eq3A_145 : i1 to i32
    %cond3A_147 = arith.constant 0 : i32
    %cond3A_148 = arith.cmpi ne, %convert_element_type3A_146, %cond3A_147 : i32
    scf.if %cond3A_148 {
      "tpu.region"() ({
        %run_scoped3A = tpu.sem_alloc : memref<!tpu.dma_semaphore, #tpu.memory_space<semaphore_mem>>
        %dma_start3A_154 = arith.constant 0 : i32
        %dma_start3A_155 = arith.constant 0 : i32
        %dma_start3A_156 = tpu.memref_slice %arg8[%arg0, %dma_start3A_154, %dma_start3A_155] : memref<2x128x16xi32, #tpu.memory_space<hbm>> -> memref<1x128x16xi32, #tpu.memory_space<hbm>>
        %dma_start3A_157 = tpu.memref_squeeze %dma_start3A_156 : memref<1x128x16xi32, #tpu.memory_space<hbm>> -> memref<128x16xi32, #tpu.memory_space<hbm>>
        tpu.enqueue_dma source(%arg21 : memref<128x16xi32, #tpu.memory_space<vmem_shared>>) target(%dma_start3A_157 : memref<128x16xi32, #tpu.memory_space<hbm>>) target_semaphore(%run_scoped3A : memref<!tpu.dma_semaphore, #tpu.memory_space<semaphore_mem>>)
        %dma_wait3A_158 = arith.constant 0 : i32
        %dma_wait3A_159 = arith.constant 0 : i32
        %dma_wait3A_160 = tpu.memref_slice %arg8[%arg0, %dma_wait3A_158, %dma_wait3A_159] : memref<2x128x16xi32, #tpu.memory_space<hbm>> -> memref<1x128x16xi32, #tpu.memory_space<hbm>>
        %dma_wait3A_161 = tpu.memref_squeeze %dma_wait3A_160 : memref<1x128x16xi32, #tpu.memory_space<hbm>> -> memref<128x16xi32, #tpu.memory_space<hbm>>
        tpu.wait_dma2 semaphore(%run_scoped3A : memref<!tpu.dma_semaphore, #tpu.memory_space<semaphore_mem>>) src(%arg21 : memref<128x16xi32, #tpu.memory_space<vmem_shared>>) dst(%dma_wait3A_161 : memref<128x16xi32, #tpu.memory_space<hbm>>)
        tpu.yield
      }) : () -> ()
      "tpu.region"() ({
        %run_scoped3A = tpu.sem_alloc : memref<!tpu.dma_semaphore, #tpu.memory_space<semaphore_mem>>
        %dma_start3A_154 = arith.constant 0 : i32
        %dma_start3A_155 = arith.constant 0 : i32
        %dma_start3A_156 = tpu.memref_slice %arg9[%arg0, %dma_start3A_154, %dma_start3A_155] : memref<2x128x16xf32, #tpu.memory_space<hbm>> -> memref<1x128x16xf32, #tpu.memory_space<hbm>>
        %dma_start3A_157 = tpu.memref_squeeze %dma_start3A_156 : memref<1x128x16xf32, #tpu.memory_space<hbm>> -> memref<128x16xf32, #tpu.memory_space<hbm>>
        tpu.enqueue_dma source(%arg22 : memref<128x16xf32, #tpu.memory_space<vmem_shared>>) target(%dma_start3A_157 : memref<128x16xf32, #tpu.memory_space<hbm>>) target_semaphore(%run_scoped3A : memref<!tpu.dma_semaphore, #tpu.memory_space<semaphore_mem>>)
        %dma_wait3A_158 = arith.constant 0 : i32
        %dma_wait3A_159 = arith.constant 0 : i32
        %dma_wait3A_160 = tpu.memref_slice %arg9[%arg0, %dma_wait3A_158, %dma_wait3A_159] : memref<2x128x16xf32, #tpu.memory_space<hbm>> -> memref<1x128x16xf32, #tpu.memory_space<hbm>>
        %dma_wait3A_161 = tpu.memref_squeeze %dma_wait3A_160 : memref<1x128x16xf32, #tpu.memory_space<hbm>> -> memref<128x16xf32, #tpu.memory_space<hbm>>
        tpu.wait_dma2 semaphore(%run_scoped3A : memref<!tpu.dma_semaphore, #tpu.memory_space<semaphore_mem>>) src(%arg22 : memref<128x16xf32, #tpu.memory_space<vmem_shared>>) dst(%dma_wait3A_161 : memref<128x16xf32, #tpu.memory_space<hbm>>)
        tpu.yield
      }) : () -> ()
    } else {
    }
    %eq3A_149 = arith.constant 0 : i32
    %eq3A_150 = arith.cmpi eq, %add3A, %eq3A_149 : i32
    %convert_element_type3A_151 = arith.extui %eq3A_150 : i1 to i32
    %cond3A_152 = arith.constant 0 : i32
    %cond3A_153 = arith.cmpi ne, %convert_element_type3A_151, %cond3A_152 : i32
    scf.if %cond3A_153 {
      %broadcast_in_dim3A_154 = arith.constant 0 : i32
      %broadcast_in_dim3A_155 = vector.broadcast %broadcast_in_dim3A_154 : i32 to vector<16xi32>
      %add3A_156 = vector.broadcast %sub3A : i32 to vector<16xi32>
      %add3A_157 = arith.addi %broadcast_in_dim3A_155, %add3A_156 : vector<16xi32>
      %swap3A_158 = arith.constant 0 : index
      %swap3A_159 = tpu.vector_load %arg24[%swap3A_158] {strides = array<i32>} : memref<64xi32, #tpu.memory_space<vmem>>, vector<16xi32>,
      tpu.vector_store %arg24[%swap3A_158], %add3A_157 {strides = array<i32>} : memref<64xi32, #tpu.memory_space<vmem>>, vector<16xi32>,
      %add3A_160 = vector.broadcast %or3A : i32 to vector<16xi32>
      %add3A_161 = arith.addi %broadcast_in_dim3A_155, %add3A_160 : vector<16xi32>
      %swap3A_162 = arith.constant 16 : index
      %swap3A_163 = tpu.vector_load %arg24[%swap3A_162] {strides = array<i32>} : memref<64xi32, #tpu.memory_space<vmem>>, vector<16xi32>,
      tpu.vector_store %arg24[%swap3A_162], %add3A_161 {strides = array<i32>} : memref<64xi32, #tpu.memory_space<vmem>>, vector<16xi32>,
      %add3A_164 = vector.broadcast %add3A_90 : i32 to vector<16xi32>
      %add3A_165 = arith.addi %broadcast_in_dim3A_155, %add3A_164 : vector<16xi32>
      %swap3A_166 = arith.constant 32 : index
      %swap3A_167 = tpu.vector_load %arg24[%swap3A_166] {strides = array<i32>} : memref<64xi32, #tpu.memory_space<vmem>>, vector<16xi32>,
      tpu.vector_store %arg24[%swap3A_166], %add3A_165 {strides = array<i32>} : memref<64xi32, #tpu.memory_space<vmem>>, vector<16xi32>,
      %swap3A_168 = arith.constant 48 : index
      %swap3A_169 = tpu.vector_load %arg24[%swap3A_168] {strides = array<i32>} : memref<64xi32, #tpu.memory_space<vmem>>, vector<16xi32>,
      tpu.vector_store %arg24[%swap3A_168], %broadcast_in_dim3A_155 {strides = array<i32>} : memref<64xi32, #tpu.memory_space<vmem>>, vector<16xi32>,
      %broadcast_in_dim3A_170 = arith.constant 0.000000e+00 : f32
      %broadcast_in_dim3A_171 = vector.broadcast %broadcast_in_dim3A_170 : f32 to vector<16xf32>
      %add3A_172 = vector.broadcast %add3A_91 : f32 to vector<16xf32>
      %add3A_173 = arith.addf %broadcast_in_dim3A_171, %add3A_172 : vector<16xf32>
      %swap3A_174 = arith.constant 0 : index
      %swap3A_175 = tpu.vector_load %arg25[%swap3A_174] {strides = array<i32>} : memref<16xf32, #tpu.memory_space<vmem>>, vector<16xf32>,
      tpu.vector_store %arg25[%swap3A_174], %add3A_173 {strides = array<i32>} : memref<16xf32, #tpu.memory_space<vmem>>, vector<16xf32>,
      "tpu.region"() ({
        %run_scoped3A = tpu.sem_alloc : memref<!tpu.dma_semaphore, #tpu.memory_space<semaphore_mem>>
        tpu.enqueue_dma source(%arg24 : memref<64xi32, #tpu.memory_space<vmem>>) target(%arg10 : memref<64xi32, #tpu.memory_space<hbm>>) target_semaphore(%run_scoped3A : memref<!tpu.dma_semaphore, #tpu.memory_space<semaphore_mem>>)
        tpu.wait_dma2 semaphore(%run_scoped3A : memref<!tpu.dma_semaphore, #tpu.memory_space<semaphore_mem>>) src(%arg24 : memref<64xi32, #tpu.memory_space<vmem>>) dst(%arg10 : memref<64xi32, #tpu.memory_space<hbm>>)
        tpu.yield
      }) : () -> ()
      "tpu.region"() ({
        %run_scoped3A = tpu.sem_alloc : memref<!tpu.dma_semaphore, #tpu.memory_space<semaphore_mem>>
        tpu.enqueue_dma source(%arg25 : memref<16xf32, #tpu.memory_space<vmem>>) target(%arg11 : memref<16xf32, #tpu.memory_space<hbm>>) target_semaphore(%run_scoped3A : memref<!tpu.dma_semaphore, #tpu.memory_space<semaphore_mem>>)
        tpu.wait_dma2 semaphore(%run_scoped3A : memref<!tpu.dma_semaphore, #tpu.memory_space<semaphore_mem>>) src(%arg25 : memref<16xf32, #tpu.memory_space<vmem>>) dst(%arg11 : memref<16xf32, #tpu.memory_space<hbm>>)
        tpu.yield
      }) : () -> ()
    } else {
    }
    return
  }
}

#map = affine_map<(d0, d1) -> (0, 0, 0)>
#map1 = affine_map<(d0, d1) -> (0)>
module attributes {stable_mosaic.version = 14 : i64} {
  func.func @k_last(%arg0: i32, %arg1: i32, %arg2: memref<2x128x16xi32, #tpu.memory_space<hbm>>, %arg3: memref<2x128x16xf32, #tpu.memory_space<hbm>>, %arg4: memref<64xi32, #tpu.memory_space<hbm>>, %arg5: memref<16xf32, #tpu.memory_space<hbm>>, %arg6: memref<16xf32, #tpu.memory_space<hbm>>, %arg7: memref<2x128x16xi32, #tpu.memory_space<vmem>>, %arg8: memref<2x128x16xf32, #tpu.memory_space<vmem>>, %arg9: memref<2064xi32, #tpu.memory_space<vmem>>, %arg10: memref<2064xf32, #tpu.memory_space<vmem>>, %arg11: memref<64xi32, #tpu.memory_space<vmem>>, %arg12: memref<16xf32, #tpu.memory_space<vmem>>, %arg13: memref<16xf32, #tpu.memory_space<vmem>>, %arg14: memref<!tpu.dma_semaphore, #tpu.memory_space<semaphore_mem>>) attributes {dimension_semantics = [#tpu.dimension_semantics<core_parallel>, #tpu.dimension_semantics<subcore_parallel>], iteration_bounds = array<i64: 2, 16>, scalar_prefetch = 0 : i64, scratch_operands = 8 : i64, tpu.core_type = #tpu.core_type<sc_vector_subcore>, window_params = [{transform_indices = #map}, {transform_indices = #map}, {transform_indices = #map1}, {transform_indices = #map1}, {transform_indices = #map1}]} {
    %mul3A = arith.constant 16 : i32
    %mul3A_0 = arith.muli %arg0, %mul3A : i32
    %add3A = arith.addi %mul3A_0, %arg1 : i32
    tpu.enqueue_dma source(%arg2 : memref<2x128x16xi32, #tpu.memory_space<hbm>>) target(%arg7 : memref<2x128x16xi32, #tpu.memory_space<vmem>>) target_semaphore(%arg14 : memref<!tpu.dma_semaphore, #tpu.memory_space<semaphore_mem>>)
    tpu.enqueue_dma source(%arg3 : memref<2x128x16xf32, #tpu.memory_space<hbm>>) target(%arg8 : memref<2x128x16xf32, #tpu.memory_space<vmem>>) target_semaphore(%arg14 : memref<!tpu.dma_semaphore, #tpu.memory_space<semaphore_mem>>)
    tpu.enqueue_dma source(%arg4 : memref<64xi32, #tpu.memory_space<hbm>>) target(%arg11 : memref<64xi32, #tpu.memory_space<vmem>>) target_semaphore(%arg14 : memref<!tpu.dma_semaphore, #tpu.memory_space<semaphore_mem>>)
    tpu.enqueue_dma source(%arg5 : memref<16xf32, #tpu.memory_space<hbm>>) target(%arg12 : memref<16xf32, #tpu.memory_space<vmem>>) target_semaphore(%arg14 : memref<!tpu.dma_semaphore, #tpu.memory_space<semaphore_mem>>)
    tpu.wait_dma2 semaphore(%arg14 : memref<!tpu.dma_semaphore, #tpu.memory_space<semaphore_mem>>) src(%arg2 : memref<2x128x16xi32, #tpu.memory_space<hbm>>) dst(%arg7 : memref<2x128x16xi32, #tpu.memory_space<vmem>>)
    tpu.wait_dma2 semaphore(%arg14 : memref<!tpu.dma_semaphore, #tpu.memory_space<semaphore_mem>>) src(%arg3 : memref<2x128x16xf32, #tpu.memory_space<hbm>>) dst(%arg8 : memref<2x128x16xf32, #tpu.memory_space<vmem>>)
    tpu.wait_dma2 semaphore(%arg14 : memref<!tpu.dma_semaphore, #tpu.memory_space<semaphore_mem>>) src(%arg4 : memref<64xi32, #tpu.memory_space<hbm>>) dst(%arg11 : memref<64xi32, #tpu.memory_space<vmem>>)
    tpu.wait_dma2 semaphore(%arg14 : memref<!tpu.dma_semaphore, #tpu.memory_space<semaphore_mem>>) src(%arg5 : memref<16xf32, #tpu.memory_space<hbm>>) dst(%arg12 : memref<16xf32, #tpu.memory_space<vmem>>)
    %get3A = arith.constant 0 : index
    %get3A_1 = tpu.vector_load %arg11[%get3A] {strides = array<i32>} : memref<64xi32, #tpu.memory_space<vmem>>, vector<16xi32>,
    %reduce_max3A = arith.constant true
    %reduce_max3A_2 = vector.broadcast %reduce_max3A : i1 to vector<16xi1>
    %reduce_max3A_3 = arith.constant -2147483648 : i32
    %reduce_max3A_4 = vector.broadcast %reduce_max3A_3 : i32 to vector<16xi32>
    %reduce_max3A_5 = arith.xori %get3A_1, %reduce_max3A_4 : vector<16xi32>
    %reduce_max3A_6 = tpu.scan <max>, %reduce_max3A_5 masked %reduce_max3A_2 : vector<16xi32>, vector<16xi1> -> vector<16xi32>
    %reduce_max3A_7 = arith.xori %reduce_max3A_6, %reduce_max3A_4 : vector<16xi32>
    %reduce_max3A_8 = vector.extract %reduce_max3A_7[15] : i32 from vector<16xi32>
    %get3A_9 = arith.constant 16 : index
    %get3A_10 = tpu.vector_load %arg11[%get3A_9] {strides = array<i32>} : memref<64xi32, #tpu.memory_space<vmem>>, vector<16xi32>,
    %reduce_max3A_11 = arith.constant true
    %reduce_max3A_12 = vector.broadcast %reduce_max3A_11 : i1 to vector<16xi1>
    %reduce_max3A_13 = arith.constant -2147483648 : i32
    %reduce_max3A_14 = vector.broadcast %reduce_max3A_13 : i32 to vector<16xi32>
    %reduce_max3A_15 = arith.xori %get3A_10, %reduce_max3A_14 : vector<16xi32>
    %reduce_max3A_16 = tpu.scan <max>, %reduce_max3A_15 masked %reduce_max3A_12 : vector<16xi32>, vector<16xi1> -> vector<16xi32>
    %reduce_max3A_17 = arith.xori %reduce_max3A_16, %reduce_max3A_14 : vector<16xi32>
    %reduce_max3A_18 = vector.extract %reduce_max3A_17[15] : i32 from vector<16xi32>
    %get3A_19 = arith.constant 32 : index
    %get3A_20 = tpu.vector_load %arg11[%get3A_19] {strides = array<i32>} : memref<64xi32, #tpu.memory_space<vmem>>, vector<16xi32>,
    %reduce_max3A_21 = arith.constant true
    %reduce_max3A_22 = vector.broadcast %reduce_max3A_21 : i1 to vector<16xi1>
    %reduce_max3A_23 = arith.constant -2147483648 : i32
    %reduce_max3A_24 = vector.broadcast %reduce_max3A_23 : i32 to vector<16xi32>
    %reduce_max3A_25 = arith.xori %get3A_20, %reduce_max3A_24 : vector<16xi32>
    %reduce_max3A_26 = tpu.scan <max>, %reduce_max3A_25 masked %reduce_max3A_22 : vector<16xi32>, vector<16xi1> -> vector<16xi32>
    %reduce_max3A_27 = arith.xori %reduce_max3A_26, %reduce_max3A_24 : vector<16xi32>
    %reduce_max3A_28 = vector.extract %reduce_max3A_27[15] : i32 from vector<16xi32>
    %get3A_29 = arith.constant 0 : index
    %get3A_30 = tpu.vector_load %arg12[%get3A_29] {strides = array<i32>} : memref<16xf32, #tpu.memory_space<vmem>>, vector<16xf32>,
    %reduce_max3A_31 = arith.constant true
    %reduce_max3A_32 = vector.broadcast %reduce_max3A_31 : i1 to vector<16xi1>
    %reduce_max3A_33 = tpu.scan <max>, %get3A_30 masked %reduce_max3A_32 : vector<16xf32>, vector<16xi1> -> vector<16xf32>
    %reduce_max3A_34 = vector.extract %reduce_max3A_33[15] : f32 from vector<16xf32>
    %iota3A = tpu.iota {dimensions = array<i32: 0>} : vector<16xi32>
    %broadcast_in_dim3A = arith.constant 0 : i32
    %broadcast_in_dim3A_35 = vector.broadcast %broadcast_in_dim3A : i32 to vector<16xi32>
    %swap3A = arith.constant 2048 : index
    %swap3A_36 = tpu.vector_load %arg9[%swap3A] {strides = array<i32>} : memref<2064xi32, #tpu.memory_space<vmem>>, vector<16xi32>,
    tpu.vector_store %arg9[%swap3A], %broadcast_in_dim3A_35 {strides = array<i32>} : memref<2064xi32, #tpu.memory_space<vmem>>, vector<16xi32>,
    %broadcast_in_dim3A_37 = arith.constant 0.000000e+00 : f32
    %broadcast_in_dim3A_38 = vector.broadcast %broadcast_in_dim3A_37 : f32 to vector<16xf32>
    %swap3A_39 = arith.constant 2048 : index
    %swap3A_40 = tpu.vector_load %arg10[%swap3A_39] {strides = array<i32>} : memref<2064xf32, #tpu.memory_space<vmem>>, vector<16xf32>,
    tpu.vector_store %arg10[%swap3A_39], %broadcast_in_dim3A_38 {strides = array<i32>} : memref<2064xf32, #tpu.memory_space<vmem>>, vector<16xf32>,
    %scan3A = arith.constant 0 : i32
    %scan3A_41 = arith.constant 0.000000e+00 : f32
    %scan3A_42 = arith.constant 0 : i32
    %scan3A_43 = arith.constant 128 : i32
    %scan3A_44 = arith.addi %scan3A_42, %scan3A_43 : i32
    %scan3A_45 = arith.constant 1 : i32
    %scan3A_46:2 = scf.for %scan3A_92 = %scan3A_42 to %scan3A_44 step %scan3A_45 iter_args(%scan3A_93 = %scan3A, %scan3A_94 = %scan3A_41) -> (i32, f32)  : i32 {
      %sub3A_95 = arith.constant 127 : i32
      %sub3A_96 = arith.subi %sub3A_95, %scan3A_92 : i32
      %get3A_97 = arith.constant 0 : i32
      %get3A_98 = arith.index_cast %get3A_97 : i32 to index
      %get3A_99 = arith.index_cast %sub3A_96 : i32 to index
      %get3A_100 = arith.constant 0 : index
      %get3A_101 = tpu.vector_load %arg7[%get3A_98, %get3A_99, %get3A_100] {strides = array<i32>} : memref<2x128x16xi32, #tpu.memory_space<vmem>>, vector<16xi32>,
      %get3A_102 = arith.constant 1 : i32
      %get3A_103 = arith.index_cast %get3A_102 : i32 to index
      %get3A_104 = arith.index_cast %sub3A_96 : i32 to index
      %get3A_105 = arith.constant 0 : index
      %get3A_106 = tpu.vector_load %arg7[%get3A_103, %get3A_104, %get3A_105] {strides = array<i32>} : memref<2x128x16xi32, #tpu.memory_space<vmem>>, vector<16xi32>,
      %add3A_107 = arith.addi %get3A_101, %get3A_106 : vector<16xi32>
      %get3A_108 = arith.constant 0 : i32
      %get3A_109 = arith.index_cast %get3A_108 : i32 to index
      %get3A_110 = arith.index_cast %sub3A_96 : i32 to index
      %get3A_111 = arith.constant 0 : index
      %get3A_112 = tpu.vector_load %arg8[%get3A_109, %get3A_110, %get3A_111] {strides = array<i32>} : memref<2x128x16xf32, #tpu.memory_space<vmem>>, vector<16xf32>,
      %get3A_113 = arith.constant 1 : i32
      %get3A_114 = arith.index_cast %get3A_113 : i32 to index
      %get3A_115 = arith.index_cast %sub3A_96 : i32 to index
      %get3A_116 = arith.constant 0 : index
      %get3A_117 = tpu.vector_load %arg8[%get3A_114, %get3A_115, %get3A_116] {strides = array<i32>} : memref<2x128x16xf32, #tpu.memory_space<vmem>>, vector<16xf32>,
      %add3A_118 = arith.addf %get3A_112, %get3A_117 : vector<16xf32>
      %rev3A = arith.constant 15 : i32
      %rev3A_119 = vector.broadcast %rev3A : i32 to vector<16xi32>
      %rev3A_120 = tpu.iota {dimensions = array<i32: 0>} : vector<16xi32>
      %rev3A_121 = arith.subi %rev3A_119, %rev3A_120 : vector<16xi32>
      %rev3A_122 = tpu.dynamic_gather %add3A_107[%rev3A_121] in [0] : vector<16xi32>, vector<16xi32> -> vector<16xi32>
      %broadcast_in_dim3A_123 = arith.constant true
      %broadcast_in_dim3A_124 = vector.broadcast %broadcast_in_dim3A_123 : i1 to vector<16xi1>
      %masked_cumsum3A = tpu.scan <sum>, %rev3A_122 masked %broadcast_in_dim3A_124 : vector<16xi32>, vector<16xi1> -> vector<16xi32>
      %rev3A_125 = arith.constant 15 : i32
      %rev3A_126 = vector.broadcast %rev3A_125 : i32 to vector<16xi32>
      %rev3A_127 = tpu.iota {dimensions = array<i32: 0>} : vector<16xi32>
      %rev3A_128 = arith.subi %rev3A_126, %rev3A_127 : vector<16xi32>
      %rev3A_129 = tpu.dynamic_gather %masked_cumsum3A[%rev3A_128] in [0] : vector<16xi32>, vector<16xi32> -> vector<16xi32>
      %add3A_130 = vector.broadcast %scan3A_93 : i32 to vector<16xi32>
      %add3A_131 = arith.addi %rev3A_129, %add3A_130 : vector<16xi32>
      %rev3A_132 = arith.constant 15 : i32
      %rev3A_133 = vector.broadcast %rev3A_132 : i32 to vector<16xi32>
      %rev3A_134 = tpu.iota {dimensions = array<i32: 0>} : vector<16xi32>
      %rev3A_135 = arith.subi %rev3A_133, %rev3A_134 : vector<16xi32>
      %rev3A_136 = tpu.dynamic_gather %add3A_118[%rev3A_135] in [0] : vector<16xf32>, vector<16xi32> -> vector<16xf32>
      %broadcast_in_dim3A_137 = arith.constant true
      %broadcast_in_dim3A_138 = vector.broadcast %broadcast_in_dim3A_137 : i1 to vector<16xi1>
      %masked_cumsum3A_139 = tpu.scan <sum>, %rev3A_136 masked %broadcast_in_dim3A_138 : vector<16xf32>, vector<16xi1> -> vector<16xf32>
      %rev3A_140 = arith.constant 15 : i32
      %rev3A_141 = vector.broadcast %rev3A_140 : i32 to vector<16xi32>
      %rev3A_142 = tpu.iota {dimensions = array<i32: 0>} : vector<16xi32>
      %rev3A_143 = arith.subi %rev3A_141, %rev3A_142 : vector<16xi32>
      %rev3A_144 = tpu.dynamic_gather %masked_cumsum3A_139[%rev3A_143] in [0] : vector<16xf32>, vector<16xi32> -> vector<16xf32>
      %add3A_145 = vector.broadcast %scan3A_94 : f32 to vector<16xf32>
      %add3A_146 = arith.addf %rev3A_144, %add3A_145 : vector<16xf32>
      %mul3A_147 = arith.constant 16 : i32
      %mul3A_148 = arith.muli %sub3A_96, %mul3A_147 : i32
      %swap3A_149 = arith.index_cast %mul3A_148 : i32 to index
      %swap3A_150 = tpu.vector_load %arg9[%swap3A_149] {strides = array<i32>} : memref<2064xi32, #tpu.memory_space<vmem>>, vector<16xi32>,
      tpu.vector_store %arg9[%swap3A_149], %add3A_131 {strides = array<i32>} : memref<2064xi32, #tpu.memory_space<vmem>>, vector<16xi32>,
      %mul3A_151 = arith.constant 16 : i32
      %mul3A_152 = arith.muli %sub3A_96, %mul3A_151 : i32
      %swap3A_153 = arith.index_cast %mul3A_152 : i32 to index
      %swap3A_154 = tpu.vector_load %arg10[%swap3A_153] {strides = array<i32>} : memref<2064xf32, #tpu.memory_space<vmem>>, vector<16xf32>,
      tpu.vector_store %arg10[%swap3A_153], %add3A_146 {strides = array<i32>} : memref<2064xf32, #tpu.memory_space<vmem>>, vector<16xf32>,
      %reduce_max3A_155 = arith.constant true
      %reduce_max3A_156 = vector.broadcast %reduce_max3A_155 : i1 to vector<16xi1>
      %reduce_max3A_157 = arith.constant -2147483648 : i32
      %reduce_max3A_158 = vector.broadcast %reduce_max3A_157 : i32 to vector<16xi32>
      %reduce_max3A_159 = arith.xori %add3A_131, %reduce_max3A_158 : vector<16xi32>
      %reduce_max3A_160 = tpu.scan <max>, %reduce_max3A_159 masked %reduce_max3A_156 : vector<16xi32>, vector<16xi1> -> vector<16xi32>
      %reduce_max3A_161 = arith.xori %reduce_max3A_160, %reduce_max3A_158 : vector<16xi32>
      %reduce_max3A_162 = vector.extract %reduce_max3A_161[15] : i32 from vector<16xi32>
      %reduce_max3A_163 = arith.constant true
      %reduce_max3A_164 = vector.broadcast %reduce_max3A_163 : i1 to vector<16xi1>
      %reduce_max3A_165 = tpu.scan <max>, %add3A_146 masked %reduce_max3A_164 : vector<16xf32>, vector<16xi1> -> vector<16xf32>
      %reduce_max3A_166 = vector.extract %reduce_max3A_165[15] : f32 from vector<16xf32>
      scf.yield %reduce_max3A_162, %reduce_max3A_166 : i32, f32
    }
    %scan3A_47 = arith.constant 128 : i32
    %scan3A_48 = arith.constant -1 : i32
    %scan3A_49 = arith.constant 0 : i32
    %scan3A_50 = arith.constant 128 : i32
    %scan3A_51 = arith.addi %scan3A_49, %scan3A_50 : i32
    %scan3A_52 = arith.constant 1 : i32
    %scan3A_53 = scf.for %scan3A_92 = %scan3A_49 to %scan3A_51 step %scan3A_52 iter_args(%scan3A_93 = %scan3A_48) -> (i32)  : i32 {
      %mul3A_94 = arith.constant 16 : i32
      %mul3A_95 = arith.muli %scan3A_92, %mul3A_94 : i32
      %get3A_96 = arith.index_cast %mul3A_95 : i32 to index
      %get3A_97 = tpu.vector_load %arg9[%get3A_96] {strides = array<i32>} : memref<2064xi32, #tpu.memory_space<vmem>>, vector<16xi32>,
      %ge3A = vector.broadcast %reduce_max3A_8 : i32 to vector<16xi32>
      %ge3A_98 = arith.cmpi sge, %get3A_97, %ge3A : vector<16xi32>
      %mul3A_99 = arith.constant 16 : i32
      %mul3A_100 = arith.muli %scan3A_92, %mul3A_99 : i32
      %add3A_101 = vector.broadcast %mul3A_100 : i32 to vector<16xi32>
      %add3A_102 = arith.addi %iota3A, %add3A_101 : vector<16xi32>
      %jit3A = arith.constant -1 : i32
      %broadcast_in_dim3A_103 = vector.broadcast %jit3A : i32 to vector<16xi32>
      %select_n3A = arith.select %ge3A_98, %add3A_102, %broadcast_in_dim3A_103 : vector<16xi1>, vector<16xi32>
      %reduce_max3A_104 = arith.constant true
      %reduce_max3A_105 = vector.broadcast %reduce_max3A_104 : i1 to vector<16xi1>
      %reduce_max3A_106 = arith.constant -2147483648 : i32
      %reduce_max3A_107 = vector.broadcast %reduce_max3A_106 : i32 to vector<16xi32>
      %reduce_max3A_108 = arith.xori %select_n3A, %reduce_max3A_107 : vector<16xi32>
      %reduce_max3A_109 = tpu.scan <max>, %reduce_max3A_108 masked %reduce_max3A_105 : vector<16xi32>, vector<16xi1> -> vector<16xi32>
      %reduce_max3A_110 = arith.xori %reduce_max3A_109, %reduce_max3A_107 : vector<16xi32>
      %reduce_max3A_111 = vector.extract %reduce_max3A_110[15] : i32 from vector<16xi32>
      %max3A = arith.maxsi %scan3A_93, %reduce_max3A_111 : i32
      scf.yield %max3A : i32
    }
    %scan3A_54 = arith.constant 128 : i32
    %broadcast_in_dim3A_55 = arith.constant 0 : i32
    %broadcast_in_dim3A_56 = vector.broadcast %broadcast_in_dim3A_55 : i32 to vector<16xi32>
    %add3A_57 = arith.constant 1 : i32
    %add3A_58 = arith.addi %scan3A_53, %add3A_57 : i32
    %add3A_59 = vector.broadcast %add3A_58 : i32 to vector<16xi32>
    %add3A_60 = arith.addi %broadcast_in_dim3A_56, %add3A_59 : vector<16xi32>
    %gather3A = tpu.vector_load_idx %arg9[%add3A_60] : memref<2064xi32, #tpu.memory_space<vmem>>[vector<16xi32>], vector<16xi32>,
    %reduce_max3A_61 = arith.constant true
    %reduce_max3A_62 = vector.broadcast %reduce_max3A_61 : i1 to vector<16xi1>
    %reduce_max3A_63 = arith.constant -2147483648 : i32
    %reduce_max3A_64 = vector.broadcast %reduce_max3A_63 : i32 to vector<16xi32>
    %reduce_max3A_65 = arith.xori %gather3A, %reduce_max3A_64 : vector<16xi32>
    %reduce_max3A_66 = tpu.scan <max>, %reduce_max3A_65 masked %reduce_max3A_62 : vector<16xi32>, vector<16xi1> -> vector<16xi32>
    %reduce_max3A_67 = arith.xori %reduce_max3A_66, %reduce_max3A_64 : vector<16xi32>
    %reduce_max3A_68 = vector.extract %reduce_max3A_67[15] : i32 from vector<16xi32>
    %gather3A_69 = tpu.vector_load_idx %arg10[%add3A_60] : memref<2064xf32, #tpu.memory_space<vmem>>[vector<16xi32>], vector<16xf32>,
    %reduce_max3A_70 = arith.constant true
    %reduce_max3A_71 = vector.broadcast %reduce_max3A_70 : i1 to vector<16xi1>
    %reduce_max3A_72 = tpu.scan <max>, %gather3A_69 masked %reduce_max3A_71 : vector<16xf32>, vector<16xi1> -> vector<16xf32>
    %reduce_max3A_73 = vector.extract %reduce_max3A_72[15] : f32 from vector<16xf32>
    %sub3A = arith.subi %reduce_max3A_8, %reduce_max3A_68 : i32
    %add3A_74 = arith.addi %reduce_max3A_28, %reduce_max3A_68 : i32
    %add3A_75 = arith.addf %reduce_max3A_34, %reduce_max3A_73 : f32
    %shift_left3A = arith.constant 11 : i32
    %shift_left3A_76 = arith.shli %reduce_max3A_18, %shift_left3A : i32
    %or3A = arith.ori %shift_left3A_76, %scan3A_53 : i32
    %broadcast_in_dim3A_77 = arith.constant 0 : i32
    %broadcast_in_dim3A_78 = vector.broadcast %broadcast_in_dim3A_77 : i32 to vector<16xi32>
    %add3A_79 = vector.broadcast %or3A : i32 to vector<16xi32>
    %add3A_80 = arith.addi %broadcast_in_dim3A_78, %add3A_79 : vector<16xi32>
    %bitcast_convert_type3A = tpu.bitcast %add3A_80 : vector<16xi32> -> vector<16xf32>
    %reduce_max3A_81 = arith.constant true
    %reduce_max3A_82 = vector.broadcast %reduce_max3A_81 : i1 to vector<16xi1>
    %reduce_max3A_83 = tpu.scan <max>, %bitcast_convert_type3A masked %reduce_max3A_82 : vector<16xf32>, vector<16xi1> -> vector<16xf32>
    %reduce_max3A_84 = vector.extract %reduce_max3A_83[15] : f32 from vector<16xf32>
    %convert_element_type3A = arith.sitofp %sub3A : i32 to f32
    %mul3A_85 = arith.mulf %convert_element_type3A, %reduce_max3A_84 : f32
    %add3A_86 = arith.addf %add3A_75, %mul3A_85 : f32
    %mul3A_87 = arith.constant 1.562500e-02 : f32
    %mul3A_88 = arith.mulf %add3A_86, %mul3A_87 : f32
    %eq3A = arith.constant 0 : i32
    %eq3A_89 = arith.cmpi eq, %add3A, %eq3A : i32
    %convert_element_type3A_90 = arith.extui %eq3A_89 : i1 to i32
    %cond3A = arith.constant 0 : i32
    %cond3A_91 = arith.cmpi ne, %convert_element_type3A_90, %cond3A : i32
    scf.if %cond3A_91 {
      %broadcast_in_dim3A_92 = arith.constant 0.000000e+00 : f32
      %broadcast_in_dim3A_93 = vector.broadcast %broadcast_in_dim3A_92 : f32 to vector<16xf32>
      %add3A_94 = vector.broadcast %mul3A_88 : f32 to vector<16xf32>
      %add3A_95 = arith.addf %broadcast_in_dim3A_93, %add3A_94 : vector<16xf32>
      %swap3A_96 = arith.constant 0 : index
      %swap3A_97 = tpu.vector_load %arg13[%swap3A_96] {strides = array<i32>} : memref<16xf32, #tpu.memory_space<vmem>>, vector<16xf32>,
      tpu.vector_store %arg13[%swap3A_96], %add3A_95 {strides = array<i32>} : memref<16xf32, #tpu.memory_space<vmem>>, vector<16xf32>,
      "tpu.region"() ({
        %run_scoped3A = tpu.sem_alloc : memref<!tpu.dma_semaphore, #tpu.memory_space<semaphore_mem>>
        tpu.enqueue_dma source(%arg13 : memref<16xf32, #tpu.memory_space<vmem>>) target(%arg6 : memref<16xf32, #tpu.memory_space<hbm>>) target_semaphore(%run_scoped3A : memref<!tpu.dma_semaphore, #tpu.memory_space<semaphore_mem>>)
        tpu.wait_dma2 semaphore(%run_scoped3A : memref<!tpu.dma_semaphore, #tpu.memory_space<semaphore_mem>>) src(%arg13 : memref<16xf32, #tpu.memory_space<vmem>>) dst(%arg6 : memref<16xf32, #tpu.memory_space<hbm>>)
        tpu.yield
      }) : () -> ()
    } else {
    }
    return
  }
}

</mosaic_0001>

<sc_bundles>
// kernel: kernel.12.cloned.1.call-start
scs
__scs_entry_jumppad:
0x0: {  	(pc) =	sbr.rel $0x88, $3  }
0x1: {  	(tag) =	ssettag $0x0;
	lr =	simm.s32 $0x1  }
0x2: {  	[smem:$0x3F9F] =	sst lr;
	_ =	strace $0xD0000000  }
0x3: {  	_ = 	snop  }
0x4: {  	_ = 	snop  }
0x5: {  	_ = 	snop  }
0x6: {  	_ = 	snop  }
0x7: {  	_ = 	snop  }
__scs_overlays_trampoline_lowered:
0x8: {  	[smem:$0x3FAE] =	sst s0  }
0x9: {  	[smem:$0x3FAF] =	sst s1  }
0xa: {  	[smem:$0x3FB0] =	sst s2  }
0xb: {  	[smem:$0x3FB1] =	sst s3  }
0xc: {  	[smem:$0x3FB2] =	sst s4  }
0xd: {  	[smem:$0x3FB3] =	sst s5  }
0xe: {  	[smem:$0x3FB4] =	sst s6  }
0xf: {  	[smem:$0x3FB5] =	sst s7  }
0x10: {  	[smem:$0x3FB6] =	sst s8  }
0x11: {  	[smem:$0x3FB7] =	sst s9;
	s0 =	simm.s32 @!p0 $0x0  }
0x12: {  	s1 =	sld [smem:$0x3F9D];
	s0 =	simm.s32 @p0 $0x1  }
0x13: {  	[smem:$0x3FB8] =	sst s0;
	s0 =	simm.s32 @!p1 $0x0  }
0x14: {  	s2 =	sld [smem:$0x3F9C];
	s0 =	simm.s32 @p1 $0x1  }
0x15: {  	[smem:$0x3FB9] =	sst s0;
	s0 =	simm.s32 @!p2 $0x0  }
0x16: {  	s3 =	sld [smem:$0x3FDB];
	s0 =	simm.s32 @p2 $0x1  }
0x17: {  	s4 =	simm.s32 $0x1BF5;
	[smem:$0x3FBB] =	sst s0  }
0x18: {  	s0 =	sld [smem:$0x3F9E];
	_ =	swait.ge [sflag:s4], $0x0  }
0x19: {  	s7 =	sld [smem:$0x3F9F]  }
0x1a: {  	s8 =	sadd.s32 $0xFFFFE003, lr  }
0x1b: {  	s9 =	sadd.s32 $0xFFFFFEF7, lr;
	s5 =	simm.s32 $0xFFFFFFFF;
	p2 =	slt.u32 s8, $0xFFFFF086  }
0x1c: {  	p1 =	slt.u32 s9, $0xF7A;
	s5 =	simm.s32 @!p2 $0x0  }
0x1d: {  	s5 =	simm.s32 @p1 $0x1;
	p0 =	seq.s32 s7, s2  }
0x1e: {  	s7 =	smul.u32 @!p0 $0xF7A, s2;
	p2 =	seq.s32 @!p0 s5, $0x0  }
0x1f: {  	s9 =	smul.u32 $0xF7A, s1;
	s8 =	simm.s32 @!p0 $0x1BF5;
	p2 =	por !p2, p0  }
0x20: {  	[sflag:s8] =	ssyncset.s32 @!p0 $0xFFFFF086;
	s6 =	sadd.s32 @!p0 s3, s7;
	s7 =	simm.s32 @!p0 $0x108  }
0x21: {  	s3 =	sadd.s32 s3, s9;
	s6 =	sadd.s32 @!p0 $0x88, s6;
	s7 =	simm.s32 @p2 $0x1082  }
0x22: {  	[simem:s7], [sflag:s8] =	dma.local @!p0 [hbm:s6], $0xF7A  }
0x23: {  	s9 =	sor.u32 $0xD0000000, s2;
	s6 =	simm.s32 $0x108;
	_ =	swait.ge @!p0 [sflag:s8], $0x0  }
0x24: {  	s3 =	sadd.s32 $0x88, s3;
	s6 =	simm.s32 @!p1 $0x1082;
	[sflag:s4] =	ssyncset.s32 $0xFFFFF086  }
0x25: {  	[simem:s6], [sflag:s4] =	dma.local [hbm:s3], $0xF7A  }
0x26: {  	[smem:$0x3F9F] =	sst s1;
	(tag) =	ssettag s2;
	_ =	strace s9  }
0x27: {  	s1 =	sld [smem:$0x3FAF]  }
0x28: {  	s2 =	sld [smem:$0x3FB0]  }
0x29: {  	s4 =	sld [smem:$0x3FB2]  }
0x2a: {  	p0 =	seq.s32 s5, $0x0;
	s5 =	sld [smem:$0x3FB3]  }
0x2b: {  	s6 =	sld [smem:$0x3FB4]  }
0x2c: {  	s7 =	sld [smem:$0x3FB5]  }
0x2d: {  	s3 =	simm.s32 $0x108;
	s8 =	sld [smem:$0x3FB6]  }
0x2e: {  	s3 =	simm.s32 @!p0 $0x1082;
	s9 =	sld [smem:$0x3FB7]  }
0x2f: {  	lr =	sadd.s32 s0, s3;
	s0 =	sld [smem:$0x3FAE]  }
0x30: {  	s3 =	sld [smem:$0x3FB1]  }
0x31: {  	[smem:$0x3FBA] =	sst s10  }
0x32: {  	s10 =	sld [smem:$0x3FB8];
	_ =	sdelay $0x3  }
0x33: {  	p0 =	seq.s32 s10, $0x1;
	s10 =	sld [smem:$0x3FBA];
	_ =	sdelay $0x3  }
0x34: {  	[smem:$0x3FBA] =	sst s10  }
0x35: {  	s10 =	sld [smem:$0x3FB9];
	_ =	sdelay $0x3  }
0x36: {  	p1 =	seq.s32 s10, $0x1;
	s10 =	sld [smem:$0x3FBA];
	_ =	sdelay $0x3  }
0x37: {  	[smem:$0x3FBA] =	sst s10  }
0x38: {  	s10 =	sld [smem:$0x3FBB]  }
0x39: {  	_ = 	snop;
	(pc) =	sbr.ind lr, $3  }
0x3a: {  	_ = 	snop  }
0x3b: {  	_ = 	snop  }
0x3c: {  	p2 =	seq.s32 s10, $0x1;
	s10 =	sld [smem:$0x3FBA]  }
0x3d: {  	_ =	shalt  }
0x3e: {  	_ =	shalt  }
0x3f: {  	_ =	shalt  }
0x40: {  	_ =	shalt  }
0x41: {  	_ =	shalt  }
0x42: {  	_ =	shalt  }
0x43: {  	_ =	shalt  }
0x44: {  	_ =	shalt  }
0x45: {  	_ =	shalt  }
0x46: {  	_ =	shalt  }
0x47: {  	_ =	shalt  }
0x48: {  	_ =	shalt  }
0x49: {  	_ =	shalt  }
0x4a: {  	_ =	shalt  }
0x4b: {  	_ =	shalt  }
0x4c: {  	_ =	shalt  }
0x4d: {  	_ =	shalt  }
0x4e: {  	_ =	shalt  }
0x4f: {  	_ =	shalt  }
0x50: {  	_ =	shalt  }
0x51: {  	_ =	shalt  }
0x52: {  	_ =	shalt  }
0x53: {  	_ =	shalt  }
0x54: {  	_ =	shalt  }
0x55: {  	_ =	shalt  }
0x56: {  	_ =	shalt  }
0x57: {  	_ =	shalt  }
0x58: {  	_ =	shalt  }
0x59: {  	_ =	shalt  }
0x5a: {  	_ =	shalt  }
0x5b: {  	_ =	shalt  }
0x5c: {  	_ =	shalt  }
0x5d: {  	_ =	shalt  }
0x5e: {  	_ =	shalt  }
0x5f: {  	_ =	shalt  }
0x60: {  	_ =	shalt  }
0x61: {  	_ =	shalt  }
0x62: {  	_ =	shalt  }
0x63: {  	_ =	shalt  }
0x64: {  	_ =	shalt  }
0x65: {  	_ =	shalt  }
0x66: {  	_ =	shalt  }
0x67: {  	_ =	shalt  }
0x68: {  	_ =	shalt  }
0x69: {  	_ =	shalt  }
0x6a: {  	_ =	shalt  }
0x6b: {  	_ =	shalt  }
0x6c: {  	_ =	shalt  }
0x6d: {  	_ =	shalt  }
0x6e: {  	_ =	shalt  }
0x6f: {  	_ =	shalt  }
0x70: {  	_ =	shalt  }
0x71: {  	_ =	shalt  }
0x72: {  	_ =	shalt  }
0x73: {  	_ =	shalt  }
0x74: {  	_ =	shalt  }
0x75: {  	_ =	shalt  }
0x76: {  	_ =	shalt  }
0x77: {  	_ =	shalt  }
0x78: {  	_ =	shalt  }
0x79: {  	_ =	shalt  }
0x7a: {  	_ =	shalt  }
0x7b: {  	_ =	shalt  }
0x7c: {  	_ =	shalt  }
0x7d: {  	_ =	shalt  }
0x7e: {  	_ =	shalt  }
0x7f: {  	_ =	shalt  }
0x80: {  	_ =	shalt  }
0x81: {  	_ =	shalt  }
0x82: {  	_ =	shalt  }
0x83: {  	_ =	shalt  }
0x84: {  	_ =	shalt  }
0x85: {  	_ =	shalt  }
0x86: {  	_ =	shalt  }
0x87: {  	_ =	shalt  }
.Lfunc_end0:
.L_simem_size_0:
called_computation.2_lowered:
.L_overlay_start_0:
0x88: {  	s2 =	sld [smem:$0x3FD9]  }
0x89: {  	s3 =	sld [smem:$0x3FFE];
	_ =	sdelay $0x1  }
0x8a: {  	s1 =	srdreg.scid  }
0x8b: {  	s0 =	sand.u32 $0x1, s1  }
0x8c: {  	s17 =	sshll.u32 s0, $0xA;
	s2 =	sadd.s32 s3, s2  }
0x8d: {  	s2 =	sadd.s32 s2, s17  }
0x8e: {  	[smem:$0x3FC6] =	sst s2  }
0x8f: {  	_ = 	snop  }
0x90: {  	s2 =	sld [smem:$0x3FD0];
	(tm) =	ssettm $0x1  }
0x91: {  	s18 =	sld [smem:$0x3FFB];
	_ =	sdelay $0x3  }
0x92: {  	_ =	strace s18  }
0x93: {  	s3 =	sld [smem:$0x3FFC];
	_ =	sdelay $0x3  }
0x94: {  	_ =	strace s3  }
0x95: {  	s3 =	sld [smem:$0x3FFD];
	_ =	sdelay $0x3  }
0x96: {  	_ =	strace s3  }
0x97: {  	_ =	strace $0x8FFFFFFF  }
0x98: {  	s19 =	sld [smem:$0x3FDB];
	_ =	sdelay $0x1  }
0x99: {  	s4 =	simm.s32 $_scs_section_size  }
0x9a: {  	s5 =	simm.s32 $_size__tile_overlayer_lowered;
	s6 =	simm.s32 $_tile_overlayer_lowered  }
0x9b: {  	s22 =	simm.s32 $0x1BFF;
	s21 =	sshll.u32 s6, $0x1;
	s3 =	sadd.s32 s4, s19  }
0x9c: {  	s7 =	simm.s32 $0x0;
	s20 =	sshll.u32 s5, $0x1;
	s5 =	sadd.s32 s21, s3  }
0x9d: {  	[timem:s7], [sflag:s22] =	dma.local [hbm:s5], s20  }
0x9e: {  	_ =	swait.ge [sflag:s22], s20  }
0x9f: {  	s4 =	ssub.s32 $0x0, s20;
	[sflag:s22] =	ssyncset.done $0x0  }
0xa0: {  	[sflag:s22] =	ssyncadd.s32 s4;
	_ =	sdelay $0x1  }
0xa1: {  	s23 =	simm.s32 $0x1B8B  }
0xa2: {  	_ =	swait.ge [sflag:s23], $0x1  }
0xa3: {  	[sflag:s23] =	ssyncset.done $0x0  }
0xa4: {  	s25 =	simm.s32 $0x1B8E;
	s24 =	sld [smem:$0x3FFE];
	[sflag:s23] =	ssyncadd.s32 $0xFFFFFFFF  }
0xa5: {  	s26 =	simm.s32 $execute0_lowered;
	[smem:$0x3FD2] =	sst s25  }
0xa6: {  	s5 =	sshll.u32 s26, $0x1;
	_ =	strace $0x8000004C;
	[dreg:$0x1] =	wrdreg $0xFFFFFFFF  }
0xa7: {  	s28 =	simm.s32 $_size_execute0_lowered;
	s3 =	sadd.s32 s3, s5;
	[dreg:$0x0] =	wrdreg $0x0  }
0xa8: {  	s5 =	sshll.u32 s28, $0x1;
	[dreg:$0x2] =	wrdreg s3  }
0xa9: {  	[dreg:$0x3] =	wrdreg s5  }
0xaa: {  	[dreg:$0x4] =	wrdreg $0xC0  }
0xab: {  	_ =	task [dreg:s7], $0x5FFFF  }
0xac: {  	[dreg:$0x1] =	wrdreg $0xFFFFFFFF  }
0xad: {  	[dreg:$0x0] =	wrdreg $0x60  }
0xae: {  	[dreg:$0x2] =	wrdreg s24  }
0xaf: {  	[dreg:$0x3] =	wrdreg s2  }
0xb0: {  	[dreg:$0x4] =	wrdreg $0x130200  }
0xb1: {  	[dreg:$0x5] =	wrdreg $0x130A00  }
0xb2: {  	[dreg:$0x6] =	wrdreg $0x9  }
0xb3: {  	_ =	task.clear_ibuf [dreg:s7], $0x7FFFF;
	_ =	strace $0x9000004C  }
0xb4: {  	s29 =	simm.s32 $0x9;
	_ =	strace $0x8000004E  }
0xb5: {  	_ =	swait.ge [sflag:s29], $0x1  }
0xb6: {  	[sflag:s29] =	ssyncadd.s32 $0xFFFFFFFF  }
0xb7: {  	_ =	strace $0x9000004E  }
0xb8: {  	_ =	sfence  }
0xb9: {  	s30 =	sld [smem:$0x0];
	_ =	sdelay $0x2  }
0xba: {  	s31 =	sshll.u32 s1, $0xD;
	s1 =	sshrl.u32 s1, $0x2  }
0xbb: {  	s3 =	sand.u32 $0x4000, s31;
	s1 =	sadd.s32 s1, s30  }
0xbc: {  	s0 =	sor.u32 s3, s0;
	s1 =	sshll.u32 s1, $0x11  }
0xbd: {  	s0 =	sor.u32 s1, s0  }
0xbe: {  	s0 =	sadd.s32 $0x8F2B, s0  }
0xbf: {  	[sflag:s0] =	ssyncadd.remote.s32 $0x1  }
0xc0: {  	_ =	sfence.sel $0xFFFF  }
0xc1: {  	[dreg:$0x0] =	wrdreg $0xFFFFFFFF;
	(pc) =	sbr.abs _section_cstart, $3  }
0xc2: {  	[dreg:$0x1] =	wrdreg $0xFFFFFFFF  }
0xc3: {  	_ =	task.clear_ibuf [dreg:s7], $0x2FFFF;
	_ =	strace $0x9FFFFFFF  }
0xc4: {  	(tm) =	ssettm $0x7FFFFFFF  }
0xc5: {  	_ =	shalt  }
tec
execute0_lowered:
.L_overlay_start_1:
0x0: {  	(tag) =	ssettag $0x1  }
0x1: {  	s0 =	rddreg [dreg:$0x0]  }
0x2: {  	s2 =	rddreg [dreg:$0x2]  }
0x3: {  	s3 =	rddreg [dreg:$0x3];
	s1 =	srdreg.scid  }
0x4: {  	s5 =	simm.s32 $0x0;
	s17 =	stileid.u32;
	s22 =	simm.s32 $0x1  }
0x5: {  	s25 =	simm.s32 $0x2;
	s26 =	simm.s32 $0x1800;
	s28 =	simm.s32 $0x9800  }
0x6: {  	s29 =	simm.s32 $0x0;
	s1 =	sand.u32 $0x1, s1;
	[smem:$0x7FF] =	sst s5  }
0x7: {  	s6 =	sadd.s32 $0x22600, s0;
	s8 =	sadd.s32 $0x22000, s0;
	s9 =	sadd.s32 $0x22400, s0  }
0x8: {  	s11 =	sadd.s32 $0x2200, s0;
	p1 =	seq.s32 s17, $0x0;
	s4 =	sshll.u32 s1, $0x4  }
0x9: {  	_ =	strace $0x8000004D;
	[dreg:$0x5] =	wrdreg s8;
	s8 =	sadd.s32 $0x22200, s0  }
0xa: {  	s10 =	sshll.u32 s1, $0x8;
	s1 =	ssub.s32 $0x2, s1;
	s4 =	sor.u32 s17, s4  }
0xb: {  	v0 =	vlaneseq.u32;
	s15 =	sadd.s32 s10, s0;
	s10 =	sadd.s32 $0x2000, s0;
	s12 =	sshrl.u32 s1, $0x1  }
0xc: {  	v3 =	vmul.u32 $0xFFFFFFFF, v0;
	s7 =	sshll.u32 s4, $0x1;
	s31 =	ssub.s32 s1, s12;
	s12 =	sshll.u32 s4, $0xF  }
0xd: {  	v1 =	vimm.s32 $0x0;
	v2 =	vimm.f32 $0.0e+00;
	v6 =	vimm.s32 $0x1;
	s14 =	sadd.s32 $0x1C00, s15;
	s15 =	sadd.s32 $0x1E00, s15;
	s7 =	sadd.s32 s7, s0  }
0xe: {  	v4 =	vor.u32 $0x80000000, v0;
	v5 =	vmul.u32 $0x800, v0;
	v3 =	vadd.s32 $0xF, v3;
	p0 =	sne.s32 s4, $0x0;
	s16 =	smax.u32 s31, $0x1;
	s13 =	sadd.s32 $0x42600, s7  }
.LBB2_1:
0xf: {  	s0 =	rddreg [dreg:$0x5];
	s1 =	simm.s32 $0x800  }
0x10: {  	[tilespmem:s1], [sflag:$0x1] =	stream.linear.gather [hbm4b:s0+s5], $0x800, $0x38;
	[tilespmem:$0x13200] =	vst v63  }
0x11: {  	s19 =	simm.s32 $0x1000  }
0x12: {  	[tilespmem:s19], [sflag:$0x1] =	stream.linear.gather [hbm4b:s8+s5], $0x800, $0x38;
	[tilespmem:$0x13200] =	vst v63  }
0x13: {  	s20 =	rddreg [dreg:$0x1];
	s21 =	simm.s32 $0x131A0  }
0x14: {  	[tilespmem:s21], [sflag:$0x1] =	stream.linear.gather [hbm4b:s20+s5], $0x40, $0x38;
	[tilespmem:$0x13200] =	vst v63  }
0x15: {  	s23 =	simm.s32 $0x131E0  }
0x16: {  	[tilespmem:s23], [sflag:$0x1] =	stream.linear.gather [hbm4b:s9+s5], $0x10, $0x38;
	[tilespmem:$0x13200] =	vst v63  }
0x17: {  	s24 =	simm.s32 $0x131F0  }
0x18: {  	[tilespmem:s24], [sflag:$0x1] =	stream.linear.gather [hbm4b:s13+s5], $0x10, $0x38;
	[tilespmem:$0x13200] =	vst v63  }
0x19: {  	_ =	swait.ge [sflag:s22], $0x800  }
0x1a: {  	[sflag:s22] =	ssyncset.done $0x0  }
0x1b: {  	[sflag:s22] =	ssyncadd.s32 $0xFFFFF800  }
0x1c: {  	_ =	swait.ge [sflag:s22], $0x800  }
0x1d: {  	[sflag:s22] =	ssyncset.done $0x0  }
0x1e: {  	[sflag:s22] =	ssyncadd.s32 $0xFFFFF800  }
0x1f: {  	_ =	swait.ge [sflag:s22], $0x40  }
0x20: {  	[sflag:s22] =	ssyncset.done $0x0  }
0x21: {  	[sflag:s22] =	ssyncadd.s32 $0xFFFFFFC0  }
0x22: {  	_ =	swait.ge [sflag:s22], $0x10  }
0x23: {  	[sflag:s22] =	ssyncset.done $0x0  }
0x24: {  	[sflag:s22] =	ssyncadd.s32 $0xFFFFFFF0  }
0x25: {  	_ =	swait.ge [sflag:s22], $0x10  }
0x26: {  	[sflag:s22] =	ssyncset.done $0x0  }
0x27: {  	[sflag:s22] =	ssyncadd.s32 $0xFFFFFFF0  }
0x28: {  	[tilespmem:$0x11C00] =	vst v1  }
0x29: {  	s4 =	simm.s32 $0x0;
	[tilespmem:$0x12010] =	vst v2  }
0x2a: {  	v12 =	vld [tilespmem:s4+$0xBF0]  }
0x2b: {  	v13 =	vld [tilespmem:s4+$0xFF0];
	_ =	sdelay $0x4  }
0x2c: {  	v12 =	vadd.s32 v12, v13  }
0x2d: {  	v12 =	vperm.xlane v12, v3;
	_ =	sdelay $0x1  }
0x2e: {  	(xrf0) =	vadd.scan.msk.s32 $0xffff, v12;
	_ =	sdelay $0x4  }
0x2f: {  	v14 =	vld [tilespmem:s4+$0x17F0]  }
0x30: {  	v13 =	vld [tilespmem:s4+$0x13F0];
	v12, _, _ =	vpop (xrf0)  }
0x31: {  	v12 =	vperm.xlane v12, v3;
	_ =	sdelay $0x1  }
0x32: {  	v11 =	vld [tilespmem:$0x131A0];
	v12 =	vadd.s32 s5, v12  }
0x33: {  	v10 =	vld [tilespmem:$0x131B0];
	v15 =	vxor.u32 $0x80000000, v12  }
0x34: {  	v8 =	vld [tilespmem:$0x131C0];
	v13 =	vadd.f32 v14, v13;
	(xrf0) =	vmax.scan.msk.u32 $0xffff, v15  }
0x35: {  	v7 =	vld [tilespmem:$0x131E0]  }
0x36: {  	s0 =	simm.s32 $0xFFFFFFF0;
	v9 =	vld [tilespmem:$0x131F0];
	v13 =	vperm.xlane v13, v3;
	[tilespmem:s4+$0x11BF0] =	vst v12  }
0x37: {  	v12 =	vld [tilespmem:s0+$0xBF0]  }
0x38: {  	(xrf2) =	vadd.scan.msk.f32 $0xffff, v13;
	v14 =	vld [tilespmem:s0+$0xFF0];
	_ =	sdelay $0x1  }
0x39: {  	v13, _, _ =	vpop (xrf0)  }
0x3a: {  	(v2sf) =	vpush v13, $0xF;
	_ =	sdelay $0x1  }
0x3b: {  	v12 =	vadd.s32 v12, v14  }
0x3c: {  	v12 =	vperm.xlane v12, v3;
	_ =	sdelay $0x3  }
0x3d: {  	(xrf0) =	vadd.scan.msk.s32 $0xffff, v12;
	v12, _, _ =	vpop (xrf2)  }
0x3e: {  	v12 =	vperm.xlane v12, v3  }
0x3f: {  	s30 =	simm.f32 $0.0e+00  }
0x40: {  	v12 =	vadd.f32 s30, v12;
	_ =	sdelay $0x1  }
0x41: {  	[tilespmem:s4+$0x12000] =	vst v12  }
0x42: {  	(xrf0) =	vmax.scan.msk.f32 $0xffff, v12;
	v14 =	vld [tilespmem:s0+$0x13F0]  }
0x43: {  	v13, _, _ =	vpop (xrf0);
	v15 =	vld [tilespmem:s0+$0x17F0]  }
0x44: {  	v13 =	vperm.xlane v13, v3;
	s31 =	spop (v2sf)  }
0x45: {  	s1 =	sxor.u32 $0x80000000, s31  }
0x46: {  	v13 =	vadd.s32 s1, v13  }
0x47: {  	v12 =	vxor.u32 $0x80000000, v13  }
0x48: {  	(xrf0) =	vmax.scan.msk.u32 $0xffff, v12;
	v12 =	vadd.f32 v15, v14;
	v14, _, _ =	vpop (xrf0)  }
0x49: {  	(v2sf) =	vpush v14, $0xF;
	_ =	sdelay $0x1  }
0x4a: {  	v12 =	vperm.xlane v12, v3;
	_ =	sdelay $0x1  }
0x4b: {  	(xrf2) =	vadd.scan.msk.f32 $0xffff, v12;
	_ =	sdelay $0x3  }
0x4c: {  	s1 =	simm.s32 $0xFFFFFFE0;
	[tilespmem:s0+$0x11BF0] =	vst v13  }
0x4d: {  	s4 =	simm.s32 $0xFFFFFF40;
	v12 =	vld [tilespmem:s1+$0xBF0];
	v13, _, _ =	vpop (xrf0)  }
.LBB2_2:
0x4e: {  	p2 =	seq.s32 s4, $0xFFFFF040;
	v14 =	vld [tilespmem:s1+$0xFF0];
	(v2sf) =	vpush v13, $0xF;
	_ =	sdelay $0x3  }
0x4f: {  	v13, _, _ =	vpop (xrf2)  }
0x50: {  	v12 =	vadd.s32 v12, v14;
	v13 =	vperm.xlane v13, v3;
	s7 =	spop (v2sf)  }
0x51: {  	v12 =	vperm.xlane v12, v3  }
0x52: {  	v13 =	vadd.f32 s7, v13  }
0x53: {  	(xrf0) =	vadd.scan.msk.s32 $0xffff, v12  }
0x54: {  	[tilespmem:s0+$0x12000] =	vst v13;
	(xrf0) =	vmax.scan.msk.f32 $0xffff, v13;
	s0 =	smov.u32 s1  }
0x55: {  	v12 =	vld [tilespmem:s0+$0x13F0]  }
0x56: {  	v13 =	vld [tilespmem:s0+$0x17F0];
	_ =	sdelay $0x2  }
0x57: {  	v14, _, _ =	vpop (xrf0)  }
0x58: {  	v14 =	vperm.xlane v14, v3;
	s1 =	spop (v2sf);
	v15, _, _ =	vpop (xrf0)  }
0x59: {  	v12 =	vadd.f32 v13, v12;
	s1 =	sxor.u32 $0x80000000, s1;
	(v2sf) =	vpush v15, $0xF  }
0x5a: {  	v13 =	vadd.s32 s1, v14  }
0x5b: {  	v12 =	vperm.xlane v12, v3;
	[tilespmem:s0+$0x11BF0] =	vst v13;
	v13 =	vxor.u32 $0x80000000, v13  }
0x5c: {  	(xrf0) =	vmax.scan.msk.u32 $0xffff, v13  }
0x5d: {  	(xrf2) =	vadd.scan.msk.f32 $0xffff, v12  }
.Ltmp0:
0x5e: {  	(pc) =	sbr.rel @!p2 .LBB2_2-.Ltmp0, $3  }
0x5f: {  	_ =	sdelay $0x1  }
0x60: {  	s1 =	sshra.s32 s4, $0x2  }
0x61: {  	s4 =	sadd.s32 $0xFFFFFFC0, s4;
	v12 =	vld [tilespmem:s1+$0xBF0];
	v13, _, _ =	vpop (xrf0)  }
0x62: {  	_ = 	snop  }
0x63: {  	v14 =	vld [tilespmem:s1+$0xFF0];
	_ =	sdelay $0x2  }
0x64: {  	v15, _, _ =	vpop (xrf2)  }
0x65: {  	v15 =	vperm.xlane v15, v3  }
0x66: {  	v12 =	vadd.s32 v12, v14;
	s4 =	spop (v2sf)  }
0x67: {  	v12 =	vperm.xlane v12, v3;
	v14 =	vadd.f32 s4, v15;
	_ =	sdelay $0x1  }
0x68: {  	(xrf0) =	vadd.scan.msk.s32 $0xffff, v12;
	[tilespmem:s0+$0x12000] =	vst v14  }
0x69: {  	(xrf0) =	vmax.scan.msk.f32 $0xffff, v14;
	v12 =	vld [tilespmem:s1+$0x13F0]  }
0x6a: {  	v14 =	vld [tilespmem:s1+$0x17F0];
	_ =	sdelay $0x3  }
0x6b: {  	(v2sf) =	vpush v13, $0xF;
	v13, _, _ =	vpop (xrf0)  }
0x6c: {  	v15, _, _ =	vpop (xrf0);
	v12 =	vadd.f32 v14, v12  }
0x6d: {  	(v2sf) =	vpush v15, $0xF  }
0x6e: {  	v12 =	vperm.xlane v12, v3;
	_ =	sdelay $0x1  }
0x6f: {  	(xrf2) =	vadd.scan.msk.f32 $0xffff, v12;
	_ =	sdelay $0x9  }
0x70: {  	s20 =	spop (v2sf);
	v12 =	vperm.xlane v13, v3;
	v13, _, _ =	vpop (xrf2)  }
0x71: {  	s0 =	sxor.u32 $0x80000000, s20;
	v13 =	vperm.xlane v13, v3  }
0x72: {  	v12 =	vadd.s32 s0, v12;
	s21 =	spop (v2sf)  }
0x73: {  	v14 =	vxor.u32 $0x80000000, v12;
	v13 =	vadd.f32 s21, v13  }
0x74: {  	(xrf0) =	vmax.scan.msk.u32 $0xffff, v14  }
0x75: {  	(xrf0) =	vmax.scan.msk.f32 $0xffff, v13;
	_ =	sdelay $0x4  }
0x76: {  	v14, _, _ =	vpop (xrf0)  }
0x77: {  	(v2sf) =	vpush v14, $0xF;
	v14, _, _ =	vpop (xrf0)  }
0x78: {  	(v2sf) =	vpush v14, $0xF;
	_ =	sdelay $0x6  }
0x79: {  	v11 =	vxor.u32 $0x80000000, v11  }
0x7a: {  	(xrf0) =	vmax.scan.msk.u32 $0xffff, v11;
	_ =	sdelay $0x5  }
0x7b: {  	s23 =	spop (v2sf);
	v11, _, _ =	vpop (xrf0)  }
0x7c: {  	s24 =	spop (v2sf);
	(v2sf) =	vpush v11, $0xF;
	_ =	sdelay $0xa  }
0x7d: {  	[tilespmem:s1+$0x11BF0] =	vst v12  }
0x7e: {  	s7 =	simm.s32 $0x11800;
	[tilespmem:s1+$0x12000] =	vst v13  }
0x7f: {  	v12 =	vld [tilespmem:s7+$0x0];
	_ =	sdelay $0x1  }
0x80: {  	s0 =	spop (v2sf)  }
0x81: {  	s30 =	sxor.u32 $0x80000000, s0  }
0x82: {  	s31 =	simm.s32 $0x0;
	v11 =	vmov s30  }
0x83: {  	vm0 =	vlt.s32 v12, v11;
	v12 =	vor.u32 s31, v4  }
0x84: {  	v12 =	vsel vm0, $0x7FFFFFFF, v12  }
0x85: {  	(xrf0) =	vmax.scan.msk.u32 $0xffff, v12;
	_ =	sdelay $0x4  }
0x86: {  	s17 =	simm.s32 $0x11810  }
0x87: {  	s18 =	simm.s32 $0x11820;
	v13 =	vld [tilespmem:s17+$0x0];
	v12, _, _ =	vpop (xrf0)  }
0x88: {  	(v2sf) =	vpush v12, $0xF;
	v12 =	vld [tilespmem:s18+$0x0];
	_ =	sdelay $0x2  }
0x89: {  	s19 =	simm.s32 $0x10  }
0x8a: {  	s20 =	simm.s32 $0x20;
	vm0 =	vlt.s32 v13, v11;
	v13 =	vor.u32 s19, v4  }
0x8b: {  	v13 =	vsel vm0, $0x7FFFFFFF, v13;
	vm0 =	vlt.s32 v12, v11;
	v12 =	vor.u32 s20, v4  }
0x8c: {  	(xrf0) =	vmax.scan.msk.u32 $0xffff, v13;
	v12 =	vsel vm0, $0x7FFFFFFF, v12  }
0x8d: {  	(xrf0) =	vmax.scan.msk.u32 $0xffff, v12;
	_ =	sdelay $0x3  }
0x8e: {  	s21 =	simm.s32 $0x11830  }
0x8f: {  	v13 =	vld [tilespmem:s21+$0x0];
	v14, _, _ =	vpop (xrf0)  }
0x90: {  	(v2sf) =	vpush v14, $0xF;
	v14, _, _ =	vpop (xrf0)  }
0x91: {  	(v2sf) =	vpush v14, $0xF;
	_ =	sdelay $0x1  }
0x92: {  	s23 =	simm.s32 $0x11840;
	s24 =	simm.s32 $0x30  }
0x93: {  	vm0 =	vlt.s32 v13, v11;
	v13 =	vor.u32 s24, v4;
	v12 =	vld [tilespmem:s23+$0x0]  }
0x94: {  	v13 =	vsel vm0, $0x7FFFFFFF, v13  }
0x95: {  	(xrf0) =	vmax.scan.msk.u32 $0xffff, v13;
	_ =	sdelay $0x1  }
0x96: {  	s4 =	simm.s32 $0x11850;
	s31 =	simm.s32 $0x40  }
0x97: {  	s1 =	simm.s32 $0x50;
	s0 =	simm.s32 $0xFFFFFFFF;
	vm0 =	vlt.s32 v12, v11;
	v12 =	vor.u32 s31, v4;
	s7 =	spop (v2sf)  }
.LBB2_4:
0x98: {  	s17 =	smov.u32 s0;
	p2 =	sne.s32 s1, $0x3F0  }
0x99: {  	v14 =	vsel vm0, $0x7FFFFFFF, v12;
	s0 =	sxor.u32 $0x80000000, s7;
	s7 =	smov.u32 s1;
	s1 =	sadd.s32 $0x10, s1;
	v13 =	vld [tilespmem:s4+$0x0]  }
.Ltmp1:
0x9a: {  	p3 =	sgt.s32 s17, s0;
	(xrf0) =	vmax.scan.msk.u32 $0xffff, v14;
	v12, _, _ =	vpop (xrf0);
	(pc) =	sbr.rel @p2 .LBB2_4-.Ltmp1, $2  }
0x9b: {  	s0 =	smov.u32 @p3 s17;
	(v2sf) =	vpush v12, $0xF;
	_ =	sdelay $0x2  }
0x9c: {  	s4 =	sadd.s32 $0x10, s4;
	v12 =	vor.u32 s7, v4;
	vm0 =	vlt.s32 v13, v11;
	s7 =	spop (v2sf)  }
0x9d: {  	v11 =	vsel vm0, $0x7FFFFFFF, v12  }
0x9e: {  	(xrf0) =	vmax.scan.msk.u32 $0xffff, v11;
	_ =	sdelay $0x3  }
0x9f: {  	v11, _, _ =	vpop (xrf0)  }
0xa0: {  	(v2sf) =	vpush v11, $0xF  }
0xa1: {  	v11, _, _ =	vpop (xrf0)  }
0xa2: {  	(v2sf) =	vpush v11, $0xF;
	_ =	sdelay $0x7  }
0xa3: {  	s1 =	sxor.u32 $0x80000000, s7  }
0xa4: {  	s4 =	spop (v2sf);
	p2 =	sgt.s32 s0, s1  }
0xa5: {  	s1 =	smov.u32 @p2 s0;
	s0 =	sxor.u32 $0x80000000, s4  }
0xa6: {  	p2 =	sgt.s32 s1, s0;
	s20 =	spop (v2sf)  }
0xa7: {  	s0 =	smov.u32 @p2 s1;
	s1 =	sxor.u32 $0x80000000, s20  }
0xa8: {  	p2 =	sgt.s32 s0, s1;
	s21 =	spop (v2sf)  }
0xa9: {  	s1 =	smov.u32 @p2 s0;
	s0 =	sxor.u32 $0x80000000, s21  }
0xaa: {  	p2 =	sgt.s32 s1, s0;
	s23 =	spop (v2sf)  }
0xab: {  	s0 =	smov.u32 @p2 s1;
	s1 =	sxor.u32 $0x80000000, s23  }
0xac: {  	p2 =	sgt.s32 s0, s1  }
0xad: {  	s1 =	smov.u32 @p2 s0  }
0xae: {  	s0 =	sadd.s32 $0x1, s1  }
0xaf: {  	v11 =	vmov s0;
	_ =	sdelay $0x3  }
0xb0: {  	s24 =	simm.s32 $0x11800  }
0xb1: {  	s31 =	simm.s32 $0x11C10;
	s0 =	simm.s32 $0x1820;
	v12 =	vld.idx.msk [tilespmem:v11+s24+$0x0], $0xffff  }
0xb2: {  	v11 =	vld.idx.msk [tilespmem:v11+s31+$0x0], $0xffff;
	[tilespmem:s0+$0xFFFFFFF0] =	vst v1  }
0xb3: {  	[tilespmem:s0+$0xFFFFFFE0] =	vst v1  }
0xb4: {  	[tilespmem:s0+$0x0] =	vst v1  }
0xb5: {  	s19 =	simm.s32 $0x9820;
	[tilespmem:s0+$0x10] =	vst v1  }
0xb6: {  	[tilespmem:s19+$0xFFFFFFE0] =	vst v2  }
0xb7: {  	[tilespmem:s19+$0x10] =	vst v2  }
0xb8: {  	s4 =	simm.s32 $0x0;
	[tilespmem:s19+$0x0] =	vst v2  }
.LBB2_6:
0xb9: {  	s4 =	sadd.s32 $0x40, s4;
	[tilespmem:s19+$0xFFFFFFF0] =	vst v2;
	s0 =	sadd.s32 $0x40, s0;
	s19 =	sadd.s32 $0x40, s19  }
0xba: {  	[tilespmem:s0+$0xFFFFFFF0] =	vst v1;
	p2 =	slt.u32 s4, $0x7FC0  }
0xbb: {  	[tilespmem:s0+$0xFFFFFFE0] =	vst v1  }
.Ltmp2:
0xbc: {  	[tilespmem:s19+$0xFFFFFFE0] =	vst v2;
	(pc) =	sbr.rel @p2 .LBB2_6-.Ltmp2, $4  }
0xbd: {  	[tilespmem:s0+$0x0] =	vst v1  }
0xbe: {  	[tilespmem:s0+$0x10] =	vst v1  }
0xbf: {  	[tilespmem:s19+$0x10] =	vst v2  }
0xc0: {  	[tilespmem:s19+$0x0] =	vst v2  }
0xc1: {  	v10 =	vxor.u32 $0x80000000, v10  }
0xc2: {  	v8 =	vxor.u32 $0x80000000, v8;
	(xrf0) =	vmax.scan.msk.u32 $0xffff, v10  }
0xc3: {  	(xrf0) =	vmax.scan.msk.u32 $0xffff, v8  }
0xc4: {  	(xrf0) =	vmax.scan.msk.f32 $0xffff, v7;
	v7 =	vxor.u32 $0x80000000, v9  }
0xc5: {  	(xrf0) =	vmax.scan.msk.u32 $0xffff, v7;
	_ =	sdelay $0x2  }
0xc6: {  	v7, _, _ =	vpop (xrf0)  }
0xc7: {  	v8, _, _ =	vpop (xrf0);
	(v2sf) =	vpush v7, $0xF  }
0xc8: {  	(v2sf) =	vpush v8, $0xF;
	v7, _, _ =	vpop (xrf0)  }
0xc9: {  	(v2sf) =	vpush v7, $0xF;
	v7, _, _ =	vpop (xrf0)  }
0xca: {  	(v2sf) =	vpush v7, $0xF;
	_ =	sdelay $0x3  }
0xcb: {  	v7 =	vxor.u32 $0x80000000, v12  }
0xcc: {  	(xrf0) =	vmax.scan.msk.u32 $0xffff, v7  }
0xcd: {  	(xrf0) =	vmax.scan.msk.f32 $0xffff, v11;
	_ =	sdelay $0x4  }
0xce: {  	v7, _, _ =	vpop (xrf0)  }
0xcf: {  	(v2sf) =	vpush v7, $0xF;
	v7, _, _ =	vpop (xrf0);
	s17 =	spop (v2sf)  }
0xd0: {  	(v2sf) =	vpush v7, $0xF;
	s0 =	spop (v2sf)  }
0xd1: {  	s4 =	spop (v2sf)  }
0xd2: {  	s7 =	spop (v2sf)  }
0xd3: {  	s18 =	sadd.s32 $0x800007FF, s7  }
0xd4: {  	s20 =	sand.u32 $0x7FF, s18  }
0xd5: {  	s24 =	sshra.s32 s18, $0x1F;
	p3 =	slt.s32 s18, $0x1;
	p2 =	sne.s32 s20, $0x0  }
0xd6: {  	s20 =	sshrl.u32 s24, $0x15;
	p2 =	por !p3, !p2  }
0xd7: {  	s18 =	sadd.s32 s20, s18;
	s20 =	simm.s32 $0x1;
	p2 =	por !p2, !p2  }
0xd8: {  	s18 =	sshra.s32 s18, $0xB;
	s20 =	simm.s32 @!p2 $0x0  }
0xd9: {  	s18 =	ssub.s32 s18, s20  }
0xda: {  	p2 =	slt.s32 s18, $0x1  }
.Ltmp3:
0xdb: {  	_ = 	snop;
	(pc) =	sbr.rel @p2 .LBB2_17-.Ltmp3, $4  }
0xdc: {  	_ = 	snop  }
0xdd: {  	s17 =	sshll.u32 s17, $0xA  }
0xde: {  	s31 =	sor.u32 s17, s1;
	s17 =	spop (v2sf)  }
0xdf: {  	[tilespmem:s19+$0xFFFFFFF0] =	vst v2;
	v7 =	vmov s31;
	s1 =	spop (v2sf)  }
.Ltmp4:
0xe0: {  	(pc) =	sbr.rel .LBB2_9-.Ltmp4, $3  }
0xe1: {  	_ =	sdelay $0x1  }
0xe2: {  	s31 =	sxor.u32 $0x80000000, s7  }
0xe3: {  	s19 =	simm.s32 $0x0;
	s23 =	simm.s32 $0x0;
	s21 =	simm.s32 $0x0;
	v8 =	vmov s31  }
.LBB2_11:
0xe4: {  	s20 =	smov.u32 s23  }
.LBB2_15:
0xe5: {  	s7 =	sadd.s32 @p2 $0x10, s20;
	s20 =	smov.u32 s23  }
0xe6: {  	s20 =	smov.u32 @p2 s7  }
0xe7: {  	v10 =	vshrl.u32 v9, $0xB;
	v11 =	vor.u32 s20, v0  }
0xe8: {  	vm0 =	veq.s32 v10, v7;
	vm1 =	vlt.s32 v11, v8  }
0xe9: {  	v10 =	vand.u32 $0x7FF, v9;
	vm0 =	vmand vm1, vm0  }
0xea: {  	v10 =	vor.u32 v5, v10;
	_ =	sdelay $0x4  }
0xeb: {  	[tilespmem:v10+s26+$0x0] =	vst.idx.add.s32.msk vm0, v6  }
0xec: {  	[tilespmem:v10+s28+$0x0] =	vst.idx.add.f32.msk vm0, v9  }
.LBB2_16:
0xed: {  	s21 =	sadd.s32 $0x1, s21  }
0xee: {  	p2 =	sne.s32 s21, s18  }
.Ltmp5:
0xef: {  	_ = 	snop;
	(pc) =	sbr.rel @!p2 .LBB2_17-.Ltmp5, $2  }
0xf0: {  	_ =	sdelay $0x2  }
0xf1: {  	s23 =	sadd.s32 $0x800, s23  }
.LBB2_9:
0xf2: {  	s7 =	sshll.u32 s21, $0xB  }
0xf3: {  	s20 =	sadd.s32 s12, s7;
	s7 =	ssub.s32 s31, s7  }
0xf4: {  	s20 =	sshrl.u32 s20, $0x3;
	p2 =	slt.s32 s7, $0x800  }
0xf5: {  	p3 =	slt.s32 s7, $0xFFFFFFF2;
	s20 =	sadd.s32 s6, s20;
	s7 =	simm.s32 @!p2 $0x800  }
0xf6: {  	[tilespmem:s19], [sflag:$0x2] =	stream.linear.gather [hbm4b:s20+s19], $0x800, $0x38;
	[tilespmem:$0x13200] =	vst v63  }
0xf7: {  	s7 =	sadd.s32 $0xF, s7  }
0xf8: {  	s24 =	sand.u32 $0xF, s7  }
0xf9: {  	p6 =	sne.s32 s24, $0x0;
	s24 =	sshra.s32 s7, $0x1F  }
0xfa: {  	s20 =	sshrl.u32 s24, $0x1C;
	p2 =	por !p3, !p6  }
0xfb: {  	s7 =	sadd.s32 s20, s7;
	p2 =	por !p2, !p2;
	s20 =	simm.s32 $0x1  }
0xfc: {  	s7 =	sshra.s32 s7, $0x4;
	s20 =	simm.s32 @!p2 $0x0  }
0xfd: {  	s7 =	ssub.s32 s7, s20  }
0xfe: {  	p2 =	slt.s32 s7, $0x1  }
.Ltmp6:
0xff: {  	_ = 	snop;
	(pc) =	sbr.rel @p2 .LBB2_16-.Ltmp6, $4  }
0x100: {  	_ = 	snop  }
0x101: {  	_ =	swait.ge [sflag:s25], $0x800  }
0x102: {  	[sflag:s25] =	ssyncset.done $0x0  }
0x103: {  	[sflag:s25] =	ssyncadd.s32 $0xFFFFF800  }
0x104: {  	p3 =	sne.s32 s7, $0x1  }
.Ltmp7:
0x105: {  	_ = 	snop;
	(pc) =	sbr.rel @!p3 .LBB2_11-.Ltmp7, $3  }
0x106: {  	_ = 	snop  }
0x107: {  	v9 =	vld [tilespmem:s19+$0x0];
	_ =	sdelay $0x1  }
0x108: {  	s7 =	sadd.s32 $0xFFFFFFFF, s7;
	p2 =	por $0x0, $0x0  }
0x109: {  	_ =	sdelay $0x1  }
0x10a: {  	v11 =	vor.u32 s23, v0;
	v10 =	vshrl.u32 v9, $0xB  }
0x10b: {  	vm1 =	vlt.s32 v11, v8;
	vm0 =	veq.s32 v10, v7  }
0x10c: {  	v10 =	vand.u32 $0x7FF, v9;
	vm0 =	vmand vm1, vm0  }
0x10d: {  	v10 =	vor.u32 v5, v10;
	_ =	sdelay $0x3  }
0x10e: {  	p3 =	sne.s32 s7, $0x1  }
.Ltmp8:
0x10f: {  	[tilespmem:v10+s26+$0x0] =	vst.idx.add.s32.msk vm0, v6;
	(pc) =	sbr.rel @!p3 .LBB2_13-.Ltmp8, $3  }
0x110: {  	s24 =	sadd.s32 $0x10, s19;
	[tilespmem:v10+s28+$0x0] =	vst.idx.add.f32.msk vm0, v9  }
0x111: {  	v9 =	vld [tilespmem:s24+$0x0];
	_ =	sdelay $0x1  }
0x112: {  	s7 =	sadd.s32 $0xFFFFFFFF, s7;
	p2 =	por $0x1, $0x1;
	s20 =	smov.u32 s23  }
.LBB2_14:
0x113: {  	p3 =	sne.s32 s7, $0x1;
	_ =	sdelay $0x1  }
0x114: {  	s20 =	sadd.s32 $0x10, s20  }
0x115: {  	v10 =	vshrl.u32 v9, $0xB;
	v11 =	vor.u32 s20, v0  }
0x116: {  	vm0 =	veq.s32 v10, v7;
	vm1 =	vlt.s32 v11, v8  }
0x117: {  	v10 =	vand.u32 $0x7FF, v9;
	vm0 =	vmand vm1, vm0  }
0x118: {  	v10 =	vor.u32 v5, v10;
	_ =	sdelay $0x3  }
.Ltmp9:
0x119: {  	(pc) =	sbr.rel @p3 .LBB2_14-.Ltmp9, $4  }
0x11a: {  	[tilespmem:v10+s26+$0x0] =	vst.idx.add.s32.msk vm0, v6  }
0x11b: {  	s24 =	sadd.s32 $0x10, s24;
	[tilespmem:v10+s28+$0x0] =	vst.idx.add.f32.msk vm0, v9  }
0x11c: {  	v9 =	vld [tilespmem:s24+$0x0]  }
0x11d: {  	s7 =	sadd.s32 $0xFFFFFFFF, s7  }
.Ltmp10:
0x11e: {  	_ = 	snop;
	(pc) =	sbr.rel .LBB2_15-.Ltmp10, $1  }
0x11f: {  	_ =	sdelay $0x3  }
.LBB2_13:
.Ltmp11:
0x120: {  	(pc) =	sbr.rel .LBB2_15-.Ltmp11, $2  }
0x121: {  	_ =	sdelay $0x2  }
0x122: {  	s20 =	smov.u32 s23  }
.LBB2_17:
0x123: {  	s31 =	simm.s32 $0x0  }
0x124: {  	v8 =	vld [tilespmem:s31+$0x9810]  }
0x125: {  	v9 =	vld [tilespmem:s31+$0xA010]  }
0x126: {  	v10 =	vld [tilespmem:s31+$0x9800]  }
0x127: {  	v11 =	vld [tilespmem:s31+$0xA810]  }
0x128: {  	v12 =	vld [tilespmem:s31+$0xA000]  }
0x129: {  	v13 =	vld [tilespmem:s31+$0xB010]  }
0x12a: {  	v14 =	vld [tilespmem:s31+$0xA800]  }
0x12b: {  	v15 =	vld [tilespmem:s31+$0xB000]  }
0x12c: {  	v16 =	vld [tilespmem:s31+$0xB800]  }
0x12d: {  	v17 =	vld [tilespmem:s31+$0xC000]  }
0x12e: {  	v18 =	vld [tilespmem:s31+$0xC800]  }
0x12f: {  	v19 =	vld [tilespmem:s31+$0xD000]  }
0x130: {  	v20 =	vld [tilespmem:s31+$0xD800]  }
0x131: {  	v21 =	vld [tilespmem:s31+$0x1800]  }
0x132: {  	v22 =	vld [tilespmem:s31+$0x2000]  }
0x133: {  	v23 =	vld [tilespmem:s31+$0x1810]  }
0x134: {  	v24 =	vld [tilespmem:s31+$0x2010]  }
0x135: {  	v25 =	vld [tilespmem:s31+$0x2800]  }
0x136: {  	v26 =	vld [tilespmem:s31+$0xE000]  }
0x137: {  	v27 =	vld [tilespmem:s31+$0x3000];
	v8 =	vadd.f32 v9, v8  }
0x138: {  	v9 =	vld [tilespmem:s31+$0xB810]  }
0x139: {  	v28 =	vld [tilespmem:s31+$0x3800];
	v8 =	vadd.f32 v11, v8  }
0x13a: {  	v11 =	vld [tilespmem:s31+$0xC010]  }
0x13b: {  	v29 =	vld [tilespmem:s31+$0x4800];
	v8 =	vadd.f32 v13, v8  }
0x13c: {  	v13 =	vld [tilespmem:s31+$0xC810]  }
0x13d: {  	v30 =	vld [tilespmem:s31+$0x4810];
	v8 =	vadd.f32 v9, v8  }
0x13e: {  	v9 =	vld [tilespmem:s31+$0xD010]  }
0x13f: {  	v31 =	vld [tilespmem:s31+$0x5010];
	v8 =	vadd.f32 v11, v8  }
0x140: {  	v11 =	vld [tilespmem:s31+$0xD810]  }
0x141: {  	v32 =	vld [tilespmem:s31+$0xF800];
	v8 =	vadd.f32 v13, v8  }
0x142: {  	v13 =	vld [tilespmem:s31+$0xE010]  }
0x143: {  	v55 =	vld [tilespmem:s31+$0x5810];
	v8 =	vadd.f32 v9, v8  }
0x144: {  	v9 =	vld [tilespmem:s31+$0xE810]  }
0x145: {  	v33 =	vld [tilespmem:s31+$0x6000];
	v8 =	vadd.f32 v11, v8  }
0x146: {  	v11 =	vld [tilespmem:s31+$0xF010]  }
0x147: {  	v56 =	vld [tilespmem:s31+$0x6010];
	v8 =	vadd.f32 v13, v8  }
0x148: {  	v10 =	vadd.f32 v12, v10;
	v13 =	vld [tilespmem:s31+$0xF810]  }
0x149: {  	v34 =	vld [tilespmem:s31+$0x6800];
	v8 =	vadd.f32 v9, v8  }
0x14a: {  	v10 =	vadd.f32 v14, v10;
	v9 =	vld [tilespmem:s31+$0x10010]  }
0x14b: {  	v58 =	vld [tilespmem:s31+$0x10000];
	v8 =	vadd.f32 v11, v8  }
0x14c: {  	v10 =	vadd.f32 v15, v10;
	v11 =	vld [tilespmem:s31+$0x10810]  }
0x14d: {  	v60 =	vld [tilespmem:s31+$0x6810];
	v8 =	vadd.f32 v13, v8  }
0x14e: {  	v10 =	vadd.f32 v16, v10;
	v13 =	vld [tilespmem:s31+$0x11010]  }
0x14f: {  	v61 =	vld [tilespmem:s31+$0x7000];
	v8 =	vadd.f32 v9, v8  }
0x150: {  	v12 =	vld [tilespmem:s31+$0x3810];
	v10 =	vadd.f32 v17, v10  }
0x151: {  	v14 =	vld [tilespmem:s31+$0x4010];
	v8 =	vadd.f32 v11, v8  }
0x152: {  	v10 =	vadd.f32 v18, v10;
	v9 =	vld [tilespmem:s31+$0x2810]  }
0x153: {  	v11 =	vld [tilespmem:s31+$0x3010];
	v8 =	vadd.f32 v13, v8  }
0x154: {  	v10 =	vadd.f32 v19, v10;
	v13 =	vld [tilespmem:s31+$0xE800]  }
0x155: {  	[tilespmem:s31+$0x12830] =	vst v8;
	v8 =	vld [tilespmem:s31+$0x4000]  }
0x156: {  	v57 =	vadd.s32 v21, v22;
	v15 =	vld [tilespmem:s31+$0xF000];
	v10 =	vadd.f32 v20, v10  }
0x157: {  	v59 =	vadd.s32 v23, v24;
	v16 =	vld [tilespmem:s31+$0x5000];
	v20 =	vadd.s32 v25, v57  }
0x158: {  	v17 =	vld [tilespmem:s31+$0x5800];
	v20 =	vadd.s32 v27, v20;
	v10 =	vadd.f32 v26, v10;
	v9 =	vadd.s32 v9, v59  }
0x159: {  	v62 =	vld [tilespmem:s31+$0x7010];
	v9 =	vadd.s32 v11, v9;
	v11 =	vadd.s32 v28, v20  }
0x15a: {  	v9 =	vadd.s32 v12, v9;
	v12 =	vld [tilespmem:s31+$0x10800];
	v10 =	vadd.f32 v13, v10;
	v8 =	vadd.s32 v8, v11  }
0x15b: {  	v9 =	vadd.s32 v14, v9;
	v13 =	vld [tilespmem:s31+$0x7810];
	v8 =	vadd.s32 v29, v8  }
0x15c: {  	v9 =	vadd.s32 v30, v9;
	v11 =	vld [tilespmem:s31+$0x7800];
	v10 =	vadd.f32 v15, v10;
	v8 =	vadd.s32 v16, v8  }
0x15d: {  	v14 =	vld [tilespmem:s31+$0x8000];
	v9 =	vadd.s32 v31, v9;
	v8 =	vadd.s32 v17, v8  }
0x15e: {  	v9 =	vadd.s32 v55, v9;
	v10 =	vadd.f32 v32, v10;
	v15 =	vadd.s32 v33, v8;
	v8 =	vld [tilespmem:s31+$0x8010]  }
0x15f: {  	v16 =	vadd.s32 v56, v9;
	v9 =	vld [tilespmem:s31+$0x8800];
	v15 =	vadd.s32 v34, v15  }
0x160: {  	s7 =	sxor.u32 $0x80000000, s17;
	s4 =	sadd.f32 s1, s4;
	s1 =	simm.s32 $0x0;
	v16 =	vadd.s32 v60, v16;
	v17 =	vadd.f32 v58, v10;
	v10 =	vld [tilespmem:s31+$0x11000];
	v15 =	vadd.s32 v61, v15  }
0x161: {  	s17 =	simm.s32 $0x0;
	p2 =	por $0x1, $0x1;
	s0 =	sadd.s32 s0, s7;
	v16 =	vadd.s32 v62, v16;
	v63 =	vadd.s32 v11, v15;
	v11 =	vld [tilespmem:s31+$0x8810]  }
0x162: {  	s18 =	simm.s32 $0x80;
	s30 =	ssub.s32 s30, s7;
	s0 =	sadd.s32 $0x80000000, s0;
	v12 =	vadd.f32 v12, v17;
	v15 =	vadd.s32 v13, v16;
	v13 =	vld [tilespmem:s31+$0x9000];
	v14 =	vadd.s32 v14, v63  }
.LBB2_18:
0x163: {  	s7 =	sshra.s32 s18, $0x2;
	v8 =	vadd.s32 v8, v15;
	v15 =	vld [tilespmem:s31+$0x9010]  }
0x164: {  	s17 =	sadd.s32 $0x20, s17;
	v16 =	vld [tilespmem:s7+$0x9810];
	v9 =	vadd.s32 v9, v14  }
0x165: {  	p3 =	slt.u32 s17, $0x7E0;
	v14 =	vld [tilespmem:s7+$0xA010];
	v10 =	vadd.f32 v10, v12  }
0x166: {  	v12 =	vld [tilespmem:s7+$0x9800];
	v8 =	vadd.s32 v11, v8  }
0x167: {  	v11 =	vld [tilespmem:s7+$0xA810];
	v9 =	vadd.s32 v13, v9;
	[tilespmem:s31+$0x12820] =	vst v10  }
0x168: {  	v10 =	vld [tilespmem:s7+$0xA000];
	[tilespmem:s31+$0x12020] =	vst v9;
	v8 =	vadd.s32 v15, v8  }
0x169: {  	v9 =	vld [tilespmem:s7+$0xB010];
	[tilespmem:s31+$0x12030] =	vst v8;
	s31 =	smov.u32 s7  }
0x16a: {  	v8 =	vld [tilespmem:s31+$0xA800];
	v13 =	vadd.f32 v14, v16  }
0x16b: {  	v14 =	vld [tilespmem:s31+$0xB810]  }
0x16c: {  	v15 =	vld [tilespmem:s31+$0xB000];
	v11 =	vadd.f32 v11, v13  }
0x16d: {  	v10 =	vadd.f32 v10, v12;
	v12 =	vld [tilespmem:s31+$0xC010]  }
0x16e: {  	v13 =	vld [tilespmem:s31+$0xB800];
	v9 =	vadd.f32 v9, v11  }
0x16f: {  	v8 =	vadd.f32 v8, v10;
	v10 =	vld [tilespmem:s31+$0xC810]  }
0x170: {  	v11 =	vld [tilespmem:s31+$0xC000];
	v9 =	vadd.f32 v14, v9  }
0x171: {  	v8 =	vadd.f32 v15, v8;
	v14 =	vld [tilespmem:s31+$0xD010]  }
0x172: {  	v15 =	vld [tilespmem:s31+$0xC800];
	v9 =	vadd.f32 v12, v9  }
0x173: {  	v8 =	vadd.f32 v13, v8;
	v12 =	vld [tilespmem:s31+$0xD810]  }
0x174: {  	v13 =	vld [tilespmem:s31+$0xD000];
	v9 =	vadd.f32 v10, v9  }
0x175: {  	v8 =	vadd.f32 v11, v8;
	v10 =	vld [tilespmem:s31+$0xE010]  }
0x176: {  	v11 =	vld [tilespmem:s31+$0xD800];
	v9 =	vadd.f32 v14, v9  }
0x177: {  	v8 =	vadd.f32 v15, v8;
	v14 =	vld [tilespmem:s31+$0xE810]  }
0x178: {  	v15 =	vld [tilespmem:s31+$0x1800];
	v9 =	vadd.f32 v12, v9  }
0x179: {  	v8 =	vadd.f32 v13, v8;
	v12 =	vld [tilespmem:s31+$0xF010]  }
0x17a: {  	v13 =	vld [tilespmem:s31+$0x2000];
	v9 =	vadd.f32 v10, v9  }
0x17b: {  	v8 =	vadd.f32 v11, v8;
	v10 =	vld [tilespmem:s31+$0xF810]  }
0x17c: {  	v11 =	vld [tilespmem:s31+$0x1810];
	v9 =	vadd.f32 v14, v9  }
0x17d: {  	v14 =	vld [tilespmem:s31+$0x10010]  }
0x17e: {  	v16 =	vld [tilespmem:s31+$0x2010];
	v9 =	vadd.f32 v12, v9  }
0x17f: {  	v12 =	vadd.s32 v15, v13;
	v13 =	vld [tilespmem:s31+$0x10810]  }
0x180: {  	v15 =	vld [tilespmem:s31+$0x2800];
	v9 =	vadd.f32 v10, v9  }
0x181: {  	v10 =	vld [tilespmem:s31+$0x11010]  }
0x182: {  	v17 =	vld [tilespmem:s31+$0xE000];
	v9 =	vadd.f32 v14, v9  }
0x183: {  	v11 =	vadd.s32 v11, v16;
	v14 =	vld [tilespmem:s31+$0x2810]  }
0x184: {  	v16 =	vld [tilespmem:s31+$0x3000];
	v9 =	vadd.f32 v13, v9  }
0x185: {  	v12 =	vadd.s32 v15, v12;
	v13 =	vld [tilespmem:s31+$0x3010]  }
0x186: {  	v15 =	vld [tilespmem:s31+$0x3800];
	v9 =	vadd.f32 v10, v9  }
0x187: {  	v8 =	vadd.f32 v17, v8;
	v10 =	vld [tilespmem:s31+$0xE800]  }
0x188: {  	v11 =	vadd.s32 v14, v11;
	v14 =	vld [tilespmem:s31+$0x3810];
	[tilespmem:s31+$0x12830] =	vst v9  }
0x189: {  	v9 =	vadd.s32 v16, v12;
	v12 =	vld [tilespmem:s31+$0x4000]  }
0x18a: {  	v11 =	vadd.s32 v13, v11;
	v13 =	vld [tilespmem:s31+$0x4010]  }
0x18b: {  	v9 =	vadd.s32 v15, v9;
	v15 =	vld [tilespmem:s31+$0x4800]  }
0x18c: {  	v8 =	vadd.f32 v10, v8;
	v10 =	vld [tilespmem:s31+$0xF000]  }
0x18d: {  	v11 =	vadd.s32 v14, v11;
	v14 =	vld [tilespmem:s31+$0x4810]  }
0x18e: {  	v9 =	vadd.s32 v12, v9;
	v12 =	vld [tilespmem:s31+$0x5000]  }
0x18f: {  	v11 =	vadd.s32 v13, v11;
	v13 =	vld [tilespmem:s31+$0x5010]  }
0x190: {  	v9 =	vadd.s32 v15, v9;
	v15 =	vld [tilespmem:s31+$0x5800]  }
0x191: {  	v8 =	vadd.f32 v10, v8;
	v10 =	vld [tilespmem:s31+$0xF800]  }
0x192: {  	v11 =	vadd.s32 v14, v11;
	v14 =	vld [tilespmem:s31+$0x5810]  }
0x193: {  	v9 =	vadd.s32 v12, v9;
	v12 =	vld [tilespmem:s31+$0x6000]  }
0x194: {  	v11 =	vadd.s32 v13, v11;
	v13 =	vld [tilespmem:s31+$0x6010]  }
0x195: {  	v9 =	vadd.s32 v15, v9;
	v15 =	vld [tilespmem:s31+$0x6800]  }
0x196: {  	v8 =	vadd.f32 v10, v8;
	v10 =	vld [tilespmem:s31+$0x10000]  }
0x197: {  	v11 =	vadd.s32 v14, v11;
	v14 =	vld [tilespmem:s31+$0x6810]  }
0x198: {  	v9 =	vadd.s32 v12, v9;
	v12 =	vld [tilespmem:s31+$0x7000]  }
0x199: {  	v11 =	vadd.s32 v13, v11;
	v13 =	vld [tilespmem:s31+$0x7010]  }
0x19a: {  	v9 =	vadd.s32 v15, v9;
	v15 =	vld [tilespmem:s31+$0x7800]  }
0x19b: {  	v10 =	vadd.f32 v10, v8;
	v16 =	vld [tilespmem:s31+$0x10800]  }
0x19c: {  	v8 =	vadd.s32 v14, v11;
	v11 =	vld [tilespmem:s31+$0x7810]  }
0x19d: {  	v9 =	vadd.s32 v12, v9;
	v14 =	vld [tilespmem:s31+$0x8000]  }
.Ltmp12:
0x19e: {  	v13 =	vadd.s32 v13, v8;
	v8 =	vld [tilespmem:s31+$0x8010];
	(pc) =	sbr.rel @p3 .LBB2_18-.Ltmp12, $4  }
0x19f: {  	v17 =	vadd.s32 v15, v9;
	v9 =	vld [tilespmem:s31+$0x8800]  }
0x1a0: {  	v12 =	vadd.f32 v16, v10;
	v10 =	vld [tilespmem:s31+$0x11000]  }
0x1a1: {  	v15 =	vadd.s32 v11, v13;
	v11 =	vld [tilespmem:s31+$0x8810]  }
0x1a2: {  	s18 =	sadd.s32 $0x80, s18;
	v14 =	vadd.s32 v14, v17;
	v13 =	vld [tilespmem:s31+$0x9000]  }
0x1a3: {  	v16 =	vld [tilespmem:s31+$0x9010];
	_ =	sdelay $0x1  }
0x1a4: {  	v10 =	vadd.f32 v10, v12  }
0x1a5: {  	v8 =	vadd.s32 v8, v15;
	v9 =	vadd.s32 v9, v14  }
0x1a6: {  	v8 =	vadd.s32 v11, v8;
	v9 =	vadd.s32 v13, v9;
	[tilespmem:s31+$0x12820] =	vst v10  }
0x1a7: {  	[tilespmem:s31+$0x12020] =	vst v9;
	v8 =	vadd.s32 v16, v8  }
0x1a8: {  	[tilespmem:s31+$0x12030] =	vst v8  }
.LBB2_20:
0x1a9: {  	p3 =	por p2, p2  }
.Ltmp13:
0x1aa: {  	v8 =	vor.u32 s1, v0;
	s7 =	sor.u32 $0x10, s1;
	(pc) =	sbr.rel @p3 .LBB2_20-.Ltmp13, $4  }
0x1ab: {  	s24 =	sor.u32 $0x20, s1;
	[tilespmem:s1+$0x13120] =	vst v8;
	v8 =	vor.u32 s7, v0  }
0x1ac: {  	s31 =	sor.u32 $0x30, s1;
	[tilespmem:s1+$0x13130] =	vst v8;
	v8 =	vor.u32 s24, v0  }
0x1ad: {  	[tilespmem:s1+$0x13140] =	vst v8;
	v8 =	vor.u32 s31, v0  }
0x1ae: {  	p2 =	por $0x0, $0x0;
	[tilespmem:s1+$0x13150] =	vst v8;
	s1 =	simm.s32 $0x40  }
0x1af: {  	s1 =	simm.s32 @p1 $0x12020  }
0x1b0: {  	[spmem:s2] =	stream.linear.scatter @p1 [tilespmem:s1], [sflag:$0x2], $0x800, $0x38;
	[tilespmem:$0x13200] =	vst v63  }
0x1b1: {  	s1 =	simm.s32 @p1 $0x2  }
0x1b2: {  	_ =	swait.ge @p1 [sflag:s1], $0x800  }
0x1b3: {  	[sflag:s1] =	ssyncset.done @p1 $0x0  }
0x1b4: {  	s7 =	simm.s32 @p1 $0x12820;
	[sflag:s1] =	ssyncadd.s32 @p1 $0xFFFFF800  }
0x1b5: {  	[spmem:s3] =	stream.linear.scatter @p1 [tilespmem:s7], [sflag:$0x2], $0x800, $0x38;
	[tilespmem:$0x13200] =	vst v63  }
0x1b6: {  	_ =	swait.ge @p1 [sflag:s1], $0x800  }
0x1b7: {  	[sflag:s1] =	ssyncset.done @p1 $0x0  }
0x1b8: {  	[sflag:s1] =	ssyncadd.s32 @p1 $0xFFFFF800  }
0x1b9: {  	[bflag:$0x0] =	sbarrier.arrive @p1 $0xFFFF  }
0x1ba: {  	s17 =	simm.s32 @p1 $0x1C02;
	s7 =	sshrl.u32 @p1 s2, $0x3;
	[bflag:$0x0] =	sbarrier.arrive @p1 $0xFFFF  }
0x1bb: {  	[hbm:s14], [sflag:s17] =	dma.local @p1 [spmem:s7], $0x100  }
0x1bc: {  	_ =	swait.ge @p1 [sflag:s1], $0x100  }
0x1bd: {  	[sflag:s1] =	ssyncset.done @p1 $0x0  }
0x1be: {  	s7 =	sshrl.u32 @p1 s3, $0x3;
	[sflag:s1] =	ssyncadd.s32 @p1 $0xFFFFFF00  }
0x1bf: {  	[hbm:s15], [sflag:s17] =	dma.local @p1 [spmem:s7], $0x100  }
0x1c0: {  	_ =	swait.ge @p1 [sflag:s1], $0x100  }
0x1c1: {  	[sflag:s1] =	ssyncset.done @p1 $0x0  }
0x1c2: {  	s7 =	simm.s32 @!p1 $0x13120;
	[sflag:s1] =	ssyncadd.s32 @p1 $0xFFFFFF00  }
0x1c3: {  	s17 =	simm.s32 @!p1 $0x12020;
	s1 =	simm.s32 @!p1 $0x80;
	[bflag:$0x0] =	sbarrier.arrive @!p1 $0xFFFF  }
0x1c4: {  	[spmem:s2] =	stream.indirect.scatter.add.s32 @!p1 [tilespmem:s17], [sflag:$0x2], $0x10, s7, s1, $0xb8;
	[tilespmem:$0x13200] =	vst v63  }
0x1c5: {  	s17 =	simm.s32 @!p1 $0x2  }
0x1c6: {  	_ =	swait.ge @!p1 [sflag:s17], $0x800  }
0x1c7: {  	[sflag:s17] =	ssyncset.done @!p1 $0x0  }
0x1c8: {  	s18 =	simm.s32 @!p1 $0x12820;
	[sflag:s17] =	ssyncadd.s32 @!p1 $0xFFFFF800  }
0x1c9: {  	[spmem:s3] =	stream.indirect.scatter.add.f32 @!p1 [tilespmem:s18], [sflag:$0x2], $0x10, s7, s1, $0xb8;
	[tilespmem:$0x13200] =	vst v63  }
0x1ca: {  	_ =	swait.ge @!p1 [sflag:s17], $0x800  }
0x1cb: {  	[sflag:s17] =	ssyncset.done @!p1 $0x0  }
0x1cc: {  	[sflag:s17] =	ssyncadd.s32 @!p1 $0xFFFFF800  }
0x1cd: {  	v8 =	vmov @!p0 s30;
	v9 =	vmov @!p0 s4;
	[bflag:$0x0] =	sbarrier.arrive @!p1 $0xFFFF  }
0x1ce: {  	[tilespmem:$0x131A0] =	vst @!p0 v8;
	v8 =	vadd.f32 @!p0 $0.0e+00, v9  }
0x1cf: {  	[tilespmem:$0x131B0] =	vst @!p0 v7;
	v7 =	vmov @!p0 s0  }
0x1d0: {  	[tilespmem:$0x131C0] =	vst @!p0 v7;
	v7 =	vimm.s32 @!p0 $0x0;
	v8 =	vbroadcast @!p0 v8, $0x0  }
0x1d1: {  	[tilespmem:$0x131D0] =	vst @!p0 v7  }
0x1d2: {  	s1 =	simm.s32 @!p0 $0x131A0;
	s0 =	simm.s32 @!p0 $0x0;
	[tilespmem:$0x131E0] =	vst @!p0 v8  }
0x1d3: {  	[hbm4b:s10+s0] =	stream.linear.scatter @!p0 [tilespmem:s1], [sflag:$0x2], $0x40, $0x38;
	[tilespmem:$0x13200] =	vst v63  }
0x1d4: {  	s1 =	simm.s32 @!p0 $0x2  }
0x1d5: {  	s29 =	sadd.s32 $0x1, s29;
	_ =	swait.ge @!p0 [sflag:s1], $0x40  }
0x1d6: {  	p2 =	sne.s32 s29, s16;
	[sflag:s1] =	ssyncset.done @!p0 $0x0  }
.Ltmp14:
0x1d7: {  	s4 =	simm.s32 @!p0 $0x131E0;
	[sflag:s1] =	ssyncadd.s32 @!p0 $0xFFFFFFC0;
	(pc) =	sbr.rel @p2 .LBB2_1-.Ltmp14, $4  }
0x1d8: {  	[hbm4b:s11+s0] =	stream.linear.scatter @!p0 [tilespmem:s4], [sflag:$0x2], $0x10, $0x38;
	[tilespmem:$0x13200] =	vst v63  }
0x1d9: {  	_ =	swait.ge @!p0 [sflag:s1], $0x10  }
0x1da: {  	[sflag:s1] =	ssyncset.done @!p0 $0x0  }
0x1db: {  	[sflag:s1] =	ssyncadd.s32 @!p0 $0xFFFFFFF0  }
0x1dc: {  	_ =	sfence.sel $0x180000  }
0x1dd: {  	[bflag:$0x0] =	sbarrier.arrive $0xFFFF  }
0x1de: {  	_ =	strace $0x9000004D  }
0x1df: {  	s0 =	stileid.u32;
	[bflag:$0x2] =	sbarrier.arrive $0xFFFF  }
0x1e0: {  	p0 =	sne.s32 s0, $0x0;
	s0 =	rddreg [dreg:$0x4]  }
0x1e1: {  	s0 =	sadd.s32 @!p0 $0x100000, s0  }
0x1e2: {  	[sflag:s0] =	ssyncadd.tile.s32 @!p0 $0x1;
	_ =	shalt  }
.Lfunc_end2:
_tile_overlayer_lowered:
.L_overlay_start_2:
0x1e3: {  	(tag) =	ssettag $0x2  }
0x1e4: {  	s0 =	rddreg [dreg:$0x0];
	s2 =	stileid.u32  }
0x1e5: {  	s1 =	rddreg [dreg:$0x1];
	p0 =	sne.s32 s2, $0x0  }
0x1e6: {  	s3 =	rddreg [dreg:$0x2];
	[bflag:$0x3] =	sbarrier.arrive $0xFFFF;
	s2 =	simm.s32 @!p0 $0x1C02  }
0x1e7: {  	[timem:s3], [sflag:s2] =	dma.local @!p0 [hbm:s0], s1  }
0x1e8: {  	s0 =	simm.s32 @!p0 $0x2  }
0x1e9: {  	_ =	swait.ge @!p0 [sflag:s0], s1  }
0x1ea: {  	s1 =	ssub.s32 @!p0 $0x0, s1;
	[sflag:s0] =	ssyncset.done @!p0 $0x0  }
0x1eb: {  	[sflag:s0] =	ssyncadd.s32 @!p0 s1  }
0x1ec: {  	[bflag:$0x3] =	sbarrier.arrive $0xFFFF  }
0x1ed: {  	_ =	shalt  }

// kernel: kernel.15.cloned.1.call-start
scs
__scs_entry_jumppad:
0x0: {  	(pc) =	sbr.rel $0x88, $3  }
0x1: {  	(tag) =	ssettag $0x0;
	lr =	simm.s32 $0x1  }
0x2: {  	[smem:$0x3F9F] =	sst lr;
	_ =	strace $0xD0000000  }
0x3: {  	_ = 	snop  }
0x4: {  	_ = 	snop  }
0x5: {  	_ = 	snop  }
0x6: {  	_ = 	snop  }
0x7: {  	_ = 	snop  }
__scs_overlays_trampoline_lowered:
0x8: {  	[smem:$0x3FAE] =	sst s0  }
0x9: {  	[smem:$0x3FAF] =	sst s1  }
0xa: {  	[smem:$0x3FB0] =	sst s2  }
0xb: {  	[smem:$0x3FB1] =	sst s3  }
0xc: {  	[smem:$0x3FB2] =	sst s4  }
0xd: {  	[smem:$0x3FB3] =	sst s5  }
0xe: {  	[smem:$0x3FB4] =	sst s6  }
0xf: {  	[smem:$0x3FB5] =	sst s7  }
0x10: {  	[smem:$0x3FB6] =	sst s8  }
0x11: {  	[smem:$0x3FB7] =	sst s9;
	s0 =	simm.s32 @!p0 $0x0  }
0x12: {  	s1 =	sld [smem:$0x3F9D];
	s0 =	simm.s32 @p0 $0x1  }
0x13: {  	[smem:$0x3FB8] =	sst s0;
	s0 =	simm.s32 @!p1 $0x0  }
0x14: {  	s2 =	sld [smem:$0x3F9C];
	s0 =	simm.s32 @p1 $0x1  }
0x15: {  	[smem:$0x3FB9] =	sst s0;
	s0 =	simm.s32 @!p2 $0x0  }
0x16: {  	s3 =	sld [smem:$0x3FDB];
	s0 =	simm.s32 @p2 $0x1  }
0x17: {  	s4 =	simm.s32 $0x1BF5;
	[smem:$0x3FBB] =	sst s0  }
0x18: {  	s0 =	sld [smem:$0x3F9E];
	_ =	swait.ge [sflag:s4], $0x0  }
0x19: {  	s7 =	sld [smem:$0x3F9F]  }
0x1a: {  	s8 =	sadd.s32 $0xFFFFE003, lr  }
0x1b: {  	s9 =	sadd.s32 $0xFFFFFEF7, lr;
	s5 =	simm.s32 $0xFFFFFFFF;
	p2 =	slt.u32 s8, $0xFFFFF086  }
0x1c: {  	p1 =	slt.u32 s9, $0xF7A;
	s5 =	simm.s32 @!p2 $0x0  }
0x1d: {  	s5 =	simm.s32 @p1 $0x1;
	p0 =	seq.s32 s7, s2  }
0x1e: {  	s7 =	smul.u32 @!p0 $0xF7A, s2;
	p2 =	seq.s32 @!p0 s5, $0x0  }
0x1f: {  	s9 =	smul.u32 $0xF7A, s1;
	s8 =	simm.s32 @!p0 $0x1BF5;
	p2 =	por !p2, p0  }
0x20: {  	[sflag:s8] =	ssyncset.s32 @!p0 $0xFFFFF086;
	s6 =	sadd.s32 @!p0 s3, s7;
	s7 =	simm.s32 @!p0 $0x108  }
0x21: {  	s3 =	sadd.s32 s3, s9;
	s6 =	sadd.s32 @!p0 $0x88, s6;
	s7 =	simm.s32 @p2 $0x1082  }
0x22: {  	[simem:s7], [sflag:s8] =	dma.local @!p0 [hbm:s6], $0xF7A  }
0x23: {  	s9 =	sor.u32 $0xD0000000, s2;
	s6 =	simm.s32 $0x108;
	_ =	swait.ge @!p0 [sflag:s8], $0x0  }
0x24: {  	s3 =	sadd.s32 $0x88, s3;
	s6 =	simm.s32 @!p1 $0x1082;
	[sflag:s4] =	ssyncset.s32 $0xFFFFF086  }
0x25: {  	[simem:s6], [sflag:s4] =	dma.local [hbm:s3], $0xF7A  }
0x26: {  	[smem:$0x3F9F] =	sst s1;
	(tag) =	ssettag s2;
	_ =	strace s9  }
0x27: {  	s1 =	sld [smem:$0x3FAF]  }
0x28: {  	s2 =	sld [smem:$0x3FB0]  }
0x29: {  	s4 =	sld [smem:$0x3FB2]  }
0x2a: {  	p0 =	seq.s32 s5, $0x0;
	s5 =	sld [smem:$0x3FB3]  }
0x2b: {  	s6 =	sld [smem:$0x3FB4]  }
0x2c: {  	s7 =	sld [smem:$0x3FB5]  }
0x2d: {  	s3 =	simm.s32 $0x108;
	s8 =	sld [smem:$0x3FB6]  }
0x2e: {  	s3 =	simm.s32 @!p0 $0x1082;
	s9 =	sld [smem:$0x3FB7]  }
0x2f: {  	lr =	sadd.s32 s0, s3;
	s0 =	sld [smem:$0x3FAE]  }
0x30: {  	s3 =	sld [smem:$0x3FB1]  }
0x31: {  	[smem:$0x3FBA] =	sst s10  }
0x32: {  	s10 =	sld [smem:$0x3FB8];
	_ =	sdelay $0x3  }
0x33: {  	p0 =	seq.s32 s10, $0x1;
	s10 =	sld [smem:$0x3FBA];
	_ =	sdelay $0x3  }
0x34: {  	[smem:$0x3FBA] =	sst s10  }
0x35: {  	s10 =	sld [smem:$0x3FB9];
	_ =	sdelay $0x3  }
0x36: {  	p1 =	seq.s32 s10, $0x1;
	s10 =	sld [smem:$0x3FBA];
	_ =	sdelay $0x3  }
0x37: {  	[smem:$0x3FBA] =	sst s10  }
0x38: {  	s10 =	sld [smem:$0x3FBB]  }
0x39: {  	_ = 	snop;
	(pc) =	sbr.ind lr, $3  }
0x3a: {  	_ = 	snop  }
0x3b: {  	_ = 	snop  }
0x3c: {  	p2 =	seq.s32 s10, $0x1;
	s10 =	sld [smem:$0x3FBA]  }
0x3d: {  	_ =	shalt  }
0x3e: {  	_ =	shalt  }
0x3f: {  	_ =	shalt  }
0x40: {  	_ =	shalt  }
0x41: {  	_ =	shalt  }
0x42: {  	_ =	shalt  }
0x43: {  	_ =	shalt  }
0x44: {  	_ =	shalt  }
0x45: {  	_ =	shalt  }
0x46: {  	_ =	shalt  }
0x47: {  	_ =	shalt  }
0x48: {  	_ =	shalt  }
0x49: {  	_ =	shalt  }
0x4a: {  	_ =	shalt  }
0x4b: {  	_ =	shalt  }
0x4c: {  	_ =	shalt  }
0x4d: {  	_ =	shalt  }
0x4e: {  	_ =	shalt  }
0x4f: {  	_ =	shalt  }
0x50: {  	_ =	shalt  }
0x51: {  	_ =	shalt  }
0x52: {  	_ =	shalt  }
0x53: {  	_ =	shalt  }
0x54: {  	_ =	shalt  }
0x55: {  	_ =	shalt  }
0x56: {  	_ =	shalt  }
0x57: {  	_ =	shalt  }
0x58: {  	_ =	shalt  }
0x59: {  	_ =	shalt  }
0x5a: {  	_ =	shalt  }
0x5b: {  	_ =	shalt  }
0x5c: {  	_ =	shalt  }
0x5d: {  	_ =	shalt  }
0x5e: {  	_ =	shalt  }
0x5f: {  	_ =	shalt  }
0x60: {  	_ =	shalt  }
0x61: {  	_ =	shalt  }
0x62: {  	_ =	shalt  }
0x63: {  	_ =	shalt  }
0x64: {  	_ =	shalt  }
0x65: {  	_ =	shalt  }
0x66: {  	_ =	shalt  }
0x67: {  	_ =	shalt  }
0x68: {  	_ =	shalt  }
0x69: {  	_ =	shalt  }
0x6a: {  	_ =	shalt  }
0x6b: {  	_ =	shalt  }
0x6c: {  	_ =	shalt  }
0x6d: {  	_ =	shalt  }
0x6e: {  	_ =	shalt  }
0x6f: {  	_ =	shalt  }
0x70: {  	_ =	shalt  }
0x71: {  	_ =	shalt  }
0x72: {  	_ =	shalt  }
0x73: {  	_ =	shalt  }
0x74: {  	_ =	shalt  }
0x75: {  	_ =	shalt  }
0x76: {  	_ =	shalt  }
0x77: {  	_ =	shalt  }
0x78: {  	_ =	shalt  }
0x79: {  	_ =	shalt  }
0x7a: {  	_ =	shalt  }
0x7b: {  	_ =	shalt  }
0x7c: {  	_ =	shalt  }
0x7d: {  	_ =	shalt  }
0x7e: {  	_ =	shalt  }
0x7f: {  	_ =	shalt  }
0x80: {  	_ =	shalt  }
0x81: {  	_ =	shalt  }
0x82: {  	_ =	shalt  }
0x83: {  	_ =	shalt  }
0x84: {  	_ =	shalt  }
0x85: {  	_ =	shalt  }
0x86: {  	_ =	shalt  }
0x87: {  	_ =	shalt  }
.Lfunc_end0:
.L_simem_size_0:
called_computation.3_lowered:
.L_overlay_start_0:
0x88: {  	s2 =	sld [smem:$0x3FD9]  }
0x89: {  	s3 =	sld [smem:$0x3FFE];
	_ =	sdelay $0x1  }
0x8a: {  	s1 =	srdreg.scid  }
0x8b: {  	s0 =	sand.u32 $0x1, s1  }
0x8c: {  	s17 =	sshll.u32 s0, $0xA;
	s2 =	sadd.s32 s3, s2  }
0x8d: {  	s2 =	sadd.s32 s2, s17  }
0x8e: {  	[smem:$0x3FC6] =	sst s2  }
0x8f: {  	_ = 	snop  }
0x90: {  	s2 =	sld [smem:$0x3FD0];
	(tm) =	ssettm $0x1  }
0x91: {  	s18 =	sld [smem:$0x3FFB];
	_ =	sdelay $0x3  }
0x92: {  	_ =	strace s18  }
0x93: {  	s3 =	sld [smem:$0x3FFC];
	_ =	sdelay $0x3  }
0x94: {  	_ =	strace s3  }
0x95: {  	s3 =	sld [smem:$0x3FFD];
	_ =	sdelay $0x3  }
0x96: {  	_ =	strace s3  }
0x97: {  	_ =	strace $0x8FFFFFFF  }
0x98: {  	s19 =	sld [smem:$0x3FDB];
	_ =	sdelay $0x1  }
0x99: {  	s4 =	simm.s32 $_scs_section_size  }
0x9a: {  	s5 =	simm.s32 $_size__tile_overlayer_lowered;
	s6 =	simm.s32 $_tile_overlayer_lowered  }
0x9b: {  	s22 =	simm.s32 $0x1BFF;
	s21 =	sshll.u32 s6, $0x1;
	s3 =	sadd.s32 s4, s19  }
0x9c: {  	s7 =	simm.s32 $0x0;
	s20 =	sshll.u32 s5, $0x1;
	s5 =	sadd.s32 s21, s3  }
0x9d: {  	[timem:s7], [sflag:s22] =	dma.local [hbm:s5], s20  }
0x9e: {  	_ =	swait.ge [sflag:s22], s20  }
0x9f: {  	s4 =	ssub.s32 $0x0, s20;
	[sflag:s22] =	ssyncset.done $0x0  }
0xa0: {  	[sflag:s22] =	ssyncadd.s32 s4;
	_ =	sdelay $0x1  }
0xa1: {  	s23 =	simm.s32 $0x1B8B  }
0xa2: {  	_ =	swait.ge [sflag:s23], $0x1  }
0xa3: {  	[sflag:s23] =	ssyncset.done $0x0  }
0xa4: {  	s25 =	simm.s32 $0x1B8E;
	s24 =	sld [smem:$0x3FFE];
	[sflag:s23] =	ssyncadd.s32 $0xFFFFFFFF  }
0xa5: {  	s26 =	simm.s32 $execute0_lowered;
	[smem:$0x3FD2] =	sst s25  }
0xa6: {  	s5 =	sshll.u32 s26, $0x1;
	_ =	strace $0x8000004F;
	[dreg:$0x1] =	wrdreg $0xFFFFFFFF  }
0xa7: {  	s28 =	simm.s32 $_size_execute0_lowered;
	s3 =	sadd.s32 s3, s5;
	[dreg:$0x0] =	wrdreg $0x0  }
0xa8: {  	s5 =	sshll.u32 s28, $0x1;
	[dreg:$0x2] =	wrdreg s3  }
0xa9: {  	[dreg:$0x3] =	wrdreg s5  }
0xaa: {  	[dreg:$0x4] =	wrdreg $0xC0  }
0xab: {  	_ =	task [dreg:s7], $0x5FFFF  }
0xac: {  	[dreg:$0x1] =	wrdreg $0xFFFFFFFF  }
0xad: {  	[dreg:$0x0] =	wrdreg $0x60  }
0xae: {  	[dreg:$0x2] =	wrdreg s24  }
0xaf: {  	[dreg:$0x3] =	wrdreg s2  }
0xb0: {  	[dreg:$0x4] =	wrdreg $0x9  }
0xb1: {  	_ =	task.clear_ibuf [dreg:s7], $0x5FFFF;
	_ =	strace $0x9000004F  }
0xb2: {  	s29 =	simm.s32 $0x9;
	_ =	strace $0x80000051  }
0xb3: {  	_ =	swait.ge [sflag:s29], $0x1  }
0xb4: {  	[sflag:s29] =	ssyncadd.s32 $0xFFFFFFFF  }
0xb5: {  	_ =	strace $0x90000051  }
0xb6: {  	_ =	sfence  }
0xb7: {  	s30 =	sld [smem:$0x0];
	_ =	sdelay $0x2  }
0xb8: {  	s31 =	sshll.u32 s1, $0xD;
	s1 =	sshrl.u32 s1, $0x2  }
0xb9: {  	s3 =	sand.u32 $0x4000, s31;
	s1 =	sadd.s32 s1, s30  }
0xba: {  	s0 =	sor.u32 s3, s0;
	s1 =	sshll.u32 s1, $0x11  }
0xbb: {  	s0 =	sor.u32 s1, s0  }
0xbc: {  	s0 =	sadd.s32 $0x8F2B, s0  }
0xbd: {  	[sflag:s0] =	ssyncadd.remote.s32 $0x1  }
0xbe: {  	_ =	sfence.sel $0xFFFF  }
0xbf: {  	[dreg:$0x0] =	wrdreg $0xFFFFFFFF;
	(pc) =	sbr.abs _section_cstart, $3  }
0xc0: {  	[dreg:$0x1] =	wrdreg $0xFFFFFFFF  }
0xc1: {  	_ =	task.clear_ibuf [dreg:s7], $0x2FFFF;
	_ =	strace $0x9FFFFFFF  }
0xc2: {  	(tm) =	ssettm $0x7FFFFFFF  }
0xc3: {  	_ =	shalt  }
tec
execute0_lowered:
.L_overlay_start_1:
0x0: {  	(tag) =	ssettag $0x1  }
0x1: {  	s3 =	rddreg [dreg:$0x0]  }
0x2: {  	s1 =	rddreg [dreg:$0x1]  }
0x3: {  	s2 =	srdreg.scid;
	s0 =	rddreg [dreg:$0x2];
	_ =	strace $0x80000050  }
0x4: {  	s10 =	simm.s32 $0x3020;
	s11 =	simm.s32 $0x3060;
	s12 =	simm.s32 $0x1  }
0x5: {  	s7 =	sand.u32 $0x1, s2;
	s2 =	sadd.s32 $0x1C00, s3;
	s4 =	sadd.s32 $0x1E00, s3  }
0x6: {  	s5 =	sadd.s32 $0x2000, s3;
	s6 =	sadd.s32 $0x2200, s3;
	s3 =	stileid.u32  }
0x7: {  	v3 =	vlaneseq.u32;
	s8 =	ssub.s32 $0x2, s7;
	s13 =	sshll.u32 s7, $0x4;
	s14 =	ssub.s32 $0x0, s3  }
0x8: {  	s15 =	simm.s32 $0x0;
	v2 =	vmul.u32 $0xFFFFFFFF, v3;
	s9 =	sshrl.u32 s8, $0x1;
	p0 =	sne.s32 s13, s14  }
0x9: {  	v0 =	vimm.s32 $0x0;
	s13 =	simm.s32 $0x2000;
	s14 =	simm.s32 $0x2810;
	s8 =	ssub.s32 s8, s9  }
0xa: {  	v1 =	vimm.f32 $0.0e+00;
	v3 =	vor.u32 $0x80000000, v3;
	v2 =	vadd.s32 $0xF, v2;
	s9 =	simm.s32 $0x1000;
	s7 =	smax.u32 s8, $0x1;
	s8 =	simm.s32 $0x0  }
.LBB2_1:
0xb: {  	[tilespmem:s8], [sflag:$0x1] =	stream.linear.gather [hbm4b:s2+s8], $0x1000, $0x38;
	[tilespmem:$0x3080] =	vst v63  }
0xc: {  	_ = 	snop  }
0xd: {  	[tilespmem:s9], [sflag:$0x1] =	stream.linear.gather [hbm4b:s4+s8], $0x1000, $0x38;
	[tilespmem:$0x3080] =	vst v63  }
0xe: {  	_ = 	snop  }
0xf: {  	[tilespmem:s10], [sflag:$0x1] =	stream.linear.gather [hbm4b:s5+s8], $0x40, $0x38;
	[tilespmem:$0x3080] =	vst v63  }
0x10: {  	_ = 	snop  }
0x11: {  	[tilespmem:s11], [sflag:$0x1] =	stream.linear.gather [hbm4b:s6+s8], $0x10, $0x38;
	[tilespmem:$0x3080] =	vst v63  }
0x12: {  	_ =	swait.ge [sflag:s12], $0x1000  }
0x13: {  	[sflag:s12] =	ssyncset.done $0x0  }
0x14: {  	[sflag:s12] =	ssyncadd.s32 $0xFFFFF000  }
0x15: {  	_ =	swait.ge [sflag:s12], $0x1000  }
0x16: {  	[sflag:s12] =	ssyncset.done $0x0  }
0x17: {  	[sflag:s12] =	ssyncadd.s32 $0xFFFFF000  }
0x18: {  	_ =	swait.ge [sflag:s12], $0x40  }
0x19: {  	[sflag:s12] =	ssyncset.done $0x0  }
0x1a: {  	[sflag:s12] =	ssyncadd.s32 $0xFFFFFFC0  }
0x1b: {  	_ =	swait.ge [sflag:s12], $0x10  }
0x1c: {  	[sflag:s12] =	ssyncset.done $0x0  }
0x1d: {  	[sflag:s12] =	ssyncadd.s32 $0xFFFFFFF0  }
0x1e: {  	[tilespmem:$0x2800] =	vst v0  }
0x1f: {  	s18 =	simm.s32 $0x0;
	[tilespmem:$0x3010] =	vst v1  }
0x20: {  	v7 =	vld [tilespmem:s18+$0x7F0]  }
0x21: {  	v8 =	vld [tilespmem:s18+$0xFF0];
	_ =	sdelay $0x4  }
0x22: {  	v7 =	vadd.s32 v7, v8  }
0x23: {  	v7 =	vperm.xlane v7, v2;
	_ =	sdelay $0x1  }
0x24: {  	(xrf0) =	vadd.scan.msk.s32 $0xffff, v7;
	_ =	sdelay $0x4  }
0x25: {  	v9 =	vld [tilespmem:s18+$0x1FF0]  }
0x26: {  	v8 =	vld [tilespmem:s18+$0x17F0];
	v7, _, _ =	vpop (xrf0)  }
0x27: {  	v7 =	vperm.xlane v7, v2;
	_ =	sdelay $0x1  }
0x28: {  	v7 =	vadd.s32 s8, v7  }
0x29: {  	v10 =	vxor.u32 $0x80000000, v7  }
0x2a: {  	v6 =	vld [tilespmem:$0x3020];
	v8 =	vadd.f32 v9, v8;
	(xrf0) =	vmax.scan.msk.u32 $0xffff, v10  }
0x2b: {  	v4 =	vld [tilespmem:$0x3030]  }
0x2c: {  	s16 =	simm.s32 $0xFFFFFFF0;
	v5 =	vld [tilespmem:$0x3060];
	v8 =	vperm.xlane v8, v2;
	[tilespmem:s18+$0x27F0] =	vst v7  }
0x2d: {  	v7 =	vld [tilespmem:s16+$0x7F0]  }
0x2e: {  	(xrf2) =	vadd.scan.msk.f32 $0xffff, v8;
	v9 =	vld [tilespmem:s16+$0xFF0];
	_ =	sdelay $0x1  }
0x2f: {  	v8, _, _ =	vpop (xrf0)  }
0x30: {  	(v2sf) =	vpush v8, $0xF;
	_ =	sdelay $0x1  }
0x31: {  	v7 =	vadd.s32 v7, v9  }
0x32: {  	v7 =	vperm.xlane v7, v2;
	_ =	sdelay $0x3  }
0x33: {  	(xrf0) =	vadd.scan.msk.s32 $0xffff, v7;
	v7, _, _ =	vpop (xrf2)  }
0x34: {  	v7 =	vperm.xlane v7, v2  }
0x35: {  	s17 =	simm.f32 $0.0e+00  }
0x36: {  	v7 =	vadd.f32 s17, v7;
	_ =	sdelay $0x1  }
0x37: {  	[tilespmem:s18+$0x3000] =	vst v7  }
0x38: {  	(xrf0) =	vmax.scan.msk.f32 $0xffff, v7;
	v9 =	vld [tilespmem:s16+$0x17F0]  }
0x39: {  	v8, _, _ =	vpop (xrf0);
	v10 =	vld [tilespmem:s16+$0x1FF0]  }
0x3a: {  	v8 =	vperm.xlane v8, v2;
	s31 =	spop (v2sf)  }
0x3b: {  	s17 =	sxor.u32 $0x80000000, s31  }
0x3c: {  	v8 =	vadd.s32 s17, v8  }
0x3d: {  	v7 =	vxor.u32 $0x80000000, v8  }
0x3e: {  	(xrf0) =	vmax.scan.msk.u32 $0xffff, v7;
	v7 =	vadd.f32 v10, v9;
	v9, _, _ =	vpop (xrf0)  }
0x3f: {  	(v2sf) =	vpush v9, $0xF;
	_ =	sdelay $0x1  }
0x40: {  	v7 =	vperm.xlane v7, v2;
	_ =	sdelay $0x1  }
0x41: {  	(xrf2) =	vadd.scan.msk.f32 $0xffff, v7;
	_ =	sdelay $0x3  }
0x42: {  	s17 =	simm.s32 $0xFFFFFFE0;
	[tilespmem:s16+$0x27F0] =	vst v8  }
0x43: {  	s18 =	simm.s32 $0xFFFFFF40;
	v7 =	vld [tilespmem:s17+$0x7F0];
	v8, _, _ =	vpop (xrf0)  }
.LBB2_2:
0x44: {  	p1 =	seq.s32 s18, $0xFFFFE040;
	v9 =	vld [tilespmem:s17+$0xFF0];
	(v2sf) =	vpush v8, $0xF;
	_ =	sdelay $0x3  }
0x45: {  	v8, _, _ =	vpop (xrf2)  }
0x46: {  	v7 =	vadd.s32 v7, v9;
	v8 =	vperm.xlane v8, v2;
	s19 =	spop (v2sf)  }
0x47: {  	v7 =	vperm.xlane v7, v2  }
0x48: {  	v8 =	vadd.f32 s19, v8  }
0x49: {  	(xrf0) =	vadd.scan.msk.s32 $0xffff, v7  }
0x4a: {  	[tilespmem:s16+$0x3000] =	vst v8;
	(xrf0) =	vmax.scan.msk.f32 $0xffff, v8;
	s16 =	smov.u32 s17  }
0x4b: {  	v7 =	vld [tilespmem:s16+$0x17F0]  }
0x4c: {  	v8 =	vld [tilespmem:s16+$0x1FF0];
	_ =	sdelay $0x2  }
0x4d: {  	v9, _, _ =	vpop (xrf0)  }
0x4e: {  	v9 =	vperm.xlane v9, v2;
	s17 =	spop (v2sf);
	v10, _, _ =	vpop (xrf0)  }
0x4f: {  	v7 =	vadd.f32 v8, v7;
	s17 =	sxor.u32 $0x80000000, s17;
	(v2sf) =	vpush v10, $0xF  }
0x50: {  	v8 =	vadd.s32 s17, v9  }
0x51: {  	v7 =	vperm.xlane v7, v2;
	[tilespmem:s16+$0x27F0] =	vst v8;
	v8 =	vxor.u32 $0x80000000, v8  }
0x52: {  	(xrf0) =	vmax.scan.msk.u32 $0xffff, v8  }
0x53: {  	(xrf2) =	vadd.scan.msk.f32 $0xffff, v7  }
.Ltmp0:
0x54: {  	(pc) =	sbr.rel @!p1 .LBB2_2-.Ltmp0, $3  }
0x55: {  	_ =	sdelay $0x1  }
0x56: {  	s17 =	sshra.s32 s18, $0x2  }
0x57: {  	s18 =	sadd.s32 $0xFFFFFFC0, s18;
	v7 =	vld [tilespmem:s17+$0x7F0];
	v8, _, _ =	vpop (xrf0)  }
0x58: {  	_ = 	snop  }
0x59: {  	v9 =	vld [tilespmem:s17+$0xFF0];
	_ =	sdelay $0x2  }
0x5a: {  	v10, _, _ =	vpop (xrf2)  }
0x5b: {  	v10 =	vperm.xlane v10, v2  }
0x5c: {  	v7 =	vadd.s32 v7, v9;
	s18 =	spop (v2sf)  }
0x5d: {  	v7 =	vperm.xlane v7, v2;
	v57 =	vadd.f32 s18, v10;
	_ =	sdelay $0x1  }
0x5e: {  	(xrf0) =	vadd.scan.msk.s32 $0xffff, v7;
	[tilespmem:s16+$0x3000] =	vst v57  }
0x5f: {  	(xrf0) =	vmax.scan.msk.f32 $0xffff, v57;
	v7 =	vld [tilespmem:s17+$0x17F0]  }
0x60: {  	v58 =	vld [tilespmem:s17+$0x1FF0];
	_ =	sdelay $0x3  }
0x61: {  	(v2sf) =	vpush v8, $0xF;
	v8, _, _ =	vpop (xrf0)  }
0x62: {  	v59, _, _ =	vpop (xrf0);
	v7 =	vadd.f32 v58, v7  }
0x63: {  	(v2sf) =	vpush v59, $0xF  }
0x64: {  	v7 =	vperm.xlane v7, v2;
	_ =	sdelay $0x1  }
0x65: {  	(xrf2) =	vadd.scan.msk.f32 $0xffff, v7;
	_ =	sdelay $0x9  }
0x66: {  	s18 =	spop (v2sf);
	v7 =	vperm.xlane v8, v2;
	v8, _, _ =	vpop (xrf2)  }
0x67: {  	s16 =	sxor.u32 $0x80000000, s18;
	v8 =	vperm.xlane v8, v2  }
0x68: {  	v7 =	vadd.s32 s16, v7;
	s19 =	spop (v2sf)  }
0x69: {  	v60 =	vxor.u32 $0x80000000, v7;
	v8 =	vadd.f32 s19, v8  }
0x6a: {  	(xrf0) =	vmax.scan.msk.u32 $0xffff, v60  }
0x6b: {  	(xrf0) =	vmax.scan.msk.f32 $0xffff, v8;
	_ =	sdelay $0x4  }
0x6c: {  	v9, _, _ =	vpop (xrf0)  }
0x6d: {  	(v2sf) =	vpush v9, $0xF;
	v61, _, _ =	vpop (xrf0)  }
0x6e: {  	(v2sf) =	vpush v61, $0xF;
	_ =	sdelay $0x6  }
0x6f: {  	v6 =	vxor.u32 $0x80000000, v6  }
0x70: {  	(xrf0) =	vmax.scan.msk.u32 $0xffff, v6;
	_ =	sdelay $0x5  }
0x71: {  	s20 =	spop (v2sf);
	v6, _, _ =	vpop (xrf0)  }
0x72: {  	s21 =	spop (v2sf);
	(v2sf) =	vpush v6, $0xF;
	_ =	sdelay $0xa  }
0x73: {  	[tilespmem:s17+$0x27F0] =	vst v7  }
0x74: {  	s19 =	simm.s32 $0x2000;
	[tilespmem:s17+$0x3000] =	vst v8  }
0x75: {  	v7 =	vld [tilespmem:s19+$0x0];
	_ =	sdelay $0x1  }
0x76: {  	s16 =	spop (v2sf)  }
0x77: {  	s16 =	sxor.u32 $0x80000000, s16  }
0x78: {  	s22 =	simm.s32 $0x0;
	v6 =	vmov s16  }
0x79: {  	vm0 =	vlt.s32 v7, v6;
	v7 =	vor.u32 s22, v3  }
0x7a: {  	v7 =	vsel vm0, $0x7FFFFFFF, v7  }
0x7b: {  	(xrf0) =	vmax.scan.msk.u32 $0xffff, v7;
	_ =	sdelay $0x4  }
0x7c: {  	s23 =	simm.s32 $0x2010  }
0x7d: {  	s24 =	simm.s32 $0x2020;
	v8 =	vld [tilespmem:s23+$0x0];
	v7, _, _ =	vpop (xrf0)  }
0x7e: {  	(v2sf) =	vpush v7, $0xF;
	v7 =	vld [tilespmem:s24+$0x0];
	_ =	sdelay $0x2  }
0x7f: {  	s25 =	simm.s32 $0x10  }
0x80: {  	s26 =	simm.s32 $0x20;
	vm0 =	vlt.s32 v8, v6;
	v8 =	vor.u32 s25, v3  }
0x81: {  	v8 =	vsel vm0, $0x7FFFFFFF, v8;
	vm0 =	vlt.s32 v7, v6;
	v7 =	vor.u32 s26, v3  }
0x82: {  	(xrf0) =	vmax.scan.msk.u32 $0xffff, v8;
	v7 =	vsel vm0, $0x7FFFFFFF, v7  }
0x83: {  	(xrf0) =	vmax.scan.msk.u32 $0xffff, v7;
	_ =	sdelay $0x3  }
0x84: {  	s28 =	simm.s32 $0x2030  }
0x85: {  	v8 =	vld [tilespmem:s28+$0x0];
	v62, _, _ =	vpop (xrf0)  }
0x86: {  	(v2sf) =	vpush v62, $0xF;
	v63, _, _ =	vpop (xrf0)  }
0x87: {  	(v2sf) =	vpush v63, $0xF;
	_ =	sdelay $0x1  }
0x88: {  	s29 =	simm.s32 $0x2040;
	s30 =	simm.s32 $0x30  }
0x89: {  	vm0 =	vlt.s32 v8, v6;
	v8 =	vor.u32 s30, v3;
	v7 =	vld [tilespmem:s29+$0x0]  }
0x8a: {  	v8 =	vsel vm0, $0x7FFFFFFF, v8  }
0x8b: {  	(xrf0) =	vmax.scan.msk.u32 $0xffff, v8;
	_ =	sdelay $0x1  }
0x8c: {  	s31 =	simm.s32 $0x40;
	s18 =	simm.s32 $0x50  }
0x8d: {  	s17 =	simm.s32 $0xFFFFFFFF;
	s19 =	simm.s32 $0x2050;
	vm0 =	vlt.s32 v7, v6;
	v7 =	vor.u32 s31, v3;
	s20 =	spop (v2sf)  }
.LBB2_4:
0x8e: {  	s21 =	smov.u32 s17;
	p1 =	sne.s32 s18, $0x7F0  }
0x8f: {  	v9 =	vsel vm0, $0x7FFFFFFF, v7;
	s17 =	sxor.u32 $0x80000000, s20;
	s20 =	smov.u32 s18;
	s18 =	sadd.s32 $0x10, s18;
	v8 =	vld [tilespmem:s19+$0x0]  }
.Ltmp1:
0x90: {  	p2 =	sgt.s32 s21, s17;
	(xrf0) =	vmax.scan.msk.u32 $0xffff, v9;
	v7, _, _ =	vpop (xrf0);
	(pc) =	sbr.rel @p1 .LBB2_4-.Ltmp1, $2  }
0x91: {  	s17 =	smov.u32 @p2 s21;
	(v2sf) =	vpush v7, $0xF;
	_ =	sdelay $0x2  }
0x92: {  	s19 =	sadd.s32 $0x10, s19;
	v7 =	vor.u32 s20, v3;
	vm0 =	vlt.s32 v8, v6;
	s20 =	spop (v2sf)  }
0x93: {  	v6 =	vsel vm0, $0x7FFFFFFF, v7  }
0x94: {  	(xrf0) =	vmax.scan.msk.u32 $0xffff, v6;
	_ =	sdelay $0x3  }
0x95: {  	v62, _, _ =	vpop (xrf0)  }
0x96: {  	(v2sf) =	vpush v62, $0xF  }
0x97: {  	v63, _, _ =	vpop (xrf0)  }
0x98: {  	(v2sf) =	vpush v63, $0xF;
	_ =	sdelay $0x1  }
0x99: {  	v4 =	vxor.u32 @!p0 $0x80000000, v4;
	(xrf0) =	vmax.scan.msk.f32 @!p0 $0xffff, v5  }
0x9a: {  	(xrf0) =	vmax.scan.msk.u32 @!p0 $0xffff, v4;
	_ =	sdelay $0x4  }
0x9b: {  	s18 =	sxor.u32 $0x80000000, s20;
	v4, _, _ =	vpop @!p0 (xrf0)  }
0x9c: {  	s19 =	spop (v2sf);
	p1 =	sgt.s32 s17, s18;
	(v2sf) =	vpush @!p0 v4, $0xF;
	v4, _, _ =	vpop @!p0 (xrf0)  }
0x9d: {  	s18 =	smov.u32 @p1 s17;
	s17 =	sxor.u32 $0x80000000, s19;
	(v2sf) =	vpush @!p0 v4, $0xF  }
0x9e: {  	p1 =	sgt.s32 s18, s17;
	s29 =	spop (v2sf)  }
0x9f: {  	s17 =	smov.u32 @p1 s18;
	s18 =	sxor.u32 $0x80000000, s29  }
0xa0: {  	p1 =	sgt.s32 s17, s18;
	s30 =	spop (v2sf)  }
0xa1: {  	s18 =	smov.u32 @p1 s17;
	s17 =	sxor.u32 $0x80000000, s30  }
0xa2: {  	p1 =	sgt.s32 s18, s17;
	s31 =	spop (v2sf)  }
0xa3: {  	s17 =	smov.u32 @p1 s18;
	s18 =	sxor.u32 $0x80000000, s31  }
0xa4: {  	p1 =	sgt.s32 s17, s18  }
0xa5: {  	s18 =	smov.u32 @p1 s17  }
0xa6: {  	s17 =	sadd.s32 $0x1, s18  }
0xa7: {  	v4 =	vmov s17;
	_ =	sdelay $0x3  }
0xa8: {  	s17 =	spop @!p0 (v2sf)  }
0xa9: {  	s19 =	spop @!p0 (v2sf);
	v5 =	vld.idx.msk [tilespmem:v4+s14+$0x0], $0xffff  }
0xaa: {  	s19 =	sshll.u32 @!p0 s19, $0xB;
	v4 =	vld.idx.msk [tilespmem:v4+s13+$0x0], $0xffff  }
0xab: {  	s18 =	sor.u32 @!p0 s19, s18  }
0xac: {  	v6 =	vmov @!p0 s18  }
0xad: {  	v6 =	vbroadcast @!p0 v6, $0x0  }
0xae: {  	(xrf0) =	vmax.scan.msk.f32 @!p0 $0xffff, v5  }
0xaf: {  	v4 =	vxor.u32 @!p0 $0x80000000, v4;
	(xrf0) =	vmax.scan.msk.f32 @!p0 $0xffff, v6  }
0xb0: {  	(xrf0) =	vmax.scan.msk.u32 @!p0 $0xffff, v4;
	_ =	sdelay $0x3  }
0xb1: {  	v4, _, _ =	vpop @!p0 (xrf0)  }
0xb2: {  	(v2sf) =	vpush @!p0 v4, $0xF;
	v4, _, _ =	vpop @!p0 (xrf0)  }
0xb3: {  	(v2sf) =	vpush @!p0 v4, $0xF;
	v4, _, _ =	vpop @!p0 (xrf0)  }
0xb4: {  	(v2sf) =	vpush @!p0 v4, $0xF;
	_ =	sdelay $0xc  }
0xb5: {  	s18 =	spop @!p0 (v2sf)  }
0xb6: {  	s19 =	spop @!p0 (v2sf)  }
0xb7: {  	s20 =	spop @!p0 (v2sf)  }
0xb8: {  	s20 =	sxor.u32 @!p0 $0x80000000, s20  }
0xb9: {  	s16 =	ssub.s32 @!p0 s16, s20  }
0xba: {  	s16 =	scvt.s32.f32 @!p0 s16;
	_ =	sdelay $0x1  }
0xbb: {  	s17 =	sadd.f32 @!p0 s18, s17;
	s16 =	smul.f32 @!p0 s16, s19  }
0xbc: {  	_ = 	snop  }
0xbd: {  	s16 =	sadd.f32 @!p0 s16, s17;
	_ =	sdelay $0x1  }
0xbe: {  	s16 =	smul.f32 @!p0 $1.562500000e-02, s16;
	_ =	sdelay $0x1  }
0xbf: {  	v4 =	vmov @!p0 s16  }
0xc0: {  	v4 =	vadd.f32 @!p0 $0.0e+00, v4;
	_ =	sdelay $0x1  }
0xc1: {  	v4 =	vbroadcast @!p0 v4, $0x0  }
0xc2: {  	s15 =	sadd.s32 $0x1, s15  }
0xc3: {  	p1 =	sne.s32 s15, s7;
	s17 =	simm.s32 @!p0 $0x3070;
	s16 =	simm.s32 @!p0 $0x0;
	[tilespmem:$0x3070] =	vst @!p0 v4  }
0xc4: {  	[hbm4b:s1+s16] =	stream.linear.scatter @!p0 [tilespmem:s17], [sflag:$0x2], $0x10, $0x38;
	[tilespmem:$0x3080] =	vst v63  }
.Ltmp2:
0xc5: {  	_ = 	snop;
	(pc) =	sbr.rel @p1 .LBB2_1-.Ltmp2, $4  }
0xc6: {  	s16 =	simm.s32 @!p0 $0x2  }
0xc7: {  	_ =	swait.ge @!p0 [sflag:s16], $0x10  }
0xc8: {  	[sflag:s16] =	ssyncset.done @!p0 $0x0  }
0xc9: {  	[sflag:s16] =	ssyncadd.s32 @!p0 $0xFFFFFFF0  }
0xca: {  	_ =	sfence.sel $0x180000  }
0xcb: {  	[bflag:$0x0] =	sbarrier.arrive $0xFFFF  }
0xcc: {  	p0 =	sne.s32 s3, $0x0;
	_ =	strace $0x90000050  }
0xcd: {  	s0 =	sadd.s32 @!p0 $0x100000, s0;
	[bflag:$0x2] =	sbarrier.arrive $0xFFFF  }
0xce: {  	[sflag:s0] =	ssyncadd.tile.s32 @!p0 $0x1;
	_ =	shalt  }
.Lfunc_end2:
_tile_overlayer_lowered:
.L_overlay_start_2:
0xcf: {  	(tag) =	ssettag $0x2  }
0xd0: {  	s0 =	rddreg [dreg:$0x0];
	s2 =	stileid.u32  }
0xd1: {  	s1 =	rddreg [dreg:$0x1];
	p0 =	sne.s32 s2, $0x0  }
0xd2: {  	s3 =	rddreg [dreg:$0x2];
	[bflag:$0x3] =	sbarrier.arrive $0xFFFF;
	s2 =	simm.s32 @!p0 $0x1C02  }
0xd3: {  	[timem:s3], [sflag:s2] =	dma.local @!p0 [hbm:s0], s1  }
0xd4: {  	s0 =	simm.s32 @!p0 $0x2  }
0xd5: {  	_ =	swait.ge @!p0 [sflag:s0], s1  }
0xd6: {  	s1 =	ssub.s32 @!p0 $0x0, s1;
	[sflag:s0] =	ssyncset.done @!p0 $0x0  }
0xd7: {  	[sflag:s0] =	ssyncadd.s32 @!p0 s1  }
0xd8: {  	[bflag:$0x3] =	sbarrier.arrive $0xFFFF  }
0xd9: {  	_ =	shalt  }

// kernel: kernel.6.cloned.1.call-start
scs
__scs_entry_jumppad:
0x0: {  	(pc) =	sbr.rel $0x88, $3  }
0x1: {  	(tag) =	ssettag $0x0;
	lr =	simm.s32 $0x1  }
0x2: {  	[smem:$0x3F9F] =	sst lr;
	_ =	strace $0xD0000000  }
0x3: {  	_ = 	snop  }
0x4: {  	_ = 	snop  }
0x5: {  	_ = 	snop  }
0x6: {  	_ = 	snop  }
0x7: {  	_ = 	snop  }
__scs_overlays_trampoline_lowered:
0x8: {  	[smem:$0x3FAE] =	sst s0  }
0x9: {  	[smem:$0x3FAF] =	sst s1  }
0xa: {  	[smem:$0x3FB0] =	sst s2  }
0xb: {  	[smem:$0x3FB1] =	sst s3  }
0xc: {  	[smem:$0x3FB2] =	sst s4  }
0xd: {  	[smem:$0x3FB3] =	sst s5  }
0xe: {  	[smem:$0x3FB4] =	sst s6  }
0xf: {  	[smem:$0x3FB5] =	sst s7  }
0x10: {  	[smem:$0x3FB6] =	sst s8  }
0x11: {  	[smem:$0x3FB7] =	sst s9;
	s0 =	simm.s32 @!p0 $0x0  }
0x12: {  	s1 =	sld [smem:$0x3F9D];
	s0 =	simm.s32 @p0 $0x1  }
0x13: {  	[smem:$0x3FB8] =	sst s0;
	s0 =	simm.s32 @!p1 $0x0  }
0x14: {  	s2 =	sld [smem:$0x3F9C];
	s0 =	simm.s32 @p1 $0x1  }
0x15: {  	[smem:$0x3FB9] =	sst s0;
	s0 =	simm.s32 @!p2 $0x0  }
0x16: {  	s3 =	sld [smem:$0x3FDB];
	s0 =	simm.s32 @p2 $0x1  }
0x17: {  	s4 =	simm.s32 $0x1BF5;
	[smem:$0x3FBB] =	sst s0  }
0x18: {  	s0 =	sld [smem:$0x3F9E];
	_ =	swait.ge [sflag:s4], $0x0  }
0x19: {  	s7 =	sld [smem:$0x3F9F]  }
0x1a: {  	s8 =	sadd.s32 $0xFFFFE003, lr  }
0x1b: {  	s9 =	sadd.s32 $0xFFFFFEF7, lr;
	s5 =	simm.s32 $0xFFFFFFFF;
	p2 =	slt.u32 s8, $0xFFFFF086  }
0x1c: {  	p1 =	slt.u32 s9, $0xF7A;
	s5 =	simm.s32 @!p2 $0x0  }
0x1d: {  	s5 =	simm.s32 @p1 $0x1;
	p0 =	seq.s32 s7, s2  }
0x1e: {  	s7 =	smul.u32 @!p0 $0xF7A, s2;
	p2 =	seq.s32 @!p0 s5, $0x0  }
0x1f: {  	s9 =	smul.u32 $0xF7A, s1;
	s8 =	simm.s32 @!p0 $0x1BF5;
	p2 =	por !p2, p0  }
0x20: {  	[sflag:s8] =	ssyncset.s32 @!p0 $0xFFFFF086;
	s6 =	sadd.s32 @!p0 s3, s7;
	s7 =	simm.s32 @!p0 $0x108  }
0x21: {  	s3 =	sadd.s32 s3, s9;
	s6 =	sadd.s32 @!p0 $0x88, s6;
	s7 =	simm.s32 @p2 $0x1082  }
0x22: {  	[simem:s7], [sflag:s8] =	dma.local @!p0 [hbm:s6], $0xF7A  }
0x23: {  	s9 =	sor.u32 $0xD0000000, s2;
	s6 =	simm.s32 $0x108;
	_ =	swait.ge @!p0 [sflag:s8], $0x0  }
0x24: {  	s3 =	sadd.s32 $0x88, s3;
	s6 =	simm.s32 @!p1 $0x1082;
	[sflag:s4] =	ssyncset.s32 $0xFFFFF086  }
0x25: {  	[simem:s6], [sflag:s4] =	dma.local [hbm:s3], $0xF7A  }
0x26: {  	[smem:$0x3F9F] =	sst s1;
	(tag) =	ssettag s2;
	_ =	strace s9  }
0x27: {  	s1 =	sld [smem:$0x3FAF]  }
0x28: {  	s2 =	sld [smem:$0x3FB0]  }
0x29: {  	s4 =	sld [smem:$0x3FB2]  }
0x2a: {  	p0 =	seq.s32 s5, $0x0;
	s5 =	sld [smem:$0x3FB3]  }
0x2b: {  	s6 =	sld [smem:$0x3FB4]  }
0x2c: {  	s7 =	sld [smem:$0x3FB5]  }
0x2d: {  	s3 =	simm.s32 $0x108;
	s8 =	sld [smem:$0x3FB6]  }
0x2e: {  	s3 =	simm.s32 @!p0 $0x1082;
	s9 =	sld [smem:$0x3FB7]  }
0x2f: {  	lr =	sadd.s32 s0, s3;
	s0 =	sld [smem:$0x3FAE]  }
0x30: {  	s3 =	sld [smem:$0x3FB1]  }
0x31: {  	[smem:$0x3FBA] =	sst s10  }
0x32: {  	s10 =	sld [smem:$0x3FB8];
	_ =	sdelay $0x3  }
0x33: {  	p0 =	seq.s32 s10, $0x1;
	s10 =	sld [smem:$0x3FBA];
	_ =	sdelay $0x3  }
0x34: {  	[smem:$0x3FBA] =	sst s10  }
0x35: {  	s10 =	sld [smem:$0x3FB9];
	_ =	sdelay $0x3  }
0x36: {  	p1 =	seq.s32 s10, $0x1;
	s10 =	sld [smem:$0x3FBA];
	_ =	sdelay $0x3  }
0x37: {  	[smem:$0x3FBA] =	sst s10  }
0x38: {  	s10 =	sld [smem:$0x3FBB]  }
0x39: {  	_ = 	snop;
	(pc) =	sbr.ind lr, $3  }
0x3a: {  	_ = 	snop  }
0x3b: {  	_ = 	snop  }
0x3c: {  	p2 =	seq.s32 s10, $0x1;
	s10 =	sld [smem:$0x3FBA]  }
0x3d: {  	_ =	shalt  }
0x3e: {  	_ =	shalt  }
0x3f: {  	_ =	shalt  }
0x40: {  	_ =	shalt  }
0x41: {  	_ =	shalt  }
0x42: {  	_ =	shalt  }
0x43: {  	_ =	shalt  }
0x44: {  	_ =	shalt  }
0x45: {  	_ =	shalt  }
0x46: {  	_ =	shalt  }
0x47: {  	_ =	shalt  }
0x48: {  	_ =	shalt  }
0x49: {  	_ =	shalt  }
0x4a: {  	_ =	shalt  }
0x4b: {  	_ =	shalt  }
0x4c: {  	_ =	shalt  }
0x4d: {  	_ =	shalt  }
0x4e: {  	_ =	shalt  }
0x4f: {  	_ =	shalt  }
0x50: {  	_ =	shalt  }
0x51: {  	_ =	shalt  }
0x52: {  	_ =	shalt  }
0x53: {  	_ =	shalt  }
0x54: {  	_ =	shalt  }
0x55: {  	_ =	shalt  }
0x56: {  	_ =	shalt  }
0x57: {  	_ =	shalt  }
0x58: {  	_ =	shalt  }
0x59: {  	_ =	shalt  }
0x5a: {  	_ =	shalt  }
0x5b: {  	_ =	shalt  }
0x5c: {  	_ =	shalt  }
0x5d: {  	_ =	shalt  }
0x5e: {  	_ =	shalt  }
0x5f: {  	_ =	shalt  }
0x60: {  	_ =	shalt  }
0x61: {  	_ =	shalt  }
0x62: {  	_ =	shalt  }
0x63: {  	_ =	shalt  }
0x64: {  	_ =	shalt  }
0x65: {  	_ =	shalt  }
0x66: {  	_ =	shalt  }
0x67: {  	_ =	shalt  }
0x68: {  	_ =	shalt  }
0x69: {  	_ =	shalt  }
0x6a: {  	_ =	shalt  }
0x6b: {  	_ =	shalt  }
0x6c: {  	_ =	shalt  }
0x6d: {  	_ =	shalt  }
0x6e: {  	_ =	shalt  }
0x6f: {  	_ =	shalt  }
0x70: {  	_ =	shalt  }
0x71: {  	_ =	shalt  }
0x72: {  	_ =	shalt  }
0x73: {  	_ =	shalt  }
0x74: {  	_ =	shalt  }
0x75: {  	_ =	shalt  }
0x76: {  	_ =	shalt  }
0x77: {  	_ =	shalt  }
0x78: {  	_ =	shalt  }
0x79: {  	_ =	shalt  }
0x7a: {  	_ =	shalt  }
0x7b: {  	_ =	shalt  }
0x7c: {  	_ =	shalt  }
0x7d: {  	_ =	shalt  }
0x7e: {  	_ =	shalt  }
0x7f: {  	_ =	shalt  }
0x80: {  	_ =	shalt  }
0x81: {  	_ =	shalt  }
0x82: {  	_ =	shalt  }
0x83: {  	_ =	shalt  }
0x84: {  	_ =	shalt  }
0x85: {  	_ =	shalt  }
0x86: {  	_ =	shalt  }
0x87: {  	_ =	shalt  }
.Lfunc_end0:
.L_simem_size_0:
called_computation_lowered:
.L_overlay_start_0:
0x88: {  	s2 =	sld [smem:$0x3FD9]  }
0x89: {  	s3 =	sld [smem:$0x3FFE];
	_ =	sdelay $0x1  }
0x8a: {  	s1 =	srdreg.scid  }
0x8b: {  	s0 =	sand.u32 $0x1, s1  }
0x8c: {  	s17 =	sshll.u32 s0, $0xA;
	s2 =	sadd.s32 s3, s2  }
0x8d: {  	s2 =	sadd.s32 s2, s17  }
0x8e: {  	[smem:$0x3FC6] =	sst s2  }
0x8f: {  	_ = 	snop  }
0x90: {  	s2 =	sld [smem:$0x3FC9]  }
0x91: {  	s18 =	sld [smem:$0x3FC8];
	(tm) =	ssettm $0x1  }
0x92: {  	s4 =	sld [smem:$0x3FFB];
	_ =	sdelay $0x3  }
0x93: {  	_ =	strace s4  }
0x94: {  	s4 =	sld [smem:$0x3FFC];
	_ =	sdelay $0x3  }
0x95: {  	_ =	strace s4  }
0x96: {  	s4 =	sld [smem:$0x3FFD];
	_ =	sdelay $0x3  }
0x97: {  	_ =	strace s4  }
0x98: {  	_ =	strace $0x8FFFFFFF  }
0x99: {  	s19 =	sld [smem:$0x3FDB];
	_ =	sdelay $0x1  }
0x9a: {  	s5 =	simm.s32 $_scs_section_size  }
0x9b: {  	s6 =	simm.s32 $_size__tile_overlayer_lowered;
	s7 =	simm.s32 $_tile_overlayer_lowered  }
0x9c: {  	s22 =	simm.s32 $0x1BFF;
	s21 =	sshll.u32 s7, $0x1;
	s4 =	sadd.s32 s5, s19  }
0x9d: {  	s8 =	simm.s32 $0x0;
	s20 =	sshll.u32 s6, $0x1;
	s6 =	sadd.s32 s21, s4  }
0x9e: {  	[timem:s8], [sflag:s22] =	dma.local [hbm:s6], s20  }
0x9f: {  	_ =	swait.ge [sflag:s22], s20  }
0xa0: {  	s5 =	ssub.s32 $0x0, s20;
	[sflag:s22] =	ssyncset.done $0x0  }
0xa1: {  	[sflag:s22] =	ssyncadd.s32 s5;
	_ =	sdelay $0x1  }
0xa2: {  	s23 =	simm.s32 $0x1B8B  }
0xa3: {  	_ =	swait.ge [sflag:s23], $0x1  }
0xa4: {  	[sflag:s23] =	ssyncset.done $0x0  }
0xa5: {  	s25 =	simm.s32 $0x1B8E;
	s24 =	sld [smem:$0x3FFE];
	[sflag:s23] =	ssyncadd.s32 $0xFFFFFFFF  }
0xa6: {  	s26 =	simm.s32 $execute0_lowered;
	[smem:$0x3FD2] =	sst s25  }
0xa7: {  	s6 =	sshll.u32 s26, $0x1;
	_ =	strace $0x80000046;
	[dreg:$0x1] =	wrdreg $0xFFFFFFFF  }
0xa8: {  	s28 =	simm.s32 $_size_execute0_lowered;
	s4 =	sadd.s32 s4, s6;
	[dreg:$0x0] =	wrdreg $0x0  }
0xa9: {  	s6 =	sshll.u32 s28, $0x1;
	[dreg:$0x2] =	wrdreg s4  }
0xaa: {  	[dreg:$0x3] =	wrdreg s6  }
0xab: {  	[dreg:$0x4] =	wrdreg $0xC0  }
0xac: {  	_ =	task [dreg:s8], $0x5FFFF  }
0xad: {  	[dreg:$0x1] =	wrdreg $0xFFFFFFFF  }
0xae: {  	[dreg:$0x0] =	wrdreg $0x60  }
0xaf: {  	[dreg:$0x2] =	wrdreg s2  }
0xb0: {  	[dreg:$0x3] =	wrdreg s18  }
0xb1: {  	[dreg:$0x4] =	wrdreg s24  }
0xb2: {  	[dreg:$0x5] =	wrdreg $0x188000  }
0xb3: {  	[dreg:$0x6] =	wrdreg $0x188400  }
0xb4: {  	[dreg:$0x7] =	wrdreg $0x9  }
0xb5: {  	_ =	task.clear_ibuf [dreg:s8], $0x8FFFF;
	_ =	strace $0x90000046  }
0xb6: {  	s29 =	simm.s32 $0x9;
	_ =	strace $0x80000048  }
0xb7: {  	_ =	swait.ge [sflag:s29], $0x1  }
0xb8: {  	[sflag:s29] =	ssyncadd.s32 $0xFFFFFFFF  }
0xb9: {  	_ =	strace $0x90000048  }
0xba: {  	_ =	sfence  }
0xbb: {  	s30 =	sld [smem:$0x0];
	_ =	sdelay $0x2  }
0xbc: {  	s31 =	sshll.u32 s1, $0xD;
	s1 =	sshrl.u32 s1, $0x2  }
0xbd: {  	s3 =	sand.u32 $0x4000, s31;
	s1 =	sadd.s32 s1, s30  }
0xbe: {  	s0 =	sor.u32 s3, s0;
	s1 =	sshll.u32 s1, $0x11  }
0xbf: {  	s0 =	sor.u32 s1, s0  }
0xc0: {  	s0 =	sadd.s32 $0x8F2B, s0  }
0xc1: {  	[sflag:s0] =	ssyncadd.remote.s32 $0x1  }
0xc2: {  	_ =	sfence.sel $0xFFFF  }
0xc3: {  	[dreg:$0x0] =	wrdreg $0xFFFFFFFF;
	(pc) =	sbr.abs _section_cstart, $3  }
0xc4: {  	[dreg:$0x1] =	wrdreg $0xFFFFFFFF  }
0xc5: {  	_ =	task.clear_ibuf [dreg:s8], $0x2FFFF;
	_ =	strace $0x9FFFFFFF  }
0xc6: {  	(tm) =	ssettm $0x7FFFFFFF  }
0xc7: {  	_ =	shalt  }
tec
execute0_lowered:
.L_overlay_start_1:
0x0: {  	(tag) =	ssettag $0x1  }
0x1: {  	s5 =	rddreg [dreg:$0x0]  }
0x2: {  	s6 =	rddreg [dreg:$0x1]  }
0x3: {  	s7 =	rddreg [dreg:$0x2]  }
0x4: {  	s1 =	rddreg [dreg:$0x3]  }
0x5: {  	s2 =	rddreg [dreg:$0x4]  }
0x6: {  	s0 =	rddreg [dreg:$0x5]  }
0x7: {  	s3 =	simm.s32 $0x0;
	s8 =	srdreg.scid;
	s4 =	stileid.u32  }
0x8: {  	s14 =	simm.s32 $0x14000;
	s15 =	simm.s32 $0x0;
	[smem:$0x7FF] =	sst s3  }
0x9: {  	s8 =	sand.u32 $0x1, s8;
	s10 =	sshll.u32 s4, $0xC;
	p0 =	seq.s32 s4, $0x0  }
0xa: {  	_ =	strace $0x80000047;
	s9 =	sshll.u32 s8, $0x10;
	s11 =	ssub.s32 $0x2, s8  }
0xb: {  	s8 =	sshll.u32 s8, $0x7;
	s9 =	sor.u32 s10, s9;
	s31 =	sshrl.u32 s11, $0x1  }
0xc: {  	s13 =	sadd.s32 s8, s7;
	s12 =	sadd.s32 s9, s7;
	s10 =	ssub.s32 s11, s31  }
0xd: {  	v0 =	vimm.s32 $0x0;
	v1 =	vlaneseq.u32;
	s5 =	sadd.s32 s5, s9;
	s6 =	sadd.s32 s6, s9;
	s8 =	sadd.s32 $0x21C00, s13  }
0xe: {  	v2 =	vimm.f32 $0.0e+00;
	v4 =	vimm.s32 $0x1;
	v3 =	vmul.u32 $0x400, v1;
	s9 =	sadd.s32 $0x21E00, s13;
	s11 =	simm.s32 $0x8000;
	s13 =	simm.s32 $0x10000  }
0xf: {  	v5 =	vor.u32 $0x10, v1;
	v6 =	vor.u32 $0x20, v1;
	v7 =	vor.u32 $0x30, v1;
	s7 =	sadd.s32 $0x1C00, s12;
	s10 =	smax.u32 s10, $0x1;
	s12 =	simm.s32 $0x1  }
.LBB2_1:
0x10: {  	[tilespmem:s3], [sflag:$0x1] =	stream.linear.gather [hbm4b:s5+s3], $0x8000, $0x38;
	[tilespmem:$0x188C0] =	vst v63  }
0x11: {  	_ = 	snop  }
0x12: {  	[tilespmem:s11], [sflag:$0x1] =	stream.linear.gather [hbm4b:s6+s3], $0x8000, $0x38;
	[tilespmem:$0x188C0] =	vst v63  }
0x13: {  	_ =	swait.ge [sflag:s12], $0x8000  }
0x14: {  	[sflag:s12] =	ssyncset.done $0x0  }
0x15: {  	[sflag:s12] =	ssyncadd.s32 $0xFFFF8000  }
0x16: {  	_ =	swait.ge [sflag:s12], $0x8000  }
0x17: {  	[sflag:s12] =	ssyncset.done $0x0  }
0x18: {  	s18 =	simm.s32 $0x10020;
	[sflag:s12] =	ssyncadd.s32 $0xFFFF8000  }
0x19: {  	[tilespmem:s18+$0xFFFFFFF0] =	vst v0  }
0x1a: {  	[tilespmem:s18+$0xFFFFFFE0] =	vst v0  }
0x1b: {  	[tilespmem:s18+$0x0] =	vst v0  }
0x1c: {  	s19 =	simm.s32 $0x14020;
	[tilespmem:s18+$0x10] =	vst v0  }
0x1d: {  	[tilespmem:s19+$0xFFFFFFE0] =	vst v2  }
0x1e: {  	[tilespmem:s19+$0x10] =	vst v2  }
0x1f: {  	s20 =	simm.s32 $0x0;
	s16 =	simm.s32 $0x40;
	s17 =	simm.s32 $0x8040;
	[tilespmem:s19+$0x0] =	vst v2  }
.LBB2_2:
0x20: {  	s20 =	sadd.s32 $0x40, s20;
	[tilespmem:s19+$0xFFFFFFF0] =	vst v2;
	s18 =	sadd.s32 $0x40, s18;
	s19 =	sadd.s32 $0x40, s19  }
0x21: {  	[tilespmem:s18+$0xFFFFFFF0] =	vst v0;
	p1 =	slt.u32 s20, $0x3FC0  }
0x22: {  	[tilespmem:s18+$0xFFFFFFE0] =	vst v0  }
.Ltmp0:
0x23: {  	[tilespmem:s19+$0xFFFFFFE0] =	vst v2;
	(pc) =	sbr.rel @p1 .LBB2_2-.Ltmp0, $4  }
0x24: {  	[tilespmem:s18+$0x0] =	vst v0  }
0x25: {  	[tilespmem:s18+$0x10] =	vst v0  }
0x26: {  	[tilespmem:s19+$0x10] =	vst v2  }
0x27: {  	[tilespmem:s19+$0x0] =	vst v2  }
0x28: {  	[tilespmem:s19+$0xFFFFFFF0] =	vst v2  }
0x29: {  	v8 =	vld [tilespmem:s17+$0x30]  }
0x2a: {  	v9 =	vld [tilespmem:s16+$0xFFFFFFE0]  }
0x2b: {  	v10 =	vld [tilespmem:s17+$0xFFFFFFE0]  }
0x2c: {  	v12 =	vld [tilespmem:s16+$0xFFFFFFD0]  }
0x2d: {  	v18 =	vld [tilespmem:s16+$0x20]  }
0x2e: {  	v13 =	vld [tilespmem:s17+$0xFFFFFFD0]  }
0x2f: {  	v14 =	vld [tilespmem:s16+$0x30]  }
0x30: {  	v15 =	vld [tilespmem:s17+$0x0]  }
0x31: {  	v16 =	vld [tilespmem:s16+$0x10];
	v9 =	vsub.f32 v9, v10  }
0x32: {  	v10 =	vld [tilespmem:s17+$0x10]  }
0x33: {  	v19 =	vld [tilespmem:s17+$0xFFFFFFF0];
	v11 =	vmul.f32 v9, v9  }
0x34: {  	v20 =	vld [tilespmem:s16+$0x0];
	v9 =	vsub.f32 v12, v13  }
0x35: {  	v12 =	vld [tilespmem:s16+$0xFFFFFFF0];
	v13 =	vsub.f32 v14, v8;
	v14 =	vshrl.u32 v11, $0x15  }
0x36: {  	v21 =	vld [tilespmem:s17+$0x20];
	v8 =	vmul.f32 v9, v9;
	v9 =	vadd.s32 v3, v14  }
0x37: {  	v17 =	vsub.f32 v16, v10;
	v22 =	vand.u32 $0x7FF8, v9  }
0x38: {  	v9 =	vmul.f32 v13, v13;
	v13 =	vand.u32 $0x7, v14;
	v14 =	vshrl.u32 v8, $0x15  }
0x39: {  	v10 =	vadd.s32 v3, v14;
	v13 =	vor.u32 v13, v22;
	v16 =	vand.u32 $0x7, v14  }
0x3a: {  	[tilespmem:s16+$0xFFFFFFE0] =	vst v11;
	v12 =	vsub.f32 v12, v19;
	v19 =	vsub.f32 v20, v15;
	v10 =	vand.u32 $0x7FF8, v10  }
0x3b: {  	[tilespmem:s16+$0xFFFFFFD0] =	vst v8;
	v14 =	vld [tilespmem:s17+$0xFFFFFFC0];
	v20 =	vsub.f32 v18, v21;
	v22 =	vshrl.u32 v9, $0x15;
	v10 =	vor.u32 v16, v10  }
0x3c: {  	s18 =	simm.s32 $0xC0;
	s19 =	simm.s32 $0x80C0;
	s17 =	simm.s32 $0x0;
	[tilespmem:s16+$0x30] =	vst v9;
	v15 =	vand.u32 $0x7, v22;
	v16 =	vld [tilespmem:s16+$0xFFFFFFC0];
	v12 =	vmul.f32 v12, v12;
	v18 =	vadd.s32 v3, v22  }
.LBB2_4:
0x3d: {  	v21 =	vld [tilespmem:s19+$0x30];
	s17 =	sadd.s32 $0x80, s17;
	v19 =	vmul.f32 v19, v19;
	v17 =	vmul.f32 v17, v17  }
0x3e: {  	v18 =	vand.u32 $0x7FF8, v18;
	p1 =	slt.u32 s17, $0x7F80;
	[tilespmem:v13+s13+$0x0] =	vst.idx.add.s32.msk $0xffff, v4;
	v22 =	vshrl.u32 v12, $0x15;
	v20 =	vmul.f32 v20, v20  }
0x3f: {  	v15 =	vor.u32 v15, v18;
	v23 =	vld [tilespmem:s18+$0xFFFFFFD0];
	v24 =	vadd.s32 v3, v22;
	v25 =	vshrl.u32 v19, $0x15;
	[tilespmem:s16+$0x10] =	vst v17  }
0x40: {  	v18 =	vld [tilespmem:s18+$0x20];
	v24 =	vand.u32 $0x7FF8, v24;
	[tilespmem:s16+$0x0] =	vst v19;
	v26 =	vadd.s32 v3, v25;
	v27 =	vshrl.u32 v20, $0x15  }
0x41: {  	v22 =	vand.u32 $0x7, v22;
	v28 =	vld [tilespmem:s19+$0x20];
	v26 =	vand.u32 $0x7FF8, v26;
	[tilespmem:s16+$0x20] =	vst v20;
	v29 =	vadd.s32 v3, v27  }
0x42: {  	v27 =	vand.u32 $0x7, v27;
	[tilespmem:v13+s14+$0x0] =	vst.idx.add.f32.msk $0xffff, v11;
	v11 =	vshrl.u32 v17, $0x15;
	v13 =	vand.u32 $0x7FF8, v29  }
0x43: {  	v14 =	vsub.f32 v16, v14;
	v29 =	vld [tilespmem:s18+$0x30];
	v16 =	vadd.s32 v3, v11;
	v13 =	vor.u32 v27, v13  }
0x44: {  	v22 =	vor.u32 v22, v24;
	v27 =	vld [tilespmem:s18+$0xFFFFFFE0];
	v16 =	vand.u32 $0x7FF8, v16  }
0x45: {  	v25 =	vand.u32 $0x7, v25;
	v14 =	vmul.f32 v14, v14;
	v24 =	vld [tilespmem:s19+$0xFFFFFFD0]  }
0x46: {  	v25 =	vor.u32 v25, v26;
	v11 =	vand.u32 $0x7, v11;
	v30 =	vld [tilespmem:s19+$0x0];
	[tilespmem:s16+$0xFFFFFFF0] =	vst v12  }
0x47: {  	v31 =	vshrl.u32 v14, $0x15;
	v16 =	vor.u32 v11, v16;
	v26 =	vld [tilespmem:s18+$0x0]  }
0x48: {  	v11 =	vadd.s32 v3, v31;
	[tilespmem:v13+s13+$0x0] =	vst.idx.add.s32.msk $0xffff, v4  }
0x49: {  	v31 =	vand.u32 $0x7, v31;
	v11 =	vand.u32 $0x7FF8, v11;
	[tilespmem:v13+s14+$0x0] =	vst.idx.add.f32.msk $0xffff, v20  }
0x4a: {  	v20 =	vor.u32 v31, v11;
	[tilespmem:v22+s13+$0x0] =	vst.idx.add.s32.msk $0xffff, v4  }
0x4b: {  	[tilespmem:v22+s14+$0x0] =	vst.idx.add.f32.msk $0xffff, v12  }
0x4c: {  	v11 =	vld [tilespmem:s19+$0xFFFFFFE0]  }
0x4d: {  	v12 =	vld [tilespmem:s19+$0x10]  }
0x4e: {  	v13 =	vld [tilespmem:s18+$0x10]  }
0x4f: {  	v22 =	vsub.f32 v23, v24;
	v23 =	vld [tilespmem:s18+$0xFFFFFFF0];
	[tilespmem:s16+$0xFFFFFFC0] =	vst v14;
	s16 =	smov.u32 s18  }
0x50: {  	[tilespmem:v16+s13+$0x0] =	vst.idx.add.s32.msk $0xffff, v4  }
0x51: {  	v22 =	vmul.f32 v22, v22;
	v11 =	vsub.f32 v27, v11;
	[tilespmem:v15+s13+$0x0] =	vst.idx.add.s32.msk $0xffff, v4  }
0x52: {  	[tilespmem:v20+s13+$0x0] =	vst.idx.add.s32.msk $0xffff, v4  }
0x53: {  	v11 =	vmul.f32 v11, v11;
	[tilespmem:v16+s14+$0x0] =	vst.idx.add.f32.msk $0xffff, v17  }
0x54: {  	v17 =	vsub.f32 v29, v21;
	[tilespmem:s18+$0xFFFFFFD0] =	vst v22;
	v16 =	vld [tilespmem:s19+$0xFFFFFFF0]  }
0x55: {  	v21 =	vshrl.u32 v11, $0x15;
	[tilespmem:v10+s13+$0x0] =	vst.idx.add.s32.msk $0xffff, v4  }
0x56: {  	v24 =	vadd.s32 v3, v21;
	[tilespmem:v25+s13+$0x0] =	vst.idx.add.s32.msk $0xffff, v4  }
0x57: {  	v27 =	vmul.f32 v17, v17;
	v21 =	vand.u32 $0x7, v21;
	v24 =	vand.u32 $0x7FF8, v24;
	[tilespmem:v10+s14+$0x0] =	vst.idx.add.f32.msk $0xffff, v8;
	v8 =	vmovc v22  }
.Ltmp1:
0x58: {  	v17 =	vsub.f32 v13, v12;
	v10 =	vshrl.u32 v8, $0x15;
	[tilespmem:v25+s14+$0x0] =	vst.idx.add.f32.msk $0xffff, v19;
	(pc) =	sbr.rel @p1 .LBB2_4-.Ltmp1, $4  }
0x59: {  	v13 =	vor.u32 v21, v24;
	v21 =	vshrl.u32 v27, $0x15;
	v12 =	vadd.s32 v3, v10;
	[tilespmem:v15+s14+$0x0] =	vst.idx.add.f32.msk $0xffff, v9  }
0x5a: {  	v10 =	vand.u32 $0x7, v10;
	v22 =	vsub.f32 v23, v16;
	v9 =	vmovc v27;
	v12 =	vand.u32 $0x7FF8, v12;
	[tilespmem:v20+s14+$0x0] =	vst.idx.add.f32.msk $0xffff, v14  }
0x5b: {  	v19 =	vsub.f32 v26, v30;
	v15 =	vand.u32 $0x7, v21;
	v14 =	vld [tilespmem:s19+$0xFFFFFFC0];
	v10 =	vor.u32 v10, v12;
	[tilespmem:s18+$0xFFFFFFE0] =	vst v11  }
0x5c: {  	v20 =	vsub.f32 v18, v28;
	v18 =	vadd.s32 v3, v21;
	v12 =	vmul.f32 v22, v22;
	s18 =	sadd.s32 $0x80, s18;
	s19 =	sadd.s32 $0x80, s19;
	v16 =	vld [tilespmem:s16+$0xFFFFFFC0];
	[tilespmem:s16+$0x30] =	vst v9  }
0x5d: {  	_ =	sdelay $0x3  }
0x5e: {  	v19 =	vmul.f32 v19, v19;
	v17 =	vmul.f32 v17, v17;
	[tilespmem:v13+s13+$0x0] =	vst.idx.add.s32.msk $0xffff, v4  }
0x5f: {  	v18 =	vand.u32 $0x7FF8, v18;
	[tilespmem:v10+s13+$0x0] =	vst.idx.add.s32.msk $0xffff, v4;
	v20 =	vmul.f32 v20, v20;
	v23 =	vshrl.u32 v12, $0x15  }
0x60: {  	[tilespmem:v13+s14+$0x0] =	vst.idx.add.f32.msk $0xffff, v11;
	v15 =	vor.u32 v15, v18;
	v24 =	vadd.s32 v3, v23  }
0x61: {  	[tilespmem:s16+$0xFFFFFFF0] =	vst v12;
	v54 =	vand.u32 $0x7, v23;
	v55 =	vshrl.u32 v17, $0x15;
	v21 =	vshrl.u32 v20, $0x15  }
0x62: {  	[tilespmem:v10+s14+$0x0] =	vst.idx.add.f32.msk $0xffff, v8;
	v53 =	vand.u32 $0x7FF8, v24;
	v11 =	vadd.s32 v3, v55;
	v13 =	vand.u32 $0x7, v55  }
0x63: {  	[tilespmem:s16+$0x10] =	vst v17;
	v22 =	vadd.s32 v3, v21;
	v14 =	vsub.f32 v16, v14;
	v11 =	vand.u32 $0x7FF8, v11  }
0x64: {  	[tilespmem:s16+$0x0] =	vst v19;
	v21 =	vand.u32 $0x7, v21;
	v22 =	vand.u32 $0x7FF8, v22;
	v11 =	vor.u32 v13, v11  }
0x65: {  	[tilespmem:s16+$0x20] =	vst v20;
	v52 =	vor.u32 v21, v22;
	v21 =	vor.u32 v54, v53;
	v14 =	vmul.f32 v14, v14  }
0x66: {  	[tilespmem:v15+s13+$0x0] =	vst.idx.add.s32.msk $0xffff, v4  }
0x67: {  	[tilespmem:v15+s14+$0x0] =	vst.idx.add.f32.msk $0xffff, v9;
	v56 =	vshrl.u32 v14, $0x15  }
0x68: {  	[tilespmem:s16+$0xFFFFFFC0] =	vst v14;
	v13 =	vadd.s32 v3, v56  }
0x69: {  	v58 =	vshrl.u32 v19, $0x15;
	v57 =	vand.u32 $0x7, v56;
	v13 =	vand.u32 $0x7FF8, v13;
	[tilespmem:v11+s13+$0x0] =	vst.idx.add.s32.msk $0xffff, v4  }
0x6a: {  	v59 =	vadd.s32 v3, v58;
	v13 =	vor.u32 v57, v13;
	[tilespmem:v21+s13+$0x0] =	vst.idx.add.s32.msk $0xffff, v4  }
0x6b: {  	v16 =	vand.u32 $0x7, v58;
	[tilespmem:v21+s14+$0x0] =	vst.idx.add.f32.msk $0xffff, v12;
	v12 =	vand.u32 $0x7FF8, v59  }
0x6c: {  	[tilespmem:v52+s13+$0x0] =	vst.idx.add.s32.msk $0xffff, v4;
	v12 =	vor.u32 v16, v12  }
0x6d: {  	[tilespmem:v11+s14+$0x0] =	vst.idx.add.f32.msk $0xffff, v17  }
0x6e: {  	[tilespmem:v52+s14+$0x0] =	vst.idx.add.f32.msk $0xffff, v20  }
0x6f: {  	[tilespmem:v13+s13+$0x0] =	vst.idx.add.s32.msk $0xffff, v4  }
0x70: {  	[tilespmem:v13+s14+$0x0] =	vst.idx.add.f32.msk $0xffff, v14  }
0x71: {  	[tilespmem:v12+s13+$0x0] =	vst.idx.add.s32.msk $0xffff, v4  }
0x72: {  	s20 =	simm.s32 $0x12000;
	[tilespmem:v12+s14+$0x0] =	vst.idx.add.f32.msk $0xffff, v19  }
0x73: {  	[hbm4b:s7+s3] =	stream.linear.scatter [tilespmem:s3], [sflag:$0x1], $0x8000, $0x38;
	[tilespmem:$0x188C0] =	vst v63  }
0x74: {  	v9 =	vld [tilespmem:s20+$0x1C10]  }
0x75: {  	s16 =	simm.s32 $0x16000;
	v8 =	vld [tilespmem:s20+$0x1410]  }
0x76: {  	v10 =	vld [tilespmem:s16+$0xFFFFE010]  }
0x77: {  	v11 =	vld [tilespmem:s16+$0xFFFFE410]  }
0x78: {  	v12 =	vld [tilespmem:s20+$0xC10]  }
0x79: {  	v13 =	vld [tilespmem:s16+$0xFFFFE810]  }
0x7a: {  	v14 =	vld [tilespmem:s20+$0x410]  }
0x7b: {  	v15 =	vld [tilespmem:s16+$0xFFFFEC10]  }
0x7c: {  	v60 =	vld [tilespmem:s20+$0xFFFFFC10]  }
0x7d: {  	v17 =	vld [tilespmem:s16+$0xFFFFF010]  }
0x7e: {  	v61 =	vld [tilespmem:s20+$0xFFFFF410]  }
0x7f: {  	v19 =	vld [tilespmem:s16+$0xFFFFF410]  }
0x80: {  	v20 =	vld [tilespmem:s20+$0xFFFFEC10]  }
0x81: {  	v21 =	vld [tilespmem:s16+$0xFFFFF810]  }
0x82: {  	v62 =	vld [tilespmem:s20+$0xFFFFE010]  }
0x83: {  	v63 =	vld [tilespmem:s16+$0xFFFFFC10]  }
0x84: {  	v45 =	vld [tilespmem:s20+$0xFFFFE410]  }
0x85: {  	v25 =	vld [tilespmem:s16+$0x10]  }
0x86: {  	v26 =	vld [tilespmem:s20+$0xFFFFE810]  }
0x87: {  	v27 =	vld [tilespmem:s16+$0x410]  }
0x88: {  	v28 =	vld [tilespmem:s20+$0xFFFFF010]  }
0x89: {  	v29 =	vld [tilespmem:s16+$0x810]  }
0x8a: {  	v30 =	vld [tilespmem:s20+$0xFFFFF810]  }
0x8b: {  	v31 =	vld [tilespmem:s16+$0xC10]  }
0x8c: {  	v32 =	vld [tilespmem:s20+$0x10]  }
0x8d: {  	v33 =	vld [tilespmem:s16+$0x1010]  }
0x8e: {  	v34 =	vld [tilespmem:s20+$0x810]  }
0x8f: {  	v35 =	vld [tilespmem:s16+$0x1410]  }
0x90: {  	v36 =	vld [tilespmem:s20+$0x1010]  }
0x91: {  	v37 =	vld [tilespmem:s16+$0x1810]  }
0x92: {  	v38 =	vld [tilespmem:s20+$0x1810]  }
0x93: {  	v39 =	vld [tilespmem:s16+$0x1C10]  }
0x94: {  	v40 =	vld [tilespmem:s16+$0xFFFFE400]  }
0x95: {  	v10 =	vadd.f32 v11, v10;
	v11 =	vld [tilespmem:s16+$0xFFFFE000]  }
0x96: {  	v41 =	vld [tilespmem:s16+$0xFFFFEC00]  }
0x97: {  	v10 =	vadd.f32 v13, v10;
	v13 =	vld [tilespmem:s16+$0xFFFFE800]  }
0x98: {  	v42 =	vld [tilespmem:s16+$0xFFFFF400]  }
0x99: {  	v46 =	vld [tilespmem:s16+$0xFFFFF800];
	v10 =	vadd.f32 v15, v10  }
0x9a: {  	v47 =	vld [tilespmem:s16+$0xFFFFFC00];
	v11 =	vadd.f32 v40, v11  }
0x9b: {  	v15 =	vld [tilespmem:s16+$0xFFFFF000];
	v10 =	vadd.f32 v17, v10  }
0x9c: {  	v48 =	vld [tilespmem:s16+$0x0];
	v11 =	vadd.f32 v13, v11  }
0x9d: {  	v49 =	vld [tilespmem:s20+$0xFFFFE000];
	v10 =	vadd.f32 v19, v10  }
0x9e: {  	v50 =	vld [tilespmem:s20+$0xFFFFE800];
	v11 =	vadd.f32 v41, v11  }
0x9f: {  	v51 =	vld [tilespmem:s16+$0x400];
	v10 =	vadd.f32 v21, v10  }
0xa0: {  	v52 =	vld [tilespmem:s20+$0xFFFFF000];
	v11 =	vadd.f32 v15, v11  }
0xa1: {  	v53 =	vld [tilespmem:s16+$0x800];
	v10 =	vadd.f32 v63, v10  }
0xa2: {  	v54 =	vld [tilespmem:s20+$0xFFFFF400];
	v22 =	vadd.s32 v62, v45;
	v11 =	vadd.f32 v42, v11  }
0xa3: {  	v22 =	vadd.s32 v26, v22;
	v13 =	vld [tilespmem:s20+$0xFFFFE400];
	v10 =	vadd.f32 v25, v10  }
0xa4: {  	v55 =	vld [tilespmem:s20+$0xFFFFF800];
	v20 =	vadd.s32 v20, v22;
	v11 =	vadd.f32 v46, v11  }
0xa5: {  	v20 =	vadd.s32 v28, v20;
	v15 =	vld [tilespmem:s20+$0xFFFFEC00];
	v10 =	vadd.f32 v27, v10  }
0xa6: {  	v56 =	vld [tilespmem:s16+$0xC00];
	v18 =	vadd.s32 v61, v20;
	v11 =	vadd.f32 v47, v11  }
0xa7: {  	v57 =	vld [tilespmem:s20+$0xFFFFFC00];
	v18 =	vadd.s32 v30, v18;
	v10 =	vadd.f32 v29, v10  }
0xa8: {  	v58 =	vld [tilespmem:s20+$0x0];
	v16 =	vadd.s32 v60, v18;
	v13 =	vadd.s32 v49, v13;
	v11 =	vadd.f32 v48, v11  }
0xa9: {  	v59 =	vld [tilespmem:s16+$0x1000];
	v16 =	vadd.s32 v32, v16;
	v13 =	vadd.s32 v50, v13;
	v10 =	vadd.f32 v31, v10  }
0xaa: {  	v61 =	vld [tilespmem:s20+$0xC00];
	v14 =	vadd.s32 v14, v16;
	v13 =	vadd.s32 v15, v13;
	v11 =	vadd.f32 v51, v11  }
0xab: {  	v14 =	vadd.s32 v34, v14;
	v15 =	vld [tilespmem:s20+$0x400];
	v13 =	vadd.s32 v52, v13;
	v10 =	vadd.f32 v33, v10  }
0xac: {  	v60 =	vld [tilespmem:s20+$0x800];
	v12 =	vadd.s32 v12, v14;
	v13 =	vadd.s32 v54, v13;
	v11 =	vadd.f32 v53, v11  }
0xad: {  	v14 =	vld [tilespmem:s16+$0x1400];
	v12 =	vadd.s32 v36, v12;
	v13 =	vadd.s32 v55, v13;
	v10 =	vadd.f32 v35, v10  }
0xae: {  	v62 =	vld [tilespmem:s20+$0x1000];
	v8 =	vadd.s32 v8, v12;
	v12 =	vadd.s32 v57, v13;
	v11 =	vadd.f32 v56, v11  }
0xaf: {  	v13 =	vadd.s32 v38, v8;
	v8 =	vld [tilespmem:s16+$0x1800];
	v12 =	vadd.s32 v58, v12;
	v10 =	vadd.f32 v37, v10  }
0xb0: {  	v13 =	vadd.s32 v9, v13;
	v9 =	vld [tilespmem:s20+$0x1400];
	v12 =	vadd.s32 v15, v12;
	v63 =	vadd.f32 v59, v11  }
0xb1: {  	s17 =	simm.s32 $0x18010;
	v12 =	vadd.s32 v60, v12;
	v15 =	vadd.f32 v39, v10;
	v10 =	vld [tilespmem:s20+$0x1800]  }
0xb2: {  	s18 =	simm.s32 $0x18410;
	[tilespmem:s17+$0x0] =	vst v13;
	v12 =	vadd.s32 v61, v12;
	v11 =	vld [tilespmem:s16+$0x1C00];
	v13 =	vadd.f32 v14, v63  }
0xb3: {  	s19 =	simm.s32 $0x0;
	v14 =	vadd.s32 v62, v12;
	v12 =	vld [tilespmem:s20+$0x1C00];
	s20 =	simm.s32 $0x12020;
	[tilespmem:s18+$0x0] =	vst v15  }
.LBB2_6:
0xb4: {  	v15 =	vld [tilespmem:s20+$0x1C10];
	v8 =	vadd.f32 v8, v13  }
0xb5: {  	s16 =	sadd.s32 $0x20, s16;
	v13 =	vld [tilespmem:s20+$0x1410];
	v9 =	vadd.s32 v9, v14  }
0xb6: {  	v14 =	vld [tilespmem:s16+$0xFFFFE010];
	v9 =	vadd.s32 v10, v9  }
0xb7: {  	s19 =	sadd.s32 $0x20, s19;
	v10 =	vld [tilespmem:s16+$0xFFFFE410];
	v8 =	vadd.f32 v11, v8  }
0xb8: {  	p1 =	slt.u32 s19, $0x3E0;
	v11 =	vld [tilespmem:s20+$0xC10];
	v9 =	vadd.s32 v12, v9  }
0xb9: {  	v12 =	vld [tilespmem:s16+$0xFFFFE810];
	[tilespmem:s17+$0xFFFFFFF0] =	vst v9  }
0xba: {  	v9 =	vld [tilespmem:s20+$0x410];
	[tilespmem:s18+$0xFFFFFFF0] =	vst v8  }
0xbb: {  	v8 =	vld [tilespmem:s16+$0xFFFFEC10]  }
0xbc: {  	v10 =	vadd.f32 v10, v14;
	v14 =	vld [tilespmem:s20+$0xFFFFFC10]  }
0xbd: {  	v16 =	vld [tilespmem:s16+$0xFFFFF010]  }
0xbe: {  	v10 =	vadd.f32 v12, v10;
	v12 =	vld [tilespmem:s20+$0xFFFFF410]  }
0xbf: {  	v17 =	vld [tilespmem:s16+$0xFFFFF410]  }
0xc0: {  	v18 =	vld [tilespmem:s20+$0xFFFFEC10];
	v8 =	vadd.f32 v8, v10  }
0xc1: {  	v10 =	vld [tilespmem:s16+$0xFFFFF810]  }
0xc2: {  	v19 =	vld [tilespmem:s20+$0xFFFFE010];
	v8 =	vadd.f32 v16, v8  }
0xc3: {  	v16 =	vld [tilespmem:s16+$0xFFFFFC10]  }
0xc4: {  	v20 =	vld [tilespmem:s20+$0xFFFFE410];
	v8 =	vadd.f32 v17, v8  }
0xc5: {  	v17 =	vld [tilespmem:s16+$0x10]  }
0xc6: {  	v21 =	vld [tilespmem:s20+$0xFFFFE810];
	v8 =	vadd.f32 v10, v8  }
0xc7: {  	v10 =	vld [tilespmem:s16+$0x410]  }
0xc8: {  	v22 =	vld [tilespmem:s20+$0xFFFFF010];
	v8 =	vadd.f32 v16, v8  }
0xc9: {  	v16 =	vld [tilespmem:s16+$0x810]  }
0xca: {  	v19 =	vadd.s32 v19, v20;
	v20 =	vld [tilespmem:s20+$0xFFFFF810];
	v8 =	vadd.f32 v17, v8  }
0xcb: {  	v17 =	vadd.s32 v21, v19;
	v19 =	vld [tilespmem:s16+$0xC10]  }
0xcc: {  	v17 =	vadd.s32 v18, v17;
	v18 =	vld [tilespmem:s20+$0x10];
	v8 =	vadd.f32 v10, v8  }
0xcd: {  	v10 =	vadd.s32 v22, v17;
	v17 =	vld [tilespmem:s16+$0x1010]  }
0xce: {  	v10 =	vadd.s32 v12, v10;
	v12 =	vld [tilespmem:s20+$0x810];
	v8 =	vadd.f32 v16, v8  }
0xcf: {  	v10 =	vadd.s32 v20, v10;
	v16 =	vld [tilespmem:s16+$0x1410]  }
0xd0: {  	v10 =	vadd.s32 v14, v10;
	v8 =	vadd.f32 v19, v8;
	v14 =	vld [tilespmem:s20+$0x1010]  }
0xd1: {  	v10 =	vadd.s32 v18, v10;
	v18 =	vld [tilespmem:s16+$0x1810]  }
0xd2: {  	v9 =	vadd.s32 v9, v10;
	v8 =	vadd.f32 v17, v8;
	v10 =	vld [tilespmem:s20+$0x1810]  }
0xd3: {  	v9 =	vadd.s32 v12, v9;
	v12 =	vld [tilespmem:s16+$0x1C10]  }
0xd4: {  	v17 =	vld [tilespmem:s16+$0xFFFFE000];
	v9 =	vadd.s32 v11, v9;
	v8 =	vadd.f32 v16, v8  }
0xd5: {  	v11 =	vld [tilespmem:s16+$0xFFFFE400];
	v9 =	vadd.s32 v14, v9  }
0xd6: {  	v14 =	vld [tilespmem:s16+$0xFFFFE800];
	v9 =	vadd.s32 v13, v9;
	v8 =	vadd.f32 v18, v8  }
0xd7: {  	v13 =	vld [tilespmem:s16+$0xFFFFEC00];
	v9 =	vadd.s32 v10, v9  }
0xd8: {  	s17 =	sadd.s32 $0x20, s17;
	v10 =	vld [tilespmem:s16+$0xFFFFF000];
	v9 =	vadd.s32 v15, v9;
	v8 =	vadd.f32 v12, v8  }
0xd9: {  	s18 =	sadd.s32 $0x20, s18;
	v12 =	vld [tilespmem:s16+$0xFFFFF400];
	[tilespmem:s17+$0x0] =	vst v9  }
0xda: {  	v9 =	vadd.f32 v11, v17;
	v11 =	vld [tilespmem:s16+$0xFFFFF800];
	[tilespmem:s18+$0x0] =	vst v8  }
0xdb: {  	v8 =	vld [tilespmem:s16+$0xFFFFFC00]  }
0xdc: {  	v9 =	vadd.f32 v14, v9;
	v14 =	vld [tilespmem:s16+$0x0]  }
0xdd: {  	v15 =	vld [tilespmem:s20+$0xFFFFE400]  }
0xde: {  	v16 =	vld [tilespmem:s20+$0xFFFFE000];
	v9 =	vadd.f32 v13, v9  }
0xdf: {  	v13 =	vld [tilespmem:s20+$0xFFFFE800]  }
0xe0: {  	v9 =	vadd.f32 v10, v9;
	v10 =	vld [tilespmem:s16+$0x400]  }
0xe1: {  	v17 =	vld [tilespmem:s20+$0xFFFFEC00]  }
0xe2: {  	v18 =	vld [tilespmem:s20+$0xFFFFF000];
	v9 =	vadd.f32 v12, v9  }
0xe3: {  	v12 =	vadd.s32 v16, v15;
	v15 =	vld [tilespmem:s16+$0x800]  }
0xe4: {  	v12 =	vadd.s32 v13, v12;
	v13 =	vld [tilespmem:s20+$0xFFFFF400];
	v9 =	vadd.f32 v11, v9  }
0xe5: {  	v11 =	vld [tilespmem:s20+$0xFFFFF800]  }
0xe6: {  	v12 =	vadd.s32 v17, v12;
	v8 =	vadd.f32 v8, v9;
	v9 =	vld [tilespmem:s16+$0xC00]  }
0xe7: {  	v12 =	vadd.s32 v18, v12;
	v16 =	vld [tilespmem:s20+$0xFFFFFC00]  }
0xe8: {  	v17 =	vld [tilespmem:s20+$0x0];
	v8 =	vadd.f32 v14, v8  }
0xe9: {  	v12 =	vadd.s32 v13, v12;
	v13 =	vld [tilespmem:s16+$0x1000]  }
0xea: {  	v11 =	vadd.s32 v11, v12;
	v12 =	vld [tilespmem:s20+$0x400];
	v8 =	vadd.f32 v10, v8  }
0xeb: {  	v10 =	vld [tilespmem:s20+$0x800]  }
0xec: {  	v11 =	vadd.s32 v16, v11;
	v8 =	vadd.f32 v15, v8;
	v14 =	vld [tilespmem:s16+$0x1400]  }
0xed: {  	v11 =	vadd.s32 v17, v11;
	v15 =	vld [tilespmem:s20+$0xC00]  }
0xee: {  	v9 =	vadd.f32 v9, v8;
	v16 =	vld [tilespmem:s20+$0x1000]  }
.Ltmp2:
0xef: {  	v11 =	vadd.s32 v12, v11;
	v8 =	vld [tilespmem:s16+$0x1800];
	(pc) =	sbr.rel @p1 .LBB2_6-.Ltmp2, $4  }
0xf0: {  	v11 =	vadd.s32 v10, v11;
	v12 =	vadd.f32 v13, v9;
	v9 =	vld [tilespmem:s20+$0x1400]  }
0xf1: {  	v10 =	vld [tilespmem:s20+$0x1800]  }
0xf2: {  	v15 =	vadd.s32 v15, v11;
	v13 =	vadd.f32 v14, v12;
	v11 =	vld [tilespmem:s16+$0x1C00]  }
0xf3: {  	v14 =	vadd.s32 v16, v15;
	v12 =	vld [tilespmem:s20+$0x1C00];
	s20 =	sadd.s32 $0x20, s20  }
0xf4: {  	_ =	sdelay $0x1  }
0xf5: {  	v8 =	vadd.f32 v8, v13;
	v9 =	vadd.s32 v9, v14  }
0xf6: {  	v9 =	vadd.s32 v10, v9  }
0xf7: {  	v8 =	vadd.f32 v11, v8;
	v9 =	vadd.s32 v12, v9  }
0xf8: {  	[tilespmem:s17+$0xFFFFFFF0] =	vst v9  }
0xf9: {  	[tilespmem:s18+$0xFFFFFFF0] =	vst v8  }
0xfa: {  	[tilespmem:$0x18880] =	vst v1  }
0xfb: {  	[tilespmem:$0x18890] =	vst v5  }
0xfc: {  	[tilespmem:$0x188A0] =	vst v6  }
0xfd: {  	s16 =	simm.s32 @p0 $0x18000;
	[tilespmem:$0x188B0] =	vst v7  }
0xfe: {  	[spmem:s1] =	stream.linear.scatter @p0 [tilespmem:s16], [sflag:$0x2], $0x400, $0x38;
	[tilespmem:$0x188C0] =	vst v63  }
0xff: {  	s16 =	simm.s32 @p0 $0x2  }
0x100: {  	_ =	swait.ge @p0 [sflag:s16], $0x400  }
0x101: {  	[sflag:s16] =	ssyncset.done @p0 $0x0  }
0x102: {  	s17 =	simm.s32 @p0 $0x18400;
	[sflag:s16] =	ssyncadd.s32 @p0 $0xFFFFFC00  }
0x103: {  	[spmem:s2] =	stream.linear.scatter @p0 [tilespmem:s17], [sflag:$0x2], $0x400, $0x38;
	[tilespmem:$0x188C0] =	vst v63  }
0x104: {  	_ =	swait.ge @p0 [sflag:s16], $0x400  }
0x105: {  	[sflag:s16] =	ssyncset.done @p0 $0x0  }
0x106: {  	[sflag:s16] =	ssyncadd.s32 @p0 $0xFFFFFC00  }
0x107: {  	[bflag:$0x0] =	sbarrier.arrive @p0 $0xFFFF  }
0x108: {  	s18 =	simm.s32 @p0 $0x1C02;
	s17 =	sshrl.u32 @p0 s1, $0x3;
	[bflag:$0x0] =	sbarrier.arrive @p0 $0xFFFF  }
0x109: {  	[hbm:s8], [sflag:s18] =	dma.local @p0 [spmem:s17], $0x80  }
0x10a: {  	_ =	swait.ge @p0 [sflag:s16], $0x80  }
0x10b: {  	[sflag:s16] =	ssyncset.done @p0 $0x0  }
0x10c: {  	s17 =	sshrl.u32 @p0 s2, $0x3;
	[sflag:s16] =	ssyncadd.s32 @p0 $0xFFFFFF80  }
0x10d: {  	[hbm:s9], [sflag:s18] =	dma.local @p0 [spmem:s17], $0x80  }
0x10e: {  	_ =	swait.ge @p0 [sflag:s16], $0x80  }
0x10f: {  	[sflag:s16] =	ssyncset.done @p0 $0x0  }
0x110: {  	s17 =	simm.s32 @!p0 $0x18880;
	[sflag:s16] =	ssyncadd.s32 @p0 $0xFFFFFF80  }
0x111: {  	s18 =	simm.s32 @!p0 $0x18000;
	s16 =	simm.s32 @!p0 $0x40;
	[bflag:$0x0] =	sbarrier.arrive @!p0 $0xFFFF  }
0x112: {  	[spmem:s1] =	stream.indirect.scatter.add.s32 @!p0 [tilespmem:s18], [sflag:$0x2], $0x10, s17, s16, $0xb8;
	[tilespmem:$0x188C0] =	vst v63  }
0x113: {  	s18 =	simm.s32 @!p0 $0x2  }
0x114: {  	_ =	swait.ge @!p0 [sflag:s18], $0x400  }
0x115: {  	[sflag:s18] =	ssyncset.done @!p0 $0x0  }
0x116: {  	s19 =	simm.s32 @!p0 $0x18400;
	[sflag:s18] =	ssyncadd.s32 @!p0 $0xFFFFFC00  }
0x117: {  	[spmem:s2] =	stream.indirect.scatter.add.f32 @!p0 [tilespmem:s19], [sflag:$0x2], $0x10, s17, s16, $0xb8;
	[tilespmem:$0x188C0] =	vst v63  }
0x118: {  	s15 =	sadd.s32 $0x1, s15;
	_ =	swait.ge @!p0 [sflag:s18], $0x400  }
0x119: {  	p1 =	sne.s32 s15, s10;
	[sflag:s18] =	ssyncset.done @!p0 $0x0  }
.Ltmp3:
0x11a: {  	[sflag:s18] =	ssyncadd.s32 @!p0 $0xFFFFFC00;
	(pc) =	sbr.rel @p1 .LBB2_1-.Ltmp3, $4  }
0x11b: {  	[bflag:$0x0] =	sbarrier.arrive @!p0 $0xFFFF  }
0x11c: {  	_ =	swait.ge [sflag:s12], $0x8000  }
0x11d: {  	[sflag:s12] =	ssyncset.done $0x0  }
0x11e: {  	[sflag:s12] =	ssyncadd.s32 $0xFFFF8000  }
0x11f: {  	_ =	sfence.sel $0x180000  }
0x120: {  	[bflag:$0x0] =	sbarrier.arrive $0xFFFF  }
0x121: {  	p0 =	sne.s32 s4, $0x0;
	_ =	strace $0x90000047  }
0x122: {  	s0 =	sadd.s32 @!p0 $0x100000, s0;
	[bflag:$0x2] =	sbarrier.arrive $0xFFFF  }
0x123: {  	[sflag:s0] =	ssyncadd.tile.s32 @!p0 $0x1;
	_ =	shalt  }
.Lfunc_end2:
_tile_overlayer_lowered:
.L_overlay_start_2:
0x124: {  	(tag) =	ssettag $0x2  }
0x125: {  	s0 =	rddreg [dreg:$0x0];
	s2 =	stileid.u32  }
0x126: {  	s1 =	rddreg [dreg:$0x1];
	p0 =	sne.s32 s2, $0x0  }
0x127: {  	s3 =	rddreg [dreg:$0x2];
	[bflag:$0x3] =	sbarrier.arrive $0xFFFF;
	s2 =	simm.s32 @!p0 $0x1C02  }
0x128: {  	[timem:s3], [sflag:s2] =	dma.local @!p0 [hbm:s0], s1  }
0x129: {  	s0 =	simm.s32 @!p0 $0x2  }
0x12a: {  	_ =	swait.ge @!p0 [sflag:s0], s1  }
0x12b: {  	s1 =	ssub.s32 @!p0 $0x0, s1;
	[sflag:s0] =	ssyncset.done @!p0 $0x0  }
0x12c: {  	[sflag:s0] =	ssyncadd.s32 @!p0 s1  }
0x12d: {  	[bflag:$0x3] =	sbarrier.arrive $0xFFFF  }
0x12e: {  	_ =	shalt  }

// kernel: kernel.9.cloned.1.call-start
scs
__scs_entry_jumppad:
0x0: {  	(pc) =	sbr.rel $0x88, $3  }
0x1: {  	(tag) =	ssettag $0x0;
	lr =	simm.s32 $0x1  }
0x2: {  	[smem:$0x3F9F] =	sst lr;
	_ =	strace $0xD0000000  }
0x3: {  	_ = 	snop  }
0x4: {  	_ = 	snop  }
0x5: {  	_ = 	snop  }
0x6: {  	_ = 	snop  }
0x7: {  	_ = 	snop  }
__scs_overlays_trampoline_lowered:
0x8: {  	[smem:$0x3FAE] =	sst s0  }
0x9: {  	[smem:$0x3FAF] =	sst s1  }
0xa: {  	[smem:$0x3FB0] =	sst s2  }
0xb: {  	[smem:$0x3FB1] =	sst s3  }
0xc: {  	[smem:$0x3FB2] =	sst s4  }
0xd: {  	[smem:$0x3FB3] =	sst s5  }
0xe: {  	[smem:$0x3FB4] =	sst s6  }
0xf: {  	[smem:$0x3FB5] =	sst s7  }
0x10: {  	[smem:$0x3FB6] =	sst s8  }
0x11: {  	[smem:$0x3FB7] =	sst s9;
	s0 =	simm.s32 @!p0 $0x0  }
0x12: {  	s1 =	sld [smem:$0x3F9D];
	s0 =	simm.s32 @p0 $0x1  }
0x13: {  	[smem:$0x3FB8] =	sst s0;
	s0 =	simm.s32 @!p1 $0x0  }
0x14: {  	s2 =	sld [smem:$0x3F9C];
	s0 =	simm.s32 @p1 $0x1  }
0x15: {  	[smem:$0x3FB9] =	sst s0;
	s0 =	simm.s32 @!p2 $0x0  }
0x16: {  	s3 =	sld [smem:$0x3FDB];
	s0 =	simm.s32 @p2 $0x1  }
0x17: {  	s4 =	simm.s32 $0x1BF5;
	[smem:$0x3FBB] =	sst s0  }
0x18: {  	s0 =	sld [smem:$0x3F9E];
	_ =	swait.ge [sflag:s4], $0x0  }
0x19: {  	s7 =	sld [smem:$0x3F9F]  }
0x1a: {  	s8 =	sadd.s32 $0xFFFFE003, lr  }
0x1b: {  	s9 =	sadd.s32 $0xFFFFFEF7, lr;
	s5 =	simm.s32 $0xFFFFFFFF;
	p2 =	slt.u32 s8, $0xFFFFF086  }
0x1c: {  	p1 =	slt.u32 s9, $0xF7A;
	s5 =	simm.s32 @!p2 $0x0  }
0x1d: {  	s5 =	simm.s32 @p1 $0x1;
	p0 =	seq.s32 s7, s2  }
0x1e: {  	s7 =	smul.u32 @!p0 $0xF7A, s2;
	p2 =	seq.s32 @!p0 s5, $0x0  }
0x1f: {  	s9 =	smul.u32 $0xF7A, s1;
	s8 =	simm.s32 @!p0 $0x1BF5;
	p2 =	por !p2, p0  }
0x20: {  	[sflag:s8] =	ssyncset.s32 @!p0 $0xFFFFF086;
	s6 =	sadd.s32 @!p0 s3, s7;
	s7 =	simm.s32 @!p0 $0x108  }
0x21: {  	s3 =	sadd.s32 s3, s9;
	s6 =	sadd.s32 @!p0 $0x88, s6;
	s7 =	simm.s32 @p2 $0x1082  }
0x22: {  	[simem:s7], [sflag:s8] =	dma.local @!p0 [hbm:s6], $0xF7A  }
0x23: {  	s9 =	sor.u32 $0xD0000000, s2;
	s6 =	simm.s32 $0x108;
	_ =	swait.ge @!p0 [sflag:s8], $0x0  }
0x24: {  	s3 =	sadd.s32 $0x88, s3;
	s6 =	simm.s32 @!p1 $0x1082;
	[sflag:s4] =	ssyncset.s32 $0xFFFFF086  }
0x25: {  	[simem:s6], [sflag:s4] =	dma.local [hbm:s3], $0xF7A  }
0x26: {  	[smem:$0x3F9F] =	sst s1;
	(tag) =	ssettag s2;
	_ =	strace s9  }
0x27: {  	s1 =	sld [smem:$0x3FAF]  }
0x28: {  	s2 =	sld [smem:$0x3FB0]  }
0x29: {  	s4 =	sld [smem:$0x3FB2]  }
0x2a: {  	p0 =	seq.s32 s5, $0x0;
	s5 =	sld [smem:$0x3FB3]  }
0x2b: {  	s6 =	sld [smem:$0x3FB4]  }
0x2c: {  	s7 =	sld [smem:$0x3FB5]  }
0x2d: {  	s3 =	simm.s32 $0x108;
	s8 =	sld [smem:$0x3FB6]  }
0x2e: {  	s3 =	simm.s32 @!p0 $0x1082;
	s9 =	sld [smem:$0x3FB7]  }
0x2f: {  	lr =	sadd.s32 s0, s3;
	s0 =	sld [smem:$0x3FAE]  }
0x30: {  	s3 =	sld [smem:$0x3FB1]  }
0x31: {  	[smem:$0x3FBA] =	sst s10  }
0x32: {  	s10 =	sld [smem:$0x3FB8];
	_ =	sdelay $0x3  }
0x33: {  	p0 =	seq.s32 s10, $0x1;
	s10 =	sld [smem:$0x3FBA];
	_ =	sdelay $0x3  }
0x34: {  	[smem:$0x3FBA] =	sst s10  }
0x35: {  	s10 =	sld [smem:$0x3FB9];
	_ =	sdelay $0x3  }
0x36: {  	p1 =	seq.s32 s10, $0x1;
	s10 =	sld [smem:$0x3FBA];
	_ =	sdelay $0x3  }
0x37: {  	[smem:$0x3FBA] =	sst s10  }
0x38: {  	s10 =	sld [smem:$0x3FBB]  }
0x39: {  	_ = 	snop;
	(pc) =	sbr.ind lr, $3  }
0x3a: {  	_ = 	snop  }
0x3b: {  	_ = 	snop  }
0x3c: {  	p2 =	seq.s32 s10, $0x1;
	s10 =	sld [smem:$0x3FBA]  }
0x3d: {  	_ =	shalt  }
0x3e: {  	_ =	shalt  }
0x3f: {  	_ =	shalt  }
0x40: {  	_ =	shalt  }
0x41: {  	_ =	shalt  }
0x42: {  	_ =	shalt  }
0x43: {  	_ =	shalt  }
0x44: {  	_ =	shalt  }
0x45: {  	_ =	shalt  }
0x46: {  	_ =	shalt  }
0x47: {  	_ =	shalt  }
0x48: {  	_ =	shalt  }
0x49: {  	_ =	shalt  }
0x4a: {  	_ =	shalt  }
0x4b: {  	_ =	shalt  }
0x4c: {  	_ =	shalt  }
0x4d: {  	_ =	shalt  }
0x4e: {  	_ =	shalt  }
0x4f: {  	_ =	shalt  }
0x50: {  	_ =	shalt  }
0x51: {  	_ =	shalt  }
0x52: {  	_ =	shalt  }
0x53: {  	_ =	shalt  }
0x54: {  	_ =	shalt  }
0x55: {  	_ =	shalt  }
0x56: {  	_ =	shalt  }
0x57: {  	_ =	shalt  }
0x58: {  	_ =	shalt  }
0x59: {  	_ =	shalt  }
0x5a: {  	_ =	shalt  }
0x5b: {  	_ =	shalt  }
0x5c: {  	_ =	shalt  }
0x5d: {  	_ =	shalt  }
0x5e: {  	_ =	shalt  }
0x5f: {  	_ =	shalt  }
0x60: {  	_ =	shalt  }
0x61: {  	_ =	shalt  }
0x62: {  	_ =	shalt  }
0x63: {  	_ =	shalt  }
0x64: {  	_ =	shalt  }
0x65: {  	_ =	shalt  }
0x66: {  	_ =	shalt  }
0x67: {  	_ =	shalt  }
0x68: {  	_ =	shalt  }
0x69: {  	_ =	shalt  }
0x6a: {  	_ =	shalt  }
0x6b: {  	_ =	shalt  }
0x6c: {  	_ =	shalt  }
0x6d: {  	_ =	shalt  }
0x6e: {  	_ =	shalt  }
0x6f: {  	_ =	shalt  }
0x70: {  	_ =	shalt  }
0x71: {  	_ =	shalt  }
0x72: {  	_ =	shalt  }
0x73: {  	_ =	shalt  }
0x74: {  	_ =	shalt  }
0x75: {  	_ =	shalt  }
0x76: {  	_ =	shalt  }
0x77: {  	_ =	shalt  }
0x78: {  	_ =	shalt  }
0x79: {  	_ =	shalt  }
0x7a: {  	_ =	shalt  }
0x7b: {  	_ =	shalt  }
0x7c: {  	_ =	shalt  }
0x7d: {  	_ =	shalt  }
0x7e: {  	_ =	shalt  }
0x7f: {  	_ =	shalt  }
0x80: {  	_ =	shalt  }
0x81: {  	_ =	shalt  }
0x82: {  	_ =	shalt  }
0x83: {  	_ =	shalt  }
0x84: {  	_ =	shalt  }
0x85: {  	_ =	shalt  }
0x86: {  	_ =	shalt  }
0x87: {  	_ =	shalt  }
.Lfunc_end0:
.L_simem_size_0:
called_computation.1_lowered:
.L_overlay_start_0:
0x88: {  	s2 =	sld [smem:$0x3FD9]  }
0x89: {  	s3 =	sld [smem:$0x3FFE];
	_ =	sdelay $0x1  }
0x8a: {  	s1 =	srdreg.scid  }
0x8b: {  	s0 =	sand.u32 $0x1, s1  }
0x8c: {  	s17 =	sshll.u32 s0, $0xA;
	s2 =	sadd.s32 s3, s2  }
0x8d: {  	s2 =	sadd.s32 s2, s17  }
0x8e: {  	[smem:$0x3FC6] =	sst s2  }
0x8f: {  	_ = 	snop  }
0x90: {  	s2 =	sld [smem:$0x3FD0];
	(tm) =	ssettm $0x1  }
0x91: {  	s18 =	sld [smem:$0x3FFB];
	_ =	sdelay $0x3  }
0x92: {  	_ =	strace s18  }
0x93: {  	s3 =	sld [smem:$0x3FFC];
	_ =	sdelay $0x3  }
0x94: {  	_ =	strace s3  }
0x95: {  	s3 =	sld [smem:$0x3FFD];
	_ =	sdelay $0x3  }
0x96: {  	_ =	strace s3  }
0x97: {  	_ =	strace $0x8FFFFFFF  }
0x98: {  	s19 =	sld [smem:$0x3FDB];
	_ =	sdelay $0x1  }
0x99: {  	s4 =	simm.s32 $_scs_section_size  }
0x9a: {  	s5 =	simm.s32 $_size__tile_overlayer_lowered;
	s6 =	simm.s32 $_tile_overlayer_lowered  }
0x9b: {  	s22 =	simm.s32 $0x1BFF;
	s21 =	sshll.u32 s6, $0x1;
	s3 =	sadd.s32 s4, s19  }
0x9c: {  	s7 =	simm.s32 $0x0;
	s20 =	sshll.u32 s5, $0x1;
	s5 =	sadd.s32 s21, s3  }
0x9d: {  	[timem:s7], [sflag:s22] =	dma.local [hbm:s5], s20  }
0x9e: {  	_ =	swait.ge [sflag:s22], s20  }
0x9f: {  	s4 =	ssub.s32 $0x0, s20;
	[sflag:s22] =	ssyncset.done $0x0  }
0xa0: {  	[sflag:s22] =	ssyncadd.s32 s4;
	_ =	sdelay $0x1  }
0xa1: {  	s23 =	simm.s32 $0x1B8B  }
0xa2: {  	_ =	swait.ge [sflag:s23], $0x1  }
0xa3: {  	[sflag:s23] =	ssyncset.done $0x0  }
0xa4: {  	s25 =	simm.s32 $0x1B8E;
	s24 =	sld [smem:$0x3FFE];
	[sflag:s23] =	ssyncadd.s32 $0xFFFFFFFF  }
0xa5: {  	s26 =	simm.s32 $execute0_lowered;
	[smem:$0x3FD2] =	sst s25  }
0xa6: {  	s5 =	sshll.u32 s26, $0x1;
	_ =	strace $0x80000049;
	[dreg:$0x1] =	wrdreg $0xFFFFFFFF  }
0xa7: {  	s28 =	simm.s32 $_size_execute0_lowered;
	s3 =	sadd.s32 s3, s5;
	[dreg:$0x0] =	wrdreg $0x0  }
0xa8: {  	s5 =	sshll.u32 s28, $0x1;
	[dreg:$0x2] =	wrdreg s3  }
0xa9: {  	[dreg:$0x3] =	wrdreg s5  }
0xaa: {  	[dreg:$0x4] =	wrdreg $0xC0  }
0xab: {  	_ =	task [dreg:s7], $0x5FFFF  }
0xac: {  	[dreg:$0x1] =	wrdreg $0xFFFFFFFF  }
0xad: {  	[dreg:$0x0] =	wrdreg $0x60  }
0xae: {  	[dreg:$0x2] =	wrdreg s24  }
0xaf: {  	[dreg:$0x3] =	wrdreg s2  }
0xb0: {  	[dreg:$0x4] =	wrdreg $0x120200  }
0xb1: {  	[dreg:$0x5] =	wrdreg $0x120600  }
0xb2: {  	[dreg:$0x6] =	wrdreg $0x9  }
0xb3: {  	_ =	task.clear_ibuf [dreg:s7], $0x7FFFF;
	_ =	strace $0x90000049  }
0xb4: {  	s29 =	simm.s32 $0x9;
	_ =	strace $0x8000004B  }
0xb5: {  	_ =	swait.ge [sflag:s29], $0x1  }
0xb6: {  	[sflag:s29] =	ssyncadd.s32 $0xFFFFFFFF  }
0xb7: {  	_ =	strace $0x9000004B  }
0xb8: {  	_ =	sfence  }
0xb9: {  	s30 =	sld [smem:$0x0];
	_ =	sdelay $0x2  }
0xba: {  	s31 =	sshll.u32 s1, $0xD;
	s1 =	sshrl.u32 s1, $0x2  }
0xbb: {  	s3 =	sand.u32 $0x4000, s31;
	s1 =	sadd.s32 s1, s30  }
0xbc: {  	s0 =	sor.u32 s3, s0;
	s1 =	sshll.u32 s1, $0x11  }
0xbd: {  	s0 =	sor.u32 s1, s0  }
0xbe: {  	s0 =	sadd.s32 $0x8F2B, s0  }
0xbf: {  	[sflag:s0] =	ssyncadd.remote.s32 $0x1  }
0xc0: {  	_ =	sfence.sel $0xFFFF  }
0xc1: {  	[dreg:$0x0] =	wrdreg $0xFFFFFFFF;
	(pc) =	sbr.abs _section_cstart, $3  }
0xc2: {  	[dreg:$0x1] =	wrdreg $0xFFFFFFFF  }
0xc3: {  	_ =	task.clear_ibuf [dreg:s7], $0x2FFFF;
	_ =	strace $0x9FFFFFFF  }
0xc4: {  	(tm) =	ssettm $0x7FFFFFFF  }
0xc5: {  	_ =	shalt  }
tec
execute0_lowered:
.L_overlay_start_1:
0x0: {  	(tag) =	ssettag $0x1  }
0x1: {  	s9 =	rddreg [dreg:$0x0]  }
0x2: {  	s0 =	rddreg [dreg:$0x1]  }
0x3: {  	s1 =	srdreg.scid;
	s3 =	rddreg [dreg:$0x2]  }
0x4: {  	s4 =	rddreg [dreg:$0x3];
	s2 =	stileid.u32  }
0x5: {  	s5 =	simm.s32 $0x0;
	s17 =	simm.s32 $0x1;
	s18 =	simm.s32 $0x11000  }
0x6: {  	s19 =	simm.s32 $0x11410;
	s20 =	simm.s32 $0x9000;
	s21 =	simm.s32 $0xD000  }
0x7: {  	s22 =	simm.s32 $0x12130;
	s23 =	simm.s32 $0x2;
	s10 =	sand.u32 $0x1, s1  }
0x8: {  	[smem:$0x7FF] =	sst s5;
	s7 =	sadd.s32 $0x21E00, s9;
	s14 =	sshll.u32 s2, $0xF  }
0x9: {  	p0 =	seq.s32 s2, $0x0;
	s6 =	sshll.u32 s10, $0x4;
	_ =	strace $0x8000004A  }
0xa: {  	s8 =	sshll.u32 s10, $0x7;
	s13 =	sshll.u32 s10, $0x13;
	s10 =	ssub.s32 $0x2, s10  }
0xb: {  	s24 =	sor.u32 s2, s6;
	s12 =	sadd.s32 s8, s9;
	s8 =	sadd.s32 $0x22400, s9  }
0xc: {  	s13 =	sor.u32 s14, s13;
	s15 =	sshrl.u32 s10, $0x1;
	s6 =	sshll.u32 s24, $0xC  }
0xd: {  	s13 =	sshrl.u32 s13, $0x3;
	s29 =	sshll.u32 s24, $0x1;
	s31 =	ssub.s32 s10, s15  }
.Ltmp0:
0xe: {  	s10 =	sadd.s32 $0x22000, s12;
	s15 =	simm.s32 $0x8000;
	(pc) =	sbr.rel .LBB2_1-.Ltmp0, $4  }
0xf: {  	v0 =	vlaneseq.u32;
	v1 =	vimm.s32 $0x0;
	p1 =	sne.s32 s24, $0x0;
	s24 =	simm.s32 $0x0;
	s11 =	sadd.s32 s6, s9  }
0x10: {  	v2 =	vimm.f32 $0.0e+00;
	v6 =	vimm.s32 $0x1;
	v3 =	vmul.u32 $0xFFFFFFFF, v0;
	s6 =	sadd.s32 $0x21C00, s9;
	s16 =	sadd.s32 s13, s9;
	s30 =	sadd.s32 s29, s9  }
0x11: {  	v4 =	vor.u32 $0x80000000, v0;
	v5 =	vmul.u32 $0x400, v0;
	v7 =	vor.u32 $0x10, v0;
	s13 =	smax.u32 s31, $0x1;
	s9 =	sadd.s32 $0x1C00, s11;
	s11 =	sadd.s32 $0x22200, s12  }
0x12: {  	v8 =	vor.u32 $0x20, v0;
	v9 =	vor.u32 $0x30, v0;
	v3 =	vadd.s32 $0xF, v3;
	s12 =	sadd.s32 $0x42600, s30;
	s14 =	sadd.s32 $0x22600, s16;
	s16 =	simm.s32 $0x8800  }
.LBB2_14:
0x13: {  	[sflag:s23] =	ssyncadd.s32 $0xFFFFF800  }
.LBB2_15:
0x14: {  	s1 =	sxor.u32 $0x80000000, s25  }
0x15: {  	[tilespmem:$0x120F0] =	vst @!p1 v10;
	s25 =	ssub.s32 $0x40, s1;
	v10 =	vmov @!p1 s1  }
0x16: {  	v11 =	vmov @!p1 s25;
	s25 =	sadd.f32 $0.0e+00, s26;
	[tilespmem:$0x12100] =	vst @!p1 v10  }
0x17: {  	v10 =	vimm.s32 @!p1 $0x0;
	[tilespmem:$0x120E0] =	vst @!p1 v11  }
0x18: {  	[tilespmem:$0x12110] =	vst @!p1 v10;
	v10 =	vmov @!p1 s25  }
0x19: {  	s1 =	simm.s32 @!p1 $0x0;
	s25 =	simm.s32 @!p1 $0x120E0;
	[tilespmem:$0x12120] =	vst @!p1 v10  }
0x1a: {  	[hbm4b:s0+s1] =	stream.linear.scatter @!p1 [tilespmem:s25], [sflag:$0x2], $0x40, $0x38;
	[tilespmem:$0x1A140] =	vst v63  }
0x1b: {  	s25 =	simm.s32 @!p1 $0x2  }
0x1c: {  	s24 =	sadd.s32 $0x1, s24;
	_ =	swait.ge @!p1 [sflag:s25], $0x40  }
0x1d: {  	p2 =	sne.s32 s24, s13;
	[sflag:s25] =	ssyncset.done @!p1 $0x0  }
.Ltmp1:
0x1e: {  	s26 =	simm.s32 @!p1 $0x12120;
	[sflag:s25] =	ssyncadd.s32 @!p1 $0xFFFFFFC0;
	(pc) =	sbr.rel @!p2 .LBB2_16-.Ltmp1, $4  }
0x1f: {  	[hbm4b:s8+s1] =	stream.linear.scatter @!p1 [tilespmem:s26], [sflag:$0x2], $0x10, $0x38;
	[tilespmem:$0x1A140] =	vst v63  }
0x20: {  	_ =	swait.ge @!p1 [sflag:s25], $0x10  }
0x21: {  	[sflag:s25] =	ssyncset.done @!p1 $0x0  }
0x22: {  	[sflag:s25] =	ssyncadd.s32 @!p1 $0xFFFFFFF0  }
.LBB2_1:
0x23: {  	[tilespmem:s15], [sflag:$0x1] =	stream.linear.gather [hbm4b:s6+s5], $0x800, $0x38;
	[tilespmem:$0x1A140] =	vst v63  }
0x24: {  	_ = 	snop  }
0x25: {  	[tilespmem:s16], [sflag:$0x1] =	stream.linear.gather [hbm4b:s7+s5], $0x800, $0x38;
	[tilespmem:$0x1A140] =	vst v63  }
0x26: {  	_ = 	snop  }
0x27: {  	[tilespmem:s5], [sflag:$0x1] =	stream.linear.gather [hbm4b:s9+s5], $0x8000, $0x38;
	[tilespmem:$0x1A140] =	vst v63  }
0x28: {  	_ =	swait.ge [sflag:s17], $0x800  }
0x29: {  	[sflag:s17] =	ssyncset.done $0x0  }
0x2a: {  	[sflag:s17] =	ssyncadd.s32 $0xFFFFF800  }
0x2b: {  	_ =	swait.ge [sflag:s17], $0x800  }
0x2c: {  	[sflag:s17] =	ssyncset.done $0x0  }
0x2d: {  	[sflag:s17] =	ssyncadd.s32 $0xFFFFF800  }
0x2e: {  	_ =	swait.ge [sflag:s17], $0x8000  }
0x2f: {  	[sflag:s17] =	ssyncset.done $0x0  }
0x30: {  	[sflag:s17] =	ssyncadd.s32 $0xFFFF8000  }
0x31: {  	[tilespmem:$0x11400] =	vst v1  }
0x32: {  	s26 =	simm.s32 $0x0;
	[tilespmem:$0x11810] =	vst v2  }
0x33: {  	v10 =	vld [tilespmem:s26+$0x83F0]  }
0x34: {  	v11 =	vld [tilespmem:s26+$0x87F0];
	_ =	sdelay $0x4  }
0x35: {  	v10 =	vadd.s32 v10, v11  }
0x36: {  	v10 =	vperm.xlane v10, v3;
	_ =	sdelay $0x1  }
0x37: {  	(xrf0) =	vadd.scan.msk.s32 $0xffff, v10;
	_ =	sdelay $0x4  }
0x38: {  	v12 =	vld [tilespmem:s26+$0x8FF0]  }
0x39: {  	v11 =	vld [tilespmem:s26+$0x8BF0];
	v10, _, _ =	vpop (xrf0)  }
0x3a: {  	v10 =	vperm.xlane v10, v3;
	_ =	sdelay $0x1  }
0x3b: {  	v10 =	vadd.s32 s5, v10  }
0x3c: {  	v13 =	vxor.u32 $0x80000000, v10  }
0x3d: {  	v11 =	vadd.f32 v12, v11;
	(xrf0) =	vmax.scan.msk.u32 $0xffff, v13;
	_ =	sdelay $0x1  }
0x3e: {  	s25 =	simm.s32 $0xFFFFFFF0;
	v11 =	vperm.xlane v11, v3;
	[tilespmem:s26+$0x113F0] =	vst v10  }
0x3f: {  	v10 =	vld [tilespmem:s25+$0x83F0]  }
0x40: {  	(xrf2) =	vadd.scan.msk.f32 $0xffff, v11;
	v60 =	vld [tilespmem:s25+$0x87F0];
	_ =	sdelay $0x1  }
0x41: {  	v11, _, _ =	vpop (xrf0)  }
0x42: {  	(v2sf) =	vpush v11, $0xF;
	_ =	sdelay $0x1  }
0x43: {  	v10 =	vadd.s32 v10, v60  }
0x44: {  	v10 =	vperm.xlane v10, v3;
	_ =	sdelay $0x3  }
0x45: {  	(xrf0) =	vadd.scan.msk.s32 $0xffff, v10;
	v10, _, _ =	vpop (xrf2)  }
0x46: {  	v10 =	vperm.xlane v10, v3  }
0x47: {  	s28 =	simm.f32 $0.0e+00  }
0x48: {  	v10 =	vadd.f32 s28, v10;
	_ =	sdelay $0x1  }
0x49: {  	[tilespmem:s26+$0x11800] =	vst v10;
	(xrf0) =	vmax.scan.msk.f32 $0xffff, v10  }
0x4a: {  	v61 =	vld [tilespmem:s25+$0x8BF0]  }
0x4b: {  	v11, _, _ =	vpop (xrf0);
	v62 =	vld [tilespmem:s25+$0x8FF0]  }
0x4c: {  	v11 =	vperm.xlane v11, v3;
	s31 =	spop (v2sf)  }
0x4d: {  	s26 =	sxor.u32 $0x80000000, s31  }
0x4e: {  	v11 =	vadd.s32 s26, v11  }
0x4f: {  	v63, _, _ =	vpop (xrf0);
	v10 =	vxor.u32 $0x80000000, v11  }
0x50: {  	(v2sf) =	vpush v63, $0xF;
	(xrf0) =	vmax.scan.msk.u32 $0xffff, v10;
	v10 =	vadd.f32 v62, v61;
	_ =	sdelay $0x1  }
0x51: {  	v10 =	vperm.xlane v10, v3;
	_ =	sdelay $0x1  }
0x52: {  	(xrf2) =	vadd.scan.msk.f32 $0xffff, v10;
	_ =	sdelay $0x3  }
0x53: {  	s26 =	simm.s32 $0xFFFFFFE0;
	[tilespmem:s25+$0x113F0] =	vst v11  }
0x54: {  	s28 =	simm.s32 $0xFFFFFF40;
	v10 =	vld [tilespmem:s26+$0x83F0];
	v11, _, _ =	vpop (xrf0)  }
.LBB2_2:
0x55: {  	p2 =	sne.s32 s28, $0xFFFFF040;
	v12 =	vld [tilespmem:s26+$0x87F0];
	(v2sf) =	vpush v11, $0xF;
	_ =	sdelay $0x3  }
0x56: {  	v11, _, _ =	vpop (xrf2)  }
0x57: {  	v10 =	vadd.s32 v10, v12;
	v11 =	vperm.xlane v11, v3;
	s29 =	spop (v2sf)  }
0x58: {  	v10 =	vperm.xlane v10, v3  }
0x59: {  	v11 =	vadd.f32 s29, v11  }
0x5a: {  	(xrf0) =	vadd.scan.msk.s32 $0xffff, v10  }
0x5b: {  	[tilespmem:s25+$0x11800] =	vst v11;
	(xrf0) =	vmax.scan.msk.f32 $0xffff, v11;
	s25 =	smov.u32 s26  }
0x5c: {  	v10 =	vld [tilespmem:s25+$0x8BF0]  }
0x5d: {  	v11 =	vld [tilespmem:s25+$0x8FF0];
	_ =	sdelay $0x2  }
0x5e: {  	v12, _, _ =	vpop (xrf0)  }
0x5f: {  	v12 =	vperm.xlane v12, v3;
	s26 =	spop (v2sf);
	v13, _, _ =	vpop (xrf0)  }
0x60: {  	v10 =	vadd.f32 v11, v10;
	s26 =	sxor.u32 $0x80000000, s26;
	(v2sf) =	vpush v13, $0xF  }
0x61: {  	v11 =	vadd.s32 s26, v12  }
0x62: {  	v10 =	vperm.xlane v10, v3;
	[tilespmem:s25+$0x113F0] =	vst v11;
	v11 =	vxor.u32 $0x80000000, v11  }
0x63: {  	(xrf0) =	vmax.scan.msk.u32 $0xffff, v11  }
0x64: {  	(xrf2) =	vadd.scan.msk.f32 $0xffff, v10  }
.Ltmp2:
0x65: {  	(pc) =	sbr.rel @p2 .LBB2_2-.Ltmp2, $3  }
0x66: {  	_ =	sdelay $0x1  }
0x67: {  	s26 =	sshra.s32 s28, $0x2  }
0x68: {  	s28 =	sadd.s32 $0xFFFFFFC0, s28;
	v10 =	vld [tilespmem:s26+$0x83F0];
	v11, _, _ =	vpop (xrf0)  }
0x69: {  	_ = 	snop  }
0x6a: {  	v12 =	vld [tilespmem:s26+$0x87F0];
	_ =	sdelay $0x2  }
0x6b: {  	v13, _, _ =	vpop (xrf2)  }
0x6c: {  	v13 =	vperm.xlane v13, v3  }
0x6d: {  	v10 =	vadd.s32 v10, v12;
	s28 =	spop (v2sf)  }
0x6e: {  	v10 =	vperm.xlane v10, v3;
	v58 =	vadd.f32 s28, v13;
	_ =	sdelay $0x1  }
0x6f: {  	(xrf0) =	vadd.scan.msk.s32 $0xffff, v10;
	[tilespmem:s25+$0x11800] =	vst v58  }
0x70: {  	(xrf0) =	vmax.scan.msk.f32 $0xffff, v58;
	v10 =	vld [tilespmem:s26+$0x8BF0]  }
0x71: {  	v59 =	vld [tilespmem:s26+$0x8FF0];
	_ =	sdelay $0x3  }
0x72: {  	v60, _, _ =	vpop (xrf0)  }
0x73: {  	(v2sf) =	vpush v11, $0xF;
	v11, _, _ =	vpop (xrf0);
	v10 =	vadd.f32 v59, v10  }
0x74: {  	(v2sf) =	vpush v11, $0xF  }
0x75: {  	v10 =	vperm.xlane v10, v3;
	_ =	sdelay $0x1  }
0x76: {  	(xrf2) =	vadd.scan.msk.f32 $0xffff, v10;
	_ =	sdelay $0x9  }
0x77: {  	v10, _, _ =	vpop (xrf2)  }
0x78: {  	s30 =	spop (v2sf);
	v11 =	vperm.xlane v60, v3;
	v10 =	vperm.xlane v10, v3  }
0x79: {  	s25 =	sxor.u32 $0x80000000, s30;
	s28 =	spop (v2sf)  }
0x7a: {  	v11 =	vadd.s32 s25, v11;
	v10 =	vadd.f32 s28, v10  }
0x7b: {  	[tilespmem:s26+$0x113F0] =	vst v11  }
0x7c: {  	s31 =	simm.s32 $0x11000;
	[tilespmem:s26+$0x11800] =	vst v10  }
0x7d: {  	v61 =	vld [tilespmem:s31+$0x0];
	_ =	sdelay $0x3  }
0x7e: {  	s1 =	simm.s32 $0x0;
	v11 =	vxor.u32 $0x80000000, v11  }
0x7f: {  	(xrf0) =	vmax.scan.msk.u32 $0xffff, v11;
	v11 =	vor.u32 s1, v4;
	vm0 =	vgt.s32 v61, $0x3F  }
0x80: {  	(xrf0) =	vmax.scan.msk.f32 $0xffff, v10;
	v10 =	vnsel vm0, $0x7FFFFFFF, v11  }
0x81: {  	(xrf0) =	vmax.scan.msk.u32 $0xffff, v10;
	_ =	sdelay $0x3  }
0x82: {  	v10, _, _ =	vpop (xrf0)  }
0x83: {  	s26 =	simm.s32 $0x11010;
	(v2sf) =	vpush v10, $0xF;
	v10, _, _ =	vpop (xrf0)  }
0x84: {  	s30 =	simm.s32 $0x11020;
	v11 =	vld [tilespmem:s26+$0x0];
	(v2sf) =	vpush v10, $0xF;
	v10, _, _ =	vpop (xrf0)  }
0x85: {  	(v2sf) =	vpush v10, $0xF;
	v10 =	vld [tilespmem:s30+$0x0];
	_ =	sdelay $0x2  }
0x86: {  	s31 =	simm.s32 $0x10  }
0x87: {  	s1 =	simm.s32 $0x20;
	vm0 =	vgt.s32 v11, $0x3F;
	v11 =	vor.u32 s31, v4  }
0x88: {  	v11 =	vnsel vm0, $0x7FFFFFFF, v11;
	vm0 =	vgt.s32 v10, $0x3F;
	v10 =	vor.u32 s1, v4  }
0x89: {  	(xrf0) =	vmax.scan.msk.u32 $0xffff, v11;
	v10 =	vnsel vm0, $0x7FFFFFFF, v10  }
0x8a: {  	(xrf0) =	vmax.scan.msk.u32 $0xffff, v10;
	_ =	sdelay $0x3  }
0x8b: {  	s30 =	simm.s32 $0x11030  }
0x8c: {  	v11 =	vld [tilespmem:s30+$0x0];
	v62, _, _ =	vpop (xrf0)  }
0x8d: {  	s31 =	simm.s32 $0x11040;
	s30 =	spop (v2sf);
	(v2sf) =	vpush v62, $0xF;
	v63, _, _ =	vpop (xrf0)  }
0x8e: {  	v10 =	vld [tilespmem:s31+$0x0];
	s31 =	spop (v2sf);
	(v2sf) =	vpush v63, $0xF;
	_ =	sdelay $0x1  }
0x8f: {  	s1 =	simm.s32 $0x30  }
0x90: {  	vm0 =	vgt.s32 v11, $0x3F;
	v11 =	vor.u32 s1, v4  }
0x91: {  	v11 =	vnsel vm0, $0x7FFFFFFF, v11  }
0x92: {  	(xrf0) =	vmax.scan.msk.u32 $0xffff, v11;
	_ =	sdelay $0x1  }
0x93: {  	s25 =	simm.s32 $0xFFFFFFFF;
	s28 =	simm.s32 $0x40  }
0x94: {  	s26 =	simm.s32 $0x50;
	vm0 =	vgt.s32 v10, $0x3F;
	v10 =	vor.u32 s28, v4;
	s28 =	simm.s32 $0x11050;
	s29 =	spop (v2sf)  }
.LBB2_4:
0x95: {  	s30 =	smov.u32 s25;
	p2 =	sne.s32 s26, $0x3F0  }
0x96: {  	v12 =	vnsel vm0, $0x7FFFFFFF, v10;
	s25 =	sxor.u32 $0x80000000, s29;
	s29 =	smov.u32 s26;
	s26 =	sadd.s32 $0x10, s26;
	v11 =	vld [tilespmem:s28+$0x0]  }
.Ltmp3:
0x97: {  	p3 =	sgt.s32 s30, s25;
	(xrf0) =	vmax.scan.msk.u32 $0xffff, v12;
	v10, _, _ =	vpop (xrf0);
	(pc) =	sbr.rel @p2 .LBB2_4-.Ltmp3, $2  }
0x98: {  	s25 =	smov.u32 @p3 s30;
	(v2sf) =	vpush v10, $0xF;
	_ =	sdelay $0x2  }
0x99: {  	s28 =	sadd.s32 $0x10, s28;
	v10 =	vor.u32 s29, v4;
	vm0 =	vgt.s32 v11, $0x3F;
	s29 =	spop (v2sf)  }
0x9a: {  	v10 =	vnsel vm0, $0x7FFFFFFF, v10  }
0x9b: {  	(xrf0) =	vmax.scan.msk.u32 $0xffff, v10;
	_ =	sdelay $0x3  }
0x9c: {  	v10, _, _ =	vpop (xrf0)  }
0x9d: {  	(v2sf) =	vpush v10, $0xF  }
0x9e: {  	v10, _, _ =	vpop (xrf0)  }
0x9f: {  	(v2sf) =	vpush v10, $0xF;
	_ =	sdelay $0x7  }
0xa0: {  	s26 =	sxor.u32 $0x80000000, s29  }
0xa1: {  	s28 =	spop (v2sf);
	p2 =	sgt.s32 s25, s26  }
0xa2: {  	s26 =	smov.u32 @p2 s25;
	s25 =	sxor.u32 $0x80000000, s28  }
0xa3: {  	p2 =	sgt.s32 s26, s25;
	s28 =	spop (v2sf)  }
0xa4: {  	s25 =	smov.u32 @p2 s26;
	s26 =	sxor.u32 $0x80000000, s28  }
0xa5: {  	p2 =	sgt.s32 s25, s26;
	s28 =	spop (v2sf)  }
0xa6: {  	s26 =	smov.u32 @p2 s25;
	s28 =	sxor.u32 $0x80000000, s28  }
0xa7: {  	p2 =	sgt.s32 s26, s28;
	s30 =	spop (v2sf)  }
0xa8: {  	s28 =	smov.u32 @p2 s26;
	s25 =	sxor.u32 $0x80000000, s30  }
0xa9: {  	p2 =	sgt.s32 s28, s25  }
0xaa: {  	s25 =	smov.u32 @p2 s28  }
0xab: {  	s31 =	sadd.s32 $0x1, s25  }
0xac: {  	v10 =	vmov s31;
	_ =	sdelay $0x4  }
0xad: {  	s26 =	simm.s32 $0x9020;
	v12 =	vld.idx.msk [tilespmem:v10+s18+$0x0], $0xffff  }
0xae: {  	v11 =	vld.idx.msk [tilespmem:v10+s19+$0x0], $0xffff;
	[tilespmem:s26+$0xFFFFFFF0] =	vst v1  }
0xaf: {  	[tilespmem:s26+$0xFFFFFFE0] =	vst v1  }
0xb0: {  	[tilespmem:s26+$0x0] =	vst v1  }
0xb1: {  	s28 =	simm.s32 $0xD020;
	[tilespmem:s26+$0x10] =	vst v1  }
0xb2: {  	[tilespmem:s28+$0xFFFFFFE0] =	vst v2  }
0xb3: {  	[tilespmem:s28+$0x10] =	vst v2  }
0xb4: {  	s29 =	simm.s32 $0x0;
	[tilespmem:s28+$0x0] =	vst v2  }
.LBB2_6:
0xb5: {  	s29 =	sadd.s32 $0x40, s29;
	[tilespmem:s28+$0xFFFFFFF0] =	vst v2;
	s26 =	sadd.s32 $0x40, s26;
	s28 =	sadd.s32 $0x40, s28  }
0xb6: {  	[tilespmem:s26+$0xFFFFFFF0] =	vst v1;
	p2 =	slt.u32 s29, $0x3FC0  }
0xb7: {  	[tilespmem:s26+$0xFFFFFFE0] =	vst v1  }
.Ltmp4:
0xb8: {  	[tilespmem:s28+$0xFFFFFFE0] =	vst v2;
	(pc) =	sbr.rel @p2 .LBB2_6-.Ltmp4, $4  }
0xb9: {  	[tilespmem:s26+$0x0] =	vst v1  }
0xba: {  	[tilespmem:s26+$0x10] =	vst v1  }
0xbb: {  	[tilespmem:s28+$0x10] =	vst v2  }
0xbc: {  	[tilespmem:s28+$0x0] =	vst v2  }
0xbd: {  	[tilespmem:s28+$0xFFFFFFF0] =	vst v2;
	s28 =	simm.s32 $0x40  }
0xbe: {  	v17 =	vld [tilespmem:s28+$0x10]  }
0xbf: {  	v29 =	vld [tilespmem:s28+$0xFFFFFFC0]  }
0xc0: {  	v24 =	vld [tilespmem:s28+$0xFFFFFFD0]  }
0xc1: {  	v23 =	vld [tilespmem:s28+$0xFFFFFFE0]  }
0xc2: {  	v22 =	vld [tilespmem:s28+$0xFFFFFFF0];
	_ =	sdelay $0x2  }
0xc3: {  	v10 =	vmov s25;
	v13 =	vshrl.u32 v17, $0xB  }
0xc4: {  	v14 =	vshrl.u32 v29, $0xB;
	v15 =	vshrl.u32 v24, $0xB;
	v16 =	vshrl.u32 v23, $0x15  }
0xc5: {  	v30 =	vshrl.u32 v22, $0xB;
	v26 =	vand.u32 $0x3FF, v13;
	v13 =	vshrl.u32 v29, $0x15  }
0xc6: {  	v21 =	vld [tilespmem:s28+$0x0];
	v31 =	vshrl.u32 v22, $0x15;
	v19 =	vand.u32 $0x3FF, v14;
	vm2 =	veq.s32 v13, v10  }
0xc7: {  	v20 =	vld [tilespmem:s28+$0x20];
	vm4 =	veq.s32 v16, v10;
	v15 =	vand.u32 $0x3FF, v15;
	v14 =	vmpcnt.ones.xlane vm2  }
0xc8: {  	s26 =	simm.s32 $0xC0;
	v18 =	vld [tilespmem:s28+$0x30];
	vm6 =	veq.s32 v31, v10;
	v13 =	vshrl.u32 v24, $0x15;
	v27 =	vmpcnt.ones.xlane vm4  }
0xc9: {  	v16 =	vld [tilespmem:s26+$0xFFFFFFD0];
	v32 =	vor.u32 v5, v19;
	v19 =	vand.u32 $0x3FF, v30;
	(v2sf) =	vpush v14, $0x0  }
0xca: {  	v38 =	vor.u32 v5, v26;
	v26 =	vld [tilespmem:s26+$0xFFFFFFE0];
	vm0 =	veq.s32 v13, v10;
	v33 =	vor.u32 v5, v19  }
0xcb: {  	v28 =	vor.u32 v5, v15;
	v15 =	vshrl.u32 v21, $0x15;
	v13 =	vld [tilespmem:s26+$0x10]  }
0xcc: {  	vm5 =	veq.s32 v15, v10;
	v15 =	vld [tilespmem:s26+$0x0];
	(v2sf) =	vpush v27, $0x0  }
0xcd: {  	v25 =	vshrl.u32 v17, $0x15;
	v35 =	vshrl.u32 v20, $0xB;
	v19 =	vld [tilespmem:s26+$0xFFFFFFC0];
	vm3 =	vmmov vm0  }
0xce: {  	v62 =	vshrl.u32 v18, $0xB;
	v31 =	vmpcnt.ones.xlane vm3;
	v27 =	vshrl.u32 v23, $0xB;
	[tilespmem:v32+s20+$0x0] =	vst.idx.add.s32.msk vm2, v6  }
0xcf: {  	v36 =	vmpcnt.ones.xlane vm6;
	v30 =	vmpcnt.ones.xlane vm5;
	v34 =	vand.u32 $0x3FF, v27;
	[tilespmem:v33+s20+$0x0] =	vst.idx.add.s32.msk vm6, v6  }
0xd0: {  	(v2sf) =	vpush v31, $0x0;
	v31 =	vshrl.u32 v18, $0x15;
	v34 =	vor.u32 v5, v34;
	[tilespmem:v28+s20+$0x0] =	vst.idx.add.s32.msk vm0, v6  }
0xd1: {  	s1 =	simm.s32 $0x0;
	(v2sf) =	vpush v36, $0x0;
	vm0 =	veq.s32 v25, v10;
	v25 =	vshrl.u32 v20, $0x15;
	[tilespmem:v32+s21+$0x0] =	vst.idx.add.f32.msk vm2, v29  }
0xd2: {  	v14 =	vld [tilespmem:s26+$0xFFFFFFF0];
	(v2sf) =	vpush v30, $0x0;
	v39 =	vmpcnt.ones.xlane vm0;
	[tilespmem:s1+$0x12140] =	vst.msk vm2, v29;
	vm2 =	veq.s32 v31, v10  }
0xd3: {  	[tilespmem:v33+s21+$0x0] =	vst.idx.add.f32.msk vm6, v22;
	vm1 =	veq.s32 v25, v10;
	v25 =	vshrl.u32 v13, $0xB;
	v30 =	vmpcnt.ones.xlane vm2  }
0xd4: {  	[tilespmem:v28+s21+$0x0] =	vst.idx.add.f32.msk vm3, v24;
	v28 =	vand.u32 $0x3FF, v25;
	v25 =	vand.u32 $0x3FF, v35;
	(v2sf) =	vpush v39, $0x0  }
0xd5: {  	v27 =	vshrl.u32 v21, $0xB;
	v41 =	vor.u32 v5, v25;
	v25 =	vld [tilespmem:s26+$0x20];
	(v2sf) =	vpush v30, $0x0  }
0xd6: {  	vm5 =	vmmov vm5;
	v37 =	vand.u32 $0x3FF, v27;
	v40 =	vmpcnt.ones.xlane vm1;
	[tilespmem:v34+s20+$0x0] =	vst.idx.add.s32.msk vm4, v6  }
0xd7: {  	vm8 =	vmmov vm4;
	v29 =	vand.u32 $0x3FF, v62;
	v31 =	vor.u32 v5, v37;
	[tilespmem:v34+s21+$0x0] =	vst.idx.add.f32.msk vm4, v23  }
0xd8: {  	vm7 =	vmmov vm6;
	v29 =	vor.u32 v5, v29;
	[tilespmem:v38+s20+$0x0] =	vst.idx.add.s32.msk vm0, v6;
	s1 =	spop (v2sf);
	(v2sf) =	vpush v40, $0x0  }
0xd9: {  	v27 =	vshrl.u32 v13, $0x15;
	v63 =	vshrl.u32 v19, $0xB;
	v30 =	vshrl.u32 v19, $0x15;
	[tilespmem:v38+s21+$0x0] =	vst.idx.add.f32.msk vm0, v17  }
0xda: {  	s29 =	simm.s32 $0x140;
	v32 =	vshrl.u32 v16, $0xB;
	v35 =	vshrl.u32 v26, $0x15;
	vm4 =	veq.s32 v30, v10;
	[tilespmem:v41+s20+$0x0] =	vst.idx.add.s32.msk vm1, v6  }
0xdb: {  	s28 =	simm.s32 $0x80;
	v34 =	vshrl.u32 v16, $0x15;
	v30 =	vand.u32 $0x3FF, v63;
	v33 =	vmpcnt.ones.xlane vm4;
	[tilespmem:v41+s21+$0x0] =	vst.idx.add.f32.msk vm1, v20;
	s30 =	spop (v2sf);
	s31 =	sadd.s32 $0x0, s1  }
.LBB2_8:
0xdc: {  	s28 =	sadd.s32 $0x80, s28;
	vm11 =	veq.s32 v34, v10;
	vm6 =	veq.s32 v35, v10;
	[tilespmem:v31+s20+$0x0] =	vst.idx.add.s32.msk vm5, v6;
	s25 =	simm.s32 $0xB000  }
0xdd: {  	v34 =	vshrl.u32 v26, $0xB;
	v35 =	vshrl.u32 v15, $0x15;
	p2 =	slt.u32 s28, $0x7F80;
	(v2sf) =	vpush v33, $0x0;
	[tilespmem:v29+s20+$0x0] =	vst.idx.add.s32.msk vm2, v6  }
0xde: {  	v36 =	vshrl.u32 v14, $0xB;
	v33 =	vmpcnt.ones.xlane vm6;
	vm10 =	veq.s32 v35, v10;
	[tilespmem:v29+s21+$0x0] =	vst.idx.add.f32.msk vm2, v18  }
0xdf: {  	v29 =	vand.u32 $0x3FF, v32;
	v32 =	vshrl.u32 v14, $0x15;
	v35 =	vmpcnt.ones.xlane vm10;
	[tilespmem:v31+s21+$0x0] =	vst.idx.add.f32.msk vm5, v21;
	s1 =	spop (v2sf)  }
0xe0: {  	v29 =	vor.u32 v5, v29;
	vm9 =	veq.s32 v32, v10;
	v32 =	vand.u32 $0x3FF, v36;
	v31 =	vld [tilespmem:s29+$0x10];
	[tilespmem:s31+$0x12140] =	vst.msk vm3, v24;
	s1 =	sadd.s32 s31, s1;
	s31 =	spop (v2sf);
	v24 =	vmovc v16  }
0xe1: {  	v32 =	vor.u32 v5, v32;
	vm3 =	vmmov vm11;
	v36 =	vld [tilespmem:s26+$0x30];
	(v2sf) =	vpush v33, $0x0;
	[tilespmem:s1+$0x12140] =	vst.msk vm8, v23;
	s1 =	sadd.s32 s1, s30;
	s30 =	spop (v2sf);
	v23 =	vmovc v26;
	s26 =	smov.u32 s29  }
0xe2: {  	v26 =	vmpcnt.ones.xlane vm3;
	v33 =	vand.u32 $0x3FF, v34;
	v34 =	vshrl.u32 v25, $0xB;
	v16 =	vld [tilespmem:s29+$0xFFFFFFD0];
	[tilespmem:s1+$0x12140] =	vst.msk vm7, v22;
	s1 =	sadd.s32 s1, s31;
	v22 =	vmovc v14  }
0xe3: {  	v30 =	vor.u32 v5, v30;
	v38 =	vshrl.u32 v15, $0xB;
	v37 =	vmpcnt.ones.xlane vm9;
	v14 =	vld [tilespmem:s29+$0xFFFFFFF0];
	[tilespmem:s1+$0x12140] =	vst.msk vm5, v21;
	s1 =	sadd.s32 s1, s30;
	s30 =	spop (v2sf);
	v21 =	vmovc v15  }
0xe4: {  	v39 =	vshrl.u32 v25, $0x15;
	v38 =	vand.u32 $0x3FF, v38;
	v15 =	vld [tilespmem:s29+$0x0];
	[tilespmem:s1+$0x12140] =	vst.msk vm0, v17;
	vm0 =	veq.s32 v27, v10;
	s1 =	sadd.s32 s1, s30;
	s30 =	spop (v2sf);
	v17 =	vmovc v13  }
0xe5: {  	v40 =	vld [tilespmem:s29+$0xFFFFFFC0];
	v27 =	vshrl.u32 v31, $0x15;
	v41 =	vmpcnt.ones.xlane vm0;
	[tilespmem:s1+$0x12140] =	vst.msk vm1, v20;
	vm1 =	veq.s32 v39, v10;
	v13 =	vmovc v31;
	v20 =	vmovc v25  }
0xe6: {  	v33 =	vor.u32 v5, v33;
	v25 =	vshrl.u32 v13, $0xB;
	[tilespmem:v29+s20+$0x0] =	vst.idx.add.s32.msk vm11, v6;
	v39 =	vmpcnt.ones.xlane vm1  }
0xe7: {  	v31 =	vshrl.u32 v36, $0xB;
	v25 =	vand.u32 $0x3FF, v25;
	[tilespmem:v29+s21+$0x0] =	vst.idx.add.f32.msk vm11, v24;
	v29 =	vand.u32 $0x3FF, v34;
	s31 =	spop (v2sf)  }
0xe8: {  	v34 =	vor.u32 v5, v28;
	[tilespmem:v30+s20+$0x0] =	vst.idx.add.s32.msk vm4, v6;
	v42 =	vor.u32 v5, v29;
	(v2sf) =	vpush v26, $0x0;
	s1 =	sadd.s32 s1, s31  }
0xe9: {  	v31 =	vand.u32 $0x3FF, v31;
	v29 =	vshrl.u32 v36, $0x15;
	v28 =	vmovc v25;
	v26 =	vld [tilespmem:s29+$0xFFFFFFE0];
	(v2sf) =	vpush v37, $0x0;
	[tilespmem:s1+$0x12140] =	vst.msk vm2, v18;
	s1 =	sadd.s32 s1, s30;
	v18 =	vmovc v36  }
0xea: {  	vm2 =	veq.s32 v29, v10;
	v29 =	vor.u32 v5, v31;
	[tilespmem:v32+s20+$0x0] =	vst.idx.add.s32.msk vm9, v6;
	(v2sf) =	vpush v35, $0x0  }
0xeb: {  	vm8 =	vmmov vm6;
	vm5 =	vmmov vm10;
	[tilespmem:v30+s21+$0x0] =	vst.idx.add.f32.msk vm4, v19;
	v30 =	vmpcnt.ones.xlane vm2  }
0xec: {  	vm7 =	vmmov vm9;
	v25 =	vld [tilespmem:s29+$0x20];
	[tilespmem:s1+$0x12140] =	vst.msk vm4, v19;
	s30 =	spop (v2sf);
	(v2sf) =	vpush v41, $0x0;
	v19 =	vmov v40  }
0xed: {  	v31 =	vor.u32 v5, v38;
	[tilespmem:v34+s20+$0x0] =	vst.idx.add.s32.msk vm0, v6;
	(v2sf) =	vpush v30, $0x0  }
0xee: {  	s31 =	sadd.s32 s1, s30;
	[tilespmem:v34+s21+$0x0] =	vst.idx.add.f32.msk vm0, v17  }
.Ltmp5:
0xef: {  	[tilespmem:v33+s20+$0x0] =	vst.idx.add.s32.msk vm6, v6;
	(pc) =	sbr.rel @p2 .LBB2_8-.Ltmp5, $4  }
0xf0: {  	[tilespmem:v33+s21+$0x0] =	vst.idx.add.f32.msk vm6, v23;
	s30 =	spop (v2sf);
	(v2sf) =	vpush v39, $0x0  }
0xf1: {  	v30 =	vshrl.u32 v19, $0x15;
	v33 =	vshrl.u32 v19, $0xB;
	[tilespmem:v32+s21+$0x0] =	vst.idx.add.f32.msk vm9, v22  }
0xf2: {  	vm4 =	veq.s32 v30, v10;
	v34 =	vshrl.u32 v16, $0x15;
	v32 =	vshrl.u32 v16, $0xB;
	[tilespmem:v42+s20+$0x0] =	vst.idx.add.s32.msk vm1, v6  }
0xf3: {  	s29 =	sadd.s32 $0x80, s29;
	v35 =	vshrl.u32 v26, $0x15;
	v30 =	vand.u32 $0x3FF, v33;
	v33 =	vmpcnt.ones.xlane vm4;
	[tilespmem:v42+s21+$0x0] =	vst.idx.add.f32.msk vm1, v20  }
0xf4: {  	_ =	sdelay $0x4  }
0xf5: {  	[tilespmem:v31+s20+$0x0] =	vst.idx.add.s32.msk vm5, v6  }
0xf6: {  	[tilespmem:v29+s20+$0x0] =	vst.idx.add.s32.msk vm2, v6;
	v30 =	vor.u32 v5, v30  }
0xf7: {  	[tilespmem:s31+$0x12140] =	vst.msk vm3, v24  }
0xf8: {  	[tilespmem:v29+s21+$0x0] =	vst.idx.add.f32.msk vm2, v18;
	s1 =	spop (v2sf)  }
0xf9: {  	vm9 =	veq.s32 v34, v10;
	vm6 =	veq.s32 v35, v10;
	[tilespmem:v31+s21+$0x0] =	vst.idx.add.f32.msk vm5, v21;
	s1 =	sadd.s32 s31, s1  }
0xfa: {  	v43 =	vand.u32 $0x3FF, v32;
	v44 =	vshrl.u32 v26, $0xB;
	v45 =	vshrl.u32 v15, $0x15;
	[tilespmem:s1+$0x12140] =	vst.msk vm8, v23  }
0xfb: {  	v47 =	vshrl.u32 v14, $0xB;
	v48 =	vshrl.u32 v14, $0x15;
	v29 =	vor.u32 v5, v43;
	s28 =	spop (v2sf);
	s1 =	sadd.s32 s1, s30;
	[tilespmem:v30+s20+$0x0] =	vst.idx.add.s32.msk vm4, v6  }
0xfc: {  	v49 =	vld [tilespmem:s26+$0x30];
	vm11 =	veq.s32 v27, v10;
	v53 =	vshrl.u32 v25, $0x15;
	v28 =	vor.u32 v5, v28;
	s29 =	spop (v2sf);
	[tilespmem:s1+$0x12140] =	vst.msk vm7, v22;
	s1 =	sadd.s32 s1, s28  }
0xfd: {  	vm3 =	vmmov vm9;
	v46 =	vmpcnt.ones.xlane vm6;
	(v2sf) =	vpush v33, $0x0;
	[tilespmem:s1+$0x12140] =	vst.msk vm5, v21;
	s1 =	sadd.s32 s1, s29;
	s26 =	spop (v2sf)  }
0xfe: {  	vm15 =	veq.s32 v45, v10;
	vm10 =	veq.s32 v48, v10;
	v50 =	vand.u32 $0x3FF, v47;
	[tilespmem:s1+$0x12140] =	vst.msk vm0, v17;
	s1 =	sadd.s32 s1, s26  }
0xff: {  	v51 =	vand.u32 $0x3FF, v44;
	v27 =	vmpcnt.ones.xlane vm11;
	[tilespmem:s1+$0x12140] =	vst.msk vm1, v20;
	v20 =	vmpcnt.ones.xlane vm3  }
0x100: {  	vm12 =	veq.s32 v53, v10;
	v52 =	vmpcnt.ones.xlane vm10;
	[tilespmem:v29+s20+$0x0] =	vst.idx.add.s32.msk vm9, v6;
	(v2sf) =	vpush v46, $0x0;
	s26 =	spop (v2sf)  }
0x101: {  	[tilespmem:v30+s21+$0x0] =	vst.idx.add.f32.msk vm4, v19;
	v17 =	vmpcnt.ones.xlane vm15;
	s28 =	spop (v2sf);
	(v2sf) =	vpush v20, $0x0;
	v20 =	vshrl.u32 v49, $0x15  }
0x102: {  	[tilespmem:v28+s20+$0x0] =	vst.idx.add.s32.msk vm11, v6;
	v21 =	vor.u32 v5, v50;
	(v2sf) =	vpush v52, $0x0;
	vm13 =	veq.s32 v20, v10  }
0x103: {  	v54 =	vmpcnt.ones.xlane vm12;
	[tilespmem:v29+s21+$0x0] =	vst.idx.add.f32.msk vm9, v16;
	s1 =	sadd.s32 s1, s28;
	(v2sf) =	vpush v17, $0x0;
	v17 =	vmpcnt.ones.xlane vm13  }
0x104: {  	v20 =	vshrl.u32 v25, $0xB;
	[tilespmem:s1+$0x12140] =	vst.msk vm2, v18;
	v18 =	vor.u32 v5, v51;
	(v2sf) =	vpush v27, $0x0  }
0x105: {  	[tilespmem:v28+s21+$0x0] =	vst.idx.add.f32.msk vm11, v13;
	s1 =	sadd.s32 s1, s26;
	v20 =	vand.u32 $0x3FF, v20;
	(v2sf) =	vpush v17, $0x0  }
0x106: {  	[tilespmem:s1+$0x12140] =	vst.msk vm4, v19;
	v19 =	vor.u32 v5, v20;
	v20 =	vshrl.u32 v49, $0xB;
	(v2sf) =	vpush v54, $0x0  }
0x107: {  	[tilespmem:v21+s20+$0x0] =	vst.idx.add.s32.msk vm10, v6;
	v20 =	vand.u32 $0x3FF, v20  }
0x108: {  	[tilespmem:v21+s21+$0x0] =	vst.idx.add.f32.msk vm10, v14;
	v17 =	vshrl.u32 v15, $0xB;
	v20 =	vor.u32 v5, v20  }
0x109: {  	v17 =	vand.u32 $0x3FF, v17;
	[tilespmem:v18+s20+$0x0] =	vst.idx.add.s32.msk vm6, v6  }
0x10a: {  	v17 =	vor.u32 v5, v17;
	[tilespmem:v18+s21+$0x0] =	vst.idx.add.f32.msk vm6, v26  }
0x10b: {  	[tilespmem:v19+s20+$0x0] =	vst.idx.add.s32.msk vm12, v6  }
0x10c: {  	s26 =	spop (v2sf);
	[tilespmem:v19+s21+$0x0] =	vst.idx.add.f32.msk vm12, v25  }
0x10d: {  	s1 =	sadd.s32 s1, s26;
	[tilespmem:v20+s20+$0x0] =	vst.idx.add.s32.msk vm13, v6  }
0x10e: {  	[tilespmem:s1+$0x12140] =	vst.msk vm3, v16  }
0x10f: {  	[tilespmem:v17+s20+$0x0] =	vst.idx.add.s32.msk vm15, v6;
	s28 =	spop (v2sf)  }
0x110: {  	[tilespmem:v20+s21+$0x0] =	vst.idx.add.f32.msk vm13, v49;
	s26 =	spop (v2sf)  }
0x111: {  	vm6 =	vmmov vm6;
	[tilespmem:v17+s21+$0x0] =	vst.idx.add.f32.msk vm15, v15;
	s1 =	sadd.s32 s1, s26;
	s26 =	spop (v2sf)  }
0x112: {  	vm14 =	vmmov vm15;
	vm15 =	vmmov vm10;
	[tilespmem:s1+$0x12140] =	vst.msk vm6, v26;
	s1 =	sadd.s32 s1, s28;
	s28 =	spop (v2sf)  }
0x113: {  	[tilespmem:s1+$0x12140] =	vst.msk vm15, v14;
	s1 =	sadd.s32 s1, s26;
	s26 =	spop (v2sf)  }
0x114: {  	[tilespmem:s1+$0x12140] =	vst.msk vm14, v15;
	s1 =	sadd.s32 s1, s28;
	s28 =	spop (v2sf)  }
0x115: {  	[tilespmem:s1+$0x12140] =	vst.msk vm11, v13;
	s1 =	sadd.s32 s1, s26;
	s26 =	spop (v2sf)  }
0x116: {  	[tilespmem:s1+$0x12140] =	vst.msk vm12, v25;
	s31 =	sadd.s32 s1, s26  }
0x117: {  	[tilespmem:s31+$0x12140] =	vst.msk vm13, v49  }
0x118: {  	v14 =	vld [tilespmem:s25+$0x1C10]  }
0x119: {  	s26 =	simm.s32 $0xF000;
	v13 =	vld [tilespmem:s25+$0x1410]  }
0x11a: {  	v15 =	vld [tilespmem:s26+$0xFFFFE010]  }
0x11b: {  	v16 =	vld [tilespmem:s26+$0xFFFFE410]  }
0x11c: {  	v17 =	vld [tilespmem:s25+$0xC10]  }
0x11d: {  	v18 =	vld [tilespmem:s26+$0xFFFFE810]  }
0x11e: {  	v19 =	vld [tilespmem:s25+$0x410]  }
0x11f: {  	v20 =	vld [tilespmem:s26+$0xFFFFEC10]  }
0x120: {  	v21 =	vld [tilespmem:s25+$0xFFFFFC10]  }
0x121: {  	v55 =	vld [tilespmem:s26+$0xFFFFF010]  }
0x122: {  	v23 =	vld [tilespmem:s25+$0xFFFFF410]  }
0x123: {  	v56 =	vld [tilespmem:s26+$0xFFFFF410]  }
0x124: {  	v25 =	vld [tilespmem:s25+$0xFFFFEC10]  }
0x125: {  	v26 =	vld [tilespmem:s26+$0xFFFFF810]  }
0x126: {  	v57 =	vld [tilespmem:s25+$0xFFFFE010]  }
0x127: {  	v28 =	vld [tilespmem:s26+$0xFFFFFC10]  }
0x128: {  	v29 =	vld [tilespmem:s25+$0xFFFFE410]  }
0x129: {  	v30 =	vld [tilespmem:s26+$0x10]  }
0x12a: {  	v58 =	vld [tilespmem:s25+$0xFFFFE810]  }
0x12b: {  	v59 =	vld [tilespmem:s26+$0x410]  }
0x12c: {  	v33 =	vld [tilespmem:s25+$0xFFFFF010]  }
0x12d: {  	v60 =	vld [tilespmem:s26+$0x810]  }
0x12e: {  	v61 =	vld [tilespmem:s25+$0xFFFFF810]  }
0x12f: {  	v36 =	vld [tilespmem:s26+$0xC10]  }
0x130: {  	v37 =	vld [tilespmem:s25+$0x10]  }
0x131: {  	v38 =	vld [tilespmem:s26+$0x1010]  }
0x132: {  	v39 =	vld [tilespmem:s25+$0x810]  }
0x133: {  	v40 =	vld [tilespmem:s26+$0x1410]  }
0x134: {  	v41 =	vld [tilespmem:s25+$0x1010]  }
0x135: {  	v42 =	vld [tilespmem:s26+$0x1810]  }
0x136: {  	v43 =	vld [tilespmem:s25+$0x1810]  }
0x137: {  	v44 =	vld [tilespmem:s26+$0x1C10]  }
0x138: {  	v45 =	vld [tilespmem:s26+$0xFFFFE400]  }
0x139: {  	v15 =	vadd.f32 v16, v15;
	v16 =	vld [tilespmem:s26+$0xFFFFE000]  }
0x13a: {  	v46 =	vld [tilespmem:s26+$0xFFFFEC00]  }
0x13b: {  	v15 =	vadd.f32 v18, v15;
	v18 =	vld [tilespmem:s26+$0xFFFFE800]  }
0x13c: {  	v47 =	vld [tilespmem:s26+$0xFFFFF400]  }
0x13d: {  	v62 =	vld [tilespmem:s26+$0xFFFFF800];
	v15 =	vadd.f32 v20, v15  }
0x13e: {  	v63 =	vld [tilespmem:s26+$0xFFFFFC00];
	v16 =	vadd.f32 v45, v16  }
0x13f: {  	v20 =	vld [tilespmem:s26+$0xFFFFF000];
	v15 =	vadd.f32 v55, v15  }
0x140: {  	v48 =	vld [tilespmem:s26+$0x0];
	v16 =	vadd.f32 v18, v16  }
0x141: {  	v49 =	vld [tilespmem:s25+$0xFFFFE000];
	v15 =	vadd.f32 v56, v15  }
0x142: {  	v50 =	vld [tilespmem:s25+$0xFFFFE800];
	v16 =	vadd.f32 v46, v16  }
0x143: {  	v51 =	vld [tilespmem:s26+$0x400];
	v15 =	vadd.f32 v26, v15  }
0x144: {  	v52 =	vld [tilespmem:s25+$0xFFFFF000];
	v16 =	vadd.f32 v20, v16  }
0x145: {  	v53 =	vld [tilespmem:s26+$0x800];
	v15 =	vadd.f32 v28, v15  }
0x146: {  	v54 =	vld [tilespmem:s25+$0xFFFFF400];
	v27 =	vadd.s32 v57, v29;
	v16 =	vadd.f32 v47, v16  }
0x147: {  	v27 =	vadd.s32 v58, v27;
	v18 =	vld [tilespmem:s25+$0xFFFFE400];
	v15 =	vadd.f32 v30, v15  }
0x148: {  	v57 =	vld [tilespmem:s25+$0xFFFFFC00];
	v25 =	vadd.s32 v25, v27;
	v16 =	vadd.f32 v62, v16  }
0x149: {  	v25 =	vadd.s32 v33, v25;
	v20 =	vld [tilespmem:s25+$0xFFFFEC00];
	v15 =	vadd.f32 v59, v15  }
0x14a: {  	v58 =	vld [tilespmem:s25+$0x0];
	v23 =	vadd.s32 v23, v25;
	v16 =	vadd.f32 v63, v16  }
0x14b: {  	v23 =	vadd.s32 v61, v23;
	v61 =	vld [tilespmem:s25+$0xC00];
	v15 =	vadd.f32 v60, v15  }
0x14c: {  	v55 =	vld [tilespmem:s25+$0xFFFFF800];
	v21 =	vadd.s32 v21, v23;
	v18 =	vadd.s32 v49, v18;
	v16 =	vadd.f32 v48, v16  }
0x14d: {  	v21 =	vadd.s32 v37, v21;
	v56 =	vld [tilespmem:s26+$0xC00];
	v18 =	vadd.s32 v50, v18;
	v15 =	vadd.f32 v36, v15  }
0x14e: {  	v19 =	vadd.s32 v19, v21;
	v59 =	vld [tilespmem:s26+$0x1000];
	v18 =	vadd.s32 v20, v18;
	v16 =	vadd.f32 v51, v16  }
0x14f: {  	v19 =	vadd.s32 v39, v19;
	v20 =	vld [tilespmem:s25+$0x400];
	v18 =	vadd.s32 v52, v18;
	v15 =	vadd.f32 v38, v15  }
0x150: {  	v17 =	vadd.s32 v17, v19;
	v60 =	vld [tilespmem:s25+$0x800];
	v18 =	vadd.s32 v54, v18;
	v16 =	vadd.f32 v53, v16  }
0x151: {  	v19 =	vld [tilespmem:s26+$0x1400];
	v17 =	vadd.s32 v41, v17;
	v18 =	vadd.s32 v55, v18;
	v15 =	vadd.f32 v40, v15  }
0x152: {  	v13 =	vadd.s32 v13, v17;
	v62 =	vld [tilespmem:s25+$0x1000];
	v17 =	vadd.s32 v57, v18;
	v16 =	vadd.f32 v56, v16  }
0x153: {  	v18 =	vadd.s32 v43, v13;
	v13 =	vld [tilespmem:s26+$0x1800];
	v17 =	vadd.s32 v58, v17;
	v15 =	vadd.f32 v42, v15  }
0x154: {  	v18 =	vadd.s32 v14, v18;
	v14 =	vld [tilespmem:s25+$0x1400];
	v17 =	vadd.s32 v20, v17;
	v63 =	vadd.f32 v59, v16  }
0x155: {  	s29 =	simm.s32 $0x11830;
	v17 =	vadd.s32 v60, v17;
	v20 =	vadd.f32 v44, v15;
	v15 =	vld [tilespmem:s25+$0x1800]  }
0x156: {  	s30 =	simm.s32 $0x11C30;
	[tilespmem:s29+$0x0] =	vst v18;
	v17 =	vadd.s32 v61, v17;
	v16 =	vld [tilespmem:s26+$0x1C00];
	v18 =	vadd.f32 v19, v63  }
0x157: {  	s28 =	sadd.s32 s31, s28;
	s31 =	simm.s32 $0x0;
	v19 =	vadd.s32 v62, v17;
	v17 =	vld [tilespmem:s25+$0x1C00];
	s25 =	simm.s32 $0xB020;
	[tilespmem:s30+$0x0] =	vst v20  }
.LBB2_10:
0x158: {  	v20 =	vld [tilespmem:s25+$0x1C10];
	v13 =	vadd.f32 v13, v18  }
0x159: {  	s26 =	sadd.s32 $0x20, s26;
	v18 =	vld [tilespmem:s25+$0x1410];
	v14 =	vadd.s32 v14, v19  }
0x15a: {  	v19 =	vld [tilespmem:s26+$0xFFFFE010];
	v14 =	vadd.s32 v15, v14  }
0x15b: {  	s31 =	sadd.s32 $0x20, s31;
	v15 =	vld [tilespmem:s26+$0xFFFFE410];
	v13 =	vadd.f32 v16, v13  }
0x15c: {  	p2 =	slt.u32 s31, $0x3E0;
	v16 =	vld [tilespmem:s25+$0xC10];
	v14 =	vadd.s32 v17, v14  }
0x15d: {  	v17 =	vld [tilespmem:s26+$0xFFFFE810];
	[tilespmem:s29+$0xFFFFFFF0] =	vst v14  }
0x15e: {  	v14 =	vld [tilespmem:s25+$0x410];
	[tilespmem:s30+$0xFFFFFFF0] =	vst v13  }
0x15f: {  	v13 =	vld [tilespmem:s26+$0xFFFFEC10]  }
0x160: {  	v15 =	vadd.f32 v15, v19;
	v19 =	vld [tilespmem:s25+$0xFFFFFC10]  }
0x161: {  	v21 =	vld [tilespmem:s26+$0xFFFFF010]  }
0x162: {  	v15 =	vadd.f32 v17, v15;
	v17 =	vld [tilespmem:s25+$0xFFFFF410]  }
0x163: {  	v22 =	vld [tilespmem:s26+$0xFFFFF410]  }
0x164: {  	v23 =	vld [tilespmem:s25+$0xFFFFEC10];
	v13 =	vadd.f32 v13, v15  }
0x165: {  	v15 =	vld [tilespmem:s26+$0xFFFFF810]  }
0x166: {  	v24 =	vld [tilespmem:s25+$0xFFFFE010];
	v13 =	vadd.f32 v21, v13  }
0x167: {  	v21 =	vld [tilespmem:s26+$0xFFFFFC10]  }
0x168: {  	v25 =	vld [tilespmem:s25+$0xFFFFE410];
	v13 =	vadd.f32 v22, v13  }
0x169: {  	v22 =	vld [tilespmem:s26+$0x10]  }
0x16a: {  	v26 =	vld [tilespmem:s25+$0xFFFFE810];
	v13 =	vadd.f32 v15, v13  }
0x16b: {  	v15 =	vld [tilespmem:s26+$0x410]  }
0x16c: {  	v27 =	vld [tilespmem:s25+$0xFFFFF010];
	v13 =	vadd.f32 v21, v13  }
0x16d: {  	v21 =	vld [tilespmem:s26+$0x810]  }
0x16e: {  	v24 =	vadd.s32 v24, v25;
	v25 =	vld [tilespmem:s25+$0xFFFFF810];
	v13 =	vadd.f32 v22, v13  }
0x16f: {  	v22 =	vadd.s32 v26, v24;
	v24 =	vld [tilespmem:s26+$0xC10]  }
0x170: {  	v22 =	vadd.s32 v23, v22;
	v23 =	vld [tilespmem:s25+$0x10];
	v13 =	vadd.f32 v15, v13  }
0x171: {  	v15 =	vadd.s32 v27, v22;
	v22 =	vld [tilespmem:s26+$0x1010]  }
0x172: {  	v15 =	vadd.s32 v17, v15;
	v17 =	vld [tilespmem:s25+$0x810];
	v13 =	vadd.f32 v21, v13  }
0x173: {  	v15 =	vadd.s32 v25, v15;
	v21 =	vld [tilespmem:s26+$0x1410]  }
0x174: {  	v15 =	vadd.s32 v19, v15;
	v13 =	vadd.f32 v24, v13;
	v19 =	vld [tilespmem:s25+$0x1010]  }
0x175: {  	v15 =	vadd.s32 v23, v15;
	v23 =	vld [tilespmem:s26+$0x1810]  }
0x176: {  	v14 =	vadd.s32 v14, v15;
	v13 =	vadd.f32 v22, v13;
	v15 =	vld [tilespmem:s25+$0x1810]  }
0x177: {  	v14 =	vadd.s32 v17, v14;
	v17 =	vld [tilespmem:s26+$0x1C10]  }
0x178: {  	v22 =	vld [tilespmem:s26+$0xFFFFE000];
	v14 =	vadd.s32 v16, v14;
	v13 =	vadd.f32 v21, v13  }
0x179: {  	v16 =	vld [tilespmem:s26+$0xFFFFE400];
	v14 =	vadd.s32 v19, v14  }
0x17a: {  	v19 =	vld [tilespmem:s26+$0xFFFFE800];
	v14 =	vadd.s32 v18, v14;
	v13 =	vadd.f32 v23, v13  }
0x17b: {  	v18 =	vld [tilespmem:s26+$0xFFFFEC00];
	v14 =	vadd.s32 v15, v14  }
0x17c: {  	s29 =	sadd.s32 $0x20, s29;
	v15 =	vld [tilespmem:s26+$0xFFFFF000];
	v14 =	vadd.s32 v20, v14;
	v13 =	vadd.f32 v17, v13  }
0x17d: {  	s30 =	sadd.s32 $0x20, s30;
	v17 =	vld [tilespmem:s26+$0xFFFFF400];
	[tilespmem:s29+$0x0] =	vst v14  }
0x17e: {  	v14 =	vadd.f32 v16, v22;
	v16 =	vld [tilespmem:s26+$0xFFFFF800];
	[tilespmem:s30+$0x0] =	vst v13  }
0x17f: {  	v13 =	vld [tilespmem:s26+$0xFFFFFC00]  }
0x180: {  	v14 =	vadd.f32 v19, v14;
	v19 =	vld [tilespmem:s26+$0x0]  }
0x181: {  	v20 =	vld [tilespmem:s25+$0xFFFFE400]  }
0x182: {  	v21 =	vld [tilespmem:s25+$0xFFFFE000];
	v14 =	vadd.f32 v18, v14  }
0x183: {  	v18 =	vld [tilespmem:s25+$0xFFFFE800]  }
0x184: {  	v14 =	vadd.f32 v15, v14;
	v15 =	vld [tilespmem:s26+$0x400]  }
0x185: {  	v22 =	vld [tilespmem:s25+$0xFFFFEC00]  }
0x186: {  	v23 =	vld [tilespmem:s25+$0xFFFFF000];
	v14 =	vadd.f32 v17, v14  }
0x187: {  	v17 =	vadd.s32 v21, v20;
	v20 =	vld [tilespmem:s26+$0x800]  }
0x188: {  	v17 =	vadd.s32 v18, v17;
	v18 =	vld [tilespmem:s25+$0xFFFFF400];
	v14 =	vadd.f32 v16, v14  }
0x189: {  	v16 =	vld [tilespmem:s25+$0xFFFFF800]  }
0x18a: {  	v17 =	vadd.s32 v22, v17;
	v13 =	vadd.f32 v13, v14;
	v14 =	vld [tilespmem:s26+$0xC00]  }
0x18b: {  	v17 =	vadd.s32 v23, v17;
	v21 =	vld [tilespmem:s25+$0xFFFFFC00]  }
0x18c: {  	v22 =	vld [tilespmem:s25+$0x0];
	v13 =	vadd.f32 v19, v13  }
0x18d: {  	v17 =	vadd.s32 v18, v17;
	v18 =	vld [tilespmem:s26+$0x1000]  }
0x18e: {  	v16 =	vadd.s32 v16, v17;
	v17 =	vld [tilespmem:s25+$0x400];
	v13 =	vadd.f32 v15, v13  }
0x18f: {  	v15 =	vld [tilespmem:s25+$0x800]  }
0x190: {  	v16 =	vadd.s32 v21, v16;
	v13 =	vadd.f32 v20, v13;
	v19 =	vld [tilespmem:s26+$0x1400]  }
0x191: {  	v16 =	vadd.s32 v22, v16;
	v20 =	vld [tilespmem:s25+$0xC00]  }
0x192: {  	v14 =	vadd.f32 v14, v13;
	v21 =	vld [tilespmem:s25+$0x1000]  }
.Ltmp6:
0x193: {  	v16 =	vadd.s32 v17, v16;
	v13 =	vld [tilespmem:s26+$0x1800];
	(pc) =	sbr.rel @p2 .LBB2_10-.Ltmp6, $4  }
0x194: {  	v16 =	vadd.s32 v15, v16;
	v17 =	vadd.f32 v18, v14;
	v14 =	vld [tilespmem:s25+$0x1400]  }
0x195: {  	v15 =	vld [tilespmem:s25+$0x1800]  }
0x196: {  	v20 =	vadd.s32 v20, v16;
	v18 =	vadd.f32 v19, v17;
	v16 =	vld [tilespmem:s26+$0x1C00]  }
0x197: {  	v19 =	vadd.s32 v21, v20;
	v17 =	vld [tilespmem:s25+$0x1C00];
	s25 =	sadd.s32 $0x20, s25  }
0x198: {  	v12 =	vxor.u32 $0x80000000, v12  }
0x199: {  	(xrf0) =	vmax.scan.msk.u32 $0xffff, v12  }
0x19a: {  	(xrf0) =	vmax.scan.msk.f32 $0xffff, v11;
	_ =	sdelay $0x4  }
0x19b: {  	v11, _, _ =	vpop (xrf0)  }
0x19c: {  	(v2sf) =	vpush v11, $0xF;
	v11, _, _ =	vpop (xrf0)  }
0x19d: {  	(v2sf) =	vpush v11, $0xF;
	_ =	sdelay $0x3  }
0x19e: {  	v63 =	vadd.s32 v14, v19;
	v11 =	vadd.f32 v13, v18  }
0x19f: {  	v12 =	vadd.s32 v15, v63  }
0x1a0: {  	v12 =	vadd.s32 v17, v12;
	v11 =	vadd.f32 v16, v11  }
0x1a1: {  	[tilespmem:s29+$0xFFFFFFF0] =	vst v12  }
0x1a2: {  	[tilespmem:s30+$0xFFFFFFF0] =	vst v11  }
0x1a3: {  	[tilespmem:$0x120A0] =	vst v0  }
0x1a4: {  	[tilespmem:$0x120B0] =	vst v7  }
0x1a5: {  	[tilespmem:$0x120C0] =	vst v8  }
0x1a6: {  	s1 =	simm.s32 @p0 $0x11820;
	[tilespmem:$0x120D0] =	vst v9  }
0x1a7: {  	[spmem:s3] =	stream.linear.scatter @p0 [tilespmem:s1], [sflag:$0x2], $0x400, $0x38;
	[tilespmem:$0x1A140] =	vst v63  }
0x1a8: {  	s25 =	spop (v2sf)  }
0x1a9: {  	s1 =	simm.s32 @p0 $0x2;
	s26 =	spop (v2sf)  }
0x1aa: {  	_ =	swait.ge @p0 [sflag:s1], $0x400  }
0x1ab: {  	[sflag:s1] =	ssyncset.done @p0 $0x0  }
0x1ac: {  	s29 =	simm.s32 @p0 $0x11C20;
	[sflag:s1] =	ssyncadd.s32 @p0 $0xFFFFFC00  }
0x1ad: {  	[spmem:s4] =	stream.linear.scatter @p0 [tilespmem:s29], [sflag:$0x2], $0x400, $0x38;
	[tilespmem:$0x1A140] =	vst v63  }
0x1ae: {  	_ =	swait.ge @p0 [sflag:s1], $0x400  }
0x1af: {  	[sflag:s1] =	ssyncset.done @p0 $0x0  }
0x1b0: {  	[sflag:s1] =	ssyncadd.s32 @p0 $0xFFFFFC00  }
0x1b1: {  	[bflag:$0x0] =	sbarrier.arrive @p0 $0xFFFF  }
0x1b2: {  	s30 =	simm.s32 @p0 $0x1C02;
	s29 =	sshrl.u32 @p0 s3, $0x3;
	[bflag:$0x0] =	sbarrier.arrive @p0 $0xFFFF  }
0x1b3: {  	[hbm:s10], [sflag:s30] =	dma.local @p0 [spmem:s29], $0x80  }
0x1b4: {  	_ =	swait.ge @p0 [sflag:s1], $0x80  }
0x1b5: {  	[sflag:s1] =	ssyncset.done @p0 $0x0  }
0x1b6: {  	s29 =	sshrl.u32 @p0 s4, $0x3;
	[sflag:s1] =	ssyncadd.s32 @p0 $0xFFFFFF80  }
0x1b7: {  	[hbm:s11], [sflag:s30] =	dma.local @p0 [spmem:s29], $0x80  }
0x1b8: {  	_ =	swait.ge @p0 [sflag:s1], $0x80  }
0x1b9: {  	[sflag:s1] =	ssyncset.done @p0 $0x0  }
0x1ba: {  	s29 =	simm.s32 @!p0 $0x120A0;
	[sflag:s1] =	ssyncadd.s32 @p0 $0xFFFFFF80  }
0x1bb: {  	s30 =	simm.s32 @!p0 $0x11820;
	s1 =	simm.s32 @!p0 $0x40;
	[bflag:$0x0] =	sbarrier.arrive @!p0 $0xFFFF  }
0x1bc: {  	[spmem:s3] =	stream.indirect.scatter.add.s32 @!p0 [tilespmem:s30], [sflag:$0x2], $0x10, s29, s1, $0xb8;
	[tilespmem:$0x1A140] =	vst v63  }
0x1bd: {  	s30 =	simm.s32 @!p0 $0x2  }
0x1be: {  	_ =	swait.ge @!p0 [sflag:s30], $0x400  }
0x1bf: {  	[sflag:s30] =	ssyncset.done @!p0 $0x0  }
0x1c0: {  	s31 =	simm.s32 @!p0 $0x11C20;
	[sflag:s30] =	ssyncadd.s32 @!p0 $0xFFFFFC00  }
0x1c1: {  	[spmem:s4] =	stream.indirect.scatter.add.f32 @!p0 [tilespmem:s31], [sflag:$0x2], $0x10, s29, s1, $0xb8;
	[tilespmem:$0x1A140] =	vst v63  }
0x1c2: {  	s31 =	sadd.s32 $0x7FF, s28  }
0x1c3: {  	v11 =	vmov s28;
	s28 =	sand.u32 $0x7FF, s31  }
0x1c4: {  	s29 =	sshra.s32 s31, $0x1F;
	p2 =	slt.s32 s31, $0x1;
	p3 =	sne.s32 s28, $0x0  }
0x1c5: {  	_ =	swait.ge @!p0 [sflag:s30], $0x400;
	s28 =	sshrl.u32 s29, $0x15;
	p2 =	por !p2, !p3  }
0x1c6: {  	s1 =	sadd.s32 s28, s31;
	s28 =	simm.s32 $0x1;
	p2 =	por !p2, !p2  }
0x1c7: {  	[sflag:s30] =	ssyncset.done @!p0 $0x0;
	s1 =	sshra.s32 s1, $0xB;
	s28 =	simm.s32 @!p2 $0x0  }
0x1c8: {  	[sflag:s30] =	ssyncadd.s32 @!p0 $0xFFFFFC00;
	s29 =	ssub.s32 s1, s28  }
0x1c9: {  	[bflag:$0x0] =	sbarrier.arrive @!p0 $0xFFFF;
	p2 =	slt.s32 s29, $0x1  }
.Ltmp7:
0x1ca: {  	[tilespmem:$0x12130] =	vst v11;
	(pc) =	sbr.rel @p2 .LBB2_15-.Ltmp7, $4  }
0x1cb: {  	[hbm4b:s12+s5] =	stream.linear.scatter [tilespmem:s22], [sflag:$0x2], $0x10, $0x38;
	[tilespmem:$0x1A140] =	vst v63  }
0x1cc: {  	_ =	swait.ge [sflag:s23], $0x10  }
0x1cd: {  	[sflag:s23] =	ssyncset.done $0x0  }
0x1ce: {  	s28 =	simm.s32 $0x12140;
	[sflag:s23] =	ssyncadd.s32 $0xFFFFFFF0  }
0x1cf: {  	p2 =	sne.s32 s29, $0x1  }
.Ltmp8:
0x1d0: {  	_ = 	snop;
	(pc) =	sbr.rel @!p2 .LBB2_14-.Ltmp8, $4  }
0x1d1: {  	_ = 	snop  }
0x1d2: {  	[hbm4b:s14+s5] =	stream.linear.scatter [tilespmem:s28], [sflag:$0x2], $0x800, $0x38;
	[tilespmem:$0x1A140] =	vst v63  }
0x1d3: {  	_ =	swait.ge [sflag:s23], $0x800  }
0x1d4: {  	s29 =	sadd.s32 $0xFFFFFFFF, s29;
	s30 =	smov.u32 s14;
	[sflag:s23] =	ssyncset.done $0x0  }
.LBB2_13:
0x1d5: {  	[sflag:s23] =	ssyncadd.s32 $0xFFFFF800  }
0x1d6: {  	s28 =	sadd.s32 $0x800, s28;
	s30 =	sadd.s32 $0x100, s30;
	p2 =	sne.s32 s29, $0x1  }
.Ltmp9:
0x1d7: {  	s29 =	sadd.s32 $0xFFFFFFFF, s29;
	(pc) =	sbr.rel @p2 .LBB2_13-.Ltmp9, $4  }
0x1d8: {  	_ = 	snop  }
0x1d9: {  	[hbm4b:s30+s5] =	stream.linear.scatter [tilespmem:s28], [sflag:$0x2], $0x800, $0x38;
	[tilespmem:$0x1A140] =	vst v63  }
0x1da: {  	_ =	swait.ge [sflag:s23], $0x800  }
0x1db: {  	[sflag:s23] =	ssyncset.done $0x0  }
.Ltmp10:
0x1dc: {  	_ = 	snop;
	(pc) =	sbr.rel .LBB2_14-.Ltmp10, $1  }
0x1dd: {  	_ =	sdelay $0x3  }
.LBB2_16:
0x1de: {  	_ =	sfence.sel $0x180000  }
0x1df: {  	[bflag:$0x0] =	sbarrier.arrive $0xFFFF  }
0x1e0: {  	_ =	strace $0x9000004A  }
0x1e1: {  	[bflag:$0x2] =	sbarrier.arrive $0xFFFF  }
0x1e2: {  	p0 =	sne.s32 s2, $0x0;
	s0 =	rddreg [dreg:$0x4]  }
0x1e3: {  	s0 =	sadd.s32 @!p0 $0x100000, s0  }
0x1e4: {  	[sflag:s0] =	ssyncadd.tile.s32 @!p0 $0x1;
	_ =	shalt  }
.Lfunc_end2:
_tile_overlayer_lowered:
.L_overlay_start_2:
0x1e5: {  	(tag) =	ssettag $0x2  }
0x1e6: {  	s0 =	rddreg [dreg:$0x0];
	s2 =	stileid.u32  }
0x1e7: {  	s1 =	rddreg [dreg:$0x1];
	p0 =	sne.s32 s2, $0x0  }
0x1e8: {  	s3 =	rddreg [dreg:$0x2];
	[bflag:$0x3] =	sbarrier.arrive $0xFFFF;
	s2 =	simm.s32 @!p0 $0x1C02  }
0x1e9: {  	[timem:s3], [sflag:s2] =	dma.local @!p0 [hbm:s0], s1  }
0x1ea: {  	s0 =	simm.s32 @!p0 $0x2  }
0x1eb: {  	_ =	swait.ge @!p0 [sflag:s0], s1  }
0x1ec: {  	s1 =	ssub.s32 @!p0 $0x0, s1;
	[sflag:s0] =	ssyncset.done @!p0 $0x0  }
0x1ed: {  	[sflag:s0] =	ssyncadd.s32 @!p0 s1  }
0x1ee: {  	[bflag:$0x3] =	sbarrier.arrive $0xFFFF  }
0x1ef: {  	_ =	shalt  }

</sc_bundles>
